<compile_context>
chip_gen: v7x
topology: tpu7x:2x2x1
jax: 0.10.2.dev20260603
libtpu: 0.0.44.dev20260713+nightly
codegen_flags: <defaults>
</compile_context>

<pallas_src>
import functools

import jax
import jax.numpy as jnp
from jax import lax
from jax.experimental import pallas as pl
from jax.experimental.pallas import tpu as pltpu
from jax.experimental.pallas import tpu_sc as plsc

VOCAB = 100000
WORD_DIM = 252
TEMPL_DIM = 256
OUT_DIM = 512
B, L = 1024, 200
N = B * L
NC, NS = 2, 16
NW = NC * NS
PER_W = N // NW
C = 80
NCHUNK = PER_W // C
NTRIPLE = (NCHUNK - 2) // 3


def _make_sc_kernel():
    mesh = plsc.VectorSubcoreMesh(core_axis_name="c", subcore_axis_name="s")

    @functools.partial(
        pl.kernel,
        mesh=mesh,
        out_type=jax.ShapeDtypeStruct((N, OUT_DIM), jnp.float32),
        scratch_types=[
            pltpu.VMEM((C,), jnp.int32),
            pltpu.VMEM((C,), jnp.int32),
            pltpu.VMEM((C,), jnp.int32),
            pltpu.VMEM((C,), jnp.int32),
            pltpu.VMEM((C,), jnp.int32),
            pltpu.VMEM((C,), jnp.int32),
            pltpu.VMEM((C, OUT_DIM), jnp.float32),
            pltpu.VMEM((C, OUT_DIM), jnp.float32),
            pltpu.VMEM((C, OUT_DIM), jnp.float32),
            pltpu.VMEM((4 * C,), jnp.float32),
            pltpu.VMEM((4 * C,), jnp.float32),
            pltpu.VMEM((4 * C,), jnp.float32),
            pltpu.SemaphoreType.DMA,
            pltpu.SemaphoreType.DMA,
            pltpu.SemaphoreType.DMA,
            pltpu.SemaphoreType.DMA,
            pltpu.SemaphoreType.DMA,
            pltpu.SemaphoreType.DMA,
            pltpu.SemaphoreType.DMA,
            pltpu.SemaphoreType.DMA,
            pltpu.SemaphoreType.DMA,
        ],
        compiler_params=pltpu.CompilerParams(needs_layout_passes=False),
    )
    def emb_concat(cat_hbm, templ_hbm, box_hbm, ww_hbm, wt_hbm, out_hbm,
                   idx_w0, idx_t0, idx_w1, idx_t1, idx_w2, idx_t2,
                   rows0, rows1, rows2, bb0, bb1, bb2,
                   sg0, sg1, sg2, si0, si1, si2, sw0, sw1, sw2):
        wid = lax.axis_index("s") * NC + lax.axis_index("c")
        base0 = wid * PER_W
        sets = ((idx_w0, idx_t0, rows0, bb0, sg0, si0, sw0),
                (idx_w1, idx_t1, rows1, bb1, sg1, si1, sw1),
                (idx_w2, idx_t2, rows2, bb2, sg2, si2, sw2))

        def stage_idx(c, st):
            iw, it, _, _, _, si, _ = st
            base = base0 + c * C
            pltpu.async_copy(cat_hbm.at[pl.ds(base, C)], iw, si)
            pltpu.async_copy(templ_hbm.at[pl.ds(base, C)], it, si)

        def wait_idx(st):
            iw, it, _, _, _, si, _ = st
            pltpu.make_async_copy(cat_hbm.at[pl.ds(0, C)], iw, si).wait()
            pltpu.make_async_copy(templ_hbm.at[pl.ds(0, C)], it, si).wait()

        def start_gathers(c, st):
            iw, it, rows, bb, sg, _, _ = st
            base = base0 + c * C
            pltpu.async_copy(
                ww_hbm.at[iw], rows.at[:, pl.ds(0, TEMPL_DIM)], sg)
            pltpu.async_copy(
                wt_hbm.at[it], rows.at[:, pl.ds(TEMPL_DIM, TEMPL_DIM)], sg)
            pltpu.async_copy(box_hbm.at[pl.ds(base * 4, 4 * C)], bb, sg)

        def wait_gathers(st):
            _, _, rows, bb, sg, _, _ = st
            pltpu.make_async_copy(
                out_hbm.at[pl.ds(0, C), pl.ds(0, TEMPL_DIM)],
                rows.at[:, pl.ds(0, TEMPL_DIM)], sg).wait()
            pltpu.make_async_copy(
                out_hbm.at[pl.ds(0, C), pl.ds(0, TEMPL_DIM)],
                rows.at[:, pl.ds(TEMPL_DIM, TEMPL_DIM)], sg).wait()
            pltpu.make_async_copy(
                box_hbm.at[pl.ds(0, 4 * C)], bb, sg).wait()

        def fixup(st):
            _, _, rows, bb, _, _, _ = st
            lane = lax.iota(jnp.int32, 16)

            def rbody(r, carry):
                rvec = jnp.broadcast_to(r, (16,))
                for j in range(TEMPL_DIM // 16):
                    v = rows[r, pl.ds(TEMPL_DIM + 16 * j, 16)]
                    plsc.store_scatter(
                        rows, [rvec, lane + (WORD_DIM + 16 * j)], v)
                return carry

            lax.fori_loop(0, C, rbody, 0)
            row4 = lax.shift_right_logical(lane, 2)
            col4 = lax.bitwise_and(lane, 3)
            for g in range(C // 4):
                rg = row4 + (4 * g)
                bx = bb[pl.ds(16 * g, 16)]
                plsc.store_scatter(rows, [rg, col4 + (OUT_DIM - 4)], bx)

        def start_write(c, st):
            _, _, rows, _, _, _, sw = st
            base = base0 + c * C
            pltpu.async_copy(rows, out_hbm.at[pl.ds(base, C)], sw)

        def wait_write(st):
            _, _, rows, _, _, _, sw = st
            pltpu.make_async_copy(
                rows, out_hbm.at[pl.ds(0, C)], sw).wait()

        def step(c, st, st2, do_next, guard_write):
            if do_next:
                stage_idx(c + 2, st2)
            wait_gathers(st)
            fixup(st)
            start_write(c, st)
            if do_next:
                if guard_write:
                    wait_write(st2)
                wait_idx(st2)
                start_gathers(c + 2, st2)

        stage_idx(0, sets[0])
        wait_idx(sets[0])
        start_gathers(0, sets[0])
        stage_idx(1, sets[1])
        wait_idx(sets[1])
        start_gathers(1, sets[1])

        def body(t, carry):
            c = 3 * t

            @pl.when(t == 0)
            def _():
                step(c, sets[0], sets[2], True, False)

            @pl.when(t > 0)
            def _():
                step(c, sets[0], sets[2], True, True)

            step(c + 1, sets[1], sets[0], True, True)
            step(c + 2, sets[2], sets[1], True, True)
            return carry

        lax.fori_loop(0, NTRIPLE, body, 0)
        step(NCHUNK - 2, sets[0], sets[2], False, False)
        step(NCHUNK - 1, sets[1], sets[0], False, False)
        wait_write(sets[2])
        wait_write(sets[0])
        wait_write(sets[1])

    return emb_concat


_emb_concat = _make_sc_kernel()


def kernel(cat_ids, box, template, W_word, W_templ):
    cat_flat = cat_ids.reshape(N).astype(jnp.int32)
    templ_flat = template.reshape(N).astype(jnp.int32)
    box_flat = box.reshape(N * 4)
    ww_pad = jnp.pad(W_word, ((0, 0), (0, TEMPL_DIM - WORD_DIM)))
    out = _emb_concat(cat_flat, templ_flat, box_flat, ww_pad, W_templ)
    return out.reshape(B, L, OUT_DIM)

# --- scband reference (transcript-rebuilt; emitter-appended) ---
"""Pipeline reference for scband-concat-box-embeddings-14070312861826 (READ-ONLY COPY).

The authoritative reference and input builder live on the scoring server;
editing this copy changes nothing except your own understanding.
"""

import jax, jax.numpy as jnp
import numpy as np

VOCAB = 100000
HIDDEN = 512
WORD_DIM = HIDDEN // 2 - 4  # 252
TEMPL_DIM = HIDDEN // 2     # 256
B, L = 1024, 200


def setup_inputs(seed: int = 0) -> dict:
    key = jax.random.key(seed)
    k1, k2, k3, k4, k5 = jax.random.split(key, 5)
    cat_ids = jax.random.randint(k1, (B, L), 0, VOCAB, dtype=jnp.int64) if jax.config.jax_enable_x64 else jax.random.randint(k1, (B, L), 0, VOCAB, dtype=jnp.int32)
    template = jax.random.randint(k2, (B, L), 0, VOCAB, dtype=jnp.int32)
    box = jax.random.normal(k3, (B, L, 4), dtype=jnp.float32)
    W_word = jax.random.normal(k4, (VOCAB, WORD_DIM), dtype=jnp.float32) * 0.02
    W_templ = jax.random.normal(k5, (VOCAB, TEMPL_DIM), dtype=jnp.float32) * 0.02
    # padding_idx=0: row 0 is zeros
    W_word = W_word.at[0].set(0.0)
    W_templ = W_templ.at[0].set(0.0)
    return {"cat_ids": cat_ids, "box": box, "template": template, "W_word": W_word, "W_templ": W_templ}


def reference(cat_ids, box, template, W_word, W_templ):
    inputs_embeds = jnp.take(W_word, cat_ids, axis=0)      # [B, L, 252]
    templ_embeds = jnp.take(W_templ, template, axis=0)     # [B, L, 256]
    embeddings = jnp.concatenate([inputs_embeds, templ_embeds, box], axis=2)  # [B, L, 512]
    # dropout in eval mode is identity
    return embeddings

if __name__ == "__main__":
    import jax
    _d = setup_inputs()
    print(jax.jit(kernel)(*tuple(_d.values())))

</pallas_src>

<mosaic_0001>
#map = affine_map<(d0, d1) -> (0)>
#map1 = affine_map<(d0, d1) -> (0, 0)>
module attributes {stable_mosaic.version = 14 : i64} {
  func.func @emb_concat(%arg0: i32, %arg1: i32, %arg2: memref<204800xi32, #tpu.memory_space<hbm>>, %arg3: memref<204800xi32, #tpu.memory_space<hbm>>, %arg4: memref<819200xf32, #tpu.memory_space<hbm>>, %arg5: memref<100000x256xf32, #tpu.memory_space<hbm>>, %arg6: memref<100000x256xf32, #tpu.memory_space<hbm>>, %arg7: memref<204800x512xf32, #tpu.memory_space<hbm>>, %arg8: memref<80xi32, #tpu.memory_space<vmem>>, %arg9: memref<80xi32, #tpu.memory_space<vmem>>, %arg10: memref<80xi32, #tpu.memory_space<vmem>>, %arg11: memref<80xi32, #tpu.memory_space<vmem>>, %arg12: memref<80xi32, #tpu.memory_space<vmem>>, %arg13: memref<80xi32, #tpu.memory_space<vmem>>, %arg14: memref<80x512xf32, #tpu.memory_space<vmem>>, %arg15: memref<80x512xf32, #tpu.memory_space<vmem>>, %arg16: memref<80x512xf32, #tpu.memory_space<vmem>>, %arg17: memref<320xf32, #tpu.memory_space<vmem>>, %arg18: memref<320xf32, #tpu.memory_space<vmem>>, %arg19: memref<320xf32, #tpu.memory_space<vmem>>, %arg20: memref<!tpu.dma_semaphore, #tpu.memory_space<semaphore_mem>>, %arg21: memref<!tpu.dma_semaphore, #tpu.memory_space<semaphore_mem>>, %arg22: memref<!tpu.dma_semaphore, #tpu.memory_space<semaphore_mem>>, %arg23: memref<!tpu.dma_semaphore, #tpu.memory_space<semaphore_mem>>, %arg24: memref<!tpu.dma_semaphore, #tpu.memory_space<semaphore_mem>>, %arg25: memref<!tpu.dma_semaphore, #tpu.memory_space<semaphore_mem>>, %arg26: memref<!tpu.dma_semaphore, #tpu.memory_space<semaphore_mem>>, %arg27: memref<!tpu.dma_semaphore, #tpu.memory_space<semaphore_mem>>, %arg28: memref<!tpu.dma_semaphore, #tpu.memory_space<semaphore_mem>>) attributes {dimension_semantics = [#tpu.dimension_semantics<core_parallel>, #tpu.dimension_semantics<subcore_parallel>], iteration_bounds = array<i64: 2, 16>, scalar_prefetch = 0 : i64, scratch_operands = 21 : i64, tpu.core_type = #tpu.core_type<sc_vector_subcore>, window_params = [{transform_indices = #map}, {transform_indices = #map}, {transform_indices = #map}, {transform_indices = #map1}, {transform_indices = #map1}, {transform_indices = #map1}]} {
    %mul3A = arith.constant 2 : i32
    %mul3A_0 = arith.muli %arg1, %mul3A : i32
    %add3A = arith.addi %mul3A_0, %arg0 : i32
    %mul3A_1 = arith.constant 6400 : i32
    %mul3A_2 = arith.muli %add3A, %mul3A_1 : i32
    %add3A_3 = arith.constant 0 : i32
    %add3A_4 = arith.addi %mul3A_2, %add3A_3 : i32
    %dma_start3A = tpu.memref_slice %arg2[%add3A_4] : memref<204800xi32, #tpu.memory_space<hbm>> -> memref<80xi32, #tpu.memory_space<hbm>>
    %dma_start3A_5 = tpu.memref_slice %arg2[%add3A_4] : memref<204800xi32, #tpu.memory_space<hbm>> -> memref<80xi32, #tpu.memory_space<hbm>>
    tpu.enqueue_dma source(%dma_start3A_5 : memref<80xi32, #tpu.memory_space<hbm>>) target(%arg8 : memref<80xi32, #tpu.memory_space<vmem>>) target_semaphore(%arg23 : memref<!tpu.dma_semaphore, #tpu.memory_space<semaphore_mem>>)
    %dma_start3A_6 = tpu.memref_slice %arg3[%add3A_4] : memref<204800xi32, #tpu.memory_space<hbm>> -> memref<80xi32, #tpu.memory_space<hbm>>
    %dma_start3A_7 = tpu.memref_slice %arg3[%add3A_4] : memref<204800xi32, #tpu.memory_space<hbm>> -> memref<80xi32, #tpu.memory_space<hbm>>
    tpu.enqueue_dma source(%dma_start3A_7 : memref<80xi32, #tpu.memory_space<hbm>>) target(%arg9 : memref<80xi32, #tpu.memory_space<vmem>>) target_semaphore(%arg23 : memref<!tpu.dma_semaphore, #tpu.memory_space<semaphore_mem>>)
    %dma_wait3A = arith.constant 0 : i32
    %dma_wait3A_8 = tpu.memref_slice %arg2[%dma_wait3A] : memref<204800xi32, #tpu.memory_space<hbm>> -> memref<80xi32, #tpu.memory_space<hbm>>
    %dma_wait3A_9 = arith.constant 0 : i32
    %dma_wait3A_10 = tpu.memref_slice %arg2[%dma_wait3A_9] : memref<204800xi32, #tpu.memory_space<hbm>> -> memref<80xi32, #tpu.memory_space<hbm>>
    tpu.wait_dma2 semaphore(%arg23 : memref<!tpu.dma_semaphore, #tpu.memory_space<semaphore_mem>>) src(%dma_wait3A_10 : memref<80xi32, #tpu.memory_space<hbm>>) dst(%arg8 : memref<80xi32, #tpu.memory_space<vmem>>)
    %dma_wait3A_11 = arith.constant 0 : i32
    %dma_wait3A_12 = tpu.memref_slice %arg3[%dma_wait3A_11] : memref<204800xi32, #tpu.memory_space<hbm>> -> memref<80xi32, #tpu.memory_space<hbm>>
    %dma_wait3A_13 = arith.constant 0 : i32
    %dma_wait3A_14 = tpu.memref_slice %arg3[%dma_wait3A_13] : memref<204800xi32, #tpu.memory_space<hbm>> -> memref<80xi32, #tpu.memory_space<hbm>>
    tpu.wait_dma2 semaphore(%arg23 : memref<!tpu.dma_semaphore, #tpu.memory_space<semaphore_mem>>) src(%dma_wait3A_14 : memref<80xi32, #tpu.memory_space<hbm>>) dst(%arg9 : memref<80xi32, #tpu.memory_space<vmem>>)
    %add3A_15 = arith.constant 0 : i32
    %add3A_16 = arith.addi %mul3A_2, %add3A_15 : i32
    %dma_start3A_17 = arith.constant 0 : i32
    %dma_start3A_18 = arith.constant 0 : i32
    %dma_start3A_19 = tpu.memref_slice %arg14[%dma_start3A_17, %dma_start3A_18] : memref<80x512xf32, #tpu.memory_space<vmem>> -> memref<80x256xf32, #tpu.memory_space<vmem>>
    %dma_start3A_20 = arith.constant 0 : i32
    %dma_start3A_21 = arith.constant 0 : i32
    %dma_start3A_22 = tpu.memref_slice %arg5[%dma_start3A_20, %dma_start3A_21] : memref<100000x256xf32, #tpu.memory_space<hbm>> -> memref<100000x256xf32, #tpu.memory_space<hbm>>
    tpu.enqueue_indirect_dma source(%dma_start3A_22 : memref<100000x256xf32, #tpu.memory_space<hbm>>) target(%dma_start3A_19 : memref<80x256xf32, #tpu.memory_space<vmem>>) offsets(%arg8 : memref<80xi32, #tpu.memory_space<vmem>>) semaphore(%arg20 : memref<!tpu.dma_semaphore, #tpu.memory_space<semaphore_mem>>)
    %dma_start3A_23 = arith.constant 0 : i32
    %dma_start3A_24 = arith.constant 256 : i32
    %dma_start3A_25 = tpu.memref_slice %arg14[%dma_start3A_23, %dma_start3A_24] : memref<80x512xf32, #tpu.memory_space<vmem>> -> memref<80x256xf32, #tpu.memory_space<vmem>>
    %dma_start3A_26 = arith.constant 0 : i32
    %dma_start3A_27 = arith.constant 0 : i32
    %dma_start3A_28 = tpu.memref_slice %arg6[%dma_start3A_26, %dma_start3A_27] : memref<100000x256xf32, #tpu.memory_space<hbm>> -> memref<100000x256xf32, #tpu.memory_space<hbm>>
    tpu.enqueue_indirect_dma source(%dma_start3A_28 : memref<100000x256xf32, #tpu.memory_space<hbm>>) target(%dma_start3A_25 : memref<80x256xf32, #tpu.memory_space<vmem>>) offsets(%arg9 : memref<80xi32, #tpu.memory_space<vmem>>) semaphore(%arg20 : memref<!tpu.dma_semaphore, #tpu.memory_space<semaphore_mem>>)
    %mul3A_29 = arith.constant 4 : i32
    %mul3A_30 = arith.muli %add3A_16, %mul3A_29 : i32
    %dma_start3A_31 = tpu.memref_slice %arg4[%mul3A_30] : memref<819200xf32, #tpu.memory_space<hbm>> -> memref<320xf32, #tpu.memory_space<hbm>>
    %dma_start3A_32 = tpu.memref_slice %arg4[%mul3A_30] : memref<819200xf32, #tpu.memory_space<hbm>> -> memref<320xf32, #tpu.memory_space<hbm>>
    tpu.enqueue_dma source(%dma_start3A_32 : memref<320xf32, #tpu.memory_space<hbm>>) target(%arg17 : memref<320xf32, #tpu.memory_space<vmem>>) target_semaphore(%arg20 : memref<!tpu.dma_semaphore, #tpu.memory_space<semaphore_mem>>)
    %add3A_33 = arith.constant 80 : i32
    %add3A_34 = arith.addi %mul3A_2, %add3A_33 : i32
    %dma_start3A_35 = tpu.memref_slice %arg2[%add3A_34] : memref<204800xi32, #tpu.memory_space<hbm>> -> memref<80xi32, #tpu.memory_space<hbm>>
    %dma_start3A_36 = tpu.memref_slice %arg2[%add3A_34] : memref<204800xi32, #tpu.memory_space<hbm>> -> memref<80xi32, #tpu.memory_space<hbm>>
    tpu.enqueue_dma source(%dma_start3A_36 : memref<80xi32, #tpu.memory_space<hbm>>) target(%arg10 : memref<80xi32, #tpu.memory_space<vmem>>) target_semaphore(%arg24 : memref<!tpu.dma_semaphore, #tpu.memory_space<semaphore_mem>>)
    %dma_start3A_37 = tpu.memref_slice %arg3[%add3A_34] : memref<204800xi32, #tpu.memory_space<hbm>> -> memref<80xi32, #tpu.memory_space<hbm>>
    %dma_start3A_38 = tpu.memref_slice %arg3[%add3A_34] : memref<204800xi32, #tpu.memory_space<hbm>> -> memref<80xi32, #tpu.memory_space<hbm>>
    tpu.enqueue_dma source(%dma_start3A_38 : memref<80xi32, #tpu.memory_space<hbm>>) target(%arg11 : memref<80xi32, #tpu.memory_space<vmem>>) target_semaphore(%arg24 : memref<!tpu.dma_semaphore, #tpu.memory_space<semaphore_mem>>)
    %dma_wait3A_39 = arith.constant 0 : i32
    %dma_wait3A_40 = tpu.memref_slice %arg2[%dma_wait3A_39] : memref<204800xi32, #tpu.memory_space<hbm>> -> memref<80xi32, #tpu.memory_space<hbm>>
    %dma_wait3A_41 = arith.constant 0 : i32
    %dma_wait3A_42 = tpu.memref_slice %arg2[%dma_wait3A_41] : memref<204800xi32, #tpu.memory_space<hbm>> -> memref<80xi32, #tpu.memory_space<hbm>>
    tpu.wait_dma2 semaphore(%arg24 : memref<!tpu.dma_semaphore, #tpu.memory_space<semaphore_mem>>) src(%dma_wait3A_42 : memref<80xi32, #tpu.memory_space<hbm>>) dst(%arg10 : memref<80xi32, #tpu.memory_space<vmem>>)
    %dma_wait3A_43 = arith.constant 0 : i32
    %dma_wait3A_44 = tpu.memref_slice %arg3[%dma_wait3A_43] : memref<204800xi32, #tpu.memory_space<hbm>> -> memref<80xi32, #tpu.memory_space<hbm>>
    %dma_wait3A_45 = arith.constant 0 : i32
    %dma_wait3A_46 = tpu.memref_slice %arg3[%dma_wait3A_45] : memref<204800xi32, #tpu.memory_space<hbm>> -> memref<80xi32, #tpu.memory_space<hbm>>
    tpu.wait_dma2 semaphore(%arg24 : memref<!tpu.dma_semaphore, #tpu.memory_space<semaphore_mem>>) src(%dma_wait3A_46 : memref<80xi32, #tpu.memory_space<hbm>>) dst(%arg11 : memref<80xi32, #tpu.memory_space<vmem>>)
    %add3A_47 = arith.constant 80 : i32
    %add3A_48 = arith.addi %mul3A_2, %add3A_47 : i32
    %dma_start3A_49 = arith.constant 0 : i32
    %dma_start3A_50 = arith.constant 0 : i32
    %dma_start3A_51 = tpu.memref_slice %arg15[%dma_start3A_49, %dma_start3A_50] : memref<80x512xf32, #tpu.memory_space<vmem>> -> memref<80x256xf32, #tpu.memory_space<vmem>>
    %dma_start3A_52 = arith.constant 0 : i32
    %dma_start3A_53 = arith.constant 0 : i32
    %dma_start3A_54 = tpu.memref_slice %arg5[%dma_start3A_52, %dma_start3A_53] : memref<100000x256xf32, #tpu.memory_space<hbm>> -> memref<100000x256xf32, #tpu.memory_space<hbm>>
    tpu.enqueue_indirect_dma source(%dma_start3A_54 : memref<100000x256xf32, #tpu.memory_space<hbm>>) target(%dma_start3A_51 : memref<80x256xf32, #tpu.memory_space<vmem>>) offsets(%arg10 : memref<80xi32, #tpu.memory_space<vmem>>) semaphore(%arg21 : memref<!tpu.dma_semaphore, #tpu.memory_space<semaphore_mem>>)
    %dma_start3A_55 = arith.constant 0 : i32
    %dma_start3A_56 = arith.constant 256 : i32
    %dma_start3A_57 = tpu.memref_slice %arg15[%dma_start3A_55, %dma_start3A_56] : memref<80x512xf32, #tpu.memory_space<vmem>> -> memref<80x256xf32, #tpu.memory_space<vmem>>
    %dma_start3A_58 = arith.constant 0 : i32
    %dma_start3A_59 = arith.constant 0 : i32
    %dma_start3A_60 = tpu.memref_slice %arg6[%dma_start3A_58, %dma_start3A_59] : memref<100000x256xf32, #tpu.memory_space<hbm>> -> memref<100000x256xf32, #tpu.memory_space<hbm>>
    tpu.enqueue_indirect_dma source(%dma_start3A_60 : memref<100000x256xf32, #tpu.memory_space<hbm>>) target(%dma_start3A_57 : memref<80x256xf32, #tpu.memory_space<vmem>>) offsets(%arg11 : memref<80xi32, #tpu.memory_space<vmem>>) semaphore(%arg21 : memref<!tpu.dma_semaphore, #tpu.memory_space<semaphore_mem>>)
    %mul3A_61 = arith.constant 4 : i32
    %mul3A_62 = arith.muli %add3A_48, %mul3A_61 : i32
    %dma_start3A_63 = tpu.memref_slice %arg4[%mul3A_62] : memref<819200xf32, #tpu.memory_space<hbm>> -> memref<320xf32, #tpu.memory_space<hbm>>
    %dma_start3A_64 = tpu.memref_slice %arg4[%mul3A_62] : memref<819200xf32, #tpu.memory_space<hbm>> -> memref<320xf32, #tpu.memory_space<hbm>>
    tpu.enqueue_dma source(%dma_start3A_64 : memref<320xf32, #tpu.memory_space<hbm>>) target(%arg18 : memref<320xf32, #tpu.memory_space<vmem>>) target_semaphore(%arg21 : memref<!tpu.dma_semaphore, #tpu.memory_space<semaphore_mem>>)
    %scan3A = arith.constant 0 : i32
    %scan3A_65 = arith.constant 0 : i32
    %scan3A_66 = arith.constant 26 : i32
    %scan3A_67 = arith.addi %scan3A_65, %scan3A_66 : i32
    %scan3A_68 = arith.constant 1 : i32
    scf.for %scan3A_498 = %scan3A_65 to %scan3A_67 step %scan3A_68  : i32 {
      %mul3A_499 = arith.constant 3 : i32
      %mul3A_500 = arith.muli %mul3A_499, %scan3A_498 : i32
      %eq3A = arith.constant 0 : i32
      %eq3A_501 = arith.cmpi eq, %scan3A_498, %eq3A : i32
      %convert_element_type3A = arith.extui %eq3A_501 : i1 to i32
      %cond3A = arith.constant 0 : i32
      %cond3A_502 = arith.cmpi ne, %convert_element_type3A, %cond3A : i32
      scf.if %cond3A_502 {
        %add3A_1015 = arith.constant 2 : i32
        %add3A_1016 = arith.addi %mul3A_500, %add3A_1015 : i32
        %mul3A_1017 = arith.constant 80 : i32
        %mul3A_1018 = arith.muli %add3A_1016, %mul3A_1017 : i32
        %add3A_1019 = arith.addi %mul3A_2, %mul3A_1018 : i32
        %dma_start3A_1020 = tpu.memref_slice %arg2[%add3A_1019] : memref<204800xi32, #tpu.memory_space<hbm>> -> memref<80xi32, #tpu.memory_space<hbm>>
        %dma_start3A_1021 = tpu.memref_slice %arg2[%add3A_1019] : memref<204800xi32, #tpu.memory_space<hbm>> -> memref<80xi32, #tpu.memory_space<hbm>>
        tpu.enqueue_dma source(%dma_start3A_1021 : memref<80xi32, #tpu.memory_space<hbm>>) target(%arg12 : memref<80xi32, #tpu.memory_space<vmem>>) target_semaphore(%arg25 : memref<!tpu.dma_semaphore, #tpu.memory_space<semaphore_mem>>)
        %dma_start3A_1022 = tpu.memref_slice %arg3[%add3A_1019] : memref<204800xi32, #tpu.memory_space<hbm>> -> memref<80xi32, #tpu.memory_space<hbm>>
        %dma_start3A_1023 = tpu.memref_slice %arg3[%add3A_1019] : memref<204800xi32, #tpu.memory_space<hbm>> -> memref<80xi32, #tpu.memory_space<hbm>>
        tpu.enqueue_dma source(%dma_start3A_1023 : memref<80xi32, #tpu.memory_space<hbm>>) target(%arg13 : memref<80xi32, #tpu.memory_space<vmem>>) target_semaphore(%arg25 : memref<!tpu.dma_semaphore, #tpu.memory_space<semaphore_mem>>)
        %dma_wait3A_1024 = arith.constant 0 : i32
        %dma_wait3A_1025 = arith.constant 0 : i32
        %dma_wait3A_1026 = tpu.memref_slice %arg14[%dma_wait3A_1024, %dma_wait3A_1025] : memref<80x512xf32, #tpu.memory_space<vmem>> -> memref<80x256xf32, #tpu.memory_space<vmem>>
        %dma_wait3A_1027 = arith.constant 0 : i32
        %dma_wait3A_1028 = arith.constant 0 : i32
        %dma_wait3A_1029 = tpu.memref_slice %arg7[%dma_wait3A_1027, %dma_wait3A_1028] : memref<204800x512xf32, #tpu.memory_space<hbm>> -> memref<80x256xf32, #tpu.memory_space<hbm>>
        %dma_wait3A_1030 = arith.constant 0 : i32
        %dma_wait3A_1031 = arith.constant 0 : i32
        %dma_wait3A_1032 = tpu.memref_slice %arg14[%dma_wait3A_1030, %dma_wait3A_1031] : memref<80x512xf32, #tpu.memory_space<vmem>> -> memref<80x256xf32, #tpu.memory_space<vmem>>
        %dma_wait3A_1033 = arith.constant 0 : i32
        %dma_wait3A_1034 = arith.constant 0 : i32
        %dma_wait3A_1035 = tpu.memref_slice %arg7[%dma_wait3A_1033, %dma_wait3A_1034] : memref<204800x512xf32, #tpu.memory_space<hbm>> -> memref<80x256xf32, #tpu.memory_space<hbm>>
        tpu.wait_dma2 semaphore(%arg20 : memref<!tpu.dma_semaphore, #tpu.memory_space<semaphore_mem>>) src(%dma_wait3A_1035 : memref<80x256xf32, #tpu.memory_space<hbm>>) dst(%dma_wait3A_1032 : memref<80x256xf32, #tpu.memory_space<vmem>>)
        %dma_wait3A_1036 = arith.constant 0 : i32
        %dma_wait3A_1037 = arith.constant 256 : i32
        %dma_wait3A_1038 = tpu.memref_slice %arg14[%dma_wait3A_1036, %dma_wait3A_1037] : memref<80x512xf32, #tpu.memory_space<vmem>> -> memref<80x256xf32, #tpu.memory_space<vmem>>
        %dma_wait3A_1039 = arith.constant 0 : i32
        %dma_wait3A_1040 = arith.constant 0 : i32
        %dma_wait3A_1041 = tpu.memref_slice %arg7[%dma_wait3A_1039, %dma_wait3A_1040] : memref<204800x512xf32, #tpu.memory_space<hbm>> -> memref<80x256xf32, #tpu.memory_space<hbm>>
        %dma_wait3A_1042 = arith.constant 0 : i32
        %dma_wait3A_1043 = arith.constant 256 : i32
        %dma_wait3A_1044 = tpu.memref_slice %arg14[%dma_wait3A_1042, %dma_wait3A_1043] : memref<80x512xf32, #tpu.memory_space<vmem>> -> memref<80x256xf32, #tpu.memory_space<vmem>>
        %dma_wait3A_1045 = arith.constant 0 : i32
        %dma_wait3A_1046 = arith.constant 0 : i32
        %dma_wait3A_1047 = tpu.memref_slice %arg7[%dma_wait3A_1045, %dma_wait3A_1046] : memref<204800x512xf32, #tpu.memory_space<hbm>> -> memref<80x256xf32, #tpu.memory_space<hbm>>
        tpu.wait_dma2 semaphore(%arg20 : memref<!tpu.dma_semaphore, #tpu.memory_space<semaphore_mem>>) src(%dma_wait3A_1047 : memref<80x256xf32, #tpu.memory_space<hbm>>) dst(%dma_wait3A_1044 : memref<80x256xf32, #tpu.memory_space<vmem>>)
        %dma_wait3A_1048 = arith.constant 0 : i32
        %dma_wait3A_1049 = tpu.memref_slice %arg4[%dma_wait3A_1048] : memref<819200xf32, #tpu.memory_space<hbm>> -> memref<320xf32, #tpu.memory_space<hbm>>
        %dma_wait3A_1050 = arith.constant 0 : i32
        %dma_wait3A_1051 = tpu.memref_slice %arg4[%dma_wait3A_1050] : memref<819200xf32, #tpu.memory_space<hbm>> -> memref<320xf32, #tpu.memory_space<hbm>>
        tpu.wait_dma2 semaphore(%arg20 : memref<!tpu.dma_semaphore, #tpu.memory_space<semaphore_mem>>) src(%dma_wait3A_1051 : memref<320xf32, #tpu.memory_space<hbm>>) dst(%arg17 : memref<320xf32, #tpu.memory_space<vmem>>)
        %iota3A_1052 = tpu.iota {dimensions = array<i32: 0>} : vector<16xi32>
        %scan3A_1053 = arith.constant 0 : i32
        %scan3A_1054 = arith.constant 0 : i32
        %scan3A_1055 = arith.constant 80 : i32
        %scan3A_1056 = arith.addi %scan3A_1054, %scan3A_1055 : i32
        %scan3A_1057 = arith.constant 1 : i32
        scf.for %scan3A_1261 = %scan3A_1054 to %scan3A_1056 step %scan3A_1057  : i32 {
          %broadcast_in_dim3A = vector.broadcast %scan3A_1261 : i32 to vector<16xi32>
          %get3A_1262 = arith.index_cast %scan3A_1261 : i32 to index
          %get3A_1263 = arith.constant 256 : index
          %get3A_1264 = tpu.vector_load %arg14[%get3A_1262, %get3A_1263] {strides = array<i32>} : memref<80x512xf32, #tpu.memory_space<vmem>>, vector<16xf32>,
          %add3A_1265 = arith.constant 252 : i32
          %add3A_1266 = vector.broadcast %add3A_1265 : i32 to vector<16xi32>
          %add3A_1267 = arith.addi %iota3A_1052, %add3A_1266 : vector<16xi32>
          tpu.vector_store_idx %arg14[%broadcast_in_dim3A, %add3A_1267], %get3A_1264 : memref<80x512xf32, #tpu.memory_space<vmem>>[vector<16xi32>, vector<16xi32>], vector<16xf32>,
          %get3A_1268 = arith.index_cast %scan3A_1261 : i32 to index
          %get3A_1269 = arith.constant 272 : index
          %get3A_1270 = tpu.vector_load %arg14[%get3A_1268, %get3A_1269] {strides = array<i32>} : memref<80x512xf32, #tpu.memory_space<vmem>>, vector<16xf32>,
          %add3A_1271 = arith.constant 268 : i32
          %add3A_1272 = vector.broadcast %add3A_1271 : i32 to vector<16xi32>
          %add3A_1273 = arith.addi %iota3A_1052, %add3A_1272 : vector<16xi32>
          tpu.vector_store_idx %arg14[%broadcast_in_dim3A, %add3A_1273], %get3A_1270 : memref<80x512xf32, #tpu.memory_space<vmem>>[vector<16xi32>, vector<16xi32>], vector<16xf32>,
          %get3A_1274 = arith.index_cast %scan3A_1261 : i32 to index
          %get3A_1275 = arith.constant 288 : index
          %get3A_1276 = tpu.vector_load %arg14[%get3A_1274, %get3A_1275] {strides = array<i32>} : memref<80x512xf32, #tpu.memory_space<vmem>>, vector<16xf32>,
          %add3A_1277 = arith.constant 284 : i32
          %add3A_1278 = vector.broadcast %add3A_1277 : i32 to vector<16xi32>
          %add3A_1279 = arith.addi %iota3A_1052, %add3A_1278 : vector<16xi32>
          tpu.vector_store_idx %arg14[%broadcast_in_dim3A, %add3A_1279], %get3A_1276 : memref<80x512xf32, #tpu.memory_space<vmem>>[vector<16xi32>, vector<16xi32>], vector<16xf32>,
          %get3A_1280 = arith.index_cast %scan3A_1261 : i32 to index
          %get3A_1281 = arith.constant 304 : index
          %get3A_1282 = tpu.vector_load %arg14[%get3A_1280, %get3A_1281] {strides = array<i32>} : memref<80x512xf32, #tpu.memory_space<vmem>>, vector<16xf32>,
          %add3A_1283 = arith.constant 300 : i32
          %add3A_1284 = vector.broadcast %add3A_1283 : i32 to vector<16xi32>
          %add3A_1285 = arith.addi %iota3A_1052, %add3A_1284 : vector<16xi32>
          tpu.vector_store_idx %arg14[%broadcast_in_dim3A, %add3A_1285], %get3A_1282 : memref<80x512xf32, #tpu.memory_space<vmem>>[vector<16xi32>, vector<16xi32>], vector<16xf32>,
          %get3A_1286 = arith.index_cast %scan3A_1261 : i32 to index
          %get3A_1287 = arith.constant 320 : index
          %get3A_1288 = tpu.vector_load %arg14[%get3A_1286, %get3A_1287] {strides = array<i32>} : memref<80x512xf32, #tpu.memory_space<vmem>>, vector<16xf32>,
          %add3A_1289 = arith.constant 316 : i32
          %add3A_1290 = vector.broadcast %add3A_1289 : i32 to vector<16xi32>
          %add3A_1291 = arith.addi %iota3A_1052, %add3A_1290 : vector<16xi32>
          tpu.vector_store_idx %arg14[%broadcast_in_dim3A, %add3A_1291], %get3A_1288 : memref<80x512xf32, #tpu.memory_space<vmem>>[vector<16xi32>, vector<16xi32>], vector<16xf32>,
          %get3A_1292 = arith.index_cast %scan3A_1261 : i32 to index
          %get3A_1293 = arith.constant 336 : index
          %get3A_1294 = tpu.vector_load %arg14[%get3A_1292, %get3A_1293] {strides = array<i32>} : memref<80x512xf32, #tpu.memory_space<vmem>>, vector<16xf32>,
          %add3A_1295 = arith.constant 332 : i32
          %add3A_1296 = vector.broadcast %add3A_1295 : i32 to vector<16xi32>
          %add3A_1297 = arith.addi %iota3A_1052, %add3A_1296 : vector<16xi32>
          tpu.vector_store_idx %arg14[%broadcast_in_dim3A, %add3A_1297], %get3A_1294 : memref<80x512xf32, #tpu.memory_space<vmem>>[vector<16xi32>, vector<16xi32>], vector<16xf32>,
          %get3A_1298 = arith.index_cast %scan3A_1261 : i32 to index
          %get3A_1299 = arith.constant 352 : index
          %get3A_1300 = tpu.vector_load %arg14[%get3A_1298, %get3A_1299] {strides = array<i32>} : memref<80x512xf32, #tpu.memory_space<vmem>>, vector<16xf32>,
          %add3A_1301 = arith.constant 348 : i32
          %add3A_1302 = vector.broadcast %add3A_1301 : i32 to vector<16xi32>
          %add3A_1303 = arith.addi %iota3A_1052, %add3A_1302 : vector<16xi32>
          tpu.vector_store_idx %arg14[%broadcast_in_dim3A, %add3A_1303], %get3A_1300 : memref<80x512xf32, #tpu.memory_space<vmem>>[vector<16xi32>, vector<16xi32>], vector<16xf32>,
          %get3A_1304 = arith.index_cast %scan3A_1261 : i32 to index
          %get3A_1305 = arith.constant 368 : index
          %get3A_1306 = tpu.vector_load %arg14[%get3A_1304, %get3A_1305] {strides = array<i32>} : memref<80x512xf32, #tpu.memory_space<vmem>>, vector<16xf32>,
          %add3A_1307 = arith.constant 364 : i32
          %add3A_1308 = vector.broadcast %add3A_1307 : i32 to vector<16xi32>
          %add3A_1309 = arith.addi %iota3A_1052, %add3A_1308 : vector<16xi32>
          tpu.vector_store_idx %arg14[%broadcast_in_dim3A, %add3A_1309], %get3A_1306 : memref<80x512xf32, #tpu.memory_space<vmem>>[vector<16xi32>, vector<16xi32>], vector<16xf32>,
          %get3A_1310 = arith.index_cast %scan3A_1261 : i32 to index
          %get3A_1311 = arith.constant 384 : index
          %get3A_1312 = tpu.vector_load %arg14[%get3A_1310, %get3A_1311] {strides = array<i32>} : memref<80x512xf32, #tpu.memory_space<vmem>>, vector<16xf32>,
          %add3A_1313 = arith.constant 380 : i32
          %add3A_1314 = vector.broadcast %add3A_1313 : i32 to vector<16xi32>
          %add3A_1315 = arith.addi %iota3A_1052, %add3A_1314 : vector<16xi32>
          tpu.vector_store_idx %arg14[%broadcast_in_dim3A, %add3A_1315], %get3A_1312 : memref<80x512xf32, #tpu.memory_space<vmem>>[vector<16xi32>, vector<16xi32>], vector<16xf32>,
          %get3A_1316 = arith.index_cast %scan3A_1261 : i32 to index
          %get3A_1317 = arith.constant 400 : index
          %get3A_1318 = tpu.vector_load %arg14[%get3A_1316, %get3A_1317] {strides = array<i32>} : memref<80x512xf32, #tpu.memory_space<vmem>>, vector<16xf32>,
          %add3A_1319 = arith.constant 396 : i32
          %add3A_1320 = vector.broadcast %add3A_1319 : i32 to vector<16xi32>
          %add3A_1321 = arith.addi %iota3A_1052, %add3A_1320 : vector<16xi32>
          tpu.vector_store_idx %arg14[%broadcast_in_dim3A, %add3A_1321], %get3A_1318 : memref<80x512xf32, #tpu.memory_space<vmem>>[vector<16xi32>, vector<16xi32>], vector<16xf32>,
          %get3A_1322 = arith.index_cast %scan3A_1261 : i32 to index
          %get3A_1323 = arith.constant 416 : index
          %get3A_1324 = tpu.vector_load %arg14[%get3A_1322, %get3A_1323] {strides = array<i32>} : memref<80x512xf32, #tpu.memory_space<vmem>>, vector<16xf32>,
          %add3A_1325 = arith.constant 412 : i32
          %add3A_1326 = vector.broadcast %add3A_1325 : i32 to vector<16xi32>
          %add3A_1327 = arith.addi %iota3A_1052, %add3A_1326 : vector<16xi32>
          tpu.vector_store_idx %arg14[%broadcast_in_dim3A, %add3A_1327], %get3A_1324 : memref<80x512xf32, #tpu.memory_space<vmem>>[vector<16xi32>, vector<16xi32>], vector<16xf32>,
          %get3A_1328 = arith.index_cast %scan3A_1261 : i32 to index
          %get3A_1329 = arith.constant 432 : index
          %get3A_1330 = tpu.vector_load %arg14[%get3A_1328, %get3A_1329] {strides = array<i32>} : memref<80x512xf32, #tpu.memory_space<vmem>>, vector<16xf32>,
          %add3A_1331 = arith.constant 428 : i32
          %add3A_1332 = vector.broadcast %add3A_1331 : i32 to vector<16xi32>
          %add3A_1333 = arith.addi %iota3A_1052, %add3A_1332 : vector<16xi32>
          tpu.vector_store_idx %arg14[%broadcast_in_dim3A, %add3A_1333], %get3A_1330 : memref<80x512xf32, #tpu.memory_space<vmem>>[vector<16xi32>, vector<16xi32>], vector<16xf32>,
          %get3A_1334 = arith.index_cast %scan3A_1261 : i32 to index
          %get3A_1335 = arith.constant 448 : index
          %get3A_1336 = tpu.vector_load %arg14[%get3A_1334, %get3A_1335] {strides = array<i32>} : memref<80x512xf32, #tpu.memory_space<vmem>>, vector<16xf32>,
          %add3A_1337 = arith.constant 444 : i32
          %add3A_1338 = vector.broadcast %add3A_1337 : i32 to vector<16xi32>
          %add3A_1339 = arith.addi %iota3A_1052, %add3A_1338 : vector<16xi32>
          tpu.vector_store_idx %arg14[%broadcast_in_dim3A, %add3A_1339], %get3A_1336 : memref<80x512xf32, #tpu.memory_space<vmem>>[vector<16xi32>, vector<16xi32>], vector<16xf32>,
          %get3A_1340 = arith.index_cast %scan3A_1261 : i32 to index
          %get3A_1341 = arith.constant 464 : index
          %get3A_1342 = tpu.vector_load %arg14[%get3A_1340, %get3A_1341] {strides = array<i32>} : memref<80x512xf32, #tpu.memory_space<vmem>>, vector<16xf32>,
          %add3A_1343 = arith.constant 460 : i32
          %add3A_1344 = vector.broadcast %add3A_1343 : i32 to vector<16xi32>
          %add3A_1345 = arith.addi %iota3A_1052, %add3A_1344 : vector<16xi32>
          tpu.vector_store_idx %arg14[%broadcast_in_dim3A, %add3A_1345], %get3A_1342 : memref<80x512xf32, #tpu.memory_space<vmem>>[vector<16xi32>, vector<16xi32>], vector<16xf32>,
          %get3A_1346 = arith.index_cast %scan3A_1261 : i32 to index
          %get3A_1347 = arith.constant 480 : index
          %get3A_1348 = tpu.vector_load %arg14[%get3A_1346, %get3A_1347] {strides = array<i32>} : memref<80x512xf32, #tpu.memory_space<vmem>>, vector<16xf32>,
          %add3A_1349 = arith.constant 476 : i32
          %add3A_1350 = vector.broadcast %add3A_1349 : i32 to vector<16xi32>
          %add3A_1351 = arith.addi %iota3A_1052, %add3A_1350 : vector<16xi32>
          tpu.vector_store_idx %arg14[%broadcast_in_dim3A, %add3A_1351], %get3A_1348 : memref<80x512xf32, #tpu.memory_space<vmem>>[vector<16xi32>, vector<16xi32>], vector<16xf32>,
          %get3A_1352 = arith.index_cast %scan3A_1261 : i32 to index
          %get3A_1353 = arith.constant 496 : index
          %get3A_1354 = tpu.vector_load %arg14[%get3A_1352, %get3A_1353] {strides = array<i32>} : memref<80x512xf32, #tpu.memory_space<vmem>>, vector<16xf32>,
          %add3A_1355 = arith.constant 492 : i32
          %add3A_1356 = vector.broadcast %add3A_1355 : i32 to vector<16xi32>
          %add3A_1357 = arith.addi %iota3A_1052, %add3A_1356 : vector<16xi32>
          tpu.vector_store_idx %arg14[%broadcast_in_dim3A, %add3A_1357], %get3A_1354 : memref<80x512xf32, #tpu.memory_space<vmem>>[vector<16xi32>, vector<16xi32>], vector<16xf32>,
        }
        %scan3A_1058 = arith.constant 80 : i32
        %shift_right_logical3A_1059 = arith.constant 2 : i32
        %shift_right_logical3A_1060 = vector.broadcast %shift_right_logical3A_1059 : i32 to vector<16xi32>
        %shift_right_logical3A_1061 = arith.shrui %iota3A_1052, %shift_right_logical3A_1060 : vector<16xi32>
        %and3A_1062 = arith.constant 3 : i32
        %and3A_1063 = vector.broadcast %and3A_1062 : i32 to vector<16xi32>
        %and3A_1064 = arith.andi %iota3A_1052, %and3A_1063 : vector<16xi32>
        %add3A_1065 = arith.constant 0 : i32
        %add3A_1066 = vector.broadcast %add3A_1065 : i32 to vector<16xi32>
        %add3A_1067 = arith.addi %shift_right_logical3A_1061, %add3A_1066 : vector<16xi32>
        %get3A_1068 = arith.constant 0 : index
        %get3A_1069 = tpu.vector_load %arg17[%get3A_1068] {strides = array<i32>} : memref<320xf32, #tpu.memory_space<vmem>>, vector<16xf32>,
        %add3A_1070 = arith.constant 508 : i32
        %add3A_1071 = vector.broadcast %add3A_1070 : i32 to vector<16xi32>
        %add3A_1072 = arith.addi %and3A_1064, %add3A_1071 : vector<16xi32>
        tpu.vector_store_idx %arg14[%add3A_1067, %add3A_1072], %get3A_1069 : memref<80x512xf32, #tpu.memory_space<vmem>>[vector<16xi32>, vector<16xi32>], vector<16xf32>,
        %add3A_1073 = arith.constant 4 : i32
        %add3A_1074 = vector.broadcast %add3A_1073 : i32 to vector<16xi32>
        %add3A_1075 = arith.addi %shift_right_logical3A_1061, %add3A_1074 : vector<16xi32>
        %get3A_1076 = arith.constant 16 : index
        %get3A_1077 = tpu.vector_load %arg17[%get3A_1076] {strides = array<i32>} : memref<320xf32, #tpu.memory_space<vmem>>, vector<16xf32>,
        %add3A_1078 = arith.constant 508 : i32
        %add3A_1079 = vector.broadcast %add3A_1078 : i32 to vector<16xi32>
        %add3A_1080 = arith.addi %and3A_1064, %add3A_1079 : vector<16xi32>
        tpu.vector_store_idx %arg14[%add3A_1075, %add3A_1080], %get3A_1077 : memref<80x512xf32, #tpu.memory_space<vmem>>[vector<16xi32>, vector<16xi32>], vector<16xf32>,
        %add3A_1081 = arith.constant 8 : i32
        %add3A_1082 = vector.broadcast %add3A_1081 : i32 to vector<16xi32>
        %add3A_1083 = arith.addi %shift_right_logical3A_1061, %add3A_1082 : vector<16xi32>
        %get3A_1084 = arith.constant 32 : index
        %get3A_1085 = tpu.vector_load %arg17[%get3A_1084] {strides = array<i32>} : memref<320xf32, #tpu.memory_space<vmem>>, vector<16xf32>,
        %add3A_1086 = arith.constant 508 : i32
        %add3A_1087 = vector.broadcast %add3A_1086 : i32 to vector<16xi32>
        %add3A_1088 = arith.addi %and3A_1064, %add3A_1087 : vector<16xi32>
        tpu.vector_store_idx %arg14[%add3A_1083, %add3A_1088], %get3A_1085 : memref<80x512xf32, #tpu.memory_space<vmem>>[vector<16xi32>, vector<16xi32>], vector<16xf32>,
        %add3A_1089 = arith.constant 12 : i32
        %add3A_1090 = vector.broadcast %add3A_1089 : i32 to vector<16xi32>
        %add3A_1091 = arith.addi %shift_right_logical3A_1061, %add3A_1090 : vector<16xi32>
        %get3A_1092 = arith.constant 48 : index
        %get3A_1093 = tpu.vector_load %arg17[%get3A_1092] {strides = array<i32>} : memref<320xf32, #tpu.memory_space<vmem>>, vector<16xf32>,
        %add3A_1094 = arith.constant 508 : i32
        %add3A_1095 = vector.broadcast %add3A_1094 : i32 to vector<16xi32>
        %add3A_1096 = arith.addi %and3A_1064, %add3A_1095 : vector<16xi32>
        tpu.vector_store_idx %arg14[%add3A_1091, %add3A_1096], %get3A_1093 : memref<80x512xf32, #tpu.memory_space<vmem>>[vector<16xi32>, vector<16xi32>], vector<16xf32>,
        %add3A_1097 = arith.constant 16 : i32
        %add3A_1098 = vector.broadcast %add3A_1097 : i32 to vector<16xi32>
        %add3A_1099 = arith.addi %shift_right_logical3A_1061, %add3A_1098 : vector<16xi32>
        %get3A_1100 = arith.constant 64 : index
        %get3A_1101 = tpu.vector_load %arg17[%get3A_1100] {strides = array<i32>} : memref<320xf32, #tpu.memory_space<vmem>>, vector<16xf32>,
        %add3A_1102 = arith.constant 508 : i32
        %add3A_1103 = vector.broadcast %add3A_1102 : i32 to vector<16xi32>
        %add3A_1104 = arith.addi %and3A_1064, %add3A_1103 : vector<16xi32>
        tpu.vector_store_idx %arg14[%add3A_1099, %add3A_1104], %get3A_1101 : memref<80x512xf32, #tpu.memory_space<vmem>>[vector<16xi32>, vector<16xi32>], vector<16xf32>,
        %add3A_1105 = arith.constant 20 : i32
        %add3A_1106 = vector.broadcast %add3A_1105 : i32 to vector<16xi32>
        %add3A_1107 = arith.addi %shift_right_logical3A_1061, %add3A_1106 : vector<16xi32>
        %get3A_1108 = arith.constant 80 : index
        %get3A_1109 = tpu.vector_load %arg17[%get3A_1108] {strides = array<i32>} : memref<320xf32, #tpu.memory_space<vmem>>, vector<16xf32>,
        %add3A_1110 = arith.constant 508 : i32
        %add3A_1111 = vector.broadcast %add3A_1110 : i32 to vector<16xi32>
        %add3A_1112 = arith.addi %and3A_1064, %add3A_1111 : vector<16xi32>
        tpu.vector_store_idx %arg14[%add3A_1107, %add3A_1112], %get3A_1109 : memref<80x512xf32, #tpu.memory_space<vmem>>[vector<16xi32>, vector<16xi32>], vector<16xf32>,
        %add3A_1113 = arith.constant 24 : i32
        %add3A_1114 = vector.broadcast %add3A_1113 : i32 to vector<16xi32>
        %add3A_1115 = arith.addi %shift_right_logical3A_1061, %add3A_1114 : vector<16xi32>
        %get3A_1116 = arith.constant 96 : index
        %get3A_1117 = tpu.vector_load %arg17[%get3A_1116] {strides = array<i32>} : memref<320xf32, #tpu.memory_space<vmem>>, vector<16xf32>,
        %add3A_1118 = arith.constant 508 : i32
        %add3A_1119 = vector.broadcast %add3A_1118 : i32 to vector<16xi32>
        %add3A_1120 = arith.addi %and3A_1064, %add3A_1119 : vector<16xi32>
        tpu.vector_store_idx %arg14[%add3A_1115, %add3A_1120], %get3A_1117 : memref<80x512xf32, #tpu.memory_space<vmem>>[vector<16xi32>, vector<16xi32>], vector<16xf32>,
        %add3A_1121 = arith.constant 28 : i32
        %add3A_1122 = vector.broadcast %add3A_1121 : i32 to vector<16xi32>
        %add3A_1123 = arith.addi %shift_right_logical3A_1061, %add3A_1122 : vector<16xi32>
        %get3A_1124 = arith.constant 112 : index
        %get3A_1125 = tpu.vector_load %arg17[%get3A_1124] {strides = array<i32>} : memref<320xf32, #tpu.memory_space<vmem>>, vector<16xf32>,
        %add3A_1126 = arith.constant 508 : i32
        %add3A_1127 = vector.broadcast %add3A_1126 : i32 to vector<16xi32>
        %add3A_1128 = arith.addi %and3A_1064, %add3A_1127 : vector<16xi32>
        tpu.vector_store_idx %arg14[%add3A_1123, %add3A_1128], %get3A_1125 : memref<80x512xf32, #tpu.memory_space<vmem>>[vector<16xi32>, vector<16xi32>], vector<16xf32>,
        %add3A_1129 = arith.constant 32 : i32
        %add3A_1130 = vector.broadcast %add3A_1129 : i32 to vector<16xi32>
        %add3A_1131 = arith.addi %shift_right_logical3A_1061, %add3A_1130 : vector<16xi32>
        %get3A_1132 = arith.constant 128 : index
        %get3A_1133 = tpu.vector_load %arg17[%get3A_1132] {strides = array<i32>} : memref<320xf32, #tpu.memory_space<vmem>>, vector<16xf32>,
        %add3A_1134 = arith.constant 508 : i32
        %add3A_1135 = vector.broadcast %add3A_1134 : i32 to vector<16xi32>
        %add3A_1136 = arith.addi %and3A_1064, %add3A_1135 : vector<16xi32>
        tpu.vector_store_idx %arg14[%add3A_1131, %add3A_1136], %get3A_1133 : memref<80x512xf32, #tpu.memory_space<vmem>>[vector<16xi32>, vector<16xi32>], vector<16xf32>,
        %add3A_1137 = arith.constant 36 : i32
        %add3A_1138 = vector.broadcast %add3A_1137 : i32 to vector<16xi32>
        %add3A_1139 = arith.addi %shift_right_logical3A_1061, %add3A_1138 : vector<16xi32>
        %get3A_1140 = arith.constant 144 : index
        %get3A_1141 = tpu.vector_load %arg17[%get3A_1140] {strides = array<i32>} : memref<320xf32, #tpu.memory_space<vmem>>, vector<16xf32>,
        %add3A_1142 = arith.constant 508 : i32
        %add3A_1143 = vector.broadcast %add3A_1142 : i32 to vector<16xi32>
        %add3A_1144 = arith.addi %and3A_1064, %add3A_1143 : vector<16xi32>
        tpu.vector_store_idx %arg14[%add3A_1139, %add3A_1144], %get3A_1141 : memref<80x512xf32, #tpu.memory_space<vmem>>[vector<16xi32>, vector<16xi32>], vector<16xf32>,
        %add3A_1145 = arith.constant 40 : i32
        %add3A_1146 = vector.broadcast %add3A_1145 : i32 to vector<16xi32>
        %add3A_1147 = arith.addi %shift_right_logical3A_1061, %add3A_1146 : vector<16xi32>
        %get3A_1148 = arith.constant 160 : index
        %get3A_1149 = tpu.vector_load %arg17[%get3A_1148] {strides = array<i32>} : memref<320xf32, #tpu.memory_space<vmem>>, vector<16xf32>,
        %add3A_1150 = arith.constant 508 : i32
        %add3A_1151 = vector.broadcast %add3A_1150 : i32 to vector<16xi32>
        %add3A_1152 = arith.addi %and3A_1064, %add3A_1151 : vector<16xi32>
        tpu.vector_store_idx %arg14[%add3A_1147, %add3A_1152], %get3A_1149 : memref<80x512xf32, #tpu.memory_space<vmem>>[vector<16xi32>, vector<16xi32>], vector<16xf32>,
        %add3A_1153 = arith.constant 44 : i32
        %add3A_1154 = vector.broadcast %add3A_1153 : i32 to vector<16xi32>
        %add3A_1155 = arith.addi %shift_right_logical3A_1061, %add3A_1154 : vector<16xi32>
        %get3A_1156 = arith.constant 176 : index
        %get3A_1157 = tpu.vector_load %arg17[%get3A_1156] {strides = array<i32>} : memref<320xf32, #tpu.memory_space<vmem>>, vector<16xf32>,
        %add3A_1158 = arith.constant 508 : i32
        %add3A_1159 = vector.broadcast %add3A_1158 : i32 to vector<16xi32>
        %add3A_1160 = arith.addi %and3A_1064, %add3A_1159 : vector<16xi32>
        tpu.vector_store_idx %arg14[%add3A_1155, %add3A_1160], %get3A_1157 : memref<80x512xf32, #tpu.memory_space<vmem>>[vector<16xi32>, vector<16xi32>], vector<16xf32>,
        %add3A_1161 = arith.constant 48 : i32
        %add3A_1162 = vector.broadcast %add3A_1161 : i32 to vector<16xi32>
        %add3A_1163 = arith.addi %shift_right_logical3A_1061, %add3A_1162 : vector<16xi32>
        %get3A_1164 = arith.constant 192 : index
        %get3A_1165 = tpu.vector_load %arg17[%get3A_1164] {strides = array<i32>} : memref<320xf32, #tpu.memory_space<vmem>>, vector<16xf32>,
        %add3A_1166 = arith.constant 508 : i32
        %add3A_1167 = vector.broadcast %add3A_1166 : i32 to vector<16xi32>
        %add3A_1168 = arith.addi %and3A_1064, %add3A_1167 : vector<16xi32>
        tpu.vector_store_idx %arg14[%add3A_1163, %add3A_1168], %get3A_1165 : memref<80x512xf32, #tpu.memory_space<vmem>>[vector<16xi32>, vector<16xi32>], vector<16xf32>,
        %add3A_1169 = arith.constant 52 : i32
        %add3A_1170 = vector.broadcast %add3A_1169 : i32 to vector<16xi32>
        %add3A_1171 = arith.addi %shift_right_logical3A_1061, %add3A_1170 : vector<16xi32>
        %get3A_1172 = arith.constant 208 : index
        %get3A_1173 = tpu.vector_load %arg17[%get3A_1172] {strides = array<i32>} : memref<320xf32, #tpu.memory_space<vmem>>, vector<16xf32>,
        %add3A_1174 = arith.constant 508 : i32
        %add3A_1175 = vector.broadcast %add3A_1174 : i32 to vector<16xi32>
        %add3A_1176 = arith.addi %and3A_1064, %add3A_1175 : vector<16xi32>
        tpu.vector_store_idx %arg14[%add3A_1171, %add3A_1176], %get3A_1173 : memref<80x512xf32, #tpu.memory_space<vmem>>[vector<16xi32>, vector<16xi32>], vector<16xf32>,
        %add3A_1177 = arith.constant 56 : i32
        %add3A_1178 = vector.broadcast %add3A_1177 : i32 to vector<16xi32>
        %add3A_1179 = arith.addi %shift_right_logical3A_1061, %add3A_1178 : vector<16xi32>
        %get3A_1180 = arith.constant 224 : index
        %get3A_1181 = tpu.vector_load %arg17[%get3A_1180] {strides = array<i32>} : memref<320xf32, #tpu.memory_space<vmem>>, vector<16xf32>,
        %add3A_1182 = arith.constant 508 : i32
        %add3A_1183 = vector.broadcast %add3A_1182 : i32 to vector<16xi32>
        %add3A_1184 = arith.addi %and3A_1064, %add3A_1183 : vector<16xi32>
        tpu.vector_store_idx %arg14[%add3A_1179, %add3A_1184], %get3A_1181 : memref<80x512xf32, #tpu.memory_space<vmem>>[vector<16xi32>, vector<16xi32>], vector<16xf32>,
        %add3A_1185 = arith.constant 60 : i32
        %add3A_1186 = vector.broadcast %add3A_1185 : i32 to vector<16xi32>
        %add3A_1187 = arith.addi %shift_right_logical3A_1061, %add3A_1186 : vector<16xi32>
        %get3A_1188 = arith.constant 240 : index
        %get3A_1189 = tpu.vector_load %arg17[%get3A_1188] {strides = array<i32>} : memref<320xf32, #tpu.memory_space<vmem>>, vector<16xf32>,
        %add3A_1190 = arith.constant 508 : i32
        %add3A_1191 = vector.broadcast %add3A_1190 : i32 to vector<16xi32>
        %add3A_1192 = arith.addi %and3A_1064, %add3A_1191 : vector<16xi32>
        tpu.vector_store_idx %arg14[%add3A_1187, %add3A_1192], %get3A_1189 : memref<80x512xf32, #tpu.memory_space<vmem>>[vector<16xi32>, vector<16xi32>], vector<16xf32>,
        %add3A_1193 = arith.constant 64 : i32
        %add3A_1194 = vector.broadcast %add3A_1193 : i32 to vector<16xi32>
        %add3A_1195 = arith.addi %shift_right_logical3A_1061, %add3A_1194 : vector<16xi32>
        %get3A_1196 = arith.constant 256 : index
        %get3A_1197 = tpu.vector_load %arg17[%get3A_1196] {strides = array<i32>} : memref<320xf32, #tpu.memory_space<vmem>>, vector<16xf32>,
        %add3A_1198 = arith.constant 508 : i32
        %add3A_1199 = vector.broadcast %add3A_1198 : i32 to vector<16xi32>
        %add3A_1200 = arith.addi %and3A_1064, %add3A_1199 : vector<16xi32>
        tpu.vector_store_idx %arg14[%add3A_1195, %add3A_1200], %get3A_1197 : memref<80x512xf32, #tpu.memory_space<vmem>>[vector<16xi32>, vector<16xi32>], vector<16xf32>,
        %add3A_1201 = arith.constant 68 : i32
        %add3A_1202 = vector.broadcast %add3A_1201 : i32 to vector<16xi32>
        %add3A_1203 = arith.addi %shift_right_logical3A_1061, %add3A_1202 : vector<16xi32>
        %get3A_1204 = arith.constant 272 : index
        %get3A_1205 = tpu.vector_load %arg17[%get3A_1204] {strides = array<i32>} : memref<320xf32, #tpu.memory_space<vmem>>, vector<16xf32>,
        %add3A_1206 = arith.constant 508 : i32
        %add3A_1207 = vector.broadcast %add3A_1206 : i32 to vector<16xi32>
        %add3A_1208 = arith.addi %and3A_1064, %add3A_1207 : vector<16xi32>
        tpu.vector_store_idx %arg14[%add3A_1203, %add3A_1208], %get3A_1205 : memref<80x512xf32, #tpu.memory_space<vmem>>[vector<16xi32>, vector<16xi32>], vector<16xf32>,
        %add3A_1209 = arith.constant 72 : i32
        %add3A_1210 = vector.broadcast %add3A_1209 : i32 to vector<16xi32>
        %add3A_1211 = arith.addi %shift_right_logical3A_1061, %add3A_1210 : vector<16xi32>
        %get3A_1212 = arith.constant 288 : index
        %get3A_1213 = tpu.vector_load %arg17[%get3A_1212] {strides = array<i32>} : memref<320xf32, #tpu.memory_space<vmem>>, vector<16xf32>,
        %add3A_1214 = arith.constant 508 : i32
        %add3A_1215 = vector.broadcast %add3A_1214 : i32 to vector<16xi32>
        %add3A_1216 = arith.addi %and3A_1064, %add3A_1215 : vector<16xi32>
        tpu.vector_store_idx %arg14[%add3A_1211, %add3A_1216], %get3A_1213 : memref<80x512xf32, #tpu.memory_space<vmem>>[vector<16xi32>, vector<16xi32>], vector<16xf32>,
        %add3A_1217 = arith.constant 76 : i32
        %add3A_1218 = vector.broadcast %add3A_1217 : i32 to vector<16xi32>
        %add3A_1219 = arith.addi %shift_right_logical3A_1061, %add3A_1218 : vector<16xi32>
        %get3A_1220 = arith.constant 304 : index
        %get3A_1221 = tpu.vector_load %arg17[%get3A_1220] {strides = array<i32>} : memref<320xf32, #tpu.memory_space<vmem>>, vector<16xf32>,
        %add3A_1222 = arith.constant 508 : i32
        %add3A_1223 = vector.broadcast %add3A_1222 : i32 to vector<16xi32>
        %add3A_1224 = arith.addi %and3A_1064, %add3A_1223 : vector<16xi32>
        tpu.vector_store_idx %arg14[%add3A_1219, %add3A_1224], %get3A_1221 : memref<80x512xf32, #tpu.memory_space<vmem>>[vector<16xi32>, vector<16xi32>], vector<16xf32>,
        %mul3A_1225 = arith.constant 80 : i32
        %mul3A_1226 = arith.muli %mul3A_500, %mul3A_1225 : i32
        %add3A_1227 = arith.addi %mul3A_2, %mul3A_1226 : i32
        %dma_start3A_1228 = arith.constant 0 : i32
        %dma_start3A_1229 = tpu.memref_slice %arg7[%add3A_1227, %dma_start3A_1228] : memref<204800x512xf32, #tpu.memory_space<hbm>> -> memref<80x512xf32, #tpu.memory_space<hbm>>
        %dma_start3A_1230 = arith.constant 0 : i32
        %dma_start3A_1231 = tpu.memref_slice %arg7[%add3A_1227, %dma_start3A_1230] : memref<204800x512xf32, #tpu.memory_space<hbm>> -> memref<80x512xf32, #tpu.memory_space<hbm>>
        tpu.enqueue_dma source(%arg14 : memref<80x512xf32, #tpu.memory_space<vmem>>) target(%dma_start3A_1231 : memref<80x512xf32, #tpu.memory_space<hbm>>) target_semaphore(%arg26 : memref<!tpu.dma_semaphore, #tpu.memory_space<semaphore_mem>>)
        %dma_wait3A_1232 = arith.constant 0 : i32
        %dma_wait3A_1233 = tpu.memref_slice %arg2[%dma_wait3A_1232] : memref<204800xi32, #tpu.memory_space<hbm>> -> memref<80xi32, #tpu.memory_space<hbm>>
        %dma_wait3A_1234 = arith.constant 0 : i32
        %dma_wait3A_1235 = tpu.memref_slice %arg2[%dma_wait3A_1234] : memref<204800xi32, #tpu.memory_space<hbm>> -> memref<80xi32, #tpu.memory_space<hbm>>
        tpu.wait_dma2 semaphore(%arg25 : memref<!tpu.dma_semaphore, #tpu.memory_space<semaphore_mem>>) src(%dma_wait3A_1235 : memref<80xi32, #tpu.memory_space<hbm>>) dst(%arg12 : memref<80xi32, #tpu.memory_space<vmem>>)
        %dma_wait3A_1236 = arith.constant 0 : i32
        %dma_wait3A_1237 = tpu.memref_slice %arg3[%dma_wait3A_1236] : memref<204800xi32, #tpu.memory_space<hbm>> -> memref<80xi32, #tpu.memory_space<hbm>>
        %dma_wait3A_1238 = arith.constant 0 : i32
        %dma_wait3A_1239 = tpu.memref_slice %arg3[%dma_wait3A_1238] : memref<204800xi32, #tpu.memory_space<hbm>> -> memref<80xi32, #tpu.memory_space<hbm>>
        tpu.wait_dma2 semaphore(%arg25 : memref<!tpu.dma_semaphore, #tpu.memory_space<semaphore_mem>>) src(%dma_wait3A_1239 : memref<80xi32, #tpu.memory_space<hbm>>) dst(%arg13 : memref<80xi32, #tpu.memory_space<vmem>>)
        %add3A_1240 = arith.constant 2 : i32
        %add3A_1241 = arith.addi %mul3A_500, %add3A_1240 : i32
        %mul3A_1242 = arith.constant 80 : i32
        %mul3A_1243 = arith.muli %add3A_1241, %mul3A_1242 : i32
        %add3A_1244 = arith.addi %mul3A_2, %mul3A_1243 : i32
        %dma_start3A_1245 = arith.constant 0 : i32
        %dma_start3A_1246 = arith.constant 0 : i32
        %dma_start3A_1247 = tpu.memref_slice %arg16[%dma_start3A_1245, %dma_start3A_1246] : memref<80x512xf32, #tpu.memory_space<vmem>> -> memref<80x256xf32, #tpu.memory_space<vmem>>
        %dma_start3A_1248 = arith.constant 0 : i32
        %dma_start3A_1249 = arith.constant 0 : i32
        %dma_start3A_1250 = tpu.memref_slice %arg5[%dma_start3A_1248, %dma_start3A_1249] : memref<100000x256xf32, #tpu.memory_space<hbm>> -> memref<100000x256xf32, #tpu.memory_space<hbm>>
        tpu.enqueue_indirect_dma source(%dma_start3A_1250 : memref<100000x256xf32, #tpu.memory_space<hbm>>) target(%dma_start3A_1247 : memref<80x256xf32, #tpu.memory_space<vmem>>) offsets(%arg12 : memref<80xi32, #tpu.memory_space<vmem>>) semaphore(%arg22 : memref<!tpu.dma_semaphore, #tpu.memory_space<semaphore_mem>>)
        %dma_start3A_1251 = arith.constant 0 : i32
        %dma_start3A_1252 = arith.constant 256 : i32
        %dma_start3A_1253 = tpu.memref_slice %arg16[%dma_start3A_1251, %dma_start3A_1252] : memref<80x512xf32, #tpu.memory_space<vmem>> -> memref<80x256xf32, #tpu.memory_space<vmem>>
        %dma_start3A_1254 = arith.constant 0 : i32
        %dma_start3A_1255 = arith.constant 0 : i32
        %dma_start3A_1256 = tpu.memref_slice %arg6[%dma_start3A_1254, %dma_start3A_1255] : memref<100000x256xf32, #tpu.memory_space<hbm>> -> memref<100000x256xf32, #tpu.memory_space<hbm>>
        tpu.enqueue_indirect_dma source(%dma_start3A_1256 : memref<100000x256xf32, #tpu.memory_space<hbm>>) target(%dma_start3A_1253 : memref<80x256xf32, #tpu.memory_space<vmem>>) offsets(%arg13 : memref<80xi32, #tpu.memory_space<vmem>>) semaphore(%arg22 : memref<!tpu.dma_semaphore, #tpu.memory_space<semaphore_mem>>)
        %mul3A_1257 = arith.constant 4 : i32
        %mul3A_1258 = arith.muli %add3A_1244, %mul3A_1257 : i32
        %dma_start3A_1259 = tpu.memref_slice %arg4[%mul3A_1258] : memref<819200xf32, #tpu.memory_space<hbm>> -> memref<320xf32, #tpu.memory_space<hbm>>
        %dma_start3A_1260 = tpu.memref_slice %arg4[%mul3A_1258] : memref<819200xf32, #tpu.memory_space<hbm>> -> memref<320xf32, #tpu.memory_space<hbm>>
        tpu.enqueue_dma source(%dma_start3A_1260 : memref<320xf32, #tpu.memory_space<hbm>>) target(%arg19 : memref<320xf32, #tpu.memory_space<vmem>>) target_semaphore(%arg22 : memref<!tpu.dma_semaphore, #tpu.memory_space<semaphore_mem>>)
      } else {
      }
      %gt3A = arith.constant 0 : i32
      %gt3A_503 = arith.cmpi sgt, %scan3A_498, %gt3A : i32
      %convert_element_type3A_504 = arith.extui %gt3A_503 : i1 to i32
      %cond3A_505 = arith.constant 0 : i32
      %cond3A_506 = arith.cmpi ne, %convert_element_type3A_504, %cond3A_505 : i32
      scf.if %cond3A_506 {
        %add3A_1015 = arith.constant 2 : i32
        %add3A_1016 = arith.addi %mul3A_500, %add3A_1015 : i32
        %mul3A_1017 = arith.constant 80 : i32
        %mul3A_1018 = arith.muli %add3A_1016, %mul3A_1017 : i32
        %add3A_1019 = arith.addi %mul3A_2, %mul3A_1018 : i32
        %dma_start3A_1020 = tpu.memref_slice %arg2[%add3A_1019] : memref<204800xi32, #tpu.memory_space<hbm>> -> memref<80xi32, #tpu.memory_space<hbm>>
        %dma_start3A_1021 = tpu.memref_slice %arg2[%add3A_1019] : memref<204800xi32, #tpu.memory_space<hbm>> -> memref<80xi32, #tpu.memory_space<hbm>>
        tpu.enqueue_dma source(%dma_start3A_1021 : memref<80xi32, #tpu.memory_space<hbm>>) target(%arg12 : memref<80xi32, #tpu.memory_space<vmem>>) target_semaphore(%arg25 : memref<!tpu.dma_semaphore, #tpu.memory_space<semaphore_mem>>)
        %dma_start3A_1022 = tpu.memref_slice %arg3[%add3A_1019] : memref<204800xi32, #tpu.memory_space<hbm>> -> memref<80xi32, #tpu.memory_space<hbm>>
        %dma_start3A_1023 = tpu.memref_slice %arg3[%add3A_1019] : memref<204800xi32, #tpu.memory_space<hbm>> -> memref<80xi32, #tpu.memory_space<hbm>>
        tpu.enqueue_dma source(%dma_start3A_1023 : memref<80xi32, #tpu.memory_space<hbm>>) target(%arg13 : memref<80xi32, #tpu.memory_space<vmem>>) target_semaphore(%arg25 : memref<!tpu.dma_semaphore, #tpu.memory_space<semaphore_mem>>)
        %dma_wait3A_1024 = arith.constant 0 : i32
        %dma_wait3A_1025 = arith.constant 0 : i32
        %dma_wait3A_1026 = tpu.memref_slice %arg14[%dma_wait3A_1024, %dma_wait3A_1025] : memref<80x512xf32, #tpu.memory_space<vmem>> -> memref<80x256xf32, #tpu.memory_space<vmem>>
        %dma_wait3A_1027 = arith.constant 0 : i32
        %dma_wait3A_1028 = arith.constant 0 : i32
        %dma_wait3A_1029 = tpu.memref_slice %arg7[%dma_wait3A_1027, %dma_wait3A_1028] : memref<204800x512xf32, #tpu.memory_space<hbm>> -> memref<80x256xf32, #tpu.memory_space<hbm>>
        %dma_wait3A_1030 = arith.constant 0 : i32
        %dma_wait3A_1031 = arith.constant 0 : i32
        %dma_wait3A_1032 = tpu.memref_slice %arg14[%dma_wait3A_1030, %dma_wait3A_1031] : memref<80x512xf32, #tpu.memory_space<vmem>> -> memref<80x256xf32, #tpu.memory_space<vmem>>
        %dma_wait3A_1033 = arith.constant 0 : i32
        %dma_wait3A_1034 = arith.constant 0 : i32
        %dma_wait3A_1035 = tpu.memref_slice %arg7[%dma_wait3A_1033, %dma_wait3A_1034] : memref<204800x512xf32, #tpu.memory_space<hbm>> -> memref<80x256xf32, #tpu.memory_space<hbm>>
        tpu.wait_dma2 semaphore(%arg20 : memref<!tpu.dma_semaphore, #tpu.memory_space<semaphore_mem>>) src(%dma_wait3A_1035 : memref<80x256xf32, #tpu.memory_space<hbm>>) dst(%dma_wait3A_1032 : memref<80x256xf32, #tpu.memory_space<vmem>>)
        %dma_wait3A_1036 = arith.constant 0 : i32
        %dma_wait3A_1037 = arith.constant 256 : i32
        %dma_wait3A_1038 = tpu.memref_slice %arg14[%dma_wait3A_1036, %dma_wait3A_1037] : memref<80x512xf32, #tpu.memory_space<vmem>> -> memref<80x256xf32, #tpu.memory_space<vmem>>
        %dma_wait3A_1039 = arith.constant 0 : i32
        %dma_wait3A_1040 = arith.constant 0 : i32
        %dma_wait3A_1041 = tpu.memref_slice %arg7[%dma_wait3A_1039, %dma_wait3A_1040] : memref<204800x512xf32, #tpu.memory_space<hbm>> -> memref<80x256xf32, #tpu.memory_space<hbm>>
        %dma_wait3A_1042 = arith.constant 0 : i32
        %dma_wait3A_1043 = arith.constant 256 : i32
        %dma_wait3A_1044 = tpu.memref_slice %arg14[%dma_wait3A_1042, %dma_wait3A_1043] : memref<80x512xf32, #tpu.memory_space<vmem>> -> memref<80x256xf32, #tpu.memory_space<vmem>>
        %dma_wait3A_1045 = arith.constant 0 : i32
        %dma_wait3A_1046 = arith.constant 0 : i32
        %dma_wait3A_1047 = tpu.memref_slice %arg7[%dma_wait3A_1045, %dma_wait3A_1046] : memref<204800x512xf32, #tpu.memory_space<hbm>> -> memref<80x256xf32, #tpu.memory_space<hbm>>
        tpu.wait_dma2 semaphore(%arg20 : memref<!tpu.dma_semaphore, #tpu.memory_space<semaphore_mem>>) src(%dma_wait3A_1047 : memref<80x256xf32, #tpu.memory_space<hbm>>) dst(%dma_wait3A_1044 : memref<80x256xf32, #tpu.memory_space<vmem>>)
        %dma_wait3A_1048 = arith.constant 0 : i32
        %dma_wait3A_1049 = tpu.memref_slice %arg4[%dma_wait3A_1048] : memref<819200xf32, #tpu.memory_space<hbm>> -> memref<320xf32, #tpu.memory_space<hbm>>
        %dma_wait3A_1050 = arith.constant 0 : i32
        %dma_wait3A_1051 = tpu.memref_slice %arg4[%dma_wait3A_1050] : memref<819200xf32, #tpu.memory_space<hbm>> -> memref<320xf32, #tpu.memory_space<hbm>>
        tpu.wait_dma2 semaphore(%arg20 : memref<!tpu.dma_semaphore, #tpu.memory_space<semaphore_mem>>) src(%dma_wait3A_1051 : memref<320xf32, #tpu.memory_space<hbm>>) dst(%arg17 : memref<320xf32, #tpu.memory_space<vmem>>)
        %iota3A_1052 = tpu.iota {dimensions = array<i32: 0>} : vector<16xi32>
        %scan3A_1053 = arith.constant 0 : i32
        %scan3A_1054 = arith.constant 0 : i32
        %scan3A_1055 = arith.constant 80 : i32
        %scan3A_1056 = arith.addi %scan3A_1054, %scan3A_1055 : i32
        %scan3A_1057 = arith.constant 1 : i32
        scf.for %scan3A_1267 = %scan3A_1054 to %scan3A_1056 step %scan3A_1057  : i32 {
          %broadcast_in_dim3A = vector.broadcast %scan3A_1267 : i32 to vector<16xi32>
          %get3A_1268 = arith.index_cast %scan3A_1267 : i32 to index
          %get3A_1269 = arith.constant 256 : index
          %get3A_1270 = tpu.vector_load %arg14[%get3A_1268, %get3A_1269] {strides = array<i32>} : memref<80x512xf32, #tpu.memory_space<vmem>>, vector<16xf32>,
          %add3A_1271 = arith.constant 252 : i32
          %add3A_1272 = vector.broadcast %add3A_1271 : i32 to vector<16xi32>
          %add3A_1273 = arith.addi %iota3A_1052, %add3A_1272 : vector<16xi32>
          tpu.vector_store_idx %arg14[%broadcast_in_dim3A, %add3A_1273], %get3A_1270 : memref<80x512xf32, #tpu.memory_space<vmem>>[vector<16xi32>, vector<16xi32>], vector<16xf32>,
          %get3A_1274 = arith.index_cast %scan3A_1267 : i32 to index
          %get3A_1275 = arith.constant 272 : index
          %get3A_1276 = tpu.vector_load %arg14[%get3A_1274, %get3A_1275] {strides = array<i32>} : memref<80x512xf32, #tpu.memory_space<vmem>>, vector<16xf32>,
          %add3A_1277 = arith.constant 268 : i32
          %add3A_1278 = vector.broadcast %add3A_1277 : i32 to vector<16xi32>
          %add3A_1279 = arith.addi %iota3A_1052, %add3A_1278 : vector<16xi32>
          tpu.vector_store_idx %arg14[%broadcast_in_dim3A, %add3A_1279], %get3A_1276 : memref<80x512xf32, #tpu.memory_space<vmem>>[vector<16xi32>, vector<16xi32>], vector<16xf32>,
          %get3A_1280 = arith.index_cast %scan3A_1267 : i32 to index
          %get3A_1281 = arith.constant 288 : index
          %get3A_1282 = tpu.vector_load %arg14[%get3A_1280, %get3A_1281] {strides = array<i32>} : memref<80x512xf32, #tpu.memory_space<vmem>>, vector<16xf32>,
          %add3A_1283 = arith.constant 284 : i32
          %add3A_1284 = vector.broadcast %add3A_1283 : i32 to vector<16xi32>
          %add3A_1285 = arith.addi %iota3A_1052, %add3A_1284 : vector<16xi32>
          tpu.vector_store_idx %arg14[%broadcast_in_dim3A, %add3A_1285], %get3A_1282 : memref<80x512xf32, #tpu.memory_space<vmem>>[vector<16xi32>, vector<16xi32>], vector<16xf32>,
          %get3A_1286 = arith.index_cast %scan3A_1267 : i32 to index
          %get3A_1287 = arith.constant 304 : index
          %get3A_1288 = tpu.vector_load %arg14[%get3A_1286, %get3A_1287] {strides = array<i32>} : memref<80x512xf32, #tpu.memory_space<vmem>>, vector<16xf32>,
          %add3A_1289 = arith.constant 300 : i32
          %add3A_1290 = vector.broadcast %add3A_1289 : i32 to vector<16xi32>
          %add3A_1291 = arith.addi %iota3A_1052, %add3A_1290 : vector<16xi32>
          tpu.vector_store_idx %arg14[%broadcast_in_dim3A, %add3A_1291], %get3A_1288 : memref<80x512xf32, #tpu.memory_space<vmem>>[vector<16xi32>, vector<16xi32>], vector<16xf32>,
          %get3A_1292 = arith.index_cast %scan3A_1267 : i32 to index
          %get3A_1293 = arith.constant 320 : index
          %get3A_1294 = tpu.vector_load %arg14[%get3A_1292, %get3A_1293] {strides = array<i32>} : memref<80x512xf32, #tpu.memory_space<vmem>>, vector<16xf32>,
          %add3A_1295 = arith.constant 316 : i32
          %add3A_1296 = vector.broadcast %add3A_1295 : i32 to vector<16xi32>
          %add3A_1297 = arith.addi %iota3A_1052, %add3A_1296 : vector<16xi32>
          tpu.vector_store_idx %arg14[%broadcast_in_dim3A, %add3A_1297], %get3A_1294 : memref<80x512xf32, #tpu.memory_space<vmem>>[vector<16xi32>, vector<16xi32>], vector<16xf32>,
          %get3A_1298 = arith.index_cast %scan3A_1267 : i32 to index
          %get3A_1299 = arith.constant 336 : index
          %get3A_1300 = tpu.vector_load %arg14[%get3A_1298, %get3A_1299] {strides = array<i32>} : memref<80x512xf32, #tpu.memory_space<vmem>>, vector<16xf32>,
          %add3A_1301 = arith.constant 332 : i32
          %add3A_1302 = vector.broadcast %add3A_1301 : i32 to vector<16xi32>
          %add3A_1303 = arith.addi %iota3A_1052, %add3A_1302 : vector<16xi32>
          tpu.vector_store_idx %arg14[%broadcast_in_dim3A, %add3A_1303], %get3A_1300 : memref<80x512xf32, #tpu.memory_space<vmem>>[vector<16xi32>, vector<16xi32>], vector<16xf32>,
          %get3A_1304 = arith.index_cast %scan3A_1267 : i32 to index
          %get3A_1305 = arith.constant 352 : index
          %get3A_1306 = tpu.vector_load %arg14[%get3A_1304, %get3A_1305] {strides = array<i32>} : memref<80x512xf32, #tpu.memory_space<vmem>>, vector<16xf32>,
          %add3A_1307 = arith.constant 348 : i32
          %add3A_1308 = vector.broadcast %add3A_1307 : i32 to vector<16xi32>
          %add3A_1309 = arith.addi %iota3A_1052, %add3A_1308 : vector<16xi32>
          tpu.vector_store_idx %arg14[%broadcast_in_dim3A, %add3A_1309], %get3A_1306 : memref<80x512xf32, #tpu.memory_space<vmem>>[vector<16xi32>, vector<16xi32>], vector<16xf32>,
          %get3A_1310 = arith.index_cast %scan3A_1267 : i32 to index
          %get3A_1311 = arith.constant 368 : index
          %get3A_1312 = tpu.vector_load %arg14[%get3A_1310, %get3A_1311] {strides = array<i32>} : memref<80x512xf32, #tpu.memory_space<vmem>>, vector<16xf32>,
          %add3A_1313 = arith.constant 364 : i32
          %add3A_1314 = vector.broadcast %add3A_1313 : i32 to vector<16xi32>
          %add3A_1315 = arith.addi %iota3A_1052, %add3A_1314 : vector<16xi32>
          tpu.vector_store_idx %arg14[%broadcast_in_dim3A, %add3A_1315], %get3A_1312 : memref<80x512xf32, #tpu.memory_space<vmem>>[vector<16xi32>, vector<16xi32>], vector<16xf32>,
          %get3A_1316 = arith.index_cast %scan3A_1267 : i32 to index
          %get3A_1317 = arith.constant 384 : index
          %get3A_1318 = tpu.vector_load %arg14[%get3A_1316, %get3A_1317] {strides = array<i32>} : memref<80x512xf32, #tpu.memory_space<vmem>>, vector<16xf32>,
          %add3A_1319 = arith.constant 380 : i32
          %add3A_1320 = vector.broadcast %add3A_1319 : i32 to vector<16xi32>
          %add3A_1321 = arith.addi %iota3A_1052, %add3A_1320 : vector<16xi32>
          tpu.vector_store_idx %arg14[%broadcast_in_dim3A, %add3A_1321], %get3A_1318 : memref<80x512xf32, #tpu.memory_space<vmem>>[vector<16xi32>, vector<16xi32>], vector<16xf32>,
          %get3A_1322 = arith.index_cast %scan3A_1267 : i32 to index
          %get3A_1323 = arith.constant 400 : index
          %get3A_1324 = tpu.vector_load %arg14[%get3A_1322, %get3A_1323] {strides = array<i32>} : memref<80x512xf32, #tpu.memory_space<vmem>>, vector<16xf32>,
          %add3A_1325 = arith.constant 396 : i32
          %add3A_1326 = vector.broadcast %add3A_1325 : i32 to vector<16xi32>
          %add3A_1327 = arith.addi %iota3A_1052, %add3A_1326 : vector<16xi32>
          tpu.vector_store_idx %arg14[%broadcast_in_dim3A, %add3A_1327], %get3A_1324 : memref<80x512xf32, #tpu.memory_space<vmem>>[vector<16xi32>, vector<16xi32>], vector<16xf32>,
          %get3A_1328 = arith.index_cast %scan3A_1267 : i32 to index
          %get3A_1329 = arith.constant 416 : index
          %get3A_1330 = tpu.vector_load %arg14[%get3A_1328, %get3A_1329] {strides = array<i32>} : memref<80x512xf32, #tpu.memory_space<vmem>>, vector<16xf32>,
          %add3A_1331 = arith.constant 412 : i32
          %add3A_1332 = vector.broadcast %add3A_1331 : i32 to vector<16xi32>
          %add3A_1333 = arith.addi %iota3A_1052, %add3A_1332 : vector<16xi32>
          tpu.vector_store_idx %arg14[%broadcast_in_dim3A, %add3A_1333], %get3A_1330 : memref<80x512xf32, #tpu.memory_space<vmem>>[vector<16xi32>, vector<16xi32>], vector<16xf32>,
          %get3A_1334 = arith.index_cast %scan3A_1267 : i32 to index
          %get3A_1335 = arith.constant 432 : index
          %get3A_1336 = tpu.vector_load %arg14[%get3A_1334, %get3A_1335] {strides = array<i32>} : memref<80x512xf32, #tpu.memory_space<vmem>>, vector<16xf32>,
          %add3A_1337 = arith.constant 428 : i32
          %add3A_1338 = vector.broadcast %add3A_1337 : i32 to vector<16xi32>
          %add3A_1339 = arith.addi %iota3A_1052, %add3A_1338 : vector<16xi32>
          tpu.vector_store_idx %arg14[%broadcast_in_dim3A, %add3A_1339], %get3A_1336 : memref<80x512xf32, #tpu.memory_space<vmem>>[vector<16xi32>, vector<16xi32>], vector<16xf32>,
          %get3A_1340 = arith.index_cast %scan3A_1267 : i32 to index
          %get3A_1341 = arith.constant 448 : index
          %get3A_1342 = tpu.vector_load %arg14[%get3A_1340, %get3A_1341] {strides = array<i32>} : memref<80x512xf32, #tpu.memory_space<vmem>>, vector<16xf32>,
          %add3A_1343 = arith.constant 444 : i32
          %add3A_1344 = vector.broadcast %add3A_1343 : i32 to vector<16xi32>
          %add3A_1345 = arith.addi %iota3A_1052, %add3A_1344 : vector<16xi32>
          tpu.vector_store_idx %arg14[%broadcast_in_dim3A, %add3A_1345], %get3A_1342 : memref<80x512xf32, #tpu.memory_space<vmem>>[vector<16xi32>, vector<16xi32>], vector<16xf32>,
          %get3A_1346 = arith.index_cast %scan3A_1267 : i32 to index
          %get3A_1347 = arith.constant 464 : index
          %get3A_1348 = tpu.vector_load %arg14[%get3A_1346, %get3A_1347] {strides = array<i32>} : memref<80x512xf32, #tpu.memory_space<vmem>>, vector<16xf32>,
          %add3A_1349 = arith.constant 460 : i32
          %add3A_1350 = vector.broadcast %add3A_1349 : i32 to vector<16xi32>
          %add3A_1351 = arith.addi %iota3A_1052, %add3A_1350 : vector<16xi32>
          tpu.vector_store_idx %arg14[%broadcast_in_dim3A, %add3A_1351], %get3A_1348 : memref<80x512xf32, #tpu.memory_space<vmem>>[vector<16xi32>, vector<16xi32>], vector<16xf32>,
          %get3A_1352 = arith.index_cast %scan3A_1267 : i32 to index
          %get3A_1353 = arith.constant 480 : index
          %get3A_1354 = tpu.vector_load %arg14[%get3A_1352, %get3A_1353] {strides = array<i32>} : memref<80x512xf32, #tpu.memory_space<vmem>>, vector<16xf32>,
          %add3A_1355 = arith.constant 476 : i32
          %add3A_1356 = vector.broadcast %add3A_1355 : i32 to vector<16xi32>
          %add3A_1357 = arith.addi %iota3A_1052, %add3A_1356 : vector<16xi32>
          tpu.vector_store_idx %arg14[%broadcast_in_dim3A, %add3A_1357], %get3A_1354 : memref<80x512xf32, #tpu.memory_space<vmem>>[vector<16xi32>, vector<16xi32>], vector<16xf32>,
          %get3A_1358 = arith.index_cast %scan3A_1267 : i32 to index
          %get3A_1359 = arith.constant 496 : index
          %get3A_1360 = tpu.vector_load %arg14[%get3A_1358, %get3A_1359] {strides = array<i32>} : memref<80x512xf32, #tpu.memory_space<vmem>>, vector<16xf32>,
          %add3A_1361 = arith.constant 492 : i32
          %add3A_1362 = vector.broadcast %add3A_1361 : i32 to vector<16xi32>
          %add3A_1363 = arith.addi %iota3A_1052, %add3A_1362 : vector<16xi32>
          tpu.vector_store_idx %arg14[%broadcast_in_dim3A, %add3A_1363], %get3A_1360 : memref<80x512xf32, #tpu.memory_space<vmem>>[vector<16xi32>, vector<16xi32>], vector<16xf32>,
        }
        %scan3A_1058 = arith.constant 80 : i32
        %shift_right_logical3A_1059 = arith.constant 2 : i32
        %shift_right_logical3A_1060 = vector.broadcast %shift_right_logical3A_1059 : i32 to vector<16xi32>
        %shift_right_logical3A_1061 = arith.shrui %iota3A_1052, %shift_right_logical3A_1060 : vector<16xi32>
        %and3A_1062 = arith.constant 3 : i32
        %and3A_1063 = vector.broadcast %and3A_1062 : i32 to vector<16xi32>
        %and3A_1064 = arith.andi %iota3A_1052, %and3A_1063 : vector<16xi32>
        %add3A_1065 = arith.constant 0 : i32
        %add3A_1066 = vector.broadcast %add3A_1065 : i32 to vector<16xi32>
        %add3A_1067 = arith.addi %shift_right_logical3A_1061, %add3A_1066 : vector<16xi32>
        %get3A_1068 = arith.constant 0 : index
        %get3A_1069 = tpu.vector_load %arg17[%get3A_1068] {strides = array<i32>} : memref<320xf32, #tpu.memory_space<vmem>>, vector<16xf32>,
        %add3A_1070 = arith.constant 508 : i32
        %add3A_1071 = vector.broadcast %add3A_1070 : i32 to vector<16xi32>
        %add3A_1072 = arith.addi %and3A_1064, %add3A_1071 : vector<16xi32>
        tpu.vector_store_idx %arg14[%add3A_1067, %add3A_1072], %get3A_1069 : memref<80x512xf32, #tpu.memory_space<vmem>>[vector<16xi32>, vector<16xi32>], vector<16xf32>,
        %add3A_1073 = arith.constant 4 : i32
        %add3A_1074 = vector.broadcast %add3A_1073 : i32 to vector<16xi32>
        %add3A_1075 = arith.addi %shift_right_logical3A_1061, %add3A_1074 : vector<16xi32>
        %get3A_1076 = arith.constant 16 : index
        %get3A_1077 = tpu.vector_load %arg17[%get3A_1076] {strides = array<i32>} : memref<320xf32, #tpu.memory_space<vmem>>, vector<16xf32>,
        %add3A_1078 = arith.constant 508 : i32
        %add3A_1079 = vector.broadcast %add3A_1078 : i32 to vector<16xi32>
        %add3A_1080 = arith.addi %and3A_1064, %add3A_1079 : vector<16xi32>
        tpu.vector_store_idx %arg14[%add3A_1075, %add3A_1080], %get3A_1077 : memref<80x512xf32, #tpu.memory_space<vmem>>[vector<16xi32>, vector<16xi32>], vector<16xf32>,
        %add3A_1081 = arith.constant 8 : i32
        %add3A_1082 = vector.broadcast %add3A_1081 : i32 to vector<16xi32>
        %add3A_1083 = arith.addi %shift_right_logical3A_1061, %add3A_1082 : vector<16xi32>
        %get3A_1084 = arith.constant 32 : index
        %get3A_1085 = tpu.vector_load %arg17[%get3A_1084] {strides = array<i32>} : memref<320xf32, #tpu.memory_space<vmem>>, vector<16xf32>,
        %add3A_1086 = arith.constant 508 : i32
        %add3A_1087 = vector.broadcast %add3A_1086 : i32 to vector<16xi32>
        %add3A_1088 = arith.addi %and3A_1064, %add3A_1087 : vector<16xi32>
        tpu.vector_store_idx %arg14[%add3A_1083, %add3A_1088], %get3A_1085 : memref<80x512xf32, #tpu.memory_space<vmem>>[vector<16xi32>, vector<16xi32>], vector<16xf32>,
        %add3A_1089 = arith.constant 12 : i32
        %add3A_1090 = vector.broadcast %add3A_1089 : i32 to vector<16xi32>
        %add3A_1091 = arith.addi %shift_right_logical3A_1061, %add3A_1090 : vector<16xi32>
        %get3A_1092 = arith.constant 48 : index
        %get3A_1093 = tpu.vector_load %arg17[%get3A_1092] {strides = array<i32>} : memref<320xf32, #tpu.memory_space<vmem>>, vector<16xf32>,
        %add3A_1094 = arith.constant 508 : i32
        %add3A_1095 = vector.broadcast %add3A_1094 : i32 to vector<16xi32>
        %add3A_1096 = arith.addi %and3A_1064, %add3A_1095 : vector<16xi32>
        tpu.vector_store_idx %arg14[%add3A_1091, %add3A_1096], %get3A_1093 : memref<80x512xf32, #tpu.memory_space<vmem>>[vector<16xi32>, vector<16xi32>], vector<16xf32>,
        %add3A_1097 = arith.constant 16 : i32
        %add3A_1098 = vector.broadcast %add3A_1097 : i32 to vector<16xi32>
        %add3A_1099 = arith.addi %shift_right_logical3A_1061, %add3A_1098 : vector<16xi32>
        %get3A_1100 = arith.constant 64 : index
        %get3A_1101 = tpu.vector_load %arg17[%get3A_1100] {strides = array<i32>} : memref<320xf32, #tpu.memory_space<vmem>>, vector<16xf32>,
        %add3A_1102 = arith.constant 508 : i32
        %add3A_1103 = vector.broadcast %add3A_1102 : i32 to vector<16xi32>
        %add3A_1104 = arith.addi %and3A_1064, %add3A_1103 : vector<16xi32>
        tpu.vector_store_idx %arg14[%add3A_1099, %add3A_1104], %get3A_1101 : memref<80x512xf32, #tpu.memory_space<vmem>>[vector<16xi32>, vector<16xi32>], vector<16xf32>,
        %add3A_1105 = arith.constant 20 : i32
        %add3A_1106 = vector.broadcast %add3A_1105 : i32 to vector<16xi32>
        %add3A_1107 = arith.addi %shift_right_logical3A_1061, %add3A_1106 : vector<16xi32>
        %get3A_1108 = arith.constant 80 : index
        %get3A_1109 = tpu.vector_load %arg17[%get3A_1108] {strides = array<i32>} : memref<320xf32, #tpu.memory_space<vmem>>, vector<16xf32>,
        %add3A_1110 = arith.constant 508 : i32
        %add3A_1111 = vector.broadcast %add3A_1110 : i32 to vector<16xi32>
        %add3A_1112 = arith.addi %and3A_1064, %add3A_1111 : vector<16xi32>
        tpu.vector_store_idx %arg14[%add3A_1107, %add3A_1112], %get3A_1109 : memref<80x512xf32, #tpu.memory_space<vmem>>[vector<16xi32>, vector<16xi32>], vector<16xf32>,
        %add3A_1113 = arith.constant 24 : i32
        %add3A_1114 = vector.broadcast %add3A_1113 : i32 to vector<16xi32>
        %add3A_1115 = arith.addi %shift_right_logical3A_1061, %add3A_1114 : vector<16xi32>
        %get3A_1116 = arith.constant 96 : index
        %get3A_1117 = tpu.vector_load %arg17[%get3A_1116] {strides = array<i32>} : memref<320xf32, #tpu.memory_space<vmem>>, vector<16xf32>,
        %add3A_1118 = arith.constant 508 : i32
        %add3A_1119 = vector.broadcast %add3A_1118 : i32 to vector<16xi32>
        %add3A_1120 = arith.addi %and3A_1064, %add3A_1119 : vector<16xi32>
        tpu.vector_store_idx %arg14[%add3A_1115, %add3A_1120], %get3A_1117 : memref<80x512xf32, #tpu.memory_space<vmem>>[vector<16xi32>, vector<16xi32>], vector<16xf32>,
        %add3A_1121 = arith.constant 28 : i32
        %add3A_1122 = vector.broadcast %add3A_1121 : i32 to vector<16xi32>
        %add3A_1123 = arith.addi %shift_right_logical3A_1061, %add3A_1122 : vector<16xi32>
        %get3A_1124 = arith.constant 112 : index
        %get3A_1125 = tpu.vector_load %arg17[%get3A_1124] {strides = array<i32>} : memref<320xf32, #tpu.memory_space<vmem>>, vector<16xf32>,
        %add3A_1126 = arith.constant 508 : i32
        %add3A_1127 = vector.broadcast %add3A_1126 : i32 to vector<16xi32>
        %add3A_1128 = arith.addi %and3A_1064, %add3A_1127 : vector<16xi32>
        tpu.vector_store_idx %arg14[%add3A_1123, %add3A_1128], %get3A_1125 : memref<80x512xf32, #tpu.memory_space<vmem>>[vector<16xi32>, vector<16xi32>], vector<16xf32>,
        %add3A_1129 = arith.constant 32 : i32
        %add3A_1130 = vector.broadcast %add3A_1129 : i32 to vector<16xi32>
        %add3A_1131 = arith.addi %shift_right_logical3A_1061, %add3A_1130 : vector<16xi32>
        %get3A_1132 = arith.constant 128 : index
        %get3A_1133 = tpu.vector_load %arg17[%get3A_1132] {strides = array<i32>} : memref<320xf32, #tpu.memory_space<vmem>>, vector<16xf32>,
        %add3A_1134 = arith.constant 508 : i32
        %add3A_1135 = vector.broadcast %add3A_1134 : i32 to vector<16xi32>
        %add3A_1136 = arith.addi %and3A_1064, %add3A_1135 : vector<16xi32>
        tpu.vector_store_idx %arg14[%add3A_1131, %add3A_1136], %get3A_1133 : memref<80x512xf32, #tpu.memory_space<vmem>>[vector<16xi32>, vector<16xi32>], vector<16xf32>,
        %add3A_1137 = arith.constant 36 : i32
        %add3A_1138 = vector.broadcast %add3A_1137 : i32 to vector<16xi32>
        %add3A_1139 = arith.addi %shift_right_logical3A_1061, %add3A_1138 : vector<16xi32>
        %get3A_1140 = arith.constant 144 : index
        %get3A_1141 = tpu.vector_load %arg17[%get3A_1140] {strides = array<i32>} : memref<320xf32, #tpu.memory_space<vmem>>, vector<16xf32>,
        %add3A_1142 = arith.constant 508 : i32
        %add3A_1143 = vector.broadcast %add3A_1142 : i32 to vector<16xi32>
        %add3A_1144 = arith.addi %and3A_1064, %add3A_1143 : vector<16xi32>
        tpu.vector_store_idx %arg14[%add3A_1139, %add3A_1144], %get3A_1141 : memref<80x512xf32, #tpu.memory_space<vmem>>[vector<16xi32>, vector<16xi32>], vector<16xf32>,
        %add3A_1145 = arith.constant 40 : i32
        %add3A_1146 = vector.broadcast %add3A_1145 : i32 to vector<16xi32>
        %add3A_1147 = arith.addi %shift_right_logical3A_1061, %add3A_1146 : vector<16xi32>
        %get3A_1148 = arith.constant 160 : index
        %get3A_1149 = tpu.vector_load %arg17[%get3A_1148] {strides = array<i32>} : memref<320xf32, #tpu.memory_space<vmem>>, vector<16xf32>,
        %add3A_1150 = arith.constant 508 : i32
        %add3A_1151 = vector.broadcast %add3A_1150 : i32 to vector<16xi32>
        %add3A_1152 = arith.addi %and3A_1064, %add3A_1151 : vector<16xi32>
        tpu.vector_store_idx %arg14[%add3A_1147, %add3A_1152], %get3A_1149 : memref<80x512xf32, #tpu.memory_space<vmem>>[vector<16xi32>, vector<16xi32>], vector<16xf32>,
        %add3A_1153 = arith.constant 44 : i32
        %add3A_1154 = vector.broadcast %add3A_1153 : i32 to vector<16xi32>
        %add3A_1155 = arith.addi %shift_right_logical3A_1061, %add3A_1154 : vector<16xi32>
        %get3A_1156 = arith.constant 176 : index
        %get3A_1157 = tpu.vector_load %arg17[%get3A_1156] {strides = array<i32>} : memref<320xf32, #tpu.memory_space<vmem>>, vector<16xf32>,
        %add3A_1158 = arith.constant 508 : i32
        %add3A_1159 = vector.broadcast %add3A_1158 : i32 to vector<16xi32>
        %add3A_1160 = arith.addi %and3A_1064, %add3A_1159 : vector<16xi32>
        tpu.vector_store_idx %arg14[%add3A_1155, %add3A_1160], %get3A_1157 : memref<80x512xf32, #tpu.memory_space<vmem>>[vector<16xi32>, vector<16xi32>], vector<16xf32>,
        %add3A_1161 = arith.constant 48 : i32
        %add3A_1162 = vector.broadcast %add3A_1161 : i32 to vector<16xi32>
        %add3A_1163 = arith.addi %shift_right_logical3A_1061, %add3A_1162 : vector<16xi32>
        %get3A_1164 = arith.constant 192 : index
        %get3A_1165 = tpu.vector_load %arg17[%get3A_1164] {strides = array<i32>} : memref<320xf32, #tpu.memory_space<vmem>>, vector<16xf32>,
        %add3A_1166 = arith.constant 508 : i32
        %add3A_1167 = vector.broadcast %add3A_1166 : i32 to vector<16xi32>
        %add3A_1168 = arith.addi %and3A_1064, %add3A_1167 : vector<16xi32>
        tpu.vector_store_idx %arg14[%add3A_1163, %add3A_1168], %get3A_1165 : memref<80x512xf32, #tpu.memory_space<vmem>>[vector<16xi32>, vector<16xi32>], vector<16xf32>,
        %add3A_1169 = arith.constant 52 : i32
        %add3A_1170 = vector.broadcast %add3A_1169 : i32 to vector<16xi32>
        %add3A_1171 = arith.addi %shift_right_logical3A_1061, %add3A_1170 : vector<16xi32>
        %get3A_1172 = arith.constant 208 : index
        %get3A_1173 = tpu.vector_load %arg17[%get3A_1172] {strides = array<i32>} : memref<320xf32, #tpu.memory_space<vmem>>, vector<16xf32>,
        %add3A_1174 = arith.constant 508 : i32
        %add3A_1175 = vector.broadcast %add3A_1174 : i32 to vector<16xi32>
        %add3A_1176 = arith.addi %and3A_1064, %add3A_1175 : vector<16xi32>
        tpu.vector_store_idx %arg14[%add3A_1171, %add3A_1176], %get3A_1173 : memref<80x512xf32, #tpu.memory_space<vmem>>[vector<16xi32>, vector<16xi32>], vector<16xf32>,
        %add3A_1177 = arith.constant 56 : i32
        %add3A_1178 = vector.broadcast %add3A_1177 : i32 to vector<16xi32>
        %add3A_1179 = arith.addi %shift_right_logical3A_1061, %add3A_1178 : vector<16xi32>
        %get3A_1180 = arith.constant 224 : index
        %get3A_1181 = tpu.vector_load %arg17[%get3A_1180] {strides = array<i32>} : memref<320xf32, #tpu.memory_space<vmem>>, vector<16xf32>,
        %add3A_1182 = arith.constant 508 : i32
        %add3A_1183 = vector.broadcast %add3A_1182 : i32 to vector<16xi32>
        %add3A_1184 = arith.addi %and3A_1064, %add3A_1183 : vector<16xi32>
        tpu.vector_store_idx %arg14[%add3A_1179, %add3A_1184], %get3A_1181 : memref<80x512xf32, #tpu.memory_space<vmem>>[vector<16xi32>, vector<16xi32>], vector<16xf32>,
        %add3A_1185 = arith.constant 60 : i32
        %add3A_1186 = vector.broadcast %add3A_1185 : i32 to vector<16xi32>
        %add3A_1187 = arith.addi %shift_right_logical3A_1061, %add3A_1186 : vector<16xi32>
        %get3A_1188 = arith.constant 240 : index
        %get3A_1189 = tpu.vector_load %arg17[%get3A_1188] {strides = array<i32>} : memref<320xf32, #tpu.memory_space<vmem>>, vector<16xf32>,
        %add3A_1190 = arith.constant 508 : i32
        %add3A_1191 = vector.broadcast %add3A_1190 : i32 to vector<16xi32>
        %add3A_1192 = arith.addi %and3A_1064, %add3A_1191 : vector<16xi32>
        tpu.vector_store_idx %arg14[%add3A_1187, %add3A_1192], %get3A_1189 : memref<80x512xf32, #tpu.memory_space<vmem>>[vector<16xi32>, vector<16xi32>], vector<16xf32>,
        %add3A_1193 = arith.constant 64 : i32
        %add3A_1194 = vector.broadcast %add3A_1193 : i32 to vector<16xi32>
        %add3A_1195 = arith.addi %shift_right_logical3A_1061, %add3A_1194 : vector<16xi32>
        %get3A_1196 = arith.constant 256 : index
        %get3A_1197 = tpu.vector_load %arg17[%get3A_1196] {strides = array<i32>} : memref<320xf32, #tpu.memory_space<vmem>>, vector<16xf32>,
        %add3A_1198 = arith.constant 508 : i32
        %add3A_1199 = vector.broadcast %add3A_1198 : i32 to vector<16xi32>
        %add3A_1200 = arith.addi %and3A_1064, %add3A_1199 : vector<16xi32>
        tpu.vector_store_idx %arg14[%add3A_1195, %add3A_1200], %get3A_1197 : memref<80x512xf32, #tpu.memory_space<vmem>>[vector<16xi32>, vector<16xi32>], vector<16xf32>,
        %add3A_1201 = arith.constant 68 : i32
        %add3A_1202 = vector.broadcast %add3A_1201 : i32 to vector<16xi32>
        %add3A_1203 = arith.addi %shift_right_logical3A_1061, %add3A_1202 : vector<16xi32>
        %get3A_1204 = arith.constant 272 : index
        %get3A_1205 = tpu.vector_load %arg17[%get3A_1204] {strides = array<i32>} : memref<320xf32, #tpu.memory_space<vmem>>, vector<16xf32>,
        %add3A_1206 = arith.constant 508 : i32
        %add3A_1207 = vector.broadcast %add3A_1206 : i32 to vector<16xi32>
        %add3A_1208 = arith.addi %and3A_1064, %add3A_1207 : vector<16xi32>
        tpu.vector_store_idx %arg14[%add3A_1203, %add3A_1208], %get3A_1205 : memref<80x512xf32, #tpu.memory_space<vmem>>[vector<16xi32>, vector<16xi32>], vector<16xf32>,
        %add3A_1209 = arith.constant 72 : i32
        %add3A_1210 = vector.broadcast %add3A_1209 : i32 to vector<16xi32>
        %add3A_1211 = arith.addi %shift_right_logical3A_1061, %add3A_1210 : vector<16xi32>
        %get3A_1212 = arith.constant 288 : index
        %get3A_1213 = tpu.vector_load %arg17[%get3A_1212] {strides = array<i32>} : memref<320xf32, #tpu.memory_space<vmem>>, vector<16xf32>,
        %add3A_1214 = arith.constant 508 : i32
        %add3A_1215 = vector.broadcast %add3A_1214 : i32 to vector<16xi32>
        %add3A_1216 = arith.addi %and3A_1064, %add3A_1215 : vector<16xi32>
        tpu.vector_store_idx %arg14[%add3A_1211, %add3A_1216], %get3A_1213 : memref<80x512xf32, #tpu.memory_space<vmem>>[vector<16xi32>, vector<16xi32>], vector<16xf32>,
        %add3A_1217 = arith.constant 76 : i32
        %add3A_1218 = vector.broadcast %add3A_1217 : i32 to vector<16xi32>
        %add3A_1219 = arith.addi %shift_right_logical3A_1061, %add3A_1218 : vector<16xi32>
        %get3A_1220 = arith.constant 304 : index
        %get3A_1221 = tpu.vector_load %arg17[%get3A_1220] {strides = array<i32>} : memref<320xf32, #tpu.memory_space<vmem>>, vector<16xf32>,
        %add3A_1222 = arith.constant 508 : i32
        %add3A_1223 = vector.broadcast %add3A_1222 : i32 to vector<16xi32>
        %add3A_1224 = arith.addi %and3A_1064, %add3A_1223 : vector<16xi32>
        tpu.vector_store_idx %arg14[%add3A_1219, %add3A_1224], %get3A_1221 : memref<80x512xf32, #tpu.memory_space<vmem>>[vector<16xi32>, vector<16xi32>], vector<16xf32>,
        %mul3A_1225 = arith.constant 80 : i32
        %mul3A_1226 = arith.muli %mul3A_500, %mul3A_1225 : i32
        %add3A_1227 = arith.addi %mul3A_2, %mul3A_1226 : i32
        %dma_start3A_1228 = arith.constant 0 : i32
        %dma_start3A_1229 = tpu.memref_slice %arg7[%add3A_1227, %dma_start3A_1228] : memref<204800x512xf32, #tpu.memory_space<hbm>> -> memref<80x512xf32, #tpu.memory_space<hbm>>
        %dma_start3A_1230 = arith.constant 0 : i32
        %dma_start3A_1231 = tpu.memref_slice %arg7[%add3A_1227, %dma_start3A_1230] : memref<204800x512xf32, #tpu.memory_space<hbm>> -> memref<80x512xf32, #tpu.memory_space<hbm>>
        tpu.enqueue_dma source(%arg14 : memref<80x512xf32, #tpu.memory_space<vmem>>) target(%dma_start3A_1231 : memref<80x512xf32, #tpu.memory_space<hbm>>) target_semaphore(%arg26 : memref<!tpu.dma_semaphore, #tpu.memory_space<semaphore_mem>>)
        %dma_wait3A_1232 = arith.constant 0 : i32
        %dma_wait3A_1233 = arith.constant 0 : i32
        %dma_wait3A_1234 = tpu.memref_slice %arg7[%dma_wait3A_1232, %dma_wait3A_1233] : memref<204800x512xf32, #tpu.memory_space<hbm>> -> memref<80x512xf32, #tpu.memory_space<hbm>>
        %dma_wait3A_1235 = arith.constant 0 : i32
        %dma_wait3A_1236 = arith.constant 0 : i32
        %dma_wait3A_1237 = tpu.memref_slice %arg7[%dma_wait3A_1235, %dma_wait3A_1236] : memref<204800x512xf32, #tpu.memory_space<hbm>> -> memref<80x512xf32, #tpu.memory_space<hbm>>
        tpu.wait_dma2 semaphore(%arg28 : memref<!tpu.dma_semaphore, #tpu.memory_space<semaphore_mem>>) src(%arg16 : memref<80x512xf32, #tpu.memory_space<vmem>>) dst(%dma_wait3A_1237 : memref<80x512xf32, #tpu.memory_space<hbm>>)
        %dma_wait3A_1238 = arith.constant 0 : i32
        %dma_wait3A_1239 = tpu.memref_slice %arg2[%dma_wait3A_1238] : memref<204800xi32, #tpu.memory_space<hbm>> -> memref<80xi32, #tpu.memory_space<hbm>>
        %dma_wait3A_1240 = arith.constant 0 : i32
        %dma_wait3A_1241 = tpu.memref_slice %arg2[%dma_wait3A_1240] : memref<204800xi32, #tpu.memory_space<hbm>> -> memref<80xi32, #tpu.memory_space<hbm>>
        tpu.wait_dma2 semaphore(%arg25 : memref<!tpu.dma_semaphore, #tpu.memory_space<semaphore_mem>>) src(%dma_wait3A_1241 : memref<80xi32, #tpu.memory_space<hbm>>) dst(%arg12 : memref<80xi32, #tpu.memory_space<vmem>>)
        %dma_wait3A_1242 = arith.constant 0 : i32
        %dma_wait3A_1243 = tpu.memref_slice %arg3[%dma_wait3A_1242] : memref<204800xi32, #tpu.memory_space<hbm>> -> memref<80xi32, #tpu.memory_space<hbm>>
        %dma_wait3A_1244 = arith.constant 0 : i32
        %dma_wait3A_1245 = tpu.memref_slice %arg3[%dma_wait3A_1244] : memref<204800xi32, #tpu.memory_space<hbm>> -> memref<80xi32, #tpu.memory_space<hbm>>
        tpu.wait_dma2 semaphore(%arg25 : memref<!tpu.dma_semaphore, #tpu.memory_space<semaphore_mem>>) src(%dma_wait3A_1245 : memref<80xi32, #tpu.memory_space<hbm>>) dst(%arg13 : memref<80xi32, #tpu.memory_space<vmem>>)
        %add3A_1246 = arith.constant 2 : i32
        %add3A_1247 = arith.addi %mul3A_500, %add3A_1246 : i32
        %mul3A_1248 = arith.constant 80 : i32
        %mul3A_1249 = arith.muli %add3A_1247, %mul3A_1248 : i32
        %add3A_1250 = arith.addi %mul3A_2, %mul3A_1249 : i32
        %dma_start3A_1251 = arith.constant 0 : i32
        %dma_start3A_1252 = arith.constant 0 : i32
        %dma_start3A_1253 = tpu.memref_slice %arg16[%dma_start3A_1251, %dma_start3A_1252] : memref<80x512xf32, #tpu.memory_space<vmem>> -> memref<80x256xf32, #tpu.memory_space<vmem>>
        %dma_start3A_1254 = arith.constant 0 : i32
        %dma_start3A_1255 = arith.constant 0 : i32
        %dma_start3A_1256 = tpu.memref_slice %arg5[%dma_start3A_1254, %dma_start3A_1255] : memref<100000x256xf32, #tpu.memory_space<hbm>> -> memref<100000x256xf32, #tpu.memory_space<hbm>>
        tpu.enqueue_indirect_dma source(%dma_start3A_1256 : memref<100000x256xf32, #tpu.memory_space<hbm>>) target(%dma_start3A_1253 : memref<80x256xf32, #tpu.memory_space<vmem>>) offsets(%arg12 : memref<80xi32, #tpu.memory_space<vmem>>) semaphore(%arg22 : memref<!tpu.dma_semaphore, #tpu.memory_space<semaphore_mem>>)
        %dma_start3A_1257 = arith.constant 0 : i32
        %dma_start3A_1258 = arith.constant 256 : i32
        %dma_start3A_1259 = tpu.memref_slice %arg16[%dma_start3A_1257, %dma_start3A_1258] : memref<80x512xf32, #tpu.memory_space<vmem>> -> memref<80x256xf32, #tpu.memory_space<vmem>>
        %dma_start3A_1260 = arith.constant 0 : i32
        %dma_start3A_1261 = arith.constant 0 : i32
        %dma_start3A_1262 = tpu.memref_slice %arg6[%dma_start3A_1260, %dma_start3A_1261] : memref<100000x256xf32, #tpu.memory_space<hbm>> -> memref<100000x256xf32, #tpu.memory_space<hbm>>
        tpu.enqueue_indirect_dma source(%dma_start3A_1262 : memref<100000x256xf32, #tpu.memory_space<hbm>>) target(%dma_start3A_1259 : memref<80x256xf32, #tpu.memory_space<vmem>>) offsets(%arg13 : memref<80xi32, #tpu.memory_space<vmem>>) semaphore(%arg22 : memref<!tpu.dma_semaphore, #tpu.memory_space<semaphore_mem>>)
        %mul3A_1263 = arith.constant 4 : i32
        %mul3A_1264 = arith.muli %add3A_1250, %mul3A_1263 : i32
        %dma_start3A_1265 = tpu.memref_slice %arg4[%mul3A_1264] : memref<819200xf32, #tpu.memory_space<hbm>> -> memref<320xf32, #tpu.memory_space<hbm>>
        %dma_start3A_1266 = tpu.memref_slice %arg4[%mul3A_1264] : memref<819200xf32, #tpu.memory_space<hbm>> -> memref<320xf32, #tpu.memory_space<hbm>>
        tpu.enqueue_dma source(%dma_start3A_1266 : memref<320xf32, #tpu.memory_space<hbm>>) target(%arg19 : memref<320xf32, #tpu.memory_space<vmem>>) target_semaphore(%arg22 : memref<!tpu.dma_semaphore, #tpu.memory_space<semaphore_mem>>)
      } else {
      }
      %add3A_507 = arith.constant 1 : i32
      %add3A_508 = arith.addi %mul3A_500, %add3A_507 : i32
      %add3A_509 = arith.constant 2 : i32
      %add3A_510 = arith.addi %add3A_508, %add3A_509 : i32
      %mul3A_511 = arith.constant 80 : i32
      %mul3A_512 = arith.muli %add3A_510, %mul3A_511 : i32
      %add3A_513 = arith.addi %mul3A_2, %mul3A_512 : i32
      %dma_start3A_514 = tpu.memref_slice %arg2[%add3A_513] : memref<204800xi32, #tpu.memory_space<hbm>> -> memref<80xi32, #tpu.memory_space<hbm>>
      %dma_start3A_515 = tpu.memref_slice %arg2[%add3A_513] : memref<204800xi32, #tpu.memory_space<hbm>> -> memref<80xi32, #tpu.memory_space<hbm>>
      tpu.enqueue_dma source(%dma_start3A_515 : memref<80xi32, #tpu.memory_space<hbm>>) target(%arg8 : memref<80xi32, #tpu.memory_space<vmem>>) target_semaphore(%arg23 : memref<!tpu.dma_semaphore, #tpu.memory_space<semaphore_mem>>)
      %dma_start3A_516 = tpu.memref_slice %arg3[%add3A_513] : memref<204800xi32, #tpu.memory_space<hbm>> -> memref<80xi32, #tpu.memory_space<hbm>>
      %dma_start3A_517 = tpu.memref_slice %arg3[%add3A_513] : memref<204800xi32, #tpu.memory_space<hbm>> -> memref<80xi32, #tpu.memory_space<hbm>>
      tpu.enqueue_dma source(%dma_start3A_517 : memref<80xi32, #tpu.memory_space<hbm>>) target(%arg9 : memref<80xi32, #tpu.memory_space<vmem>>) target_semaphore(%arg23 : memref<!tpu.dma_semaphore, #tpu.memory_space<semaphore_mem>>)
      %dma_wait3A_518 = arith.constant 0 : i32
      %dma_wait3A_519 = arith.constant 0 : i32
      %dma_wait3A_520 = tpu.memref_slice %arg15[%dma_wait3A_518, %dma_wait3A_519] : memref<80x512xf32, #tpu.memory_space<vmem>> -> memref<80x256xf32, #tpu.memory_space<vmem>>
      %dma_wait3A_521 = arith.constant 0 : i32
      %dma_wait3A_522 = arith.constant 0 : i32
      %dma_wait3A_523 = tpu.memref_slice %arg7[%dma_wait3A_521, %dma_wait3A_522] : memref<204800x512xf32, #tpu.memory_space<hbm>> -> memref<80x256xf32, #tpu.memory_space<hbm>>
      %dma_wait3A_524 = arith.constant 0 : i32
      %dma_wait3A_525 = arith.constant 0 : i32
      %dma_wait3A_526 = tpu.memref_slice %arg15[%dma_wait3A_524, %dma_wait3A_525] : memref<80x512xf32, #tpu.memory_space<vmem>> -> memref<80x256xf32, #tpu.memory_space<vmem>>
      %dma_wait3A_527 = arith.constant 0 : i32
      %dma_wait3A_528 = arith.constant 0 : i32
      %dma_wait3A_529 = tpu.memref_slice %arg7[%dma_wait3A_527, %dma_wait3A_528] : memref<204800x512xf32, #tpu.memory_space<hbm>> -> memref<80x256xf32, #tpu.memory_space<hbm>>
      tpu.wait_dma2 semaphore(%arg21 : memref<!tpu.dma_semaphore, #tpu.memory_space<semaphore_mem>>) src(%dma_wait3A_529 : memref<80x256xf32, #tpu.memory_space<hbm>>) dst(%dma_wait3A_526 : memref<80x256xf32, #tpu.memory_space<vmem>>)
      %dma_wait3A_530 = arith.constant 0 : i32
      %dma_wait3A_531 = arith.constant 256 : i32
      %dma_wait3A_532 = tpu.memref_slice %arg15[%dma_wait3A_530, %dma_wait3A_531] : memref<80x512xf32, #tpu.memory_space<vmem>> -> memref<80x256xf32, #tpu.memory_space<vmem>>
      %dma_wait3A_533 = arith.constant 0 : i32
      %dma_wait3A_534 = arith.constant 0 : i32
      %dma_wait3A_535 = tpu.memref_slice %arg7[%dma_wait3A_533, %dma_wait3A_534] : memref<204800x512xf32, #tpu.memory_space<hbm>> -> memref<80x256xf32, #tpu.memory_space<hbm>>
      %dma_wait3A_536 = arith.constant 0 : i32
      %dma_wait3A_537 = arith.constant 256 : i32
      %dma_wait3A_538 = tpu.memref_slice %arg15[%dma_wait3A_536, %dma_wait3A_537] : memref<80x512xf32, #tpu.memory_space<vmem>> -> memref<80x256xf32, #tpu.memory_space<vmem>>
      %dma_wait3A_539 = arith.constant 0 : i32
      %dma_wait3A_540 = arith.constant 0 : i32
      %dma_wait3A_541 = tpu.memref_slice %arg7[%dma_wait3A_539, %dma_wait3A_540] : memref<204800x512xf32, #tpu.memory_space<hbm>> -> memref<80x256xf32, #tpu.memory_space<hbm>>
      tpu.wait_dma2 semaphore(%arg21 : memref<!tpu.dma_semaphore, #tpu.memory_space<semaphore_mem>>) src(%dma_wait3A_541 : memref<80x256xf32, #tpu.memory_space<hbm>>) dst(%dma_wait3A_538 : memref<80x256xf32, #tpu.memory_space<vmem>>)
      %dma_wait3A_542 = arith.constant 0 : i32
      %dma_wait3A_543 = tpu.memref_slice %arg4[%dma_wait3A_542] : memref<819200xf32, #tpu.memory_space<hbm>> -> memref<320xf32, #tpu.memory_space<hbm>>
      %dma_wait3A_544 = arith.constant 0 : i32
      %dma_wait3A_545 = tpu.memref_slice %arg4[%dma_wait3A_544] : memref<819200xf32, #tpu.memory_space<hbm>> -> memref<320xf32, #tpu.memory_space<hbm>>
      tpu.wait_dma2 semaphore(%arg21 : memref<!tpu.dma_semaphore, #tpu.memory_space<semaphore_mem>>) src(%dma_wait3A_545 : memref<320xf32, #tpu.memory_space<hbm>>) dst(%arg18 : memref<320xf32, #tpu.memory_space<vmem>>)
      %iota3A_546 = tpu.iota {dimensions = array<i32: 0>} : vector<16xi32>
      %scan3A_547 = arith.constant 0 : i32
      %scan3A_548 = arith.constant 0 : i32
      %scan3A_549 = arith.constant 80 : i32
      %scan3A_550 = arith.addi %scan3A_548, %scan3A_549 : i32
      %scan3A_551 = arith.constant 1 : i32
      scf.for %scan3A_1015 = %scan3A_548 to %scan3A_550 step %scan3A_551  : i32 {
        %broadcast_in_dim3A = vector.broadcast %scan3A_1015 : i32 to vector<16xi32>
        %get3A_1016 = arith.index_cast %scan3A_1015 : i32 to index
        %get3A_1017 = arith.constant 256 : index
        %get3A_1018 = tpu.vector_load %arg15[%get3A_1016, %get3A_1017] {strides = array<i32>} : memref<80x512xf32, #tpu.memory_space<vmem>>, vector<16xf32>,
        %add3A_1019 = arith.constant 252 : i32
        %add3A_1020 = vector.broadcast %add3A_1019 : i32 to vector<16xi32>
        %add3A_1021 = arith.addi %iota3A_546, %add3A_1020 : vector<16xi32>
        tpu.vector_store_idx %arg15[%broadcast_in_dim3A, %add3A_1021], %get3A_1018 : memref<80x512xf32, #tpu.memory_space<vmem>>[vector<16xi32>, vector<16xi32>], vector<16xf32>,
        %get3A_1022 = arith.index_cast %scan3A_1015 : i32 to index
        %get3A_1023 = arith.constant 272 : index
        %get3A_1024 = tpu.vector_load %arg15[%get3A_1022, %get3A_1023] {strides = array<i32>} : memref<80x512xf32, #tpu.memory_space<vmem>>, vector<16xf32>,
        %add3A_1025 = arith.constant 268 : i32
        %add3A_1026 = vector.broadcast %add3A_1025 : i32 to vector<16xi32>
        %add3A_1027 = arith.addi %iota3A_546, %add3A_1026 : vector<16xi32>
        tpu.vector_store_idx %arg15[%broadcast_in_dim3A, %add3A_1027], %get3A_1024 : memref<80x512xf32, #tpu.memory_space<vmem>>[vector<16xi32>, vector<16xi32>], vector<16xf32>,
        %get3A_1028 = arith.index_cast %scan3A_1015 : i32 to index
        %get3A_1029 = arith.constant 288 : index
        %get3A_1030 = tpu.vector_load %arg15[%get3A_1028, %get3A_1029] {strides = array<i32>} : memref<80x512xf32, #tpu.memory_space<vmem>>, vector<16xf32>,
        %add3A_1031 = arith.constant 284 : i32
        %add3A_1032 = vector.broadcast %add3A_1031 : i32 to vector<16xi32>
        %add3A_1033 = arith.addi %iota3A_546, %add3A_1032 : vector<16xi32>
        tpu.vector_store_idx %arg15[%broadcast_in_dim3A, %add3A_1033], %get3A_1030 : memref<80x512xf32, #tpu.memory_space<vmem>>[vector<16xi32>, vector<16xi32>], vector<16xf32>,
        %get3A_1034 = arith.index_cast %scan3A_1015 : i32 to index
        %get3A_1035 = arith.constant 304 : index
        %get3A_1036 = tpu.vector_load %arg15[%get3A_1034, %get3A_1035] {strides = array<i32>} : memref<80x512xf32, #tpu.memory_space<vmem>>, vector<16xf32>,
        %add3A_1037 = arith.constant 300 : i32
        %add3A_1038 = vector.broadcast %add3A_1037 : i32 to vector<16xi32>
        %add3A_1039 = arith.addi %iota3A_546, %add3A_1038 : vector<16xi32>
        tpu.vector_store_idx %arg15[%broadcast_in_dim3A, %add3A_1039], %get3A_1036 : memref<80x512xf32, #tpu.memory_space<vmem>>[vector<16xi32>, vector<16xi32>], vector<16xf32>,
        %get3A_1040 = arith.index_cast %scan3A_1015 : i32 to index
        %get3A_1041 = arith.constant 320 : index
        %get3A_1042 = tpu.vector_load %arg15[%get3A_1040, %get3A_1041] {strides = array<i32>} : memref<80x512xf32, #tpu.memory_space<vmem>>, vector<16xf32>,
        %add3A_1043 = arith.constant 316 : i32
        %add3A_1044 = vector.broadcast %add3A_1043 : i32 to vector<16xi32>
        %add3A_1045 = arith.addi %iota3A_546, %add3A_1044 : vector<16xi32>
        tpu.vector_store_idx %arg15[%broadcast_in_dim3A, %add3A_1045], %get3A_1042 : memref<80x512xf32, #tpu.memory_space<vmem>>[vector<16xi32>, vector<16xi32>], vector<16xf32>,
        %get3A_1046 = arith.index_cast %scan3A_1015 : i32 to index
        %get3A_1047 = arith.constant 336 : index
        %get3A_1048 = tpu.vector_load %arg15[%get3A_1046, %get3A_1047] {strides = array<i32>} : memref<80x512xf32, #tpu.memory_space<vmem>>, vector<16xf32>,
        %add3A_1049 = arith.constant 332 : i32
        %add3A_1050 = vector.broadcast %add3A_1049 : i32 to vector<16xi32>
        %add3A_1051 = arith.addi %iota3A_546, %add3A_1050 : vector<16xi32>
        tpu.vector_store_idx %arg15[%broadcast_in_dim3A, %add3A_1051], %get3A_1048 : memref<80x512xf32, #tpu.memory_space<vmem>>[vector<16xi32>, vector<16xi32>], vector<16xf32>,
        %get3A_1052 = arith.index_cast %scan3A_1015 : i32 to index
        %get3A_1053 = arith.constant 352 : index
        %get3A_1054 = tpu.vector_load %arg15[%get3A_1052, %get3A_1053] {strides = array<i32>} : memref<80x512xf32, #tpu.memory_space<vmem>>, vector<16xf32>,
        %add3A_1055 = arith.constant 348 : i32
        %add3A_1056 = vector.broadcast %add3A_1055 : i32 to vector<16xi32>
        %add3A_1057 = arith.addi %iota3A_546, %add3A_1056 : vector<16xi32>
        tpu.vector_store_idx %arg15[%broadcast_in_dim3A, %add3A_1057], %get3A_1054 : memref<80x512xf32, #tpu.memory_space<vmem>>[vector<16xi32>, vector<16xi32>], vector<16xf32>,
        %get3A_1058 = arith.index_cast %scan3A_1015 : i32 to index
        %get3A_1059 = arith.constant 368 : index
        %get3A_1060 = tpu.vector_load %arg15[%get3A_1058, %get3A_1059] {strides = array<i32>} : memref<80x512xf32, #tpu.memory_space<vmem>>, vector<16xf32>,
        %add3A_1061 = arith.constant 364 : i32
        %add3A_1062 = vector.broadcast %add3A_1061 : i32 to vector<16xi32>
        %add3A_1063 = arith.addi %iota3A_546, %add3A_1062 : vector<16xi32>
        tpu.vector_store_idx %arg15[%broadcast_in_dim3A, %add3A_1063], %get3A_1060 : memref<80x512xf32, #tpu.memory_space<vmem>>[vector<16xi32>, vector<16xi32>], vector<16xf32>,
        %get3A_1064 = arith.index_cast %scan3A_1015 : i32 to index
        %get3A_1065 = arith.constant 384 : index
        %get3A_1066 = tpu.vector_load %arg15[%get3A_1064, %get3A_1065] {strides = array<i32>} : memref<80x512xf32, #tpu.memory_space<vmem>>, vector<16xf32>,
        %add3A_1067 = arith.constant 380 : i32
        %add3A_1068 = vector.broadcast %add3A_1067 : i32 to vector<16xi32>
        %add3A_1069 = arith.addi %iota3A_546, %add3A_1068 : vector<16xi32>
        tpu.vector_store_idx %arg15[%broadcast_in_dim3A, %add3A_1069], %get3A_1066 : memref<80x512xf32, #tpu.memory_space<vmem>>[vector<16xi32>, vector<16xi32>], vector<16xf32>,
        %get3A_1070 = arith.index_cast %scan3A_1015 : i32 to index
        %get3A_1071 = arith.constant 400 : index
        %get3A_1072 = tpu.vector_load %arg15[%get3A_1070, %get3A_1071] {strides = array<i32>} : memref<80x512xf32, #tpu.memory_space<vmem>>, vector<16xf32>,
        %add3A_1073 = arith.constant 396 : i32
        %add3A_1074 = vector.broadcast %add3A_1073 : i32 to vector<16xi32>
        %add3A_1075 = arith.addi %iota3A_546, %add3A_1074 : vector<16xi32>
        tpu.vector_store_idx %arg15[%broadcast_in_dim3A, %add3A_1075], %get3A_1072 : memref<80x512xf32, #tpu.memory_space<vmem>>[vector<16xi32>, vector<16xi32>], vector<16xf32>,
        %get3A_1076 = arith.index_cast %scan3A_1015 : i32 to index
        %get3A_1077 = arith.constant 416 : index
        %get3A_1078 = tpu.vector_load %arg15[%get3A_1076, %get3A_1077] {strides = array<i32>} : memref<80x512xf32, #tpu.memory_space<vmem>>, vector<16xf32>,
        %add3A_1079 = arith.constant 412 : i32
        %add3A_1080 = vector.broadcast %add3A_1079 : i32 to vector<16xi32>
        %add3A_1081 = arith.addi %iota3A_546, %add3A_1080 : vector<16xi32>
        tpu.vector_store_idx %arg15[%broadcast_in_dim3A, %add3A_1081], %get3A_1078 : memref<80x512xf32, #tpu.memory_space<vmem>>[vector<16xi32>, vector<16xi32>], vector<16xf32>,
        %get3A_1082 = arith.index_cast %scan3A_1015 : i32 to index
        %get3A_1083 = arith.constant 432 : index
        %get3A_1084 = tpu.vector_load %arg15[%get3A_1082, %get3A_1083] {strides = array<i32>} : memref<80x512xf32, #tpu.memory_space<vmem>>, vector<16xf32>,
        %add3A_1085 = arith.constant 428 : i32
        %add3A_1086 = vector.broadcast %add3A_1085 : i32 to vector<16xi32>
        %add3A_1087 = arith.addi %iota3A_546, %add3A_1086 : vector<16xi32>
        tpu.vector_store_idx %arg15[%broadcast_in_dim3A, %add3A_1087], %get3A_1084 : memref<80x512xf32, #tpu.memory_space<vmem>>[vector<16xi32>, vector<16xi32>], vector<16xf32>,
        %get3A_1088 = arith.index_cast %scan3A_1015 : i32 to index
        %get3A_1089 = arith.constant 448 : index
        %get3A_1090 = tpu.vector_load %arg15[%get3A_1088, %get3A_1089] {strides = array<i32>} : memref<80x512xf32, #tpu.memory_space<vmem>>, vector<16xf32>,
        %add3A_1091 = arith.constant 444 : i32
        %add3A_1092 = vector.broadcast %add3A_1091 : i32 to vector<16xi32>
        %add3A_1093 = arith.addi %iota3A_546, %add3A_1092 : vector<16xi32>
        tpu.vector_store_idx %arg15[%broadcast_in_dim3A, %add3A_1093], %get3A_1090 : memref<80x512xf32, #tpu.memory_space<vmem>>[vector<16xi32>, vector<16xi32>], vector<16xf32>,
        %get3A_1094 = arith.index_cast %scan3A_1015 : i32 to index
        %get3A_1095 = arith.constant 464 : index
        %get3A_1096 = tpu.vector_load %arg15[%get3A_1094, %get3A_1095] {strides = array<i32>} : memref<80x512xf32, #tpu.memory_space<vmem>>, vector<16xf32>,
        %add3A_1097 = arith.constant 460 : i32
        %add3A_1098 = vector.broadcast %add3A_1097 : i32 to vector<16xi32>
        %add3A_1099 = arith.addi %iota3A_546, %add3A_1098 : vector<16xi32>
        tpu.vector_store_idx %arg15[%broadcast_in_dim3A, %add3A_1099], %get3A_1096 : memref<80x512xf32, #tpu.memory_space<vmem>>[vector<16xi32>, vector<16xi32>], vector<16xf32>,
        %get3A_1100 = arith.index_cast %scan3A_1015 : i32 to index
        %get3A_1101 = arith.constant 480 : index
        %get3A_1102 = tpu.vector_load %arg15[%get3A_1100, %get3A_1101] {strides = array<i32>} : memref<80x512xf32, #tpu.memory_space<vmem>>, vector<16xf32>,
        %add3A_1103 = arith.constant 476 : i32
        %add3A_1104 = vector.broadcast %add3A_1103 : i32 to vector<16xi32>
        %add3A_1105 = arith.addi %iota3A_546, %add3A_1104 : vector<16xi32>
        tpu.vector_store_idx %arg15[%broadcast_in_dim3A, %add3A_1105], %get3A_1102 : memref<80x512xf32, #tpu.memory_space<vmem>>[vector<16xi32>, vector<16xi32>], vector<16xf32>,
        %get3A_1106 = arith.index_cast %scan3A_1015 : i32 to index
        %get3A_1107 = arith.constant 496 : index
        %get3A_1108 = tpu.vector_load %arg15[%get3A_1106, %get3A_1107] {strides = array<i32>} : memref<80x512xf32, #tpu.memory_space<vmem>>, vector<16xf32>,
        %add3A_1109 = arith.constant 492 : i32
        %add3A_1110 = vector.broadcast %add3A_1109 : i32 to vector<16xi32>
        %add3A_1111 = arith.addi %iota3A_546, %add3A_1110 : vector<16xi32>
        tpu.vector_store_idx %arg15[%broadcast_in_dim3A, %add3A_1111], %get3A_1108 : memref<80x512xf32, #tpu.memory_space<vmem>>[vector<16xi32>, vector<16xi32>], vector<16xf32>,
      }
      %scan3A_552 = arith.constant 80 : i32
      %shift_right_logical3A_553 = arith.constant 2 : i32
      %shift_right_logical3A_554 = vector.broadcast %shift_right_logical3A_553 : i32 to vector<16xi32>
      %shift_right_logical3A_555 = arith.shrui %iota3A_546, %shift_right_logical3A_554 : vector<16xi32>
      %and3A_556 = arith.constant 3 : i32
      %and3A_557 = vector.broadcast %and3A_556 : i32 to vector<16xi32>
      %and3A_558 = arith.andi %iota3A_546, %and3A_557 : vector<16xi32>
      %add3A_559 = arith.constant 0 : i32
      %add3A_560 = vector.broadcast %add3A_559 : i32 to vector<16xi32>
      %add3A_561 = arith.addi %shift_right_logical3A_555, %add3A_560 : vector<16xi32>
      %get3A_562 = arith.constant 0 : index
      %get3A_563 = tpu.vector_load %arg18[%get3A_562] {strides = array<i32>} : memref<320xf32, #tpu.memory_space<vmem>>, vector<16xf32>,
      %add3A_564 = arith.constant 508 : i32
      %add3A_565 = vector.broadcast %add3A_564 : i32 to vector<16xi32>
      %add3A_566 = arith.addi %and3A_558, %add3A_565 : vector<16xi32>
      tpu.vector_store_idx %arg15[%add3A_561, %add3A_566], %get3A_563 : memref<80x512xf32, #tpu.memory_space<vmem>>[vector<16xi32>, vector<16xi32>], vector<16xf32>,
      %add3A_567 = arith.constant 4 : i32
      %add3A_568 = vector.broadcast %add3A_567 : i32 to vector<16xi32>
      %add3A_569 = arith.addi %shift_right_logical3A_555, %add3A_568 : vector<16xi32>
      %get3A_570 = arith.constant 16 : index
      %get3A_571 = tpu.vector_load %arg18[%get3A_570] {strides = array<i32>} : memref<320xf32, #tpu.memory_space<vmem>>, vector<16xf32>,
      %add3A_572 = arith.constant 508 : i32
      %add3A_573 = vector.broadcast %add3A_572 : i32 to vector<16xi32>
      %add3A_574 = arith.addi %and3A_558, %add3A_573 : vector<16xi32>
      tpu.vector_store_idx %arg15[%add3A_569, %add3A_574], %get3A_571 : memref<80x512xf32, #tpu.memory_space<vmem>>[vector<16xi32>, vector<16xi32>], vector<16xf32>,
      %add3A_575 = arith.constant 8 : i32
      %add3A_576 = vector.broadcast %add3A_575 : i32 to vector<16xi32>
      %add3A_577 = arith.addi %shift_right_logical3A_555, %add3A_576 : vector<16xi32>
      %get3A_578 = arith.constant 32 : index
      %get3A_579 = tpu.vector_load %arg18[%get3A_578] {strides = array<i32>} : memref<320xf32, #tpu.memory_space<vmem>>, vector<16xf32>,
      %add3A_580 = arith.constant 508 : i32
      %add3A_581 = vector.broadcast %add3A_580 : i32 to vector<16xi32>
      %add3A_582 = arith.addi %and3A_558, %add3A_581 : vector<16xi32>
      tpu.vector_store_idx %arg15[%add3A_577, %add3A_582], %get3A_579 : memref<80x512xf32, #tpu.memory_space<vmem>>[vector<16xi32>, vector<16xi32>], vector<16xf32>,
      %add3A_583 = arith.constant 12 : i32
      %add3A_584 = vector.broadcast %add3A_583 : i32 to vector<16xi32>
      %add3A_585 = arith.addi %shift_right_logical3A_555, %add3A_584 : vector<16xi32>
      %get3A_586 = arith.constant 48 : index
      %get3A_587 = tpu.vector_load %arg18[%get3A_586] {strides = array<i32>} : memref<320xf32, #tpu.memory_space<vmem>>, vector<16xf32>,
      %add3A_588 = arith.constant 508 : i32
      %add3A_589 = vector.broadcast %add3A_588 : i32 to vector<16xi32>
      %add3A_590 = arith.addi %and3A_558, %add3A_589 : vector<16xi32>
      tpu.vector_store_idx %arg15[%add3A_585, %add3A_590], %get3A_587 : memref<80x512xf32, #tpu.memory_space<vmem>>[vector<16xi32>, vector<16xi32>], vector<16xf32>,
      %add3A_591 = arith.constant 16 : i32
      %add3A_592 = vector.broadcast %add3A_591 : i32 to vector<16xi32>
      %add3A_593 = arith.addi %shift_right_logical3A_555, %add3A_592 : vector<16xi32>
      %get3A_594 = arith.constant 64 : index
      %get3A_595 = tpu.vector_load %arg18[%get3A_594] {strides = array<i32>} : memref<320xf32, #tpu.memory_space<vmem>>, vector<16xf32>,
      %add3A_596 = arith.constant 508 : i32
      %add3A_597 = vector.broadcast %add3A_596 : i32 to vector<16xi32>
      %add3A_598 = arith.addi %and3A_558, %add3A_597 : vector<16xi32>
      tpu.vector_store_idx %arg15[%add3A_593, %add3A_598], %get3A_595 : memref<80x512xf32, #tpu.memory_space<vmem>>[vector<16xi32>, vector<16xi32>], vector<16xf32>,
      %add3A_599 = arith.constant 20 : i32
      %add3A_600 = vector.broadcast %add3A_599 : i32 to vector<16xi32>
      %add3A_601 = arith.addi %shift_right_logical3A_555, %add3A_600 : vector<16xi32>
      %get3A_602 = arith.constant 80 : index
      %get3A_603 = tpu.vector_load %arg18[%get3A_602] {strides = array<i32>} : memref<320xf32, #tpu.memory_space<vmem>>, vector<16xf32>,
      %add3A_604 = arith.constant 508 : i32
      %add3A_605 = vector.broadcast %add3A_604 : i32 to vector<16xi32>
      %add3A_606 = arith.addi %and3A_558, %add3A_605 : vector<16xi32>
      tpu.vector_store_idx %arg15[%add3A_601, %add3A_606], %get3A_603 : memref<80x512xf32, #tpu.memory_space<vmem>>[vector<16xi32>, vector<16xi32>], vector<16xf32>,
      %add3A_607 = arith.constant 24 : i32
      %add3A_608 = vector.broadcast %add3A_607 : i32 to vector<16xi32>
      %add3A_609 = arith.addi %shift_right_logical3A_555, %add3A_608 : vector<16xi32>
      %get3A_610 = arith.constant 96 : index
      %get3A_611 = tpu.vector_load %arg18[%get3A_610] {strides = array<i32>} : memref<320xf32, #tpu.memory_space<vmem>>, vector<16xf32>,
      %add3A_612 = arith.constant 508 : i32
      %add3A_613 = vector.broadcast %add3A_612 : i32 to vector<16xi32>
      %add3A_614 = arith.addi %and3A_558, %add3A_613 : vector<16xi32>
      tpu.vector_store_idx %arg15[%add3A_609, %add3A_614], %get3A_611 : memref<80x512xf32, #tpu.memory_space<vmem>>[vector<16xi32>, vector<16xi32>], vector<16xf32>,
      %add3A_615 = arith.constant 28 : i32
      %add3A_616 = vector.broadcast %add3A_615 : i32 to vector<16xi32>
      %add3A_617 = arith.addi %shift_right_logical3A_555, %add3A_616 : vector<16xi32>
      %get3A_618 = arith.constant 112 : index
      %get3A_619 = tpu.vector_load %arg18[%get3A_618] {strides = array<i32>} : memref<320xf32, #tpu.memory_space<vmem>>, vector<16xf32>,
      %add3A_620 = arith.constant 508 : i32
      %add3A_621 = vector.broadcast %add3A_620 : i32 to vector<16xi32>
      %add3A_622 = arith.addi %and3A_558, %add3A_621 : vector<16xi32>
      tpu.vector_store_idx %arg15[%add3A_617, %add3A_622], %get3A_619 : memref<80x512xf32, #tpu.memory_space<vmem>>[vector<16xi32>, vector<16xi32>], vector<16xf32>,
      %add3A_623 = arith.constant 32 : i32
      %add3A_624 = vector.broadcast %add3A_623 : i32 to vector<16xi32>
      %add3A_625 = arith.addi %shift_right_logical3A_555, %add3A_624 : vector<16xi32>
      %get3A_626 = arith.constant 128 : index
      %get3A_627 = tpu.vector_load %arg18[%get3A_626] {strides = array<i32>} : memref<320xf32, #tpu.memory_space<vmem>>, vector<16xf32>,
      %add3A_628 = arith.constant 508 : i32
      %add3A_629 = vector.broadcast %add3A_628 : i32 to vector<16xi32>
      %add3A_630 = arith.addi %and3A_558, %add3A_629 : vector<16xi32>
      tpu.vector_store_idx %arg15[%add3A_625, %add3A_630], %get3A_627 : memref<80x512xf32, #tpu.memory_space<vmem>>[vector<16xi32>, vector<16xi32>], vector<16xf32>,
      %add3A_631 = arith.constant 36 : i32
      %add3A_632 = vector.broadcast %add3A_631 : i32 to vector<16xi32>
      %add3A_633 = arith.addi %shift_right_logical3A_555, %add3A_632 : vector<16xi32>
      %get3A_634 = arith.constant 144 : index
      %get3A_635 = tpu.vector_load %arg18[%get3A_634] {strides = array<i32>} : memref<320xf32, #tpu.memory_space<vmem>>, vector<16xf32>,
      %add3A_636 = arith.constant 508 : i32
      %add3A_637 = vector.broadcast %add3A_636 : i32 to vector<16xi32>
      %add3A_638 = arith.addi %and3A_558, %add3A_637 : vector<16xi32>
      tpu.vector_store_idx %arg15[%add3A_633, %add3A_638], %get3A_635 : memref<80x512xf32, #tpu.memory_space<vmem>>[vector<16xi32>, vector<16xi32>], vector<16xf32>,
      %add3A_639 = arith.constant 40 : i32
      %add3A_640 = vector.broadcast %add3A_639 : i32 to vector<16xi32>
      %add3A_641 = arith.addi %shift_right_logical3A_555, %add3A_640 : vector<16xi32>
      %get3A_642 = arith.constant 160 : index
      %get3A_643 = tpu.vector_load %arg18[%get3A_642] {strides = array<i32>} : memref<320xf32, #tpu.memory_space<vmem>>, vector<16xf32>,
      %add3A_644 = arith.constant 508 : i32
      %add3A_645 = vector.broadcast %add3A_644 : i32 to vector<16xi32>
      %add3A_646 = arith.addi %and3A_558, %add3A_645 : vector<16xi32>
      tpu.vector_store_idx %arg15[%add3A_641, %add3A_646], %get3A_643 : memref<80x512xf32, #tpu.memory_space<vmem>>[vector<16xi32>, vector<16xi32>], vector<16xf32>,
      %add3A_647 = arith.constant 44 : i32
      %add3A_648 = vector.broadcast %add3A_647 : i32 to vector<16xi32>
      %add3A_649 = arith.addi %shift_right_logical3A_555, %add3A_648 : vector<16xi32>
      %get3A_650 = arith.constant 176 : index
      %get3A_651 = tpu.vector_load %arg18[%get3A_650] {strides = array<i32>} : memref<320xf32, #tpu.memory_space<vmem>>, vector<16xf32>,
      %add3A_652 = arith.constant 508 : i32
      %add3A_653 = vector.broadcast %add3A_652 : i32 to vector<16xi32>
      %add3A_654 = arith.addi %and3A_558, %add3A_653 : vector<16xi32>
      tpu.vector_store_idx %arg15[%add3A_649, %add3A_654], %get3A_651 : memref<80x512xf32, #tpu.memory_space<vmem>>[vector<16xi32>, vector<16xi32>], vector<16xf32>,
      %add3A_655 = arith.constant 48 : i32
      %add3A_656 = vector.broadcast %add3A_655 : i32 to vector<16xi32>
      %add3A_657 = arith.addi %shift_right_logical3A_555, %add3A_656 : vector<16xi32>
      %get3A_658 = arith.constant 192 : index
      %get3A_659 = tpu.vector_load %arg18[%get3A_658] {strides = array<i32>} : memref<320xf32, #tpu.memory_space<vmem>>, vector<16xf32>,
      %add3A_660 = arith.constant 508 : i32
      %add3A_661 = vector.broadcast %add3A_660 : i32 to vector<16xi32>
      %add3A_662 = arith.addi %and3A_558, %add3A_661 : vector<16xi32>
      tpu.vector_store_idx %arg15[%add3A_657, %add3A_662], %get3A_659 : memref<80x512xf32, #tpu.memory_space<vmem>>[vector<16xi32>, vector<16xi32>], vector<16xf32>,
      %add3A_663 = arith.constant 52 : i32
      %add3A_664 = vector.broadcast %add3A_663 : i32 to vector<16xi32>
      %add3A_665 = arith.addi %shift_right_logical3A_555, %add3A_664 : vector<16xi32>
      %get3A_666 = arith.constant 208 : index
      %get3A_667 = tpu.vector_load %arg18[%get3A_666] {strides = array<i32>} : memref<320xf32, #tpu.memory_space<vmem>>, vector<16xf32>,
      %add3A_668 = arith.constant 508 : i32
      %add3A_669 = vector.broadcast %add3A_668 : i32 to vector<16xi32>
      %add3A_670 = arith.addi %and3A_558, %add3A_669 : vector<16xi32>
      tpu.vector_store_idx %arg15[%add3A_665, %add3A_670], %get3A_667 : memref<80x512xf32, #tpu.memory_space<vmem>>[vector<16xi32>, vector<16xi32>], vector<16xf32>,
      %add3A_671 = arith.constant 56 : i32
      %add3A_672 = vector.broadcast %add3A_671 : i32 to vector<16xi32>
      %add3A_673 = arith.addi %shift_right_logical3A_555, %add3A_672 : vector<16xi32>
      %get3A_674 = arith.constant 224 : index
      %get3A_675 = tpu.vector_load %arg18[%get3A_674] {strides = array<i32>} : memref<320xf32, #tpu.memory_space<vmem>>, vector<16xf32>,
      %add3A_676 = arith.constant 508 : i32
      %add3A_677 = vector.broadcast %add3A_676 : i32 to vector<16xi32>
      %add3A_678 = arith.addi %and3A_558, %add3A_677 : vector<16xi32>
      tpu.vector_store_idx %arg15[%add3A_673, %add3A_678], %get3A_675 : memref<80x512xf32, #tpu.memory_space<vmem>>[vector<16xi32>, vector<16xi32>], vector<16xf32>,
      %add3A_679 = arith.constant 60 : i32
      %add3A_680 = vector.broadcast %add3A_679 : i32 to vector<16xi32>
      %add3A_681 = arith.addi %shift_right_logical3A_555, %add3A_680 : vector<16xi32>
      %get3A_682 = arith.constant 240 : index
      %get3A_683 = tpu.vector_load %arg18[%get3A_682] {strides = array<i32>} : memref<320xf32, #tpu.memory_space<vmem>>, vector<16xf32>,
      %add3A_684 = arith.constant 508 : i32
      %add3A_685 = vector.broadcast %add3A_684 : i32 to vector<16xi32>
      %add3A_686 = arith.addi %and3A_558, %add3A_685 : vector<16xi32>
      tpu.vector_store_idx %arg15[%add3A_681, %add3A_686], %get3A_683 : memref<80x512xf32, #tpu.memory_space<vmem>>[vector<16xi32>, vector<16xi32>], vector<16xf32>,
      %add3A_687 = arith.constant 64 : i32
      %add3A_688 = vector.broadcast %add3A_687 : i32 to vector<16xi32>
      %add3A_689 = arith.addi %shift_right_logical3A_555, %add3A_688 : vector<16xi32>
      %get3A_690 = arith.constant 256 : index
      %get3A_691 = tpu.vector_load %arg18[%get3A_690] {strides = array<i32>} : memref<320xf32, #tpu.memory_space<vmem>>, vector<16xf32>,
      %add3A_692 = arith.constant 508 : i32
      %add3A_693 = vector.broadcast %add3A_692 : i32 to vector<16xi32>
      %add3A_694 = arith.addi %and3A_558, %add3A_693 : vector<16xi32>
      tpu.vector_store_idx %arg15[%add3A_689, %add3A_694], %get3A_691 : memref<80x512xf32, #tpu.memory_space<vmem>>[vector<16xi32>, vector<16xi32>], vector<16xf32>,
      %add3A_695 = arith.constant 68 : i32
      %add3A_696 = vector.broadcast %add3A_695 : i32 to vector<16xi32>
      %add3A_697 = arith.addi %shift_right_logical3A_555, %add3A_696 : vector<16xi32>
      %get3A_698 = arith.constant 272 : index
      %get3A_699 = tpu.vector_load %arg18[%get3A_698] {strides = array<i32>} : memref<320xf32, #tpu.memory_space<vmem>>, vector<16xf32>,
      %add3A_700 = arith.constant 508 : i32
      %add3A_701 = vector.broadcast %add3A_700 : i32 to vector<16xi32>
      %add3A_702 = arith.addi %and3A_558, %add3A_701 : vector<16xi32>
      tpu.vector_store_idx %arg15[%add3A_697, %add3A_702], %get3A_699 : memref<80x512xf32, #tpu.memory_space<vmem>>[vector<16xi32>, vector<16xi32>], vector<16xf32>,
      %add3A_703 = arith.constant 72 : i32
      %add3A_704 = vector.broadcast %add3A_703 : i32 to vector<16xi32>
      %add3A_705 = arith.addi %shift_right_logical3A_555, %add3A_704 : vector<16xi32>
      %get3A_706 = arith.constant 288 : index
      %get3A_707 = tpu.vector_load %arg18[%get3A_706] {strides = array<i32>} : memref<320xf32, #tpu.memory_space<vmem>>, vector<16xf32>,
      %add3A_708 = arith.constant 508 : i32
      %add3A_709 = vector.broadcast %add3A_708 : i32 to vector<16xi32>
      %add3A_710 = arith.addi %and3A_558, %add3A_709 : vector<16xi32>
      tpu.vector_store_idx %arg15[%add3A_705, %add3A_710], %get3A_707 : memref<80x512xf32, #tpu.memory_space<vmem>>[vector<16xi32>, vector<16xi32>], vector<16xf32>,
      %add3A_711 = arith.constant 76 : i32
      %add3A_712 = vector.broadcast %add3A_711 : i32 to vector<16xi32>
      %add3A_713 = arith.addi %shift_right_logical3A_555, %add3A_712 : vector<16xi32>
      %get3A_714 = arith.constant 304 : index
      %get3A_715 = tpu.vector_load %arg18[%get3A_714] {strides = array<i32>} : memref<320xf32, #tpu.memory_space<vmem>>, vector<16xf32>,
      %add3A_716 = arith.constant 508 : i32
      %add3A_717 = vector.broadcast %add3A_716 : i32 to vector<16xi32>
      %add3A_718 = arith.addi %and3A_558, %add3A_717 : vector<16xi32>
      tpu.vector_store_idx %arg15[%add3A_713, %add3A_718], %get3A_715 : memref<80x512xf32, #tpu.memory_space<vmem>>[vector<16xi32>, vector<16xi32>], vector<16xf32>,
      %mul3A_719 = arith.constant 80 : i32
      %mul3A_720 = arith.muli %add3A_508, %mul3A_719 : i32
      %add3A_721 = arith.addi %mul3A_2, %mul3A_720 : i32
      %dma_start3A_722 = arith.constant 0 : i32
      %dma_start3A_723 = tpu.memref_slice %arg7[%add3A_721, %dma_start3A_722] : memref<204800x512xf32, #tpu.memory_space<hbm>> -> memref<80x512xf32, #tpu.memory_space<hbm>>
      %dma_start3A_724 = arith.constant 0 : i32
      %dma_start3A_725 = tpu.memref_slice %arg7[%add3A_721, %dma_start3A_724] : memref<204800x512xf32, #tpu.memory_space<hbm>> -> memref<80x512xf32, #tpu.memory_space<hbm>>
      tpu.enqueue_dma source(%arg15 : memref<80x512xf32, #tpu.memory_space<vmem>>) target(%dma_start3A_725 : memref<80x512xf32, #tpu.memory_space<hbm>>) target_semaphore(%arg27 : memref<!tpu.dma_semaphore, #tpu.memory_space<semaphore_mem>>)
      %dma_wait3A_726 = arith.constant 0 : i32
      %dma_wait3A_727 = arith.constant 0 : i32
      %dma_wait3A_728 = tpu.memref_slice %arg7[%dma_wait3A_726, %dma_wait3A_727] : memref<204800x512xf32, #tpu.memory_space<hbm>> -> memref<80x512xf32, #tpu.memory_space<hbm>>
      %dma_wait3A_729 = arith.constant 0 : i32
      %dma_wait3A_730 = arith.constant 0 : i32
      %dma_wait3A_731 = tpu.memref_slice %arg7[%dma_wait3A_729, %dma_wait3A_730] : memref<204800x512xf32, #tpu.memory_space<hbm>> -> memref<80x512xf32, #tpu.memory_space<hbm>>
      tpu.wait_dma2 semaphore(%arg26 : memref<!tpu.dma_semaphore, #tpu.memory_space<semaphore_mem>>) src(%arg14 : memref<80x512xf32, #tpu.memory_space<vmem>>) dst(%dma_wait3A_731 : memref<80x512xf32, #tpu.memory_space<hbm>>)
      %dma_wait3A_732 = arith.constant 0 : i32
      %dma_wait3A_733 = tpu.memref_slice %arg2[%dma_wait3A_732] : memref<204800xi32, #tpu.memory_space<hbm>> -> memref<80xi32, #tpu.memory_space<hbm>>
      %dma_wait3A_734 = arith.constant 0 : i32
      %dma_wait3A_735 = tpu.memref_slice %arg2[%dma_wait3A_734] : memref<204800xi32, #tpu.memory_space<hbm>> -> memref<80xi32, #tpu.memory_space<hbm>>
      tpu.wait_dma2 semaphore(%arg23 : memref<!tpu.dma_semaphore, #tpu.memory_space<semaphore_mem>>) src(%dma_wait3A_735 : memref<80xi32, #tpu.memory_space<hbm>>) dst(%arg8 : memref<80xi32, #tpu.memory_space<vmem>>)
      %dma_wait3A_736 = arith.constant 0 : i32
      %dma_wait3A_737 = tpu.memref_slice %arg3[%dma_wait3A_736] : memref<204800xi32, #tpu.memory_space<hbm>> -> memref<80xi32, #tpu.memory_space<hbm>>
      %dma_wait3A_738 = arith.constant 0 : i32
      %dma_wait3A_739 = tpu.memref_slice %arg3[%dma_wait3A_738] : memref<204800xi32, #tpu.memory_space<hbm>> -> memref<80xi32, #tpu.memory_space<hbm>>
      tpu.wait_dma2 semaphore(%arg23 : memref<!tpu.dma_semaphore, #tpu.memory_space<semaphore_mem>>) src(%dma_wait3A_739 : memref<80xi32, #tpu.memory_space<hbm>>) dst(%arg9 : memref<80xi32, #tpu.memory_space<vmem>>)
      %add3A_740 = arith.constant 2 : i32
      %add3A_741 = arith.addi %add3A_508, %add3A_740 : i32
      %mul3A_742 = arith.constant 80 : i32
      %mul3A_743 = arith.muli %add3A_741, %mul3A_742 : i32
      %add3A_744 = arith.addi %mul3A_2, %mul3A_743 : i32
      %dma_start3A_745 = arith.constant 0 : i32
      %dma_start3A_746 = arith.constant 0 : i32
      %dma_start3A_747 = tpu.memref_slice %arg14[%dma_start3A_745, %dma_start3A_746] : memref<80x512xf32, #tpu.memory_space<vmem>> -> memref<80x256xf32, #tpu.memory_space<vmem>>
      %dma_start3A_748 = arith.constant 0 : i32
      %dma_start3A_749 = arith.constant 0 : i32
      %dma_start3A_750 = tpu.memref_slice %arg5[%dma_start3A_748, %dma_start3A_749] : memref<100000x256xf32, #tpu.memory_space<hbm>> -> memref<100000x256xf32, #tpu.memory_space<hbm>>
      tpu.enqueue_indirect_dma source(%dma_start3A_750 : memref<100000x256xf32, #tpu.memory_space<hbm>>) target(%dma_start3A_747 : memref<80x256xf32, #tpu.memory_space<vmem>>) offsets(%arg8 : memref<80xi32, #tpu.memory_space<vmem>>) semaphore(%arg20 : memref<!tpu.dma_semaphore, #tpu.memory_space<semaphore_mem>>)
      %dma_start3A_751 = arith.constant 0 : i32
      %dma_start3A_752 = arith.constant 256 : i32
      %dma_start3A_753 = tpu.memref_slice %arg14[%dma_start3A_751, %dma_start3A_752] : memref<80x512xf32, #tpu.memory_space<vmem>> -> memref<80x256xf32, #tpu.memory_space<vmem>>
      %dma_start3A_754 = arith.constant 0 : i32
      %dma_start3A_755 = arith.constant 0 : i32
      %dma_start3A_756 = tpu.memref_slice %arg6[%dma_start3A_754, %dma_start3A_755] : memref<100000x256xf32, #tpu.memory_space<hbm>> -> memref<100000x256xf32, #tpu.memory_space<hbm>>
      tpu.enqueue_indirect_dma source(%dma_start3A_756 : memref<100000x256xf32, #tpu.memory_space<hbm>>) target(%dma_start3A_753 : memref<80x256xf32, #tpu.memory_space<vmem>>) offsets(%arg9 : memref<80xi32, #tpu.memory_space<vmem>>) semaphore(%arg20 : memref<!tpu.dma_semaphore, #tpu.memory_space<semaphore_mem>>)
      %mul3A_757 = arith.constant 4 : i32
      %mul3A_758 = arith.muli %add3A_744, %mul3A_757 : i32
      %dma_start3A_759 = tpu.memref_slice %arg4[%mul3A_758] : memref<819200xf32, #tpu.memory_space<hbm>> -> memref<320xf32, #tpu.memory_space<hbm>>
      %dma_start3A_760 = tpu.memref_slice %arg4[%mul3A_758] : memref<819200xf32, #tpu.memory_space<hbm>> -> memref<320xf32, #tpu.memory_space<hbm>>
      tpu.enqueue_dma source(%dma_start3A_760 : memref<320xf32, #tpu.memory_space<hbm>>) target(%arg17 : memref<320xf32, #tpu.memory_space<vmem>>) target_semaphore(%arg20 : memref<!tpu.dma_semaphore, #tpu.memory_space<semaphore_mem>>)
      %add3A_761 = arith.constant 2 : i32
      %add3A_762 = arith.addi %mul3A_500, %add3A_761 : i32
      %add3A_763 = arith.constant 2 : i32
      %add3A_764 = arith.addi %add3A_762, %add3A_763 : i32
      %mul3A_765 = arith.constant 80 : i32
      %mul3A_766 = arith.muli %add3A_764, %mul3A_765 : i32
      %add3A_767 = arith.addi %mul3A_2, %mul3A_766 : i32
      %dma_start3A_768 = tpu.memref_slice %arg2[%add3A_767] : memref<204800xi32, #tpu.memory_space<hbm>> -> memref<80xi32, #tpu.memory_space<hbm>>
      %dma_start3A_769 = tpu.memref_slice %arg2[%add3A_767] : memref<204800xi32, #tpu.memory_space<hbm>> -> memref<80xi32, #tpu.memory_space<hbm>>
      tpu.enqueue_dma source(%dma_start3A_769 : memref<80xi32, #tpu.memory_space<hbm>>) target(%arg10 : memref<80xi32, #tpu.memory_space<vmem>>) target_semaphore(%arg24 : memref<!tpu.dma_semaphore, #tpu.memory_space<semaphore_mem>>)
      %dma_start3A_770 = tpu.memref_slice %arg3[%add3A_767] : memref<204800xi32, #tpu.memory_space<hbm>> -> memref<80xi32, #tpu.memory_space<hbm>>
      %dma_start3A_771 = tpu.memref_slice %arg3[%add3A_767] : memref<204800xi32, #tpu.memory_space<hbm>> -> memref<80xi32, #tpu.memory_space<hbm>>
      tpu.enqueue_dma source(%dma_start3A_771 : memref<80xi32, #tpu.memory_space<hbm>>) target(%arg11 : memref<80xi32, #tpu.memory_space<vmem>>) target_semaphore(%arg24 : memref<!tpu.dma_semaphore, #tpu.memory_space<semaphore_mem>>)
      %dma_wait3A_772 = arith.constant 0 : i32
      %dma_wait3A_773 = arith.constant 0 : i32
      %dma_wait3A_774 = tpu.memref_slice %arg16[%dma_wait3A_772, %dma_wait3A_773] : memref<80x512xf32, #tpu.memory_space<vmem>> -> memref<80x256xf32, #tpu.memory_space<vmem>>
      %dma_wait3A_775 = arith.constant 0 : i32
      %dma_wait3A_776 = arith.constant 0 : i32
      %dma_wait3A_777 = tpu.memref_slice %arg7[%dma_wait3A_775, %dma_wait3A_776] : memref<204800x512xf32, #tpu.memory_space<hbm>> -> memref<80x256xf32, #tpu.memory_space<hbm>>
      %dma_wait3A_778 = arith.constant 0 : i32
      %dma_wait3A_779 = arith.constant 0 : i32
      %dma_wait3A_780 = tpu.memref_slice %arg16[%dma_wait3A_778, %dma_wait3A_779] : memref<80x512xf32, #tpu.memory_space<vmem>> -> memref<80x256xf32, #tpu.memory_space<vmem>>
      %dma_wait3A_781 = arith.constant 0 : i32
      %dma_wait3A_782 = arith.constant 0 : i32
      %dma_wait3A_783 = tpu.memref_slice %arg7[%dma_wait3A_781, %dma_wait3A_782] : memref<204800x512xf32, #tpu.memory_space<hbm>> -> memref<80x256xf32, #tpu.memory_space<hbm>>
      tpu.wait_dma2 semaphore(%arg22 : memref<!tpu.dma_semaphore, #tpu.memory_space<semaphore_mem>>) src(%dma_wait3A_783 : memref<80x256xf32, #tpu.memory_space<hbm>>) dst(%dma_wait3A_780 : memref<80x256xf32, #tpu.memory_space<vmem>>)
      %dma_wait3A_784 = arith.constant 0 : i32
      %dma_wait3A_785 = arith.constant 256 : i32
      %dma_wait3A_786 = tpu.memref_slice %arg16[%dma_wait3A_784, %dma_wait3A_785] : memref<80x512xf32, #tpu.memory_space<vmem>> -> memref<80x256xf32, #tpu.memory_space<vmem>>
      %dma_wait3A_787 = arith.constant 0 : i32
      %dma_wait3A_788 = arith.constant 0 : i32
      %dma_wait3A_789 = tpu.memref_slice %arg7[%dma_wait3A_787, %dma_wait3A_788] : memref<204800x512xf32, #tpu.memory_space<hbm>> -> memref<80x256xf32, #tpu.memory_space<hbm>>
      %dma_wait3A_790 = arith.constant 0 : i32
      %dma_wait3A_791 = arith.constant 256 : i32
      %dma_wait3A_792 = tpu.memref_slice %arg16[%dma_wait3A_790, %dma_wait3A_791] : memref<80x512xf32, #tpu.memory_space<vmem>> -> memref<80x256xf32, #tpu.memory_space<vmem>>
      %dma_wait3A_793 = arith.constant 0 : i32
      %dma_wait3A_794 = arith.constant 0 : i32
      %dma_wait3A_795 = tpu.memref_slice %arg7[%dma_wait3A_793, %dma_wait3A_794] : memref<204800x512xf32, #tpu.memory_space<hbm>> -> memref<80x256xf32, #tpu.memory_space<hbm>>
      tpu.wait_dma2 semaphore(%arg22 : memref<!tpu.dma_semaphore, #tpu.memory_space<semaphore_mem>>) src(%dma_wait3A_795 : memref<80x256xf32, #tpu.memory_space<hbm>>) dst(%dma_wait3A_792 : memref<80x256xf32, #tpu.memory_space<vmem>>)
      %dma_wait3A_796 = arith.constant 0 : i32
      %dma_wait3A_797 = tpu.memref_slice %arg4[%dma_wait3A_796] : memref<819200xf32, #tpu.memory_space<hbm>> -> memref<320xf32, #tpu.memory_space<hbm>>
      %dma_wait3A_798 = arith.constant 0 : i32
      %dma_wait3A_799 = tpu.memref_slice %arg4[%dma_wait3A_798] : memref<819200xf32, #tpu.memory_space<hbm>> -> memref<320xf32, #tpu.memory_space<hbm>>
      tpu.wait_dma2 semaphore(%arg22 : memref<!tpu.dma_semaphore, #tpu.memory_space<semaphore_mem>>) src(%dma_wait3A_799 : memref<320xf32, #tpu.memory_space<hbm>>) dst(%arg19 : memref<320xf32, #tpu.memory_space<vmem>>)
      %iota3A_800 = tpu.iota {dimensions = array<i32: 0>} : vector<16xi32>
      %scan3A_801 = arith.constant 0 : i32
      %scan3A_802 = arith.constant 0 : i32
      %scan3A_803 = arith.constant 80 : i32
      %scan3A_804 = arith.addi %scan3A_802, %scan3A_803 : i32
      %scan3A_805 = arith.constant 1 : i32
      scf.for %scan3A_1015 = %scan3A_802 to %scan3A_804 step %scan3A_805  : i32 {
        %broadcast_in_dim3A = vector.broadcast %scan3A_1015 : i32 to vector<16xi32>
        %get3A_1016 = arith.index_cast %scan3A_1015 : i32 to index
        %get3A_1017 = arith.constant 256 : index
        %get3A_1018 = tpu.vector_load %arg16[%get3A_1016, %get3A_1017] {strides = array<i32>} : memref<80x512xf32, #tpu.memory_space<vmem>>, vector<16xf32>,
        %add3A_1019 = arith.constant 252 : i32
        %add3A_1020 = vector.broadcast %add3A_1019 : i32 to vector<16xi32>
        %add3A_1021 = arith.addi %iota3A_800, %add3A_1020 : vector<16xi32>
        tpu.vector_store_idx %arg16[%broadcast_in_dim3A, %add3A_1021], %get3A_1018 : memref<80x512xf32, #tpu.memory_space<vmem>>[vector<16xi32>, vector<16xi32>], vector<16xf32>,
        %get3A_1022 = arith.index_cast %scan3A_1015 : i32 to index
        %get3A_1023 = arith.constant 272 : index
        %get3A_1024 = tpu.vector_load %arg16[%get3A_1022, %get3A_1023] {strides = array<i32>} : memref<80x512xf32, #tpu.memory_space<vmem>>, vector<16xf32>,
        %add3A_1025 = arith.constant 268 : i32
        %add3A_1026 = vector.broadcast %add3A_1025 : i32 to vector<16xi32>
        %add3A_1027 = arith.addi %iota3A_800, %add3A_1026 : vector<16xi32>
        tpu.vector_store_idx %arg16[%broadcast_in_dim3A, %add3A_1027], %get3A_1024 : memref<80x512xf32, #tpu.memory_space<vmem>>[vector<16xi32>, vector<16xi32>], vector<16xf32>,
        %get3A_1028 = arith.index_cast %scan3A_1015 : i32 to index
        %get3A_1029 = arith.constant 288 : index
        %get3A_1030 = tpu.vector_load %arg16[%get3A_1028, %get3A_1029] {strides = array<i32>} : memref<80x512xf32, #tpu.memory_space<vmem>>, vector<16xf32>,
        %add3A_1031 = arith.constant 284 : i32
        %add3A_1032 = vector.broadcast %add3A_1031 : i32 to vector<16xi32>
        %add3A_1033 = arith.addi %iota3A_800, %add3A_1032 : vector<16xi32>
        tpu.vector_store_idx %arg16[%broadcast_in_dim3A, %add3A_1033], %get3A_1030 : memref<80x512xf32, #tpu.memory_space<vmem>>[vector<16xi32>, vector<16xi32>], vector<16xf32>,
        %get3A_1034 = arith.index_cast %scan3A_1015 : i32 to index
        %get3A_1035 = arith.constant 304 : index
        %get3A_1036 = tpu.vector_load %arg16[%get3A_1034, %get3A_1035] {strides = array<i32>} : memref<80x512xf32, #tpu.memory_space<vmem>>, vector<16xf32>,
        %add3A_1037 = arith.constant 300 : i32
        %add3A_1038 = vector.broadcast %add3A_1037 : i32 to vector<16xi32>
        %add3A_1039 = arith.addi %iota3A_800, %add3A_1038 : vector<16xi32>
        tpu.vector_store_idx %arg16[%broadcast_in_dim3A, %add3A_1039], %get3A_1036 : memref<80x512xf32, #tpu.memory_space<vmem>>[vector<16xi32>, vector<16xi32>], vector<16xf32>,
        %get3A_1040 = arith.index_cast %scan3A_1015 : i32 to index
        %get3A_1041 = arith.constant 320 : index
        %get3A_1042 = tpu.vector_load %arg16[%get3A_1040, %get3A_1041] {strides = array<i32>} : memref<80x512xf32, #tpu.memory_space<vmem>>, vector<16xf32>,
        %add3A_1043 = arith.constant 316 : i32
        %add3A_1044 = vector.broadcast %add3A_1043 : i32 to vector<16xi32>
        %add3A_1045 = arith.addi %iota3A_800, %add3A_1044 : vector<16xi32>
        tpu.vector_store_idx %arg16[%broadcast_in_dim3A, %add3A_1045], %get3A_1042 : memref<80x512xf32, #tpu.memory_space<vmem>>[vector<16xi32>, vector<16xi32>], vector<16xf32>,
        %get3A_1046 = arith.index_cast %scan3A_1015 : i32 to index
        %get3A_1047 = arith.constant 336 : index
        %get3A_1048 = tpu.vector_load %arg16[%get3A_1046, %get3A_1047] {strides = array<i32>} : memref<80x512xf32, #tpu.memory_space<vmem>>, vector<16xf32>,
        %add3A_1049 = arith.constant 332 : i32
        %add3A_1050 = vector.broadcast %add3A_1049 : i32 to vector<16xi32>
        %add3A_1051 = arith.addi %iota3A_800, %add3A_1050 : vector<16xi32>
        tpu.vector_store_idx %arg16[%broadcast_in_dim3A, %add3A_1051], %get3A_1048 : memref<80x512xf32, #tpu.memory_space<vmem>>[vector<16xi32>, vector<16xi32>], vector<16xf32>,
        %get3A_1052 = arith.index_cast %scan3A_1015 : i32 to index
        %get3A_1053 = arith.constant 352 : index
        %get3A_1054 = tpu.vector_load %arg16[%get3A_1052, %get3A_1053] {strides = array<i32>} : memref<80x512xf32, #tpu.memory_space<vmem>>, vector<16xf32>,
        %add3A_1055 = arith.constant 348 : i32
        %add3A_1056 = vector.broadcast %add3A_1055 : i32 to vector<16xi32>
        %add3A_1057 = arith.addi %iota3A_800, %add3A_1056 : vector<16xi32>
        tpu.vector_store_idx %arg16[%broadcast_in_dim3A, %add3A_1057], %get3A_1054 : memref<80x512xf32, #tpu.memory_space<vmem>>[vector<16xi32>, vector<16xi32>], vector<16xf32>,
        %get3A_1058 = arith.index_cast %scan3A_1015 : i32 to index
        %get3A_1059 = arith.constant 368 : index
        %get3A_1060 = tpu.vector_load %arg16[%get3A_1058, %get3A_1059] {strides = array<i32>} : memref<80x512xf32, #tpu.memory_space<vmem>>, vector<16xf32>,
        %add3A_1061 = arith.constant 364 : i32
        %add3A_1062 = vector.broadcast %add3A_1061 : i32 to vector<16xi32>
        %add3A_1063 = arith.addi %iota3A_800, %add3A_1062 : vector<16xi32>
        tpu.vector_store_idx %arg16[%broadcast_in_dim3A, %add3A_1063], %get3A_1060 : memref<80x512xf32, #tpu.memory_space<vmem>>[vector<16xi32>, vector<16xi32>], vector<16xf32>,
        %get3A_1064 = arith.index_cast %scan3A_1015 : i32 to index
        %get3A_1065 = arith.constant 384 : index
        %get3A_1066 = tpu.vector_load %arg16[%get3A_1064, %get3A_1065] {strides = array<i32>} : memref<80x512xf32, #tpu.memory_space<vmem>>, vector<16xf32>,
        %add3A_1067 = arith.constant 380 : i32
        %add3A_1068 = vector.broadcast %add3A_1067 : i32 to vector<16xi32>
        %add3A_1069 = arith.addi %iota3A_800, %add3A_1068 : vector<16xi32>
        tpu.vector_store_idx %arg16[%broadcast_in_dim3A, %add3A_1069], %get3A_1066 : memref<80x512xf32, #tpu.memory_space<vmem>>[vector<16xi32>, vector<16xi32>], vector<16xf32>,
        %get3A_1070 = arith.index_cast %scan3A_1015 : i32 to index
        %get3A_1071 = arith.constant 400 : index
        %get3A_1072 = tpu.vector_load %arg16[%get3A_1070, %get3A_1071] {strides = array<i32>} : memref<80x512xf32, #tpu.memory_space<vmem>>, vector<16xf32>,
        %add3A_1073 = arith.constant 396 : i32
        %add3A_1074 = vector.broadcast %add3A_1073 : i32 to vector<16xi32>
        %add3A_1075 = arith.addi %iota3A_800, %add3A_1074 : vector<16xi32>
        tpu.vector_store_idx %arg16[%broadcast_in_dim3A, %add3A_1075], %get3A_1072 : memref<80x512xf32, #tpu.memory_space<vmem>>[vector<16xi32>, vector<16xi32>], vector<16xf32>,
        %get3A_1076 = arith.index_cast %scan3A_1015 : i32 to index
        %get3A_1077 = arith.constant 416 : index
        %get3A_1078 = tpu.vector_load %arg16[%get3A_1076, %get3A_1077] {strides = array<i32>} : memref<80x512xf32, #tpu.memory_space<vmem>>, vector<16xf32>,
        %add3A_1079 = arith.constant 412 : i32
        %add3A_1080 = vector.broadcast %add3A_1079 : i32 to vector<16xi32>
        %add3A_1081 = arith.addi %iota3A_800, %add3A_1080 : vector<16xi32>
        tpu.vector_store_idx %arg16[%broadcast_in_dim3A, %add3A_1081], %get3A_1078 : memref<80x512xf32, #tpu.memory_space<vmem>>[vector<16xi32>, vector<16xi32>], vector<16xf32>,
        %get3A_1082 = arith.index_cast %scan3A_1015 : i32 to index
        %get3A_1083 = arith.constant 432 : index
        %get3A_1084 = tpu.vector_load %arg16[%get3A_1082, %get3A_1083] {strides = array<i32>} : memref<80x512xf32, #tpu.memory_space<vmem>>, vector<16xf32>,
        %add3A_1085 = arith.constant 428 : i32
        %add3A_1086 = vector.broadcast %add3A_1085 : i32 to vector<16xi32>
        %add3A_1087 = arith.addi %iota3A_800, %add3A_1086 : vector<16xi32>
        tpu.vector_store_idx %arg16[%broadcast_in_dim3A, %add3A_1087], %get3A_1084 : memref<80x512xf32, #tpu.memory_space<vmem>>[vector<16xi32>, vector<16xi32>], vector<16xf32>,
        %get3A_1088 = arith.index_cast %scan3A_1015 : i32 to index
        %get3A_1089 = arith.constant 448 : index
        %get3A_1090 = tpu.vector_load %arg16[%get3A_1088, %get3A_1089] {strides = array<i32>} : memref<80x512xf32, #tpu.memory_space<vmem>>, vector<16xf32>,
        %add3A_1091 = arith.constant 444 : i32
        %add3A_1092 = vector.broadcast %add3A_1091 : i32 to vector<16xi32>
        %add3A_1093 = arith.addi %iota3A_800, %add3A_1092 : vector<16xi32>
        tpu.vector_store_idx %arg16[%broadcast_in_dim3A, %add3A_1093], %get3A_1090 : memref<80x512xf32, #tpu.memory_space<vmem>>[vector<16xi32>, vector<16xi32>], vector<16xf32>,
        %get3A_1094 = arith.index_cast %scan3A_1015 : i32 to index
        %get3A_1095 = arith.constant 464 : index
        %get3A_1096 = tpu.vector_load %arg16[%get3A_1094, %get3A_1095] {strides = array<i32>} : memref<80x512xf32, #tpu.memory_space<vmem>>, vector<16xf32>,
        %add3A_1097 = arith.constant 460 : i32
        %add3A_1098 = vector.broadcast %add3A_1097 : i32 to vector<16xi32>
        %add3A_1099 = arith.addi %iota3A_800, %add3A_1098 : vector<16xi32>
        tpu.vector_store_idx %arg16[%broadcast_in_dim3A, %add3A_1099], %get3A_1096 : memref<80x512xf32, #tpu.memory_space<vmem>>[vector<16xi32>, vector<16xi32>], vector<16xf32>,
        %get3A_1100 = arith.index_cast %scan3A_1015 : i32 to index
        %get3A_1101 = arith.constant 480 : index
        %get3A_1102 = tpu.vector_load %arg16[%get3A_1100, %get3A_1101] {strides = array<i32>} : memref<80x512xf32, #tpu.memory_space<vmem>>, vector<16xf32>,
        %add3A_1103 = arith.constant 476 : i32
        %add3A_1104 = vector.broadcast %add3A_1103 : i32 to vector<16xi32>
        %add3A_1105 = arith.addi %iota3A_800, %add3A_1104 : vector<16xi32>
        tpu.vector_store_idx %arg16[%broadcast_in_dim3A, %add3A_1105], %get3A_1102 : memref<80x512xf32, #tpu.memory_space<vmem>>[vector<16xi32>, vector<16xi32>], vector<16xf32>,
        %get3A_1106 = arith.index_cast %scan3A_1015 : i32 to index
        %get3A_1107 = arith.constant 496 : index
        %get3A_1108 = tpu.vector_load %arg16[%get3A_1106, %get3A_1107] {strides = array<i32>} : memref<80x512xf32, #tpu.memory_space<vmem>>, vector<16xf32>,
        %add3A_1109 = arith.constant 492 : i32
        %add3A_1110 = vector.broadcast %add3A_1109 : i32 to vector<16xi32>
        %add3A_1111 = arith.addi %iota3A_800, %add3A_1110 : vector<16xi32>
        tpu.vector_store_idx %arg16[%broadcast_in_dim3A, %add3A_1111], %get3A_1108 : memref<80x512xf32, #tpu.memory_space<vmem>>[vector<16xi32>, vector<16xi32>], vector<16xf32>,
      }
      %scan3A_806 = arith.constant 80 : i32
      %shift_right_logical3A_807 = arith.constant 2 : i32
      %shift_right_logical3A_808 = vector.broadcast %shift_right_logical3A_807 : i32 to vector<16xi32>
      %shift_right_logical3A_809 = arith.shrui %iota3A_800, %shift_right_logical3A_808 : vector<16xi32>
      %and3A_810 = arith.constant 3 : i32
      %and3A_811 = vector.broadcast %and3A_810 : i32 to vector<16xi32>
      %and3A_812 = arith.andi %iota3A_800, %and3A_811 : vector<16xi32>
      %add3A_813 = arith.constant 0 : i32
      %add3A_814 = vector.broadcast %add3A_813 : i32 to vector<16xi32>
      %add3A_815 = arith.addi %shift_right_logical3A_809, %add3A_814 : vector<16xi32>
      %get3A_816 = arith.constant 0 : index
      %get3A_817 = tpu.vector_load %arg19[%get3A_816] {strides = array<i32>} : memref<320xf32, #tpu.memory_space<vmem>>, vector<16xf32>,
      %add3A_818 = arith.constant 508 : i32
      %add3A_819 = vector.broadcast %add3A_818 : i32 to vector<16xi32>
      %add3A_820 = arith.addi %and3A_812, %add3A_819 : vector<16xi32>
      tpu.vector_store_idx %arg16[%add3A_815, %add3A_820], %get3A_817 : memref<80x512xf32, #tpu.memory_space<vmem>>[vector<16xi32>, vector<16xi32>], vector<16xf32>,
      %add3A_821 = arith.constant 4 : i32
      %add3A_822 = vector.broadcast %add3A_821 : i32 to vector<16xi32>
      %add3A_823 = arith.addi %shift_right_logical3A_809, %add3A_822 : vector<16xi32>
      %get3A_824 = arith.constant 16 : index
      %get3A_825 = tpu.vector_load %arg19[%get3A_824] {strides = array<i32>} : memref<320xf32, #tpu.memory_space<vmem>>, vector<16xf32>,
      %add3A_826 = arith.constant 508 : i32
      %add3A_827 = vector.broadcast %add3A_826 : i32 to vector<16xi32>
      %add3A_828 = arith.addi %and3A_812, %add3A_827 : vector<16xi32>
      tpu.vector_store_idx %arg16[%add3A_823, %add3A_828], %get3A_825 : memref<80x512xf32, #tpu.memory_space<vmem>>[vector<16xi32>, vector<16xi32>], vector<16xf32>,
      %add3A_829 = arith.constant 8 : i32
      %add3A_830 = vector.broadcast %add3A_829 : i32 to vector<16xi32>
      %add3A_831 = arith.addi %shift_right_logical3A_809, %add3A_830 : vector<16xi32>
      %get3A_832 = arith.constant 32 : index
      %get3A_833 = tpu.vector_load %arg19[%get3A_832] {strides = array<i32>} : memref<320xf32, #tpu.memory_space<vmem>>, vector<16xf32>,
      %add3A_834 = arith.constant 508 : i32
      %add3A_835 = vector.broadcast %add3A_834 : i32 to vector<16xi32>
      %add3A_836 = arith.addi %and3A_812, %add3A_835 : vector<16xi32>
      tpu.vector_store_idx %arg16[%add3A_831, %add3A_836], %get3A_833 : memref<80x512xf32, #tpu.memory_space<vmem>>[vector<16xi32>, vector<16xi32>], vector<16xf32>,
      %add3A_837 = arith.constant 12 : i32
      %add3A_838 = vector.broadcast %add3A_837 : i32 to vector<16xi32>
      %add3A_839 = arith.addi %shift_right_logical3A_809, %add3A_838 : vector<16xi32>
      %get3A_840 = arith.constant 48 : index
      %get3A_841 = tpu.vector_load %arg19[%get3A_840] {strides = array<i32>} : memref<320xf32, #tpu.memory_space<vmem>>, vector<16xf32>,
      %add3A_842 = arith.constant 508 : i32
      %add3A_843 = vector.broadcast %add3A_842 : i32 to vector<16xi32>
      %add3A_844 = arith.addi %and3A_812, %add3A_843 : vector<16xi32>
      tpu.vector_store_idx %arg16[%add3A_839, %add3A_844], %get3A_841 : memref<80x512xf32, #tpu.memory_space<vmem>>[vector<16xi32>, vector<16xi32>], vector<16xf32>,
      %add3A_845 = arith.constant 16 : i32
      %add3A_846 = vector.broadcast %add3A_845 : i32 to vector<16xi32>
      %add3A_847 = arith.addi %shift_right_logical3A_809, %add3A_846 : vector<16xi32>
      %get3A_848 = arith.constant 64 : index
      %get3A_849 = tpu.vector_load %arg19[%get3A_848] {strides = array<i32>} : memref<320xf32, #tpu.memory_space<vmem>>, vector<16xf32>,
      %add3A_850 = arith.constant 508 : i32
      %add3A_851 = vector.broadcast %add3A_850 : i32 to vector<16xi32>
      %add3A_852 = arith.addi %and3A_812, %add3A_851 : vector<16xi32>
      tpu.vector_store_idx %arg16[%add3A_847, %add3A_852], %get3A_849 : memref<80x512xf32, #tpu.memory_space<vmem>>[vector<16xi32>, vector<16xi32>], vector<16xf32>,
      %add3A_853 = arith.constant 20 : i32
      %add3A_854 = vector.broadcast %add3A_853 : i32 to vector<16xi32>
      %add3A_855 = arith.addi %shift_right_logical3A_809, %add3A_854 : vector<16xi32>
      %get3A_856 = arith.constant 80 : index
      %get3A_857 = tpu.vector_load %arg19[%get3A_856] {strides = array<i32>} : memref<320xf32, #tpu.memory_space<vmem>>, vector<16xf32>,
      %add3A_858 = arith.constant 508 : i32
      %add3A_859 = vector.broadcast %add3A_858 : i32 to vector<16xi32>
      %add3A_860 = arith.addi %and3A_812, %add3A_859 : vector<16xi32>
      tpu.vector_store_idx %arg16[%add3A_855, %add3A_860], %get3A_857 : memref<80x512xf32, #tpu.memory_space<vmem>>[vector<16xi32>, vector<16xi32>], vector<16xf32>,
      %add3A_861 = arith.constant 24 : i32
      %add3A_862 = vector.broadcast %add3A_861 : i32 to vector<16xi32>
      %add3A_863 = arith.addi %shift_right_logical3A_809, %add3A_862 : vector<16xi32>
      %get3A_864 = arith.constant 96 : index
      %get3A_865 = tpu.vector_load %arg19[%get3A_864] {strides = array<i32>} : memref<320xf32, #tpu.memory_space<vmem>>, vector<16xf32>,
      %add3A_866 = arith.constant 508 : i32
      %add3A_867 = vector.broadcast %add3A_866 : i32 to vector<16xi32>
      %add3A_868 = arith.addi %and3A_812, %add3A_867 : vector<16xi32>
      tpu.vector_store_idx %arg16[%add3A_863, %add3A_868], %get3A_865 : memref<80x512xf32, #tpu.memory_space<vmem>>[vector<16xi32>, vector<16xi32>], vector<16xf32>,
      %add3A_869 = arith.constant 28 : i32
      %add3A_870 = vector.broadcast %add3A_869 : i32 to vector<16xi32>
      %add3A_871 = arith.addi %shift_right_logical3A_809, %add3A_870 : vector<16xi32>
      %get3A_872 = arith.constant 112 : index
      %get3A_873 = tpu.vector_load %arg19[%get3A_872] {strides = array<i32>} : memref<320xf32, #tpu.memory_space<vmem>>, vector<16xf32>,
      %add3A_874 = arith.constant 508 : i32
      %add3A_875 = vector.broadcast %add3A_874 : i32 to vector<16xi32>
      %add3A_876 = arith.addi %and3A_812, %add3A_875 : vector<16xi32>
      tpu.vector_store_idx %arg16[%add3A_871, %add3A_876], %get3A_873 : memref<80x512xf32, #tpu.memory_space<vmem>>[vector<16xi32>, vector<16xi32>], vector<16xf32>,
      %add3A_877 = arith.constant 32 : i32
      %add3A_878 = vector.broadcast %add3A_877 : i32 to vector<16xi32>
      %add3A_879 = arith.addi %shift_right_logical3A_809, %add3A_878 : vector<16xi32>
      %get3A_880 = arith.constant 128 : index
      %get3A_881 = tpu.vector_load %arg19[%get3A_880] {strides = array<i32>} : memref<320xf32, #tpu.memory_space<vmem>>, vector<16xf32>,
      %add3A_882 = arith.constant 508 : i32
      %add3A_883 = vector.broadcast %add3A_882 : i32 to vector<16xi32>
      %add3A_884 = arith.addi %and3A_812, %add3A_883 : vector<16xi32>
      tpu.vector_store_idx %arg16[%add3A_879, %add3A_884], %get3A_881 : memref<80x512xf32, #tpu.memory_space<vmem>>[vector<16xi32>, vector<16xi32>], vector<16xf32>,
      %add3A_885 = arith.constant 36 : i32
      %add3A_886 = vector.broadcast %add3A_885 : i32 to vector<16xi32>
      %add3A_887 = arith.addi %shift_right_logical3A_809, %add3A_886 : vector<16xi32>
      %get3A_888 = arith.constant 144 : index
      %get3A_889 = tpu.vector_load %arg19[%get3A_888] {strides = array<i32>} : memref<320xf32, #tpu.memory_space<vmem>>, vector<16xf32>,
      %add3A_890 = arith.constant 508 : i32
      %add3A_891 = vector.broadcast %add3A_890 : i32 to vector<16xi32>
      %add3A_892 = arith.addi %and3A_812, %add3A_891 : vector<16xi32>
      tpu.vector_store_idx %arg16[%add3A_887, %add3A_892], %get3A_889 : memref<80x512xf32, #tpu.memory_space<vmem>>[vector<16xi32>, vector<16xi32>], vector<16xf32>,
      %add3A_893 = arith.constant 40 : i32
      %add3A_894 = vector.broadcast %add3A_893 : i32 to vector<16xi32>
      %add3A_895 = arith.addi %shift_right_logical3A_809, %add3A_894 : vector<16xi32>
      %get3A_896 = arith.constant 160 : index
      %get3A_897 = tpu.vector_load %arg19[%get3A_896] {strides = array<i32>} : memref<320xf32, #tpu.memory_space<vmem>>, vector<16xf32>,
      %add3A_898 = arith.constant 508 : i32
      %add3A_899 = vector.broadcast %add3A_898 : i32 to vector<16xi32>
      %add3A_900 = arith.addi %and3A_812, %add3A_899 : vector<16xi32>
      tpu.vector_store_idx %arg16[%add3A_895, %add3A_900], %get3A_897 : memref<80x512xf32, #tpu.memory_space<vmem>>[vector<16xi32>, vector<16xi32>], vector<16xf32>,
      %add3A_901 = arith.constant 44 : i32
      %add3A_902 = vector.broadcast %add3A_901 : i32 to vector<16xi32>
      %add3A_903 = arith.addi %shift_right_logical3A_809, %add3A_902 : vector<16xi32>
      %get3A_904 = arith.constant 176 : index
      %get3A_905 = tpu.vector_load %arg19[%get3A_904] {strides = array<i32>} : memref<320xf32, #tpu.memory_space<vmem>>, vector<16xf32>,
      %add3A_906 = arith.constant 508 : i32
      %add3A_907 = vector.broadcast %add3A_906 : i32 to vector<16xi32>
      %add3A_908 = arith.addi %and3A_812, %add3A_907 : vector<16xi32>
      tpu.vector_store_idx %arg16[%add3A_903, %add3A_908], %get3A_905 : memref<80x512xf32, #tpu.memory_space<vmem>>[vector<16xi32>, vector<16xi32>], vector<16xf32>,
      %add3A_909 = arith.constant 48 : i32
      %add3A_910 = vector.broadcast %add3A_909 : i32 to vector<16xi32>
      %add3A_911 = arith.addi %shift_right_logical3A_809, %add3A_910 : vector<16xi32>
      %get3A_912 = arith.constant 192 : index
      %get3A_913 = tpu.vector_load %arg19[%get3A_912] {strides = array<i32>} : memref<320xf32, #tpu.memory_space<vmem>>, vector<16xf32>,
      %add3A_914 = arith.constant 508 : i32
      %add3A_915 = vector.broadcast %add3A_914 : i32 to vector<16xi32>
      %add3A_916 = arith.addi %and3A_812, %add3A_915 : vector<16xi32>
      tpu.vector_store_idx %arg16[%add3A_911, %add3A_916], %get3A_913 : memref<80x512xf32, #tpu.memory_space<vmem>>[vector<16xi32>, vector<16xi32>], vector<16xf32>,
      %add3A_917 = arith.constant 52 : i32
      %add3A_918 = vector.broadcast %add3A_917 : i32 to vector<16xi32>
      %add3A_919 = arith.addi %shift_right_logical3A_809, %add3A_918 : vector<16xi32>
      %get3A_920 = arith.constant 208 : index
      %get3A_921 = tpu.vector_load %arg19[%get3A_920] {strides = array<i32>} : memref<320xf32, #tpu.memory_space<vmem>>, vector<16xf32>,
      %add3A_922 = arith.constant 508 : i32
      %add3A_923 = vector.broadcast %add3A_922 : i32 to vector<16xi32>
      %add3A_924 = arith.addi %and3A_812, %add3A_923 : vector<16xi32>
      tpu.vector_store_idx %arg16[%add3A_919, %add3A_924], %get3A_921 : memref<80x512xf32, #tpu.memory_space<vmem>>[vector<16xi32>, vector<16xi32>], vector<16xf32>,
      %add3A_925 = arith.constant 56 : i32
      %add3A_926 = vector.broadcast %add3A_925 : i32 to vector<16xi32>
      %add3A_927 = arith.addi %shift_right_logical3A_809, %add3A_926 : vector<16xi32>
      %get3A_928 = arith.constant 224 : index
      %get3A_929 = tpu.vector_load %arg19[%get3A_928] {strides = array<i32>} : memref<320xf32, #tpu.memory_space<vmem>>, vector<16xf32>,
      %add3A_930 = arith.constant 508 : i32
      %add3A_931 = vector.broadcast %add3A_930 : i32 to vector<16xi32>
      %add3A_932 = arith.addi %and3A_812, %add3A_931 : vector<16xi32>
      tpu.vector_store_idx %arg16[%add3A_927, %add3A_932], %get3A_929 : memref<80x512xf32, #tpu.memory_space<vmem>>[vector<16xi32>, vector<16xi32>], vector<16xf32>,
      %add3A_933 = arith.constant 60 : i32
      %add3A_934 = vector.broadcast %add3A_933 : i32 to vector<16xi32>
      %add3A_935 = arith.addi %shift_right_logical3A_809, %add3A_934 : vector<16xi32>
      %get3A_936 = arith.constant 240 : index
      %get3A_937 = tpu.vector_load %arg19[%get3A_936] {strides = array<i32>} : memref<320xf32, #tpu.memory_space<vmem>>, vector<16xf32>,
      %add3A_938 = arith.constant 508 : i32
      %add3A_939 = vector.broadcast %add3A_938 : i32 to vector<16xi32>
      %add3A_940 = arith.addi %and3A_812, %add3A_939 : vector<16xi32>
      tpu.vector_store_idx %arg16[%add3A_935, %add3A_940], %get3A_937 : memref<80x512xf32, #tpu.memory_space<vmem>>[vector<16xi32>, vector<16xi32>], vector<16xf32>,
      %add3A_941 = arith.constant 64 : i32
      %add3A_942 = vector.broadcast %add3A_941 : i32 to vector<16xi32>
      %add3A_943 = arith.addi %shift_right_logical3A_809, %add3A_942 : vector<16xi32>
      %get3A_944 = arith.constant 256 : index
      %get3A_945 = tpu.vector_load %arg19[%get3A_944] {strides = array<i32>} : memref<320xf32, #tpu.memory_space<vmem>>, vector<16xf32>,
      %add3A_946 = arith.constant 508 : i32
      %add3A_947 = vector.broadcast %add3A_946 : i32 to vector<16xi32>
      %add3A_948 = arith.addi %and3A_812, %add3A_947 : vector<16xi32>
      tpu.vector_store_idx %arg16[%add3A_943, %add3A_948], %get3A_945 : memref<80x512xf32, #tpu.memory_space<vmem>>[vector<16xi32>, vector<16xi32>], vector<16xf32>,
      %add3A_949 = arith.constant 68 : i32
      %add3A_950 = vector.broadcast %add3A_949 : i32 to vector<16xi32>
      %add3A_951 = arith.addi %shift_right_logical3A_809, %add3A_950 : vector<16xi32>
      %get3A_952 = arith.constant 272 : index
      %get3A_953 = tpu.vector_load %arg19[%get3A_952] {strides = array<i32>} : memref<320xf32, #tpu.memory_space<vmem>>, vector<16xf32>,
      %add3A_954 = arith.constant 508 : i32
      %add3A_955 = vector.broadcast %add3A_954 : i32 to vector<16xi32>
      %add3A_956 = arith.addi %and3A_812, %add3A_955 : vector<16xi32>
      tpu.vector_store_idx %arg16[%add3A_951, %add3A_956], %get3A_953 : memref<80x512xf32, #tpu.memory_space<vmem>>[vector<16xi32>, vector<16xi32>], vector<16xf32>,
      %add3A_957 = arith.constant 72 : i32
      %add3A_958 = vector.broadcast %add3A_957 : i32 to vector<16xi32>
      %add3A_959 = arith.addi %shift_right_logical3A_809, %add3A_958 : vector<16xi32>
      %get3A_960 = arith.constant 288 : index
      %get3A_961 = tpu.vector_load %arg19[%get3A_960] {strides = array<i32>} : memref<320xf32, #tpu.memory_space<vmem>>, vector<16xf32>,
      %add3A_962 = arith.constant 508 : i32
      %add3A_963 = vector.broadcast %add3A_962 : i32 to vector<16xi32>
      %add3A_964 = arith.addi %and3A_812, %add3A_963 : vector<16xi32>
      tpu.vector_store_idx %arg16[%add3A_959, %add3A_964], %get3A_961 : memref<80x512xf32, #tpu.memory_space<vmem>>[vector<16xi32>, vector<16xi32>], vector<16xf32>,
      %add3A_965 = arith.constant 76 : i32
      %add3A_966 = vector.broadcast %add3A_965 : i32 to vector<16xi32>
      %add3A_967 = arith.addi %shift_right_logical3A_809, %add3A_966 : vector<16xi32>
      %get3A_968 = arith.constant 304 : index
      %get3A_969 = tpu.vector_load %arg19[%get3A_968] {strides = array<i32>} : memref<320xf32, #tpu.memory_space<vmem>>, vector<16xf32>,
      %add3A_970 = arith.constant 508 : i32
      %add3A_971 = vector.broadcast %add3A_970 : i32 to vector<16xi32>
      %add3A_972 = arith.addi %and3A_812, %add3A_971 : vector<16xi32>
      tpu.vector_store_idx %arg16[%add3A_967, %add3A_972], %get3A_969 : memref<80x512xf32, #tpu.memory_space<vmem>>[vector<16xi32>, vector<16xi32>], vector<16xf32>,
      %mul3A_973 = arith.constant 80 : i32
      %mul3A_974 = arith.muli %add3A_762, %mul3A_973 : i32
      %add3A_975 = arith.addi %mul3A_2, %mul3A_974 : i32
      %dma_start3A_976 = arith.constant 0 : i32
      %dma_start3A_977 = tpu.memref_slice %arg7[%add3A_975, %dma_start3A_976] : memref<204800x512xf32, #tpu.memory_space<hbm>> -> memref<80x512xf32, #tpu.memory_space<hbm>>
      %dma_start3A_978 = arith.constant 0 : i32
      %dma_start3A_979 = tpu.memref_slice %arg7[%add3A_975, %dma_start3A_978] : memref<204800x512xf32, #tpu.memory_space<hbm>> -> memref<80x512xf32, #tpu.memory_space<hbm>>
      tpu.enqueue_dma source(%arg16 : memref<80x512xf32, #tpu.memory_space<vmem>>) target(%dma_start3A_979 : memref<80x512xf32, #tpu.memory_space<hbm>>) target_semaphore(%arg28 : memref<!tpu.dma_semaphore, #tpu.memory_space<semaphore_mem>>)
      %dma_wait3A_980 = arith.constant 0 : i32
      %dma_wait3A_981 = arith.constant 0 : i32
      %dma_wait3A_982 = tpu.memref_slice %arg7[%dma_wait3A_980, %dma_wait3A_981] : memref<204800x512xf32, #tpu.memory_space<hbm>> -> memref<80x512xf32, #tpu.memory_space<hbm>>
      %dma_wait3A_983 = arith.constant 0 : i32
      %dma_wait3A_984 = arith.constant 0 : i32
      %dma_wait3A_985 = tpu.memref_slice %arg7[%dma_wait3A_983, %dma_wait3A_984] : memref<204800x512xf32, #tpu.memory_space<hbm>> -> memref<80x512xf32, #tpu.memory_space<hbm>>
      tpu.wait_dma2 semaphore(%arg27 : memref<!tpu.dma_semaphore, #tpu.memory_space<semaphore_mem>>) src(%arg15 : memref<80x512xf32, #tpu.memory_space<vmem>>) dst(%dma_wait3A_985 : memref<80x512xf32, #tpu.memory_space<hbm>>)
      %dma_wait3A_986 = arith.constant 0 : i32
      %dma_wait3A_987 = tpu.memref_slice %arg2[%dma_wait3A_986] : memref<204800xi32, #tpu.memory_space<hbm>> -> memref<80xi32, #tpu.memory_space<hbm>>
      %dma_wait3A_988 = arith.constant 0 : i32
      %dma_wait3A_989 = tpu.memref_slice %arg2[%dma_wait3A_988] : memref<204800xi32, #tpu.memory_space<hbm>> -> memref<80xi32, #tpu.memory_space<hbm>>
      tpu.wait_dma2 semaphore(%arg24 : memref<!tpu.dma_semaphore, #tpu.memory_space<semaphore_mem>>) src(%dma_wait3A_989 : memref<80xi32, #tpu.memory_space<hbm>>) dst(%arg10 : memref<80xi32, #tpu.memory_space<vmem>>)
      %dma_wait3A_990 = arith.constant 0 : i32
      %dma_wait3A_991 = tpu.memref_slice %arg3[%dma_wait3A_990] : memref<204800xi32, #tpu.memory_space<hbm>> -> memref<80xi32, #tpu.memory_space<hbm>>
      %dma_wait3A_992 = arith.constant 0 : i32
      %dma_wait3A_993 = tpu.memref_slice %arg3[%dma_wait3A_992] : memref<204800xi32, #tpu.memory_space<hbm>> -> memref<80xi32, #tpu.memory_space<hbm>>
      tpu.wait_dma2 semaphore(%arg24 : memref<!tpu.dma_semaphore, #tpu.memory_space<semaphore_mem>>) src(%dma_wait3A_993 : memref<80xi32, #tpu.memory_space<hbm>>) dst(%arg11 : memref<80xi32, #tpu.memory_space<vmem>>)
      %add3A_994 = arith.constant 2 : i32
      %add3A_995 = arith.addi %add3A_762, %add3A_994 : i32
      %mul3A_996 = arith.constant 80 : i32
      %mul3A_997 = arith.muli %add3A_995, %mul3A_996 : i32
      %add3A_998 = arith.addi %mul3A_2, %mul3A_997 : i32
      %dma_start3A_999 = arith.constant 0 : i32
      %dma_start3A_1000 = arith.constant 0 : i32
      %dma_start3A_1001 = tpu.memref_slice %arg15[%dma_start3A_999, %dma_start3A_1000] : memref<80x512xf32, #tpu.memory_space<vmem>> -> memref<80x256xf32, #tpu.memory_space<vmem>>
      %dma_start3A_1002 = arith.constant 0 : i32
      %dma_start3A_1003 = arith.constant 0 : i32
      %dma_start3A_1004 = tpu.memref_slice %arg5[%dma_start3A_1002, %dma_start3A_1003] : memref<100000x256xf32, #tpu.memory_space<hbm>> -> memref<100000x256xf32, #tpu.memory_space<hbm>>
      tpu.enqueue_indirect_dma source(%dma_start3A_1004 : memref<100000x256xf32, #tpu.memory_space<hbm>>) target(%dma_start3A_1001 : memref<80x256xf32, #tpu.memory_space<vmem>>) offsets(%arg10 : memref<80xi32, #tpu.memory_space<vmem>>) semaphore(%arg21 : memref<!tpu.dma_semaphore, #tpu.memory_space<semaphore_mem>>)
      %dma_start3A_1005 = arith.constant 0 : i32
      %dma_start3A_1006 = arith.constant 256 : i32
      %dma_start3A_1007 = tpu.memref_slice %arg15[%dma_start3A_1005, %dma_start3A_1006] : memref<80x512xf32, #tpu.memory_space<vmem>> -> memref<80x256xf32, #tpu.memory_space<vmem>>
      %dma_start3A_1008 = arith.constant 0 : i32
      %dma_start3A_1009 = arith.constant 0 : i32
      %dma_start3A_1010 = tpu.memref_slice %arg6[%dma_start3A_1008, %dma_start3A_1009] : memref<100000x256xf32, #tpu.memory_space<hbm>> -> memref<100000x256xf32, #tpu.memory_space<hbm>>
      tpu.enqueue_indirect_dma source(%dma_start3A_1010 : memref<100000x256xf32, #tpu.memory_space<hbm>>) target(%dma_start3A_1007 : memref<80x256xf32, #tpu.memory_space<vmem>>) offsets(%arg11 : memref<80xi32, #tpu.memory_space<vmem>>) semaphore(%arg21 : memref<!tpu.dma_semaphore, #tpu.memory_space<semaphore_mem>>)
      %mul3A_1011 = arith.constant 4 : i32
      %mul3A_1012 = arith.muli %add3A_998, %mul3A_1011 : i32
      %dma_start3A_1013 = tpu.memref_slice %arg4[%mul3A_1012] : memref<819200xf32, #tpu.memory_space<hbm>> -> memref<320xf32, #tpu.memory_space<hbm>>
      %dma_start3A_1014 = tpu.memref_slice %arg4[%mul3A_1012] : memref<819200xf32, #tpu.memory_space<hbm>> -> memref<320xf32, #tpu.memory_space<hbm>>
      tpu.enqueue_dma source(%dma_start3A_1014 : memref<320xf32, #tpu.memory_space<hbm>>) target(%arg18 : memref<320xf32, #tpu.memory_space<vmem>>) target_semaphore(%arg21 : memref<!tpu.dma_semaphore, #tpu.memory_space<semaphore_mem>>)
    }
    %scan3A_69 = arith.constant 26 : i32
    %dma_wait3A_70 = arith.constant 0 : i32
    %dma_wait3A_71 = arith.constant 0 : i32
    %dma_wait3A_72 = tpu.memref_slice %arg14[%dma_wait3A_70, %dma_wait3A_71] : memref<80x512xf32, #tpu.memory_space<vmem>> -> memref<80x256xf32, #tpu.memory_space<vmem>>
    %dma_wait3A_73 = arith.constant 0 : i32
    %dma_wait3A_74 = arith.constant 0 : i32
    %dma_wait3A_75 = tpu.memref_slice %arg7[%dma_wait3A_73, %dma_wait3A_74] : memref<204800x512xf32, #tpu.memory_space<hbm>> -> memref<80x256xf32, #tpu.memory_space<hbm>>
    %dma_wait3A_76 = arith.constant 0 : i32
    %dma_wait3A_77 = arith.constant 0 : i32
    %dma_wait3A_78 = tpu.memref_slice %arg14[%dma_wait3A_76, %dma_wait3A_77] : memref<80x512xf32, #tpu.memory_space<vmem>> -> memref<80x256xf32, #tpu.memory_space<vmem>>
    %dma_wait3A_79 = arith.constant 0 : i32
    %dma_wait3A_80 = arith.constant 0 : i32
    %dma_wait3A_81 = tpu.memref_slice %arg7[%dma_wait3A_79, %dma_wait3A_80] : memref<204800x512xf32, #tpu.memory_space<hbm>> -> memref<80x256xf32, #tpu.memory_space<hbm>>
    tpu.wait_dma2 semaphore(%arg20 : memref<!tpu.dma_semaphore, #tpu.memory_space<semaphore_mem>>) src(%dma_wait3A_81 : memref<80x256xf32, #tpu.memory_space<hbm>>) dst(%dma_wait3A_78 : memref<80x256xf32, #tpu.memory_space<vmem>>)
    %dma_wait3A_82 = arith.constant 0 : i32
    %dma_wait3A_83 = arith.constant 256 : i32
    %dma_wait3A_84 = tpu.memref_slice %arg14[%dma_wait3A_82, %dma_wait3A_83] : memref<80x512xf32, #tpu.memory_space<vmem>> -> memref<80x256xf32, #tpu.memory_space<vmem>>
    %dma_wait3A_85 = arith.constant 0 : i32
    %dma_wait3A_86 = arith.constant 0 : i32
    %dma_wait3A_87 = tpu.memref_slice %arg7[%dma_wait3A_85, %dma_wait3A_86] : memref<204800x512xf32, #tpu.memory_space<hbm>> -> memref<80x256xf32, #tpu.memory_space<hbm>>
    %dma_wait3A_88 = arith.constant 0 : i32
    %dma_wait3A_89 = arith.constant 256 : i32
    %dma_wait3A_90 = tpu.memref_slice %arg14[%dma_wait3A_88, %dma_wait3A_89] : memref<80x512xf32, #tpu.memory_space<vmem>> -> memref<80x256xf32, #tpu.memory_space<vmem>>
    %dma_wait3A_91 = arith.constant 0 : i32
    %dma_wait3A_92 = arith.constant 0 : i32
    %dma_wait3A_93 = tpu.memref_slice %arg7[%dma_wait3A_91, %dma_wait3A_92] : memref<204800x512xf32, #tpu.memory_space<hbm>> -> memref<80x256xf32, #tpu.memory_space<hbm>>
    tpu.wait_dma2 semaphore(%arg20 : memref<!tpu.dma_semaphore, #tpu.memory_space<semaphore_mem>>) src(%dma_wait3A_93 : memref<80x256xf32, #tpu.memory_space<hbm>>) dst(%dma_wait3A_90 : memref<80x256xf32, #tpu.memory_space<vmem>>)
    %dma_wait3A_94 = arith.constant 0 : i32
    %dma_wait3A_95 = tpu.memref_slice %arg4[%dma_wait3A_94] : memref<819200xf32, #tpu.memory_space<hbm>> -> memref<320xf32, #tpu.memory_space<hbm>>
    %dma_wait3A_96 = arith.constant 0 : i32
    %dma_wait3A_97 = tpu.memref_slice %arg4[%dma_wait3A_96] : memref<819200xf32, #tpu.memory_space<hbm>> -> memref<320xf32, #tpu.memory_space<hbm>>
    tpu.wait_dma2 semaphore(%arg20 : memref<!tpu.dma_semaphore, #tpu.memory_space<semaphore_mem>>) src(%dma_wait3A_97 : memref<320xf32, #tpu.memory_space<hbm>>) dst(%arg17 : memref<320xf32, #tpu.memory_space<vmem>>)
    %iota3A = tpu.iota {dimensions = array<i32: 0>} : vector<16xi32>
    %scan3A_98 = arith.constant 0 : i32
    %scan3A_99 = arith.constant 0 : i32
    %scan3A_100 = arith.constant 80 : i32
    %scan3A_101 = arith.addi %scan3A_99, %scan3A_100 : i32
    %scan3A_102 = arith.constant 1 : i32
    scf.for %scan3A_498 = %scan3A_99 to %scan3A_101 step %scan3A_102  : i32 {
      %broadcast_in_dim3A = vector.broadcast %scan3A_498 : i32 to vector<16xi32>
      %get3A_499 = arith.index_cast %scan3A_498 : i32 to index
      %get3A_500 = arith.constant 256 : index
      %get3A_501 = tpu.vector_load %arg14[%get3A_499, %get3A_500] {strides = array<i32>} : memref<80x512xf32, #tpu.memory_space<vmem>>, vector<16xf32>,
      %add3A_502 = arith.constant 252 : i32
      %add3A_503 = vector.broadcast %add3A_502 : i32 to vector<16xi32>
      %add3A_504 = arith.addi %iota3A, %add3A_503 : vector<16xi32>
      tpu.vector_store_idx %arg14[%broadcast_in_dim3A, %add3A_504], %get3A_501 : memref<80x512xf32, #tpu.memory_space<vmem>>[vector<16xi32>, vector<16xi32>], vector<16xf32>,
      %get3A_505 = arith.index_cast %scan3A_498 : i32 to index
      %get3A_506 = arith.constant 272 : index
      %get3A_507 = tpu.vector_load %arg14[%get3A_505, %get3A_506] {strides = array<i32>} : memref<80x512xf32, #tpu.memory_space<vmem>>, vector<16xf32>,
      %add3A_508 = arith.constant 268 : i32
      %add3A_509 = vector.broadcast %add3A_508 : i32 to vector<16xi32>
      %add3A_510 = arith.addi %iota3A, %add3A_509 : vector<16xi32>
      tpu.vector_store_idx %arg14[%broadcast_in_dim3A, %add3A_510], %get3A_507 : memref<80x512xf32, #tpu.memory_space<vmem>>[vector<16xi32>, vector<16xi32>], vector<16xf32>,
      %get3A_511 = arith.index_cast %scan3A_498 : i32 to index
      %get3A_512 = arith.constant 288 : index
      %get3A_513 = tpu.vector_load %arg14[%get3A_511, %get3A_512] {strides = array<i32>} : memref<80x512xf32, #tpu.memory_space<vmem>>, vector<16xf32>,
      %add3A_514 = arith.constant 284 : i32
      %add3A_515 = vector.broadcast %add3A_514 : i32 to vector<16xi32>
      %add3A_516 = arith.addi %iota3A, %add3A_515 : vector<16xi32>
      tpu.vector_store_idx %arg14[%broadcast_in_dim3A, %add3A_516], %get3A_513 : memref<80x512xf32, #tpu.memory_space<vmem>>[vector<16xi32>, vector<16xi32>], vector<16xf32>,
      %get3A_517 = arith.index_cast %scan3A_498 : i32 to index
      %get3A_518 = arith.constant 304 : index
      %get3A_519 = tpu.vector_load %arg14[%get3A_517, %get3A_518] {strides = array<i32>} : memref<80x512xf32, #tpu.memory_space<vmem>>, vector<16xf32>,
      %add3A_520 = arith.constant 300 : i32
      %add3A_521 = vector.broadcast %add3A_520 : i32 to vector<16xi32>
      %add3A_522 = arith.addi %iota3A, %add3A_521 : vector<16xi32>
      tpu.vector_store_idx %arg14[%broadcast_in_dim3A, %add3A_522], %get3A_519 : memref<80x512xf32, #tpu.memory_space<vmem>>[vector<16xi32>, vector<16xi32>], vector<16xf32>,
      %get3A_523 = arith.index_cast %scan3A_498 : i32 to index
      %get3A_524 = arith.constant 320 : index
      %get3A_525 = tpu.vector_load %arg14[%get3A_523, %get3A_524] {strides = array<i32>} : memref<80x512xf32, #tpu.memory_space<vmem>>, vector<16xf32>,
      %add3A_526 = arith.constant 316 : i32
      %add3A_527 = vector.broadcast %add3A_526 : i32 to vector<16xi32>
      %add3A_528 = arith.addi %iota3A, %add3A_527 : vector<16xi32>
      tpu.vector_store_idx %arg14[%broadcast_in_dim3A, %add3A_528], %get3A_525 : memref<80x512xf32, #tpu.memory_space<vmem>>[vector<16xi32>, vector<16xi32>], vector<16xf32>,
      %get3A_529 = arith.index_cast %scan3A_498 : i32 to index
      %get3A_530 = arith.constant 336 : index
      %get3A_531 = tpu.vector_load %arg14[%get3A_529, %get3A_530] {strides = array<i32>} : memref<80x512xf32, #tpu.memory_space<vmem>>, vector<16xf32>,
      %add3A_532 = arith.constant 332 : i32
      %add3A_533 = vector.broadcast %add3A_532 : i32 to vector<16xi32>
      %add3A_534 = arith.addi %iota3A, %add3A_533 : vector<16xi32>
      tpu.vector_store_idx %arg14[%broadcast_in_dim3A, %add3A_534], %get3A_531 : memref<80x512xf32, #tpu.memory_space<vmem>>[vector<16xi32>, vector<16xi32>], vector<16xf32>,
      %get3A_535 = arith.index_cast %scan3A_498 : i32 to index
      %get3A_536 = arith.constant 352 : index
      %get3A_537 = tpu.vector_load %arg14[%get3A_535, %get3A_536] {strides = array<i32>} : memref<80x512xf32, #tpu.memory_space<vmem>>, vector<16xf32>,
      %add3A_538 = arith.constant 348 : i32
      %add3A_539 = vector.broadcast %add3A_538 : i32 to vector<16xi32>
      %add3A_540 = arith.addi %iota3A, %add3A_539 : vector<16xi32>
      tpu.vector_store_idx %arg14[%broadcast_in_dim3A, %add3A_540], %get3A_537 : memref<80x512xf32, #tpu.memory_space<vmem>>[vector<16xi32>, vector<16xi32>], vector<16xf32>,
      %get3A_541 = arith.index_cast %scan3A_498 : i32 to index
      %get3A_542 = arith.constant 368 : index
      %get3A_543 = tpu.vector_load %arg14[%get3A_541, %get3A_542] {strides = array<i32>} : memref<80x512xf32, #tpu.memory_space<vmem>>, vector<16xf32>,
      %add3A_544 = arith.constant 364 : i32
      %add3A_545 = vector.broadcast %add3A_544 : i32 to vector<16xi32>
      %add3A_546 = arith.addi %iota3A, %add3A_545 : vector<16xi32>
      tpu.vector_store_idx %arg14[%broadcast_in_dim3A, %add3A_546], %get3A_543 : memref<80x512xf32, #tpu.memory_space<vmem>>[vector<16xi32>, vector<16xi32>], vector<16xf32>,
      %get3A_547 = arith.index_cast %scan3A_498 : i32 to index
      %get3A_548 = arith.constant 384 : index
      %get3A_549 = tpu.vector_load %arg14[%get3A_547, %get3A_548] {strides = array<i32>} : memref<80x512xf32, #tpu.memory_space<vmem>>, vector<16xf32>,
      %add3A_550 = arith.constant 380 : i32
      %add3A_551 = vector.broadcast %add3A_550 : i32 to vector<16xi32>
      %add3A_552 = arith.addi %iota3A, %add3A_551 : vector<16xi32>
      tpu.vector_store_idx %arg14[%broadcast_in_dim3A, %add3A_552], %get3A_549 : memref<80x512xf32, #tpu.memory_space<vmem>>[vector<16xi32>, vector<16xi32>], vector<16xf32>,
      %get3A_553 = arith.index_cast %scan3A_498 : i32 to index
      %get3A_554 = arith.constant 400 : index
      %get3A_555 = tpu.vector_load %arg14[%get3A_553, %get3A_554] {strides = array<i32>} : memref<80x512xf32, #tpu.memory_space<vmem>>, vector<16xf32>,
      %add3A_556 = arith.constant 396 : i32
      %add3A_557 = vector.broadcast %add3A_556 : i32 to vector<16xi32>
      %add3A_558 = arith.addi %iota3A, %add3A_557 : vector<16xi32>
      tpu.vector_store_idx %arg14[%broadcast_in_dim3A, %add3A_558], %get3A_555 : memref<80x512xf32, #tpu.memory_space<vmem>>[vector<16xi32>, vector<16xi32>], vector<16xf32>,
      %get3A_559 = arith.index_cast %scan3A_498 : i32 to index
      %get3A_560 = arith.constant 416 : index
      %get3A_561 = tpu.vector_load %arg14[%get3A_559, %get3A_560] {strides = array<i32>} : memref<80x512xf32, #tpu.memory_space<vmem>>, vector<16xf32>,
      %add3A_562 = arith.constant 412 : i32
      %add3A_563 = vector.broadcast %add3A_562 : i32 to vector<16xi32>
      %add3A_564 = arith.addi %iota3A, %add3A_563 : vector<16xi32>
      tpu.vector_store_idx %arg14[%broadcast_in_dim3A, %add3A_564], %get3A_561 : memref<80x512xf32, #tpu.memory_space<vmem>>[vector<16xi32>, vector<16xi32>], vector<16xf32>,
      %get3A_565 = arith.index_cast %scan3A_498 : i32 to index
      %get3A_566 = arith.constant 432 : index
      %get3A_567 = tpu.vector_load %arg14[%get3A_565, %get3A_566] {strides = array<i32>} : memref<80x512xf32, #tpu.memory_space<vmem>>, vector<16xf32>,
      %add3A_568 = arith.constant 428 : i32
      %add3A_569 = vector.broadcast %add3A_568 : i32 to vector<16xi32>
      %add3A_570 = arith.addi %iota3A, %add3A_569 : vector<16xi32>
      tpu.vector_store_idx %arg14[%broadcast_in_dim3A, %add3A_570], %get3A_567 : memref<80x512xf32, #tpu.memory_space<vmem>>[vector<16xi32>, vector<16xi32>], vector<16xf32>,
      %get3A_571 = arith.index_cast %scan3A_498 : i32 to index
      %get3A_572 = arith.constant 448 : index
      %get3A_573 = tpu.vector_load %arg14[%get3A_571, %get3A_572] {strides = array<i32>} : memref<80x512xf32, #tpu.memory_space<vmem>>, vector<16xf32>,
      %add3A_574 = arith.constant 444 : i32
      %add3A_575 = vector.broadcast %add3A_574 : i32 to vector<16xi32>
      %add3A_576 = arith.addi %iota3A, %add3A_575 : vector<16xi32>
      tpu.vector_store_idx %arg14[%broadcast_in_dim3A, %add3A_576], %get3A_573 : memref<80x512xf32, #tpu.memory_space<vmem>>[vector<16xi32>, vector<16xi32>], vector<16xf32>,
      %get3A_577 = arith.index_cast %scan3A_498 : i32 to index
      %get3A_578 = arith.constant 464 : index
      %get3A_579 = tpu.vector_load %arg14[%get3A_577, %get3A_578] {strides = array<i32>} : memref<80x512xf32, #tpu.memory_space<vmem>>, vector<16xf32>,
      %add3A_580 = arith.constant 460 : i32
      %add3A_581 = vector.broadcast %add3A_580 : i32 to vector<16xi32>
      %add3A_582 = arith.addi %iota3A, %add3A_581 : vector<16xi32>
      tpu.vector_store_idx %arg14[%broadcast_in_dim3A, %add3A_582], %get3A_579 : memref<80x512xf32, #tpu.memory_space<vmem>>[vector<16xi32>, vector<16xi32>], vector<16xf32>,
      %get3A_583 = arith.index_cast %scan3A_498 : i32 to index
      %get3A_584 = arith.constant 480 : index
      %get3A_585 = tpu.vector_load %arg14[%get3A_583, %get3A_584] {strides = array<i32>} : memref<80x512xf32, #tpu.memory_space<vmem>>, vector<16xf32>,
      %add3A_586 = arith.constant 476 : i32
      %add3A_587 = vector.broadcast %add3A_586 : i32 to vector<16xi32>
      %add3A_588 = arith.addi %iota3A, %add3A_587 : vector<16xi32>
      tpu.vector_store_idx %arg14[%broadcast_in_dim3A, %add3A_588], %get3A_585 : memref<80x512xf32, #tpu.memory_space<vmem>>[vector<16xi32>, vector<16xi32>], vector<16xf32>,
      %get3A_589 = arith.index_cast %scan3A_498 : i32 to index
      %get3A_590 = arith.constant 496 : index
      %get3A_591 = tpu.vector_load %arg14[%get3A_589, %get3A_590] {strides = array<i32>} : memref<80x512xf32, #tpu.memory_space<vmem>>, vector<16xf32>,
      %add3A_592 = arith.constant 492 : i32
      %add3A_593 = vector.broadcast %add3A_592 : i32 to vector<16xi32>
      %add3A_594 = arith.addi %iota3A, %add3A_593 : vector<16xi32>
      tpu.vector_store_idx %arg14[%broadcast_in_dim3A, %add3A_594], %get3A_591 : memref<80x512xf32, #tpu.memory_space<vmem>>[vector<16xi32>, vector<16xi32>], vector<16xf32>,
    }
    %scan3A_103 = arith.constant 80 : i32
    %shift_right_logical3A = arith.constant 2 : i32
    %shift_right_logical3A_104 = vector.broadcast %shift_right_logical3A : i32 to vector<16xi32>
    %shift_right_logical3A_105 = arith.shrui %iota3A, %shift_right_logical3A_104 : vector<16xi32>
    %and3A = arith.constant 3 : i32
    %and3A_106 = vector.broadcast %and3A : i32 to vector<16xi32>
    %and3A_107 = arith.andi %iota3A, %and3A_106 : vector<16xi32>
    %add3A_108 = arith.constant 0 : i32
    %add3A_109 = vector.broadcast %add3A_108 : i32 to vector<16xi32>
    %add3A_110 = arith.addi %shift_right_logical3A_105, %add3A_109 : vector<16xi32>
    %get3A = arith.constant 0 : index
    %get3A_111 = tpu.vector_load %arg17[%get3A] {strides = array<i32>} : memref<320xf32, #tpu.memory_space<vmem>>, vector<16xf32>,
    %add3A_112 = arith.constant 508 : i32
    %add3A_113 = vector.broadcast %add3A_112 : i32 to vector<16xi32>
    %add3A_114 = arith.addi %and3A_107, %add3A_113 : vector<16xi32>
    tpu.vector_store_idx %arg14[%add3A_110, %add3A_114], %get3A_111 : memref<80x512xf32, #tpu.memory_space<vmem>>[vector<16xi32>, vector<16xi32>], vector<16xf32>,
    %add3A_115 = arith.constant 4 : i32
    %add3A_116 = vector.broadcast %add3A_115 : i32 to vector<16xi32>
    %add3A_117 = arith.addi %shift_right_logical3A_105, %add3A_116 : vector<16xi32>
    %get3A_118 = arith.constant 16 : index
    %get3A_119 = tpu.vector_load %arg17[%get3A_118] {strides = array<i32>} : memref<320xf32, #tpu.memory_space<vmem>>, vector<16xf32>,
    %add3A_120 = arith.constant 508 : i32
    %add3A_121 = vector.broadcast %add3A_120 : i32 to vector<16xi32>
    %add3A_122 = arith.addi %and3A_107, %add3A_121 : vector<16xi32>
    tpu.vector_store_idx %arg14[%add3A_117, %add3A_122], %get3A_119 : memref<80x512xf32, #tpu.memory_space<vmem>>[vector<16xi32>, vector<16xi32>], vector<16xf32>,
    %add3A_123 = arith.constant 8 : i32
    %add3A_124 = vector.broadcast %add3A_123 : i32 to vector<16xi32>
    %add3A_125 = arith.addi %shift_right_logical3A_105, %add3A_124 : vector<16xi32>
    %get3A_126 = arith.constant 32 : index
    %get3A_127 = tpu.vector_load %arg17[%get3A_126] {strides = array<i32>} : memref<320xf32, #tpu.memory_space<vmem>>, vector<16xf32>,
    %add3A_128 = arith.constant 508 : i32
    %add3A_129 = vector.broadcast %add3A_128 : i32 to vector<16xi32>
    %add3A_130 = arith.addi %and3A_107, %add3A_129 : vector<16xi32>
    tpu.vector_store_idx %arg14[%add3A_125, %add3A_130], %get3A_127 : memref<80x512xf32, #tpu.memory_space<vmem>>[vector<16xi32>, vector<16xi32>], vector<16xf32>,
    %add3A_131 = arith.constant 12 : i32
    %add3A_132 = vector.broadcast %add3A_131 : i32 to vector<16xi32>
    %add3A_133 = arith.addi %shift_right_logical3A_105, %add3A_132 : vector<16xi32>
    %get3A_134 = arith.constant 48 : index
    %get3A_135 = tpu.vector_load %arg17[%get3A_134] {strides = array<i32>} : memref<320xf32, #tpu.memory_space<vmem>>, vector<16xf32>,
    %add3A_136 = arith.constant 508 : i32
    %add3A_137 = vector.broadcast %add3A_136 : i32 to vector<16xi32>
    %add3A_138 = arith.addi %and3A_107, %add3A_137 : vector<16xi32>
    tpu.vector_store_idx %arg14[%add3A_133, %add3A_138], %get3A_135 : memref<80x512xf32, #tpu.memory_space<vmem>>[vector<16xi32>, vector<16xi32>], vector<16xf32>,
    %add3A_139 = arith.constant 16 : i32
    %add3A_140 = vector.broadcast %add3A_139 : i32 to vector<16xi32>
    %add3A_141 = arith.addi %shift_right_logical3A_105, %add3A_140 : vector<16xi32>
    %get3A_142 = arith.constant 64 : index
    %get3A_143 = tpu.vector_load %arg17[%get3A_142] {strides = array<i32>} : memref<320xf32, #tpu.memory_space<vmem>>, vector<16xf32>,
    %add3A_144 = arith.constant 508 : i32
    %add3A_145 = vector.broadcast %add3A_144 : i32 to vector<16xi32>
    %add3A_146 = arith.addi %and3A_107, %add3A_145 : vector<16xi32>
    tpu.vector_store_idx %arg14[%add3A_141, %add3A_146], %get3A_143 : memref<80x512xf32, #tpu.memory_space<vmem>>[vector<16xi32>, vector<16xi32>], vector<16xf32>,
    %add3A_147 = arith.constant 20 : i32
    %add3A_148 = vector.broadcast %add3A_147 : i32 to vector<16xi32>
    %add3A_149 = arith.addi %shift_right_logical3A_105, %add3A_148 : vector<16xi32>
    %get3A_150 = arith.constant 80 : index
    %get3A_151 = tpu.vector_load %arg17[%get3A_150] {strides = array<i32>} : memref<320xf32, #tpu.memory_space<vmem>>, vector<16xf32>,
    %add3A_152 = arith.constant 508 : i32
    %add3A_153 = vector.broadcast %add3A_152 : i32 to vector<16xi32>
    %add3A_154 = arith.addi %and3A_107, %add3A_153 : vector<16xi32>
    tpu.vector_store_idx %arg14[%add3A_149, %add3A_154], %get3A_151 : memref<80x512xf32, #tpu.memory_space<vmem>>[vector<16xi32>, vector<16xi32>], vector<16xf32>,
    %add3A_155 = arith.constant 24 : i32
    %add3A_156 = vector.broadcast %add3A_155 : i32 to vector<16xi32>
    %add3A_157 = arith.addi %shift_right_logical3A_105, %add3A_156 : vector<16xi32>
    %get3A_158 = arith.constant 96 : index
    %get3A_159 = tpu.vector_load %arg17[%get3A_158] {strides = array<i32>} : memref<320xf32, #tpu.memory_space<vmem>>, vector<16xf32>,
    %add3A_160 = arith.constant 508 : i32
    %add3A_161 = vector.broadcast %add3A_160 : i32 to vector<16xi32>
    %add3A_162 = arith.addi %and3A_107, %add3A_161 : vector<16xi32>
    tpu.vector_store_idx %arg14[%add3A_157, %add3A_162], %get3A_159 : memref<80x512xf32, #tpu.memory_space<vmem>>[vector<16xi32>, vector<16xi32>], vector<16xf32>,
    %add3A_163 = arith.constant 28 : i32
    %add3A_164 = vector.broadcast %add3A_163 : i32 to vector<16xi32>
    %add3A_165 = arith.addi %shift_right_logical3A_105, %add3A_164 : vector<16xi32>
    %get3A_166 = arith.constant 112 : index
    %get3A_167 = tpu.vector_load %arg17[%get3A_166] {strides = array<i32>} : memref<320xf32, #tpu.memory_space<vmem>>, vector<16xf32>,
    %add3A_168 = arith.constant 508 : i32
    %add3A_169 = vector.broadcast %add3A_168 : i32 to vector<16xi32>
    %add3A_170 = arith.addi %and3A_107, %add3A_169 : vector<16xi32>
    tpu.vector_store_idx %arg14[%add3A_165, %add3A_170], %get3A_167 : memref<80x512xf32, #tpu.memory_space<vmem>>[vector<16xi32>, vector<16xi32>], vector<16xf32>,
    %add3A_171 = arith.constant 32 : i32
    %add3A_172 = vector.broadcast %add3A_171 : i32 to vector<16xi32>
    %add3A_173 = arith.addi %shift_right_logical3A_105, %add3A_172 : vector<16xi32>
    %get3A_174 = arith.constant 128 : index
    %get3A_175 = tpu.vector_load %arg17[%get3A_174] {strides = array<i32>} : memref<320xf32, #tpu.memory_space<vmem>>, vector<16xf32>,
    %add3A_176 = arith.constant 508 : i32
    %add3A_177 = vector.broadcast %add3A_176 : i32 to vector<16xi32>
    %add3A_178 = arith.addi %and3A_107, %add3A_177 : vector<16xi32>
    tpu.vector_store_idx %arg14[%add3A_173, %add3A_178], %get3A_175 : memref<80x512xf32, #tpu.memory_space<vmem>>[vector<16xi32>, vector<16xi32>], vector<16xf32>,
    %add3A_179 = arith.constant 36 : i32
    %add3A_180 = vector.broadcast %add3A_179 : i32 to vector<16xi32>
    %add3A_181 = arith.addi %shift_right_logical3A_105, %add3A_180 : vector<16xi32>
    %get3A_182 = arith.constant 144 : index
    %get3A_183 = tpu.vector_load %arg17[%get3A_182] {strides = array<i32>} : memref<320xf32, #tpu.memory_space<vmem>>, vector<16xf32>,
    %add3A_184 = arith.constant 508 : i32
    %add3A_185 = vector.broadcast %add3A_184 : i32 to vector<16xi32>
    %add3A_186 = arith.addi %and3A_107, %add3A_185 : vector<16xi32>
    tpu.vector_store_idx %arg14[%add3A_181, %add3A_186], %get3A_183 : memref<80x512xf32, #tpu.memory_space<vmem>>[vector<16xi32>, vector<16xi32>], vector<16xf32>,
    %add3A_187 = arith.constant 40 : i32
    %add3A_188 = vector.broadcast %add3A_187 : i32 to vector<16xi32>
    %add3A_189 = arith.addi %shift_right_logical3A_105, %add3A_188 : vector<16xi32>
    %get3A_190 = arith.constant 160 : index
    %get3A_191 = tpu.vector_load %arg17[%get3A_190] {strides = array<i32>} : memref<320xf32, #tpu.memory_space<vmem>>, vector<16xf32>,
    %add3A_192 = arith.constant 508 : i32
    %add3A_193 = vector.broadcast %add3A_192 : i32 to vector<16xi32>
    %add3A_194 = arith.addi %and3A_107, %add3A_193 : vector<16xi32>
    tpu.vector_store_idx %arg14[%add3A_189, %add3A_194], %get3A_191 : memref<80x512xf32, #tpu.memory_space<vmem>>[vector<16xi32>, vector<16xi32>], vector<16xf32>,
    %add3A_195 = arith.constant 44 : i32
    %add3A_196 = vector.broadcast %add3A_195 : i32 to vector<16xi32>
    %add3A_197 = arith.addi %shift_right_logical3A_105, %add3A_196 : vector<16xi32>
    %get3A_198 = arith.constant 176 : index
    %get3A_199 = tpu.vector_load %arg17[%get3A_198] {strides = array<i32>} : memref<320xf32, #tpu.memory_space<vmem>>, vector<16xf32>,
    %add3A_200 = arith.constant 508 : i32
    %add3A_201 = vector.broadcast %add3A_200 : i32 to vector<16xi32>
    %add3A_202 = arith.addi %and3A_107, %add3A_201 : vector<16xi32>
    tpu.vector_store_idx %arg14[%add3A_197, %add3A_202], %get3A_199 : memref<80x512xf32, #tpu.memory_space<vmem>>[vector<16xi32>, vector<16xi32>], vector<16xf32>,
    %add3A_203 = arith.constant 48 : i32
    %add3A_204 = vector.broadcast %add3A_203 : i32 to vector<16xi32>
    %add3A_205 = arith.addi %shift_right_logical3A_105, %add3A_204 : vector<16xi32>
    %get3A_206 = arith.constant 192 : index
    %get3A_207 = tpu.vector_load %arg17[%get3A_206] {strides = array<i32>} : memref<320xf32, #tpu.memory_space<vmem>>, vector<16xf32>,
    %add3A_208 = arith.constant 508 : i32
    %add3A_209 = vector.broadcast %add3A_208 : i32 to vector<16xi32>
    %add3A_210 = arith.addi %and3A_107, %add3A_209 : vector<16xi32>
    tpu.vector_store_idx %arg14[%add3A_205, %add3A_210], %get3A_207 : memref<80x512xf32, #tpu.memory_space<vmem>>[vector<16xi32>, vector<16xi32>], vector<16xf32>,
    %add3A_211 = arith.constant 52 : i32
    %add3A_212 = vector.broadcast %add3A_211 : i32 to vector<16xi32>
    %add3A_213 = arith.addi %shift_right_logical3A_105, %add3A_212 : vector<16xi32>
    %get3A_214 = arith.constant 208 : index
    %get3A_215 = tpu.vector_load %arg17[%get3A_214] {strides = array<i32>} : memref<320xf32, #tpu.memory_space<vmem>>, vector<16xf32>,
    %add3A_216 = arith.constant 508 : i32
    %add3A_217 = vector.broadcast %add3A_216 : i32 to vector<16xi32>
    %add3A_218 = arith.addi %and3A_107, %add3A_217 : vector<16xi32>
    tpu.vector_store_idx %arg14[%add3A_213, %add3A_218], %get3A_215 : memref<80x512xf32, #tpu.memory_space<vmem>>[vector<16xi32>, vector<16xi32>], vector<16xf32>,
    %add3A_219 = arith.constant 56 : i32
    %add3A_220 = vector.broadcast %add3A_219 : i32 to vector<16xi32>
    %add3A_221 = arith.addi %shift_right_logical3A_105, %add3A_220 : vector<16xi32>
    %get3A_222 = arith.constant 224 : index
    %get3A_223 = tpu.vector_load %arg17[%get3A_222] {strides = array<i32>} : memref<320xf32, #tpu.memory_space<vmem>>, vector<16xf32>,
    %add3A_224 = arith.constant 508 : i32
    %add3A_225 = vector.broadcast %add3A_224 : i32 to vector<16xi32>
    %add3A_226 = arith.addi %and3A_107, %add3A_225 : vector<16xi32>
    tpu.vector_store_idx %arg14[%add3A_221, %add3A_226], %get3A_223 : memref<80x512xf32, #tpu.memory_space<vmem>>[vector<16xi32>, vector<16xi32>], vector<16xf32>,
    %add3A_227 = arith.constant 60 : i32
    %add3A_228 = vector.broadcast %add3A_227 : i32 to vector<16xi32>
    %add3A_229 = arith.addi %shift_right_logical3A_105, %add3A_228 : vector<16xi32>
    %get3A_230 = arith.constant 240 : index
    %get3A_231 = tpu.vector_load %arg17[%get3A_230] {strides = array<i32>} : memref<320xf32, #tpu.memory_space<vmem>>, vector<16xf32>,
    %add3A_232 = arith.constant 508 : i32
    %add3A_233 = vector.broadcast %add3A_232 : i32 to vector<16xi32>
    %add3A_234 = arith.addi %and3A_107, %add3A_233 : vector<16xi32>
    tpu.vector_store_idx %arg14[%add3A_229, %add3A_234], %get3A_231 : memref<80x512xf32, #tpu.memory_space<vmem>>[vector<16xi32>, vector<16xi32>], vector<16xf32>,
    %add3A_235 = arith.constant 64 : i32
    %add3A_236 = vector.broadcast %add3A_235 : i32 to vector<16xi32>
    %add3A_237 = arith.addi %shift_right_logical3A_105, %add3A_236 : vector<16xi32>
    %get3A_238 = arith.constant 256 : index
    %get3A_239 = tpu.vector_load %arg17[%get3A_238] {strides = array<i32>} : memref<320xf32, #tpu.memory_space<vmem>>, vector<16xf32>,
    %add3A_240 = arith.constant 508 : i32
    %add3A_241 = vector.broadcast %add3A_240 : i32 to vector<16xi32>
    %add3A_242 = arith.addi %and3A_107, %add3A_241 : vector<16xi32>
    tpu.vector_store_idx %arg14[%add3A_237, %add3A_242], %get3A_239 : memref<80x512xf32, #tpu.memory_space<vmem>>[vector<16xi32>, vector<16xi32>], vector<16xf32>,
    %add3A_243 = arith.constant 68 : i32
    %add3A_244 = vector.broadcast %add3A_243 : i32 to vector<16xi32>
    %add3A_245 = arith.addi %shift_right_logical3A_105, %add3A_244 : vector<16xi32>
    %get3A_246 = arith.constant 272 : index
    %get3A_247 = tpu.vector_load %arg17[%get3A_246] {strides = array<i32>} : memref<320xf32, #tpu.memory_space<vmem>>, vector<16xf32>,
    %add3A_248 = arith.constant 508 : i32
    %add3A_249 = vector.broadcast %add3A_248 : i32 to vector<16xi32>
    %add3A_250 = arith.addi %and3A_107, %add3A_249 : vector<16xi32>
    tpu.vector_store_idx %arg14[%add3A_245, %add3A_250], %get3A_247 : memref<80x512xf32, #tpu.memory_space<vmem>>[vector<16xi32>, vector<16xi32>], vector<16xf32>,
    %add3A_251 = arith.constant 72 : i32
    %add3A_252 = vector.broadcast %add3A_251 : i32 to vector<16xi32>
    %add3A_253 = arith.addi %shift_right_logical3A_105, %add3A_252 : vector<16xi32>
    %get3A_254 = arith.constant 288 : index
    %get3A_255 = tpu.vector_load %arg17[%get3A_254] {strides = array<i32>} : memref<320xf32, #tpu.memory_space<vmem>>, vector<16xf32>,
    %add3A_256 = arith.constant 508 : i32
    %add3A_257 = vector.broadcast %add3A_256 : i32 to vector<16xi32>
    %add3A_258 = arith.addi %and3A_107, %add3A_257 : vector<16xi32>
    tpu.vector_store_idx %arg14[%add3A_253, %add3A_258], %get3A_255 : memref<80x512xf32, #tpu.memory_space<vmem>>[vector<16xi32>, vector<16xi32>], vector<16xf32>,
    %add3A_259 = arith.constant 76 : i32
    %add3A_260 = vector.broadcast %add3A_259 : i32 to vector<16xi32>
    %add3A_261 = arith.addi %shift_right_logical3A_105, %add3A_260 : vector<16xi32>
    %get3A_262 = arith.constant 304 : index
    %get3A_263 = tpu.vector_load %arg17[%get3A_262] {strides = array<i32>} : memref<320xf32, #tpu.memory_space<vmem>>, vector<16xf32>,
    %add3A_264 = arith.constant 508 : i32
    %add3A_265 = vector.broadcast %add3A_264 : i32 to vector<16xi32>
    %add3A_266 = arith.addi %and3A_107, %add3A_265 : vector<16xi32>
    tpu.vector_store_idx %arg14[%add3A_261, %add3A_266], %get3A_263 : memref<80x512xf32, #tpu.memory_space<vmem>>[vector<16xi32>, vector<16xi32>], vector<16xf32>,
    %add3A_267 = arith.constant 6240 : i32
    %add3A_268 = arith.addi %mul3A_2, %add3A_267 : i32
    %dma_start3A_269 = arith.constant 0 : i32
    %dma_start3A_270 = tpu.memref_slice %arg7[%add3A_268, %dma_start3A_269] : memref<204800x512xf32, #tpu.memory_space<hbm>> -> memref<80x512xf32, #tpu.memory_space<hbm>>
    %dma_start3A_271 = arith.constant 0 : i32
    %dma_start3A_272 = tpu.memref_slice %arg7[%add3A_268, %dma_start3A_271] : memref<204800x512xf32, #tpu.memory_space<hbm>> -> memref<80x512xf32, #tpu.memory_space<hbm>>
    tpu.enqueue_dma source(%arg14 : memref<80x512xf32, #tpu.memory_space<vmem>>) target(%dma_start3A_272 : memref<80x512xf32, #tpu.memory_space<hbm>>) target_semaphore(%arg26 : memref<!tpu.dma_semaphore, #tpu.memory_space<semaphore_mem>>)
    %dma_wait3A_273 = arith.constant 0 : i32
    %dma_wait3A_274 = arith.constant 0 : i32
    %dma_wait3A_275 = tpu.memref_slice %arg15[%dma_wait3A_273, %dma_wait3A_274] : memref<80x512xf32, #tpu.memory_space<vmem>> -> memref<80x256xf32, #tpu.memory_space<vmem>>
    %dma_wait3A_276 = arith.constant 0 : i32
    %dma_wait3A_277 = arith.constant 0 : i32
    %dma_wait3A_278 = tpu.memref_slice %arg7[%dma_wait3A_276, %dma_wait3A_277] : memref<204800x512xf32, #tpu.memory_space<hbm>> -> memref<80x256xf32, #tpu.memory_space<hbm>>
    %dma_wait3A_279 = arith.constant 0 : i32
    %dma_wait3A_280 = arith.constant 0 : i32
    %dma_wait3A_281 = tpu.memref_slice %arg15[%dma_wait3A_279, %dma_wait3A_280] : memref<80x512xf32, #tpu.memory_space<vmem>> -> memref<80x256xf32, #tpu.memory_space<vmem>>
    %dma_wait3A_282 = arith.constant 0 : i32
    %dma_wait3A_283 = arith.constant 0 : i32
    %dma_wait3A_284 = tpu.memref_slice %arg7[%dma_wait3A_282, %dma_wait3A_283] : memref<204800x512xf32, #tpu.memory_space<hbm>> -> memref<80x256xf32, #tpu.memory_space<hbm>>
    tpu.wait_dma2 semaphore(%arg21 : memref<!tpu.dma_semaphore, #tpu.memory_space<semaphore_mem>>) src(%dma_wait3A_284 : memref<80x256xf32, #tpu.memory_space<hbm>>) dst(%dma_wait3A_281 : memref<80x256xf32, #tpu.memory_space<vmem>>)
    %dma_wait3A_285 = arith.constant 0 : i32
    %dma_wait3A_286 = arith.constant 256 : i32
    %dma_wait3A_287 = tpu.memref_slice %arg15[%dma_wait3A_285, %dma_wait3A_286] : memref<80x512xf32, #tpu.memory_space<vmem>> -> memref<80x256xf32, #tpu.memory_space<vmem>>
    %dma_wait3A_288 = arith.constant 0 : i32
    %dma_wait3A_289 = arith.constant 0 : i32
    %dma_wait3A_290 = tpu.memref_slice %arg7[%dma_wait3A_288, %dma_wait3A_289] : memref<204800x512xf32, #tpu.memory_space<hbm>> -> memref<80x256xf32, #tpu.memory_space<hbm>>
    %dma_wait3A_291 = arith.constant 0 : i32
    %dma_wait3A_292 = arith.constant 256 : i32
    %dma_wait3A_293 = tpu.memref_slice %arg15[%dma_wait3A_291, %dma_wait3A_292] : memref<80x512xf32, #tpu.memory_space<vmem>> -> memref<80x256xf32, #tpu.memory_space<vmem>>
    %dma_wait3A_294 = arith.constant 0 : i32
    %dma_wait3A_295 = arith.constant 0 : i32
    %dma_wait3A_296 = tpu.memref_slice %arg7[%dma_wait3A_294, %dma_wait3A_295] : memref<204800x512xf32, #tpu.memory_space<hbm>> -> memref<80x256xf32, #tpu.memory_space<hbm>>
    tpu.wait_dma2 semaphore(%arg21 : memref<!tpu.dma_semaphore, #tpu.memory_space<semaphore_mem>>) src(%dma_wait3A_296 : memref<80x256xf32, #tpu.memory_space<hbm>>) dst(%dma_wait3A_293 : memref<80x256xf32, #tpu.memory_space<vmem>>)
    %dma_wait3A_297 = arith.constant 0 : i32
    %dma_wait3A_298 = tpu.memref_slice %arg4[%dma_wait3A_297] : memref<819200xf32, #tpu.memory_space<hbm>> -> memref<320xf32, #tpu.memory_space<hbm>>
    %dma_wait3A_299 = arith.constant 0 : i32
    %dma_wait3A_300 = tpu.memref_slice %arg4[%dma_wait3A_299] : memref<819200xf32, #tpu.memory_space<hbm>> -> memref<320xf32, #tpu.memory_space<hbm>>
    tpu.wait_dma2 semaphore(%arg21 : memref<!tpu.dma_semaphore, #tpu.memory_space<semaphore_mem>>) src(%dma_wait3A_300 : memref<320xf32, #tpu.memory_space<hbm>>) dst(%arg18 : memref<320xf32, #tpu.memory_space<vmem>>)
    %iota3A_301 = tpu.iota {dimensions = array<i32: 0>} : vector<16xi32>
    %scan3A_302 = arith.constant 0 : i32
    %scan3A_303 = arith.constant 0 : i32
    %scan3A_304 = arith.constant 80 : i32
    %scan3A_305 = arith.addi %scan3A_303, %scan3A_304 : i32
    %scan3A_306 = arith.constant 1 : i32
    scf.for %scan3A_498 = %scan3A_303 to %scan3A_305 step %scan3A_306  : i32 {
      %broadcast_in_dim3A = vector.broadcast %scan3A_498 : i32 to vector<16xi32>
      %get3A_499 = arith.index_cast %scan3A_498 : i32 to index
      %get3A_500 = arith.constant 256 : index
      %get3A_501 = tpu.vector_load %arg15[%get3A_499, %get3A_500] {strides = array<i32>} : memref<80x512xf32, #tpu.memory_space<vmem>>, vector<16xf32>,
      %add3A_502 = arith.constant 252 : i32
      %add3A_503 = vector.broadcast %add3A_502 : i32 to vector<16xi32>
      %add3A_504 = arith.addi %iota3A_301, %add3A_503 : vector<16xi32>
      tpu.vector_store_idx %arg15[%broadcast_in_dim3A, %add3A_504], %get3A_501 : memref<80x512xf32, #tpu.memory_space<vmem>>[vector<16xi32>, vector<16xi32>], vector<16xf32>,
      %get3A_505 = arith.index_cast %scan3A_498 : i32 to index
      %get3A_506 = arith.constant 272 : index
      %get3A_507 = tpu.vector_load %arg15[%get3A_505, %get3A_506] {strides = array<i32>} : memref<80x512xf32, #tpu.memory_space<vmem>>, vector<16xf32>,
      %add3A_508 = arith.constant 268 : i32
      %add3A_509 = vector.broadcast %add3A_508 : i32 to vector<16xi32>
      %add3A_510 = arith.addi %iota3A_301, %add3A_509 : vector<16xi32>
      tpu.vector_store_idx %arg15[%broadcast_in_dim3A, %add3A_510], %get3A_507 : memref<80x512xf32, #tpu.memory_space<vmem>>[vector<16xi32>, vector<16xi32>], vector<16xf32>,
      %get3A_511 = arith.index_cast %scan3A_498 : i32 to index
      %get3A_512 = arith.constant 288 : index
      %get3A_513 = tpu.vector_load %arg15[%get3A_511, %get3A_512] {strides = array<i32>} : memref<80x512xf32, #tpu.memory_space<vmem>>, vector<16xf32>,
      %add3A_514 = arith.constant 284 : i32
      %add3A_515 = vector.broadcast %add3A_514 : i32 to vector<16xi32>
      %add3A_516 = arith.addi %iota3A_301, %add3A_515 : vector<16xi32>
      tpu.vector_store_idx %arg15[%broadcast_in_dim3A, %add3A_516], %get3A_513 : memref<80x512xf32, #tpu.memory_space<vmem>>[vector<16xi32>, vector<16xi32>], vector<16xf32>,
      %get3A_517 = arith.index_cast %scan3A_498 : i32 to index
      %get3A_518 = arith.constant 304 : index
      %get3A_519 = tpu.vector_load %arg15[%get3A_517, %get3A_518] {strides = array<i32>} : memref<80x512xf32, #tpu.memory_space<vmem>>, vector<16xf32>,
      %add3A_520 = arith.constant 300 : i32
      %add3A_521 = vector.broadcast %add3A_520 : i32 to vector<16xi32>
      %add3A_522 = arith.addi %iota3A_301, %add3A_521 : vector<16xi32>
      tpu.vector_store_idx %arg15[%broadcast_in_dim3A, %add3A_522], %get3A_519 : memref<80x512xf32, #tpu.memory_space<vmem>>[vector<16xi32>, vector<16xi32>], vector<16xf32>,
      %get3A_523 = arith.index_cast %scan3A_498 : i32 to index
      %get3A_524 = arith.constant 320 : index
      %get3A_525 = tpu.vector_load %arg15[%get3A_523, %get3A_524] {strides = array<i32>} : memref<80x512xf32, #tpu.memory_space<vmem>>, vector<16xf32>,
      %add3A_526 = arith.constant 316 : i32
      %add3A_527 = vector.broadcast %add3A_526 : i32 to vector<16xi32>
      %add3A_528 = arith.addi %iota3A_301, %add3A_527 : vector<16xi32>
      tpu.vector_store_idx %arg15[%broadcast_in_dim3A, %add3A_528], %get3A_525 : memref<80x512xf32, #tpu.memory_space<vmem>>[vector<16xi32>, vector<16xi32>], vector<16xf32>,
      %get3A_529 = arith.index_cast %scan3A_498 : i32 to index
      %get3A_530 = arith.constant 336 : index
      %get3A_531 = tpu.vector_load %arg15[%get3A_529, %get3A_530] {strides = array<i32>} : memref<80x512xf32, #tpu.memory_space<vmem>>, vector<16xf32>,
      %add3A_532 = arith.constant 332 : i32
      %add3A_533 = vector.broadcast %add3A_532 : i32 to vector<16xi32>
      %add3A_534 = arith.addi %iota3A_301, %add3A_533 : vector<16xi32>
      tpu.vector_store_idx %arg15[%broadcast_in_dim3A, %add3A_534], %get3A_531 : memref<80x512xf32, #tpu.memory_space<vmem>>[vector<16xi32>, vector<16xi32>], vector<16xf32>,
      %get3A_535 = arith.index_cast %scan3A_498 : i32 to index
      %get3A_536 = arith.constant 352 : index
      %get3A_537 = tpu.vector_load %arg15[%get3A_535, %get3A_536] {strides = array<i32>} : memref<80x512xf32, #tpu.memory_space<vmem>>, vector<16xf32>,
      %add3A_538 = arith.constant 348 : i32
      %add3A_539 = vector.broadcast %add3A_538 : i32 to vector<16xi32>
      %add3A_540 = arith.addi %iota3A_301, %add3A_539 : vector<16xi32>
      tpu.vector_store_idx %arg15[%broadcast_in_dim3A, %add3A_540], %get3A_537 : memref<80x512xf32, #tpu.memory_space<vmem>>[vector<16xi32>, vector<16xi32>], vector<16xf32>,
      %get3A_541 = arith.index_cast %scan3A_498 : i32 to index
      %get3A_542 = arith.constant 368 : index
      %get3A_543 = tpu.vector_load %arg15[%get3A_541, %get3A_542] {strides = array<i32>} : memref<80x512xf32, #tpu.memory_space<vmem>>, vector<16xf32>,
      %add3A_544 = arith.constant 364 : i32
      %add3A_545 = vector.broadcast %add3A_544 : i32 to vector<16xi32>
      %add3A_546 = arith.addi %iota3A_301, %add3A_545 : vector<16xi32>
      tpu.vector_store_idx %arg15[%broadcast_in_dim3A, %add3A_546], %get3A_543 : memref<80x512xf32, #tpu.memory_space<vmem>>[vector<16xi32>, vector<16xi32>], vector<16xf32>,
      %get3A_547 = arith.index_cast %scan3A_498 : i32 to index
      %get3A_548 = arith.constant 384 : index
      %get3A_549 = tpu.vector_load %arg15[%get3A_547, %get3A_548] {strides = array<i32>} : memref<80x512xf32, #tpu.memory_space<vmem>>, vector<16xf32>,
      %add3A_550 = arith.constant 380 : i32
      %add3A_551 = vector.broadcast %add3A_550 : i32 to vector<16xi32>
      %add3A_552 = arith.addi %iota3A_301, %add3A_551 : vector<16xi32>
      tpu.vector_store_idx %arg15[%broadcast_in_dim3A, %add3A_552], %get3A_549 : memref<80x512xf32, #tpu.memory_space<vmem>>[vector<16xi32>, vector<16xi32>], vector<16xf32>,
      %get3A_553 = arith.index_cast %scan3A_498 : i32 to index
      %get3A_554 = arith.constant 400 : index
      %get3A_555 = tpu.vector_load %arg15[%get3A_553, %get3A_554] {strides = array<i32>} : memref<80x512xf32, #tpu.memory_space<vmem>>, vector<16xf32>,
      %add3A_556 = arith.constant 396 : i32
      %add3A_557 = vector.broadcast %add3A_556 : i32 to vector<16xi32>
      %add3A_558 = arith.addi %iota3A_301, %add3A_557 : vector<16xi32>
      tpu.vector_store_idx %arg15[%broadcast_in_dim3A, %add3A_558], %get3A_555 : memref<80x512xf32, #tpu.memory_space<vmem>>[vector<16xi32>, vector<16xi32>], vector<16xf32>,
      %get3A_559 = arith.index_cast %scan3A_498 : i32 to index
      %get3A_560 = arith.constant 416 : index
      %get3A_561 = tpu.vector_load %arg15[%get3A_559, %get3A_560] {strides = array<i32>} : memref<80x512xf32, #tpu.memory_space<vmem>>, vector<16xf32>,
      %add3A_562 = arith.constant 412 : i32
      %add3A_563 = vector.broadcast %add3A_562 : i32 to vector<16xi32>
      %add3A_564 = arith.addi %iota3A_301, %add3A_563 : vector<16xi32>
      tpu.vector_store_idx %arg15[%broadcast_in_dim3A, %add3A_564], %get3A_561 : memref<80x512xf32, #tpu.memory_space<vmem>>[vector<16xi32>, vector<16xi32>], vector<16xf32>,
      %get3A_565 = arith.index_cast %scan3A_498 : i32 to index
      %get3A_566 = arith.constant 432 : index
      %get3A_567 = tpu.vector_load %arg15[%get3A_565, %get3A_566] {strides = array<i32>} : memref<80x512xf32, #tpu.memory_space<vmem>>, vector<16xf32>,
      %add3A_568 = arith.constant 428 : i32
      %add3A_569 = vector.broadcast %add3A_568 : i32 to vector<16xi32>
      %add3A_570 = arith.addi %iota3A_301, %add3A_569 : vector<16xi32>
      tpu.vector_store_idx %arg15[%broadcast_in_dim3A, %add3A_570], %get3A_567 : memref<80x512xf32, #tpu.memory_space<vmem>>[vector<16xi32>, vector<16xi32>], vector<16xf32>,
      %get3A_571 = arith.index_cast %scan3A_498 : i32 to index
      %get3A_572 = arith.constant 448 : index
      %get3A_573 = tpu.vector_load %arg15[%get3A_571, %get3A_572] {strides = array<i32>} : memref<80x512xf32, #tpu.memory_space<vmem>>, vector<16xf32>,
      %add3A_574 = arith.constant 444 : i32
      %add3A_575 = vector.broadcast %add3A_574 : i32 to vector<16xi32>
      %add3A_576 = arith.addi %iota3A_301, %add3A_575 : vector<16xi32>
      tpu.vector_store_idx %arg15[%broadcast_in_dim3A, %add3A_576], %get3A_573 : memref<80x512xf32, #tpu.memory_space<vmem>>[vector<16xi32>, vector<16xi32>], vector<16xf32>,
      %get3A_577 = arith.index_cast %scan3A_498 : i32 to index
      %get3A_578 = arith.constant 464 : index
      %get3A_579 = tpu.vector_load %arg15[%get3A_577, %get3A_578] {strides = array<i32>} : memref<80x512xf32, #tpu.memory_space<vmem>>, vector<16xf32>,
      %add3A_580 = arith.constant 460 : i32
      %add3A_581 = vector.broadcast %add3A_580 : i32 to vector<16xi32>
      %add3A_582 = arith.addi %iota3A_301, %add3A_581 : vector<16xi32>
      tpu.vector_store_idx %arg15[%broadcast_in_dim3A, %add3A_582], %get3A_579 : memref<80x512xf32, #tpu.memory_space<vmem>>[vector<16xi32>, vector<16xi32>], vector<16xf32>,
      %get3A_583 = arith.index_cast %scan3A_498 : i32 to index
      %get3A_584 = arith.constant 480 : index
      %get3A_585 = tpu.vector_load %arg15[%get3A_583, %get3A_584] {strides = array<i32>} : memref<80x512xf32, #tpu.memory_space<vmem>>, vector<16xf32>,
      %add3A_586 = arith.constant 476 : i32
      %add3A_587 = vector.broadcast %add3A_586 : i32 to vector<16xi32>
      %add3A_588 = arith.addi %iota3A_301, %add3A_587 : vector<16xi32>
      tpu.vector_store_idx %arg15[%broadcast_in_dim3A, %add3A_588], %get3A_585 : memref<80x512xf32, #tpu.memory_space<vmem>>[vector<16xi32>, vector<16xi32>], vector<16xf32>,
      %get3A_589 = arith.index_cast %scan3A_498 : i32 to index
      %get3A_590 = arith.constant 496 : index
      %get3A_591 = tpu.vector_load %arg15[%get3A_589, %get3A_590] {strides = array<i32>} : memref<80x512xf32, #tpu.memory_space<vmem>>, vector<16xf32>,
      %add3A_592 = arith.constant 492 : i32
      %add3A_593 = vector.broadcast %add3A_592 : i32 to vector<16xi32>
      %add3A_594 = arith.addi %iota3A_301, %add3A_593 : vector<16xi32>
      tpu.vector_store_idx %arg15[%broadcast_in_dim3A, %add3A_594], %get3A_591 : memref<80x512xf32, #tpu.memory_space<vmem>>[vector<16xi32>, vector<16xi32>], vector<16xf32>,
    }
    %scan3A_307 = arith.constant 80 : i32
    %shift_right_logical3A_308 = arith.constant 2 : i32
    %shift_right_logical3A_309 = vector.broadcast %shift_right_logical3A_308 : i32 to vector<16xi32>
    %shift_right_logical3A_310 = arith.shrui %iota3A_301, %shift_right_logical3A_309 : vector<16xi32>
    %and3A_311 = arith.constant 3 : i32
    %and3A_312 = vector.broadcast %and3A_311 : i32 to vector<16xi32>
    %and3A_313 = arith.andi %iota3A_301, %and3A_312 : vector<16xi32>
    %add3A_314 = arith.constant 0 : i32
    %add3A_315 = vector.broadcast %add3A_314 : i32 to vector<16xi32>
    %add3A_316 = arith.addi %shift_right_logical3A_310, %add3A_315 : vector<16xi32>
    %get3A_317 = arith.constant 0 : index
    %get3A_318 = tpu.vector_load %arg18[%get3A_317] {strides = array<i32>} : memref<320xf32, #tpu.memory_space<vmem>>, vector<16xf32>,
    %add3A_319 = arith.constant 508 : i32
    %add3A_320 = vector.broadcast %add3A_319 : i32 to vector<16xi32>
    %add3A_321 = arith.addi %and3A_313, %add3A_320 : vector<16xi32>
    tpu.vector_store_idx %arg15[%add3A_316, %add3A_321], %get3A_318 : memref<80x512xf32, #tpu.memory_space<vmem>>[vector<16xi32>, vector<16xi32>], vector<16xf32>,
    %add3A_322 = arith.constant 4 : i32
    %add3A_323 = vector.broadcast %add3A_322 : i32 to vector<16xi32>
    %add3A_324 = arith.addi %shift_right_logical3A_310, %add3A_323 : vector<16xi32>
    %get3A_325 = arith.constant 16 : index
    %get3A_326 = tpu.vector_load %arg18[%get3A_325] {strides = array<i32>} : memref<320xf32, #tpu.memory_space<vmem>>, vector<16xf32>,
    %add3A_327 = arith.constant 508 : i32
    %add3A_328 = vector.broadcast %add3A_327 : i32 to vector<16xi32>
    %add3A_329 = arith.addi %and3A_313, %add3A_328 : vector<16xi32>
    tpu.vector_store_idx %arg15[%add3A_324, %add3A_329], %get3A_326 : memref<80x512xf32, #tpu.memory_space<vmem>>[vector<16xi32>, vector<16xi32>], vector<16xf32>,
    %add3A_330 = arith.constant 8 : i32
    %add3A_331 = vector.broadcast %add3A_330 : i32 to vector<16xi32>
    %add3A_332 = arith.addi %shift_right_logical3A_310, %add3A_331 : vector<16xi32>
    %get3A_333 = arith.constant 32 : index
    %get3A_334 = tpu.vector_load %arg18[%get3A_333] {strides = array<i32>} : memref<320xf32, #tpu.memory_space<vmem>>, vector<16xf32>,
    %add3A_335 = arith.constant 508 : i32
    %add3A_336 = vector.broadcast %add3A_335 : i32 to vector<16xi32>
    %add3A_337 = arith.addi %and3A_313, %add3A_336 : vector<16xi32>
    tpu.vector_store_idx %arg15[%add3A_332, %add3A_337], %get3A_334 : memref<80x512xf32, #tpu.memory_space<vmem>>[vector<16xi32>, vector<16xi32>], vector<16xf32>,
    %add3A_338 = arith.constant 12 : i32
    %add3A_339 = vector.broadcast %add3A_338 : i32 to vector<16xi32>
    %add3A_340 = arith.addi %shift_right_logical3A_310, %add3A_339 : vector<16xi32>
    %get3A_341 = arith.constant 48 : index
    %get3A_342 = tpu.vector_load %arg18[%get3A_341] {strides = array<i32>} : memref<320xf32, #tpu.memory_space<vmem>>, vector<16xf32>,
    %add3A_343 = arith.constant 508 : i32
    %add3A_344 = vector.broadcast %add3A_343 : i32 to vector<16xi32>
    %add3A_345 = arith.addi %and3A_313, %add3A_344 : vector<16xi32>
    tpu.vector_store_idx %arg15[%add3A_340, %add3A_345], %get3A_342 : memref<80x512xf32, #tpu.memory_space<vmem>>[vector<16xi32>, vector<16xi32>], vector<16xf32>,
    %add3A_346 = arith.constant 16 : i32
    %add3A_347 = vector.broadcast %add3A_346 : i32 to vector<16xi32>
    %add3A_348 = arith.addi %shift_right_logical3A_310, %add3A_347 : vector<16xi32>
    %get3A_349 = arith.constant 64 : index
    %get3A_350 = tpu.vector_load %arg18[%get3A_349] {strides = array<i32>} : memref<320xf32, #tpu.memory_space<vmem>>, vector<16xf32>,
    %add3A_351 = arith.constant 508 : i32
    %add3A_352 = vector.broadcast %add3A_351 : i32 to vector<16xi32>
    %add3A_353 = arith.addi %and3A_313, %add3A_352 : vector<16xi32>
    tpu.vector_store_idx %arg15[%add3A_348, %add3A_353], %get3A_350 : memref<80x512xf32, #tpu.memory_space<vmem>>[vector<16xi32>, vector<16xi32>], vector<16xf32>,
    %add3A_354 = arith.constant 20 : i32
    %add3A_355 = vector.broadcast %add3A_354 : i32 to vector<16xi32>
    %add3A_356 = arith.addi %shift_right_logical3A_310, %add3A_355 : vector<16xi32>
    %get3A_357 = arith.constant 80 : index
    %get3A_358 = tpu.vector_load %arg18[%get3A_357] {strides = array<i32>} : memref<320xf32, #tpu.memory_space<vmem>>, vector<16xf32>,
    %add3A_359 = arith.constant 508 : i32
    %add3A_360 = vector.broadcast %add3A_359 : i32 to vector<16xi32>
    %add3A_361 = arith.addi %and3A_313, %add3A_360 : vector<16xi32>
    tpu.vector_store_idx %arg15[%add3A_356, %add3A_361], %get3A_358 : memref<80x512xf32, #tpu.memory_space<vmem>>[vector<16xi32>, vector<16xi32>], vector<16xf32>,
    %add3A_362 = arith.constant 24 : i32
    %add3A_363 = vector.broadcast %add3A_362 : i32 to vector<16xi32>
    %add3A_364 = arith.addi %shift_right_logical3A_310, %add3A_363 : vector<16xi32>
    %get3A_365 = arith.constant 96 : index
    %get3A_366 = tpu.vector_load %arg18[%get3A_365] {strides = array<i32>} : memref<320xf32, #tpu.memory_space<vmem>>, vector<16xf32>,
    %add3A_367 = arith.constant 508 : i32
    %add3A_368 = vector.broadcast %add3A_367 : i32 to vector<16xi32>
    %add3A_369 = arith.addi %and3A_313, %add3A_368 : vector<16xi32>
    tpu.vector_store_idx %arg15[%add3A_364, %add3A_369], %get3A_366 : memref<80x512xf32, #tpu.memory_space<vmem>>[vector<16xi32>, vector<16xi32>], vector<16xf32>,
    %add3A_370 = arith.constant 28 : i32
    %add3A_371 = vector.broadcast %add3A_370 : i32 to vector<16xi32>
    %add3A_372 = arith.addi %shift_right_logical3A_310, %add3A_371 : vector<16xi32>
    %get3A_373 = arith.constant 112 : index
    %get3A_374 = tpu.vector_load %arg18[%get3A_373] {strides = array<i32>} : memref<320xf32, #tpu.memory_space<vmem>>, vector<16xf32>,
    %add3A_375 = arith.constant 508 : i32
    %add3A_376 = vector.broadcast %add3A_375 : i32 to vector<16xi32>
    %add3A_377 = arith.addi %and3A_313, %add3A_376 : vector<16xi32>
    tpu.vector_store_idx %arg15[%add3A_372, %add3A_377], %get3A_374 : memref<80x512xf32, #tpu.memory_space<vmem>>[vector<16xi32>, vector<16xi32>], vector<16xf32>,
    %add3A_378 = arith.constant 32 : i32
    %add3A_379 = vector.broadcast %add3A_378 : i32 to vector<16xi32>
    %add3A_380 = arith.addi %shift_right_logical3A_310, %add3A_379 : vector<16xi32>
    %get3A_381 = arith.constant 128 : index
    %get3A_382 = tpu.vector_load %arg18[%get3A_381] {strides = array<i32>} : memref<320xf32, #tpu.memory_space<vmem>>, vector<16xf32>,
    %add3A_383 = arith.constant 508 : i32
    %add3A_384 = vector.broadcast %add3A_383 : i32 to vector<16xi32>
    %add3A_385 = arith.addi %and3A_313, %add3A_384 : vector<16xi32>
    tpu.vector_store_idx %arg15[%add3A_380, %add3A_385], %get3A_382 : memref<80x512xf32, #tpu.memory_space<vmem>>[vector<16xi32>, vector<16xi32>], vector<16xf32>,
    %add3A_386 = arith.constant 36 : i32
    %add3A_387 = vector.broadcast %add3A_386 : i32 to vector<16xi32>
    %add3A_388 = arith.addi %shift_right_logical3A_310, %add3A_387 : vector<16xi32>
    %get3A_389 = arith.constant 144 : index
    %get3A_390 = tpu.vector_load %arg18[%get3A_389] {strides = array<i32>} : memref<320xf32, #tpu.memory_space<vmem>>, vector<16xf32>,
    %add3A_391 = arith.constant 508 : i32
    %add3A_392 = vector.broadcast %add3A_391 : i32 to vector<16xi32>
    %add3A_393 = arith.addi %and3A_313, %add3A_392 : vector<16xi32>
    tpu.vector_store_idx %arg15[%add3A_388, %add3A_393], %get3A_390 : memref<80x512xf32, #tpu.memory_space<vmem>>[vector<16xi32>, vector<16xi32>], vector<16xf32>,
    %add3A_394 = arith.constant 40 : i32
    %add3A_395 = vector.broadcast %add3A_394 : i32 to vector<16xi32>
    %add3A_396 = arith.addi %shift_right_logical3A_310, %add3A_395 : vector<16xi32>
    %get3A_397 = arith.constant 160 : index
    %get3A_398 = tpu.vector_load %arg18[%get3A_397] {strides = array<i32>} : memref<320xf32, #tpu.memory_space<vmem>>, vector<16xf32>,
    %add3A_399 = arith.constant 508 : i32
    %add3A_400 = vector.broadcast %add3A_399 : i32 to vector<16xi32>
    %add3A_401 = arith.addi %and3A_313, %add3A_400 : vector<16xi32>
    tpu.vector_store_idx %arg15[%add3A_396, %add3A_401], %get3A_398 : memref<80x512xf32, #tpu.memory_space<vmem>>[vector<16xi32>, vector<16xi32>], vector<16xf32>,
    %add3A_402 = arith.constant 44 : i32
    %add3A_403 = vector.broadcast %add3A_402 : i32 to vector<16xi32>
    %add3A_404 = arith.addi %shift_right_logical3A_310, %add3A_403 : vector<16xi32>
    %get3A_405 = arith.constant 176 : index
    %get3A_406 = tpu.vector_load %arg18[%get3A_405] {strides = array<i32>} : memref<320xf32, #tpu.memory_space<vmem>>, vector<16xf32>,
    %add3A_407 = arith.constant 508 : i32
    %add3A_408 = vector.broadcast %add3A_407 : i32 to vector<16xi32>
    %add3A_409 = arith.addi %and3A_313, %add3A_408 : vector<16xi32>
    tpu.vector_store_idx %arg15[%add3A_404, %add3A_409], %get3A_406 : memref<80x512xf32, #tpu.memory_space<vmem>>[vector<16xi32>, vector<16xi32>], vector<16xf32>,
    %add3A_410 = arith.constant 48 : i32
    %add3A_411 = vector.broadcast %add3A_410 : i32 to vector<16xi32>
    %add3A_412 = arith.addi %shift_right_logical3A_310, %add3A_411 : vector<16xi32>
    %get3A_413 = arith.constant 192 : index
    %get3A_414 = tpu.vector_load %arg18[%get3A_413] {strides = array<i32>} : memref<320xf32, #tpu.memory_space<vmem>>, vector<16xf32>,
    %add3A_415 = arith.constant 508 : i32
    %add3A_416 = vector.broadcast %add3A_415 : i32 to vector<16xi32>
    %add3A_417 = arith.addi %and3A_313, %add3A_416 : vector<16xi32>
    tpu.vector_store_idx %arg15[%add3A_412, %add3A_417], %get3A_414 : memref<80x512xf32, #tpu.memory_space<vmem>>[vector<16xi32>, vector<16xi32>], vector<16xf32>,
    %add3A_418 = arith.constant 52 : i32
    %add3A_419 = vector.broadcast %add3A_418 : i32 to vector<16xi32>
    %add3A_420 = arith.addi %shift_right_logical3A_310, %add3A_419 : vector<16xi32>
    %get3A_421 = arith.constant 208 : index
    %get3A_422 = tpu.vector_load %arg18[%get3A_421] {strides = array<i32>} : memref<320xf32, #tpu.memory_space<vmem>>, vector<16xf32>,
    %add3A_423 = arith.constant 508 : i32
    %add3A_424 = vector.broadcast %add3A_423 : i32 to vector<16xi32>
    %add3A_425 = arith.addi %and3A_313, %add3A_424 : vector<16xi32>
    tpu.vector_store_idx %arg15[%add3A_420, %add3A_425], %get3A_422 : memref<80x512xf32, #tpu.memory_space<vmem>>[vector<16xi32>, vector<16xi32>], vector<16xf32>,
    %add3A_426 = arith.constant 56 : i32
    %add3A_427 = vector.broadcast %add3A_426 : i32 to vector<16xi32>
    %add3A_428 = arith.addi %shift_right_logical3A_310, %add3A_427 : vector<16xi32>
    %get3A_429 = arith.constant 224 : index
    %get3A_430 = tpu.vector_load %arg18[%get3A_429] {strides = array<i32>} : memref<320xf32, #tpu.memory_space<vmem>>, vector<16xf32>,
    %add3A_431 = arith.constant 508 : i32
    %add3A_432 = vector.broadcast %add3A_431 : i32 to vector<16xi32>
    %add3A_433 = arith.addi %and3A_313, %add3A_432 : vector<16xi32>
    tpu.vector_store_idx %arg15[%add3A_428, %add3A_433], %get3A_430 : memref<80x512xf32, #tpu.memory_space<vmem>>[vector<16xi32>, vector<16xi32>], vector<16xf32>,
    %add3A_434 = arith.constant 60 : i32
    %add3A_435 = vector.broadcast %add3A_434 : i32 to vector<16xi32>
    %add3A_436 = arith.addi %shift_right_logical3A_310, %add3A_435 : vector<16xi32>
    %get3A_437 = arith.constant 240 : index
    %get3A_438 = tpu.vector_load %arg18[%get3A_437] {strides = array<i32>} : memref<320xf32, #tpu.memory_space<vmem>>, vector<16xf32>,
    %add3A_439 = arith.constant 508 : i32
    %add3A_440 = vector.broadcast %add3A_439 : i32 to vector<16xi32>
    %add3A_441 = arith.addi %and3A_313, %add3A_440 : vector<16xi32>
    tpu.vector_store_idx %arg15[%add3A_436, %add3A_441], %get3A_438 : memref<80x512xf32, #tpu.memory_space<vmem>>[vector<16xi32>, vector<16xi32>], vector<16xf32>,
    %add3A_442 = arith.constant 64 : i32
    %add3A_443 = vector.broadcast %add3A_442 : i32 to vector<16xi32>
    %add3A_444 = arith.addi %shift_right_logical3A_310, %add3A_443 : vector<16xi32>
    %get3A_445 = arith.constant 256 : index
    %get3A_446 = tpu.vector_load %arg18[%get3A_445] {strides = array<i32>} : memref<320xf32, #tpu.memory_space<vmem>>, vector<16xf32>,
    %add3A_447 = arith.constant 508 : i32
    %add3A_448 = vector.broadcast %add3A_447 : i32 to vector<16xi32>
    %add3A_449 = arith.addi %and3A_313, %add3A_448 : vector<16xi32>
    tpu.vector_store_idx %arg15[%add3A_444, %add3A_449], %get3A_446 : memref<80x512xf32, #tpu.memory_space<vmem>>[vector<16xi32>, vector<16xi32>], vector<16xf32>,
    %add3A_450 = arith.constant 68 : i32
    %add3A_451 = vector.broadcast %add3A_450 : i32 to vector<16xi32>
    %add3A_452 = arith.addi %shift_right_logical3A_310, %add3A_451 : vector<16xi32>
    %get3A_453 = arith.constant 272 : index
    %get3A_454 = tpu.vector_load %arg18[%get3A_453] {strides = array<i32>} : memref<320xf32, #tpu.memory_space<vmem>>, vector<16xf32>,
    %add3A_455 = arith.constant 508 : i32
    %add3A_456 = vector.broadcast %add3A_455 : i32 to vector<16xi32>
    %add3A_457 = arith.addi %and3A_313, %add3A_456 : vector<16xi32>
    tpu.vector_store_idx %arg15[%add3A_452, %add3A_457], %get3A_454 : memref<80x512xf32, #tpu.memory_space<vmem>>[vector<16xi32>, vector<16xi32>], vector<16xf32>,
    %add3A_458 = arith.constant 72 : i32
    %add3A_459 = vector.broadcast %add3A_458 : i32 to vector<16xi32>
    %add3A_460 = arith.addi %shift_right_logical3A_310, %add3A_459 : vector<16xi32>
    %get3A_461 = arith.constant 288 : index
    %get3A_462 = tpu.vector_load %arg18[%get3A_461] {strides = array<i32>} : memref<320xf32, #tpu.memory_space<vmem>>, vector<16xf32>,
    %add3A_463 = arith.constant 508 : i32
    %add3A_464 = vector.broadcast %add3A_463 : i32 to vector<16xi32>
    %add3A_465 = arith.addi %and3A_313, %add3A_464 : vector<16xi32>
    tpu.vector_store_idx %arg15[%add3A_460, %add3A_465], %get3A_462 : memref<80x512xf32, #tpu.memory_space<vmem>>[vector<16xi32>, vector<16xi32>], vector<16xf32>,
    %add3A_466 = arith.constant 76 : i32
    %add3A_467 = vector.broadcast %add3A_466 : i32 to vector<16xi32>
    %add3A_468 = arith.addi %shift_right_logical3A_310, %add3A_467 : vector<16xi32>
    %get3A_469 = arith.constant 304 : index
    %get3A_470 = tpu.vector_load %arg18[%get3A_469] {strides = array<i32>} : memref<320xf32, #tpu.memory_space<vmem>>, vector<16xf32>,
    %add3A_471 = arith.constant 508 : i32
    %add3A_472 = vector.broadcast %add3A_471 : i32 to vector<16xi32>
    %add3A_473 = arith.addi %and3A_313, %add3A_472 : vector<16xi32>
    tpu.vector_store_idx %arg15[%add3A_468, %add3A_473], %get3A_470 : memref<80x512xf32, #tpu.memory_space<vmem>>[vector<16xi32>, vector<16xi32>], vector<16xf32>,
    %add3A_474 = arith.constant 6320 : i32
    %add3A_475 = arith.addi %mul3A_2, %add3A_474 : i32
    %dma_start3A_476 = arith.constant 0 : i32
    %dma_start3A_477 = tpu.memref_slice %arg7[%add3A_475, %dma_start3A_476] : memref<204800x512xf32, #tpu.memory_space<hbm>> -> memref<80x512xf32, #tpu.memory_space<hbm>>
    %dma_start3A_478 = arith.constant 0 : i32
    %dma_start3A_479 = tpu.memref_slice %arg7[%add3A_475, %dma_start3A_478] : memref<204800x512xf32, #tpu.memory_space<hbm>> -> memref<80x512xf32, #tpu.memory_space<hbm>>
    tpu.enqueue_dma source(%arg15 : memref<80x512xf32, #tpu.memory_space<vmem>>) target(%dma_start3A_479 : memref<80x512xf32, #tpu.memory_space<hbm>>) target_semaphore(%arg27 : memref<!tpu.dma_semaphore, #tpu.memory_space<semaphore_mem>>)
    %dma_wait3A_480 = arith.constant 0 : i32
    %dma_wait3A_481 = arith.constant 0 : i32
    %dma_wait3A_482 = tpu.memref_slice %arg7[%dma_wait3A_480, %dma_wait3A_481] : memref<204800x512xf32, #tpu.memory_space<hbm>> -> memref<80x512xf32, #tpu.memory_space<hbm>>
    %dma_wait3A_483 = arith.constant 0 : i32
    %dma_wait3A_484 = arith.constant 0 : i32
    %dma_wait3A_485 = tpu.memref_slice %arg7[%dma_wait3A_483, %dma_wait3A_484] : memref<204800x512xf32, #tpu.memory_space<hbm>> -> memref<80x512xf32, #tpu.memory_space<hbm>>
    tpu.wait_dma2 semaphore(%arg28 : memref<!tpu.dma_semaphore, #tpu.memory_space<semaphore_mem>>) src(%arg16 : memref<80x512xf32, #tpu.memory_space<vmem>>) dst(%dma_wait3A_485 : memref<80x512xf32, #tpu.memory_space<hbm>>)
    %dma_wait3A_486 = arith.constant 0 : i32
    %dma_wait3A_487 = arith.constant 0 : i32
    %dma_wait3A_488 = tpu.memref_slice %arg7[%dma_wait3A_486, %dma_wait3A_487] : memref<204800x512xf32, #tpu.memory_space<hbm>> -> memref<80x512xf32, #tpu.memory_space<hbm>>
    %dma_wait3A_489 = arith.constant 0 : i32
    %dma_wait3A_490 = arith.constant 0 : i32
    %dma_wait3A_491 = tpu.memref_slice %arg7[%dma_wait3A_489, %dma_wait3A_490] : memref<204800x512xf32, #tpu.memory_space<hbm>> -> memref<80x512xf32, #tpu.memory_space<hbm>>
    tpu.wait_dma2 semaphore(%arg26 : memref<!tpu.dma_semaphore, #tpu.memory_space<semaphore_mem>>) src(%arg14 : memref<80x512xf32, #tpu.memory_space<vmem>>) dst(%dma_wait3A_491 : memref<80x512xf32, #tpu.memory_space<hbm>>)
    %dma_wait3A_492 = arith.constant 0 : i32
    %dma_wait3A_493 = arith.constant 0 : i32
    %dma_wait3A_494 = tpu.memref_slice %arg7[%dma_wait3A_492, %dma_wait3A_493] : memref<204800x512xf32, #tpu.memory_space<hbm>> -> memref<80x512xf32, #tpu.memory_space<hbm>>
    %dma_wait3A_495 = arith.constant 0 : i32
    %dma_wait3A_496 = arith.constant 0 : i32
    %dma_wait3A_497 = tpu.memref_slice %arg7[%dma_wait3A_495, %dma_wait3A_496] : memref<204800x512xf32, #tpu.memory_space<hbm>> -> memref<80x512xf32, #tpu.memory_space<hbm>>
    tpu.wait_dma2 semaphore(%arg27 : memref<!tpu.dma_semaphore, #tpu.memory_space<semaphore_mem>>) src(%arg15 : memref<80x512xf32, #tpu.memory_space<vmem>>) dst(%dma_wait3A_497 : memref<80x512xf32, #tpu.memory_space<hbm>>)
    return
  }
}

</mosaic_0001>

<sc_bundles>
// kernel: kernel.3.cloned.1.call-start
scs
__scs_entry_jumppad:
0x0: {  	(pc) =	sbr.rel $0x88, $3  }
0x1: {  	(tag) =	ssettag $0x0;
	lr =	simm.s32 $0x1  }
0x2: {  	[smem:$0x3F9C] =	sst lr;
	_ =	strace $0xD0000000  }
0x3: {  	_ = 	snop  }
0x4: {  	_ = 	snop  }
0x5: {  	_ = 	snop  }
0x6: {  	_ = 	snop  }
0x7: {  	_ = 	snop  }
__scs_overlays_trampoline_lowered:
0x8: {  	[smem:$0x3FAB] =	sst s0  }
0x9: {  	[smem:$0x3FAC] =	sst s1  }
0xa: {  	[smem:$0x3FAD] =	sst s2  }
0xb: {  	[smem:$0x3FAE] =	sst s3  }
0xc: {  	[smem:$0x3FAF] =	sst s4  }
0xd: {  	[smem:$0x3FB0] =	sst s5  }
0xe: {  	[smem:$0x3FB1] =	sst s6  }
0xf: {  	[smem:$0x3FB2] =	sst s7  }
0x10: {  	[smem:$0x3FB3] =	sst s8  }
0x11: {  	[smem:$0x3FB4] =	sst s9;
	s0 =	simm.s32 @!p0 $0x0  }
0x12: {  	s1 =	sld [smem:$0x3F9A];
	s0 =	simm.s32 @p0 $0x1  }
0x13: {  	[smem:$0x3FB5] =	sst s0;
	s0 =	simm.s32 @!p1 $0x0  }
0x14: {  	s2 =	sld [smem:$0x3F99];
	s0 =	simm.s32 @p1 $0x1  }
0x15: {  	[smem:$0x3FB6] =	sst s0;
	s0 =	simm.s32 @!p2 $0x0  }
0x16: {  	s3 =	sld [smem:$0x3FDB];
	s0 =	simm.s32 @p2 $0x1  }
0x17: {  	s4 =	simm.s32 $0x1BF5;
	[smem:$0x3FB8] =	sst s0  }
0x18: {  	s0 =	sld [smem:$0x3F9B];
	_ =	swait.ge [sflag:s4], $0x0  }
0x19: {  	s7 =	sld [smem:$0x3F9C]  }
0x1a: {  	s8 =	sadd.s32 $0xFFFFE003, lr  }
0x1b: {  	s9 =	sadd.s32 $0xFFFFFEF7, lr;
	s5 =	simm.s32 $0xFFFFFFFF;
	p2 =	slt.u32 s8, $0xFFFFF086  }
0x1c: {  	p1 =	slt.u32 s9, $0xF7A;
	s5 =	simm.s32 @!p2 $0x0  }
0x1d: {  	s5 =	simm.s32 @p1 $0x1;
	p0 =	seq.s32 s7, s2  }
0x1e: {  	s7 =	smul.u32 @!p0 $0xF7A, s2;
	p2 =	seq.s32 @!p0 s5, $0x0  }
0x1f: {  	s9 =	smul.u32 $0xF7A, s1;
	s8 =	simm.s32 @!p0 $0x1BF5;
	p2 =	por !p2, p0  }
0x20: {  	[sflag:s8] =	ssyncset.s32 @!p0 $0xFFFFF086;
	s6 =	sadd.s32 @!p0 s3, s7;
	s7 =	simm.s32 @!p0 $0x108  }
0x21: {  	s3 =	sadd.s32 s3, s9;
	s6 =	sadd.s32 @!p0 $0x88, s6;
	s7 =	simm.s32 @p2 $0x1082  }
0x22: {  	[simem:s7], [sflag:s8] =	dma.local @!p0 [hbm:s6], $0xF7A  }
0x23: {  	s9 =	sor.u32 $0xD0000000, s2;
	s6 =	simm.s32 $0x108;
	_ =	swait.ge @!p0 [sflag:s8], $0x0  }
0x24: {  	s3 =	sadd.s32 $0x88, s3;
	s6 =	simm.s32 @!p1 $0x1082;
	[sflag:s4] =	ssyncset.s32 $0xFFFFF086  }
0x25: {  	[simem:s6], [sflag:s4] =	dma.local [hbm:s3], $0xF7A  }
0x26: {  	[smem:$0x3F9C] =	sst s1;
	(tag) =	ssettag s2;
	_ =	strace s9  }
0x27: {  	s1 =	sld [smem:$0x3FAC]  }
0x28: {  	s2 =	sld [smem:$0x3FAD]  }
0x29: {  	s4 =	sld [smem:$0x3FAF]  }
0x2a: {  	p0 =	seq.s32 s5, $0x0;
	s5 =	sld [smem:$0x3FB0]  }
0x2b: {  	s6 =	sld [smem:$0x3FB1]  }
0x2c: {  	s7 =	sld [smem:$0x3FB2]  }
0x2d: {  	s3 =	simm.s32 $0x108;
	s8 =	sld [smem:$0x3FB3]  }
0x2e: {  	s3 =	simm.s32 @!p0 $0x1082;
	s9 =	sld [smem:$0x3FB4]  }
0x2f: {  	lr =	sadd.s32 s0, s3;
	s0 =	sld [smem:$0x3FAB]  }
0x30: {  	s3 =	sld [smem:$0x3FAE]  }
0x31: {  	[smem:$0x3FB7] =	sst s10  }
0x32: {  	s10 =	sld [smem:$0x3FB5];
	_ =	sdelay $0x3  }
0x33: {  	p0 =	seq.s32 s10, $0x1;
	s10 =	sld [smem:$0x3FB7];
	_ =	sdelay $0x3  }
0x34: {  	[smem:$0x3FB7] =	sst s10  }
0x35: {  	s10 =	sld [smem:$0x3FB6];
	_ =	sdelay $0x3  }
0x36: {  	p1 =	seq.s32 s10, $0x1;
	s10 =	sld [smem:$0x3FB7];
	_ =	sdelay $0x3  }
0x37: {  	[smem:$0x3FB7] =	sst s10  }
0x38: {  	s10 =	sld [smem:$0x3FB8]  }
0x39: {  	_ = 	snop;
	(pc) =	sbr.ind lr, $3  }
0x3a: {  	_ = 	snop  }
0x3b: {  	_ = 	snop  }
0x3c: {  	p2 =	seq.s32 s10, $0x1;
	s10 =	sld [smem:$0x3FB7]  }
0x3d: {  	_ =	shalt  }
0x3e: {  	_ =	shalt  }
0x3f: {  	_ =	shalt  }
0x40: {  	_ =	shalt  }
0x41: {  	_ =	shalt  }
0x42: {  	_ =	shalt  }
0x43: {  	_ =	shalt  }
0x44: {  	_ =	shalt  }
0x45: {  	_ =	shalt  }
0x46: {  	_ =	shalt  }
0x47: {  	_ =	shalt  }
0x48: {  	_ =	shalt  }
0x49: {  	_ =	shalt  }
0x4a: {  	_ =	shalt  }
0x4b: {  	_ =	shalt  }
0x4c: {  	_ =	shalt  }
0x4d: {  	_ =	shalt  }
0x4e: {  	_ =	shalt  }
0x4f: {  	_ =	shalt  }
0x50: {  	_ =	shalt  }
0x51: {  	_ =	shalt  }
0x52: {  	_ =	shalt  }
0x53: {  	_ =	shalt  }
0x54: {  	_ =	shalt  }
0x55: {  	_ =	shalt  }
0x56: {  	_ =	shalt  }
0x57: {  	_ =	shalt  }
0x58: {  	_ =	shalt  }
0x59: {  	_ =	shalt  }
0x5a: {  	_ =	shalt  }
0x5b: {  	_ =	shalt  }
0x5c: {  	_ =	shalt  }
0x5d: {  	_ =	shalt  }
0x5e: {  	_ =	shalt  }
0x5f: {  	_ =	shalt  }
0x60: {  	_ =	shalt  }
0x61: {  	_ =	shalt  }
0x62: {  	_ =	shalt  }
0x63: {  	_ =	shalt  }
0x64: {  	_ =	shalt  }
0x65: {  	_ =	shalt  }
0x66: {  	_ =	shalt  }
0x67: {  	_ =	shalt  }
0x68: {  	_ =	shalt  }
0x69: {  	_ =	shalt  }
0x6a: {  	_ =	shalt  }
0x6b: {  	_ =	shalt  }
0x6c: {  	_ =	shalt  }
0x6d: {  	_ =	shalt  }
0x6e: {  	_ =	shalt  }
0x6f: {  	_ =	shalt  }
0x70: {  	_ =	shalt  }
0x71: {  	_ =	shalt  }
0x72: {  	_ =	shalt  }
0x73: {  	_ =	shalt  }
0x74: {  	_ =	shalt  }
0x75: {  	_ =	shalt  }
0x76: {  	_ =	shalt  }
0x77: {  	_ =	shalt  }
0x78: {  	_ =	shalt  }
0x79: {  	_ =	shalt  }
0x7a: {  	_ =	shalt  }
0x7b: {  	_ =	shalt  }
0x7c: {  	_ =	shalt  }
0x7d: {  	_ =	shalt  }
0x7e: {  	_ =	shalt  }
0x7f: {  	_ =	shalt  }
0x80: {  	_ =	shalt  }
0x81: {  	_ =	shalt  }
0x82: {  	_ =	shalt  }
0x83: {  	_ =	shalt  }
0x84: {  	_ =	shalt  }
0x85: {  	_ =	shalt  }
0x86: {  	_ =	shalt  }
0x87: {  	_ =	shalt  }
.Lfunc_end0:
.L_simem_size_0:
called_computation_lowered:
.L_overlay_start_0:
0x88: {  	s2 =	sld [smem:$0x3FD9]  }
0x89: {  	s3 =	sld [smem:$0x3FFE];
	_ =	sdelay $0x1  }
0x8a: {  	s1 =	srdreg.scid  }
0x8b: {  	s0 =	sand.u32 $0x1, s1  }
0x8c: {  	s17 =	sshll.u32 s0, $0xA;
	s2 =	sadd.s32 s3, s2  }
0x8d: {  	s2 =	sadd.s32 s2, s17  }
0x8e: {  	[smem:$0x3FC3] =	sst s2  }
0x8f: {  	_ = 	snop  }
0x90: {  	s2 =	sld [smem:$0x3FC5]  }
0x91: {  	s18 =	sld [smem:$0x3FD0];
	(tm) =	ssettm $0x1  }
0x92: {  	s4 =	sld [smem:$0x3FFB];
	_ =	sdelay $0x3  }
0x93: {  	_ =	strace s4  }
0x94: {  	s4 =	sld [smem:$0x3FFC];
	_ =	sdelay $0x3  }
0x95: {  	_ =	strace s4  }
0x96: {  	s4 =	sld [smem:$0x3FFD];
	_ =	sdelay $0x3  }
0x97: {  	_ =	strace s4  }
0x98: {  	_ =	strace $0x8FFFFFFF  }
0x99: {  	s19 =	sld [smem:$0x3FDB];
	_ =	sdelay $0x1  }
0x9a: {  	s5 =	simm.s32 $_scs_section_size  }
0x9b: {  	s6 =	simm.s32 $_size__tile_overlayer_lowered;
	s7 =	simm.s32 $_tile_overlayer_lowered  }
0x9c: {  	s22 =	simm.s32 $0x1BFF;
	s21 =	sshll.u32 s7, $0x1;
	s4 =	sadd.s32 s5, s19  }
0x9d: {  	s8 =	simm.s32 $0x0;
	s20 =	sshll.u32 s6, $0x1;
	s6 =	sadd.s32 s21, s4  }
0x9e: {  	[timem:s8], [sflag:s22] =	dma.local [hbm:s6], s20  }
0x9f: {  	_ =	swait.ge [sflag:s22], s20  }
0xa0: {  	s5 =	ssub.s32 $0x0, s20;
	[sflag:s22] =	ssyncset.done $0x0  }
0xa1: {  	[sflag:s22] =	ssyncadd.s32 s5;
	_ =	sdelay $0x1  }
0xa2: {  	s23 =	simm.s32 $0x1B8B  }
0xa3: {  	_ =	swait.ge [sflag:s23], $0x1  }
0xa4: {  	[sflag:s23] =	ssyncset.done $0x0  }
0xa5: {  	s25 =	simm.s32 $0x1B8E;
	s24 =	sld [smem:$0x3FFE];
	[sflag:s23] =	ssyncadd.s32 $0xFFFFFFFF  }
0xa6: {  	s26 =	simm.s32 $execute0_lowered;
	[smem:$0x3FD2] =	sst s25  }
0xa7: {  	s6 =	sshll.u32 s26, $0x1;
	_ =	strace $0x80000046;
	[dreg:$0x1] =	wrdreg $0xFFFFFFFF  }
0xa8: {  	s28 =	simm.s32 $_size_execute0_lowered;
	s4 =	sadd.s32 s4, s6;
	[dreg:$0x0] =	wrdreg $0x0  }
0xa9: {  	s6 =	sshll.u32 s28, $0x1;
	[dreg:$0x2] =	wrdreg s4  }
0xaa: {  	[dreg:$0x3] =	wrdreg s6  }
0xab: {  	[dreg:$0x4] =	wrdreg $0xC0  }
0xac: {  	_ =	task [dreg:s8], $0x5FFFF  }
0xad: {  	[dreg:$0x1] =	wrdreg $0xFFFFFFFF  }
0xae: {  	[dreg:$0x0] =	wrdreg $0x60  }
0xaf: {  	[dreg:$0x2] =	wrdreg s24  }
0xb0: {  	[dreg:$0x3] =	wrdreg s2  }
0xb1: {  	[dreg:$0x4] =	wrdreg s18  }
0xb2: {  	[dreg:$0x5] =	wrdreg $0x9  }
0xb3: {  	_ =	task.clear_ibuf [dreg:s8], $0x6FFFF;
	_ =	strace $0x90000046  }
0xb4: {  	s29 =	simm.s32 $0x9;
	_ =	strace $0x80000048  }
0xb5: {  	_ =	swait.ge [sflag:s29], $0x1  }
0xb6: {  	[sflag:s29] =	ssyncadd.s32 $0xFFFFFFFF  }
0xb7: {  	_ =	strace $0x90000048  }
0xb8: {  	_ =	sfence  }
0xb9: {  	s30 =	sld [smem:$0x0];
	_ =	sdelay $0x2  }
0xba: {  	s31 =	sshll.u32 s1, $0xD;
	s1 =	sshrl.u32 s1, $0x2  }
0xbb: {  	s3 =	sand.u32 $0x4000, s31;
	s1 =	sadd.s32 s1, s30  }
0xbc: {  	s0 =	sor.u32 s3, s0;
	s1 =	sshll.u32 s1, $0x11  }
0xbd: {  	s0 =	sor.u32 s1, s0  }
0xbe: {  	s0 =	sadd.s32 $0x8F2B, s0  }
0xbf: {  	[sflag:s0] =	ssyncadd.remote.s32 $0x1  }
0xc0: {  	_ =	sfence.sel $0xFFFF  }
0xc1: {  	[dreg:$0x0] =	wrdreg $0xFFFFFFFF;
	(pc) =	sbr.abs _section_cstart, $3  }
0xc2: {  	[dreg:$0x1] =	wrdreg $0xFFFFFFFF  }
0xc3: {  	_ =	task.clear_ibuf [dreg:s8], $0x2FFFF;
	_ =	strace $0x9FFFFFFF  }
0xc4: {  	(tm) =	ssettm $0x7FFFFFFF  }
0xc5: {  	_ =	shalt  }
tec
execute0_lowered:
.L_overlay_start_1:
0x0: {  	(tag) =	ssettag $0x1  }
0x1: {  	v0 =	vimm.s32 $0x80B;
	vm15 =	vcmask $0x300;
	vm14 =	vcmask $0x704  }
0x2: {  	vm13 =	vcmask $0xB08;
	vm12 =	vcmask $0xF0C;
	vm11 =	vcmask $0x1310  }
0x3: {  	vm10 =	vcmask $0x1714;
	v18 =	vlaneseq.u32;
	vm9 =	vcmask $0x1B18  }
0x4: {  	vm8 =	vcmask $0x1F1C;
	vm7 =	vcmask $0x2320;
	vm6 =	vcmask $0x2724  }
0x5: {  	vm0 =	vmmov $0xffff;
	vm5 =	vcmask $0x2B28;
	vm4 =	vcmask $0x2F2C  }
0x6: {  	vm3 =	vcmask $0x3330;
	v4 =	vimm.s32 $0xC0B;
	vm2 =	vcmask $0x3734  }
0x7: {  	vm1 =	vcmask $0x3B38;
	v12 =	vimm.s32 $0xDFF;
	v13 =	vimm.s32 $0xFFF  }
0x8: {  	v21 =	vimm.s32 $0x1DFF;
	v22 =	vimm.s32 $0x1FFF;
	v23 =	vimm.s32 $0x2DFF  }
0x9: {  	v24 =	vimm.s32 $0x2FFF;
	v25 =	vimm.s32 $0x3DFF;
	v26 =	vimm.s32 $0x3FFF  }
0xa: {  	v27 =	vimm.s32 $0x4DFF;
	v28 =	vimm.s32 $0x4FFF;
	v29 =	vimm.s32 $0x5DFF  }
0xb: {  	v30 =	vimm.s32 $0x5FFF;
	v31 =	vimm.s32 $0x6DFF;
	v32 =	vimm.s32 $0x6FFF  }
0xc: {  	v33 =	vimm.s32 $0x7DFF;
	v34 =	vimm.s32 $0x7FFF;
	v35 =	vimm.s32 $0x8DFF  }
0xd: {  	v36 =	vimm.s32 $0x8FFF;
	v37 =	vimm.s32 $0x9DFF;
	v38 =	vimm.s32 $0x9FFF  }
0xe: {  	v0 =	vsel vm15, $0x47C, v0;
	v2 =	vshrl.u32 v18, $0x3;
	v4 =	vsel vm15, $0x87C, v4  }
0xf: {  	v6 =	vadd.s32 $0x82C, v18;
	v8 =	vadd.s32 $0x84C, v18;
	v10 =	vadd.s32 $0x86C, v18  }
0x10: {  	v12 =	vsel vm15, $0xC7C, v12;
	v13 =	vsel vm15, $0xE7C, v13;
	v21 =	vsel vm15, $0x1C7C, v21  }
0x11: {  	v22 =	vsel vm15, $0x1E7C, v22;
	v23 =	vsel vm15, $0x2C7C, v23;
	v24 =	vsel vm15, $0x2E7C, v24  }
0x12: {  	v25 =	vsel vm15, $0x3C7C, v25;
	v26 =	vsel vm15, $0x3E7C, v26;
	v27 =	vsel vm15, $0x4C7C, v27  }
0x13: {  	v28 =	vsel vm15, $0x4E7C, v28;
	v29 =	vsel vm15, $0x5C7C, v29;
	v30 =	vsel vm15, $0x5E7C, v30  }
0x14: {  	v31 =	vsel vm15, $0x6C7C, v31;
	v32 =	vsel vm15, $0x6E7C, v32;
	v33 =	vsel vm15, $0x7C7C, v33  }
0x15: {  	v34 =	vsel vm15, $0x7E7C, v34;
	v35 =	vsel vm15, $0x8C7C, v35;
	v36 =	vsel vm15, $0x8E7C, v36  }
0x16: {  	v37 =	vsel vm15, $0x9C7C, v37;
	v38 =	vsel vm15, $0x9E7C, v38;
	v0 =	vsel vm14, $0x47D, v0  }
0x17: {  	v5 =	vsel vm14, $0x87D, v4;
	v4 =	vadd.s32 $0x80C, v18;
	v12 =	vsel vm14, $0xC7D, v12  }
0x18: {  	v13 =	vsel vm14, $0xE7D, v13;
	v21 =	vsel vm14, $0x1C7D, v21;
	v22 =	vsel vm14, $0x1E7D, v22  }
0x19: {  	v23 =	vsel vm14, $0x2C7D, v23;
	v24 =	vsel vm14, $0x2E7D, v24;
	v25 =	vsel vm14, $0x3C7D, v25  }
0x1a: {  	v26 =	vsel vm14, $0x3E7D, v26;
	v27 =	vsel vm14, $0x4C7D, v27;
	v28 =	vsel vm14, $0x4E7D, v28  }
0x1b: {  	v29 =	vsel vm14, $0x5C7D, v29;
	v30 =	vsel vm14, $0x5E7D, v30;
	v31 =	vsel vm14, $0x6C7D, v31  }
0x1c: {  	v32 =	vsel vm14, $0x6E7D, v32;
	v33 =	vsel vm14, $0x7C7D, v33;
	v34 =	vsel vm14, $0x7E7D, v34  }
0x1d: {  	v35 =	vsel vm14, $0x8C7D, v35;
	v36 =	vsel vm14, $0x8E7D, v36;
	v37 =	vsel vm14, $0x9C7D, v37  }
0x1e: {  	v38 =	vsel vm14, $0x9E7D, v38;
	v0 =	vsel vm13, $0x47E, v0;
	v7 =	vsel vm13, $0x87E, v5  }
0x1f: {  	v5 =	vadd.s32 $0x81C, v18;
	v12 =	vsel vm13, $0xC7E, v12;
	v13 =	vsel vm13, $0xE7E, v13  }
0x20: {  	v21 =	vsel vm13, $0x1C7E, v21;
	v22 =	vsel vm13, $0x1E7E, v22;
	v23 =	vsel vm13, $0x2C7E, v23  }
0x21: {  	v24 =	vsel vm13, $0x2E7E, v24;
	v25 =	vsel vm13, $0x3C7E, v25;
	v26 =	vsel vm13, $0x3E7E, v26  }
0x22: {  	v27 =	vsel vm13, $0x4C7E, v27;
	v28 =	vsel vm13, $0x4E7E, v28;
	v29 =	vsel vm13, $0x5C7E, v29  }
0x23: {  	v30 =	vsel vm13, $0x5E7E, v30;
	v31 =	vsel vm13, $0x6C7E, v31;
	v32 =	vsel vm13, $0x6E7E, v32  }
0x24: {  	v33 =	vsel vm13, $0x7C7E, v33;
	v34 =	vsel vm13, $0x7E7E, v34;
	v35 =	vsel vm13, $0x8C7E, v35  }
0x25: {  	v36 =	vsel vm13, $0x8E7E, v36;
	v37 =	vsel vm13, $0x9C7E, v37;
	v38 =	vsel vm13, $0x9E7E, v38  }
0x26: {  	v0 =	vsel vm12, $0x47F, v0;
	v9 =	vsel vm12, $0x87F, v7;
	v7 =	vadd.s32 $0x83C, v18  }
0x27: {  	v12 =	vsel vm12, $0xC7F, v12;
	v13 =	vsel vm12, $0xE7F, v13;
	v21 =	vsel vm12, $0x1C7F, v21  }
0x28: {  	v22 =	vsel vm12, $0x1E7F, v22;
	v23 =	vsel vm12, $0x2C7F, v23;
	v24 =	vsel vm12, $0x2E7F, v24  }
0x29: {  	v25 =	vsel vm12, $0x3C7F, v25;
	v26 =	vsel vm12, $0x3E7F, v26;
	v27 =	vsel vm12, $0x4C7F, v27  }
0x2a: {  	v28 =	vsel vm12, $0x4E7F, v28;
	v29 =	vsel vm12, $0x5C7F, v29;
	v30 =	vsel vm12, $0x5E7F, v30  }
0x2b: {  	v31 =	vsel vm12, $0x6C7F, v31;
	v32 =	vsel vm12, $0x6E7F, v32;
	v33 =	vsel vm12, $0x7C7F, v33  }
0x2c: {  	v34 =	vsel vm12, $0x7E7F, v34;
	v35 =	vsel vm12, $0x8C7F, v35;
	v36 =	vsel vm12, $0x8E7F, v36  }
0x2d: {  	v37 =	vsel vm12, $0x9C7F, v37;
	v38 =	vsel vm12, $0x9E7F, v38;
	v0 =	vsel vm11, $0x800, v0  }
0x2e: {  	v11 =	vsel vm11, $0xC00, v9;
	v9 =	vadd.s32 $0x85C, v18;
	v12 =	vsel vm11, $0xCFC, v12  }
0x2f: {  	v13 =	vsel vm11, $0xEFC, v13;
	v21 =	vsel vm11, $0x1CFC, v21;
	v22 =	vsel vm11, $0x1EFC, v22  }
0x30: {  	v23 =	vsel vm11, $0x2CFC, v23;
	v24 =	vsel vm11, $0x2EFC, v24;
	v25 =	vsel vm11, $0x3CFC, v25  }
0x31: {  	v26 =	vsel vm11, $0x3EFC, v26;
	v27 =	vsel vm11, $0x4CFC, v27;
	v28 =	vsel vm11, $0x4EFC, v28  }
0x32: {  	v29 =	vsel vm11, $0x5CFC, v29;
	v30 =	vsel vm11, $0x5EFC, v30;
	v31 =	vsel vm11, $0x6CFC, v31  }
0x33: {  	v32 =	vsel vm11, $0x6EFC, v32;
	v33 =	vsel vm11, $0x7CFC, v33;
	v34 =	vsel vm11, $0x7EFC, v34  }
0x34: {  	v35 =	vsel vm11, $0x8CFC, v35;
	v36 =	vsel vm11, $0x8EFC, v36;
	v37 =	vsel vm11, $0x9CFC, v37  }
0x35: {  	v38 =	vsel vm11, $0x9EFC, v38;
	v1 =	vsel vm10, $0x801, v0;
	v0 =	vand.u32 $0x7, v18  }
0x36: {  	v11 =	vsel vm10, $0xC01, v11;
	v12 =	vsel vm10, $0xCFD, v12;
	v13 =	vsel vm10, $0xEFD, v13  }
0x37: {  	v21 =	vsel vm10, $0x1CFD, v21;
	v22 =	vsel vm10, $0x1EFD, v22;
	v23 =	vsel vm10, $0x2CFD, v23  }
0x38: {  	v24 =	vsel vm10, $0x2EFD, v24;
	v25 =	vsel vm10, $0x3CFD, v25;
	v26 =	vsel vm10, $0x3EFD, v26  }
0x39: {  	v27 =	vsel vm10, $0x4CFD, v27;
	v28 =	vsel vm10, $0x4EFD, v28;
	v29 =	vsel vm10, $0x5CFD, v29  }
0x3a: {  	v30 =	vsel vm10, $0x5EFD, v30;
	v31 =	vsel vm10, $0x6CFD, v31;
	v32 =	vsel vm10, $0x6EFD, v32  }
0x3b: {  	v33 =	vsel vm10, $0x7CFD, v33;
	v34 =	vsel vm10, $0x7EFD, v34;
	v35 =	vsel vm10, $0x8CFD, v35  }
0x3c: {  	v36 =	vsel vm10, $0x8EFD, v36;
	v37 =	vsel vm10, $0x9CFD, v37;
	v38 =	vsel vm10, $0x9EFD, v38  }
0x3d: {  	v1 =	vsel vm9, $0x802, v1;
	v11 =	vsel vm9, $0xC02, v11;
	v12 =	vsel vm9, $0xCFE, v12  }
0x3e: {  	v13 =	vsel vm9, $0xEFE, v13;
	v21 =	vsel vm9, $0x1CFE, v21;
	v22 =	vsel vm9, $0x1EFE, v22  }
0x3f: {  	v23 =	vsel vm9, $0x2CFE, v23;
	v24 =	vsel vm9, $0x2EFE, v24;
	v25 =	vsel vm9, $0x3CFE, v25  }
0x40: {  	v26 =	vsel vm9, $0x3EFE, v26;
	v27 =	vsel vm9, $0x4CFE, v27;
	v28 =	vsel vm9, $0x4EFE, v28  }
0x41: {  	v29 =	vsel vm9, $0x5CFE, v29;
	v30 =	vsel vm9, $0x5EFE, v30;
	v31 =	vsel vm9, $0x6CFE, v31  }
0x42: {  	v32 =	vsel vm9, $0x6EFE, v32;
	v33 =	vsel vm9, $0x7CFE, v33;
	v34 =	vsel vm9, $0x7EFE, v34  }
0x43: {  	v35 =	vsel vm9, $0x8CFE, v35;
	v36 =	vsel vm9, $0x8EFE, v36;
	v37 =	vsel vm9, $0x9CFE, v37  }
0x44: {  	v38 =	vsel vm9, $0x9EFE, v38;
	v3 =	vsel vm8, $0x803, v1;
	v1 =	vmul.u32 $0x8, v2  }
0x45: {  	v11 =	vsel vm8, $0xC03, v11;
	v14 =	vsel vm8, $0xCFF, v12;
	v13 =	vsel vm8, $0xEFF, v13  }
0x46: {  	v12 =	vadd.s32 $0xC0C, v18;
	v21 =	vsel vm8, $0x1CFF, v21;
	v22 =	vsel vm8, $0x1EFF, v22  }
0x47: {  	v23 =	vsel vm8, $0x2CFF, v23;
	v24 =	vsel vm8, $0x2EFF, v24;
	v25 =	vsel vm8, $0x3CFF, v25  }
0x48: {  	v26 =	vsel vm8, $0x3EFF, v26;
	v27 =	vsel vm8, $0x4CFF, v27;
	v28 =	vsel vm8, $0x4EFF, v28  }
0x49: {  	v29 =	vsel vm8, $0x5CFF, v29;
	v30 =	vsel vm8, $0x5EFF, v30;
	v31 =	vsel vm8, $0x6CFF, v31  }
0x4a: {  	v32 =	vsel vm8, $0x6EFF, v32;
	v33 =	vsel vm8, $0x7CFF, v33;
	v34 =	vsel vm8, $0x7EFF, v34  }
0x4b: {  	v35 =	vsel vm8, $0x8CFF, v35;
	v36 =	vsel vm8, $0x8EFF, v36;
	v37 =	vsel vm8, $0x9CFF, v37  }
0x4c: {  	v38 =	vsel vm8, $0x9EFF, v38;
	v2 =	vsel vm7, $0x804, v3;
	v11 =	vsel vm7, $0xC04, v11  }
0x4d: {  	v14 =	vsel vm7, $0xD7C, v14;
	v15 =	vsel vm7, $0xF7C, v13;
	v13 =	vadd.s32 $0xC1C, v18  }
0x4e: {  	v21 =	vsel vm7, $0x1D7C, v21;
	v22 =	vsel vm7, $0x1F7C, v22;
	v23 =	vsel vm7, $0x2D7C, v23  }
0x4f: {  	v24 =	vsel vm7, $0x2F7C, v24;
	v25 =	vsel vm7, $0x3D7C, v25;
	v26 =	vsel vm7, $0x3F7C, v26  }
0x50: {  	v27 =	vsel vm7, $0x4D7C, v27;
	v28 =	vsel vm7, $0x4F7C, v28;
	v29 =	vsel vm7, $0x5D7C, v29  }
0x51: {  	v30 =	vsel vm7, $0x5F7C, v30;
	v31 =	vsel vm7, $0x6D7C, v31;
	v32 =	vsel vm7, $0x6F7C, v32  }
0x52: {  	v33 =	vsel vm7, $0x7D7C, v33;
	v34 =	vsel vm7, $0x7F7C, v34;
	v35 =	vsel vm7, $0x8D7C, v35  }
0x53: {  	v36 =	vsel vm7, $0x8F7C, v36;
	v37 =	vsel vm7, $0x9D7C, v37;
	v38 =	vsel vm7, $0x9F7C, v38  }
0x54: {  	v3 =	vsel vm6, $0x805, v2;
	v2 =	vor.u32 $0x8, v18;
	v11 =	vsel vm6, $0xC05, v11  }
0x55: {  	v16 =	vsel vm6, $0xD7D, v14;
	v15 =	vsel vm6, $0xF7D, v15;
	v14 =	vadd.s32 $0xC2C, v18  }
0x56: {  	v21 =	vsel vm6, $0x1D7D, v21;
	v22 =	vsel vm6, $0x1F7D, v22;
	v23 =	vsel vm6, $0x2D7D, v23  }
0x57: {  	v24 =	vsel vm6, $0x2F7D, v24;
	v25 =	vsel vm6, $0x3D7D, v25;
	v26 =	vsel vm6, $0x3F7D, v26  }
0x58: {  	v27 =	vsel vm6, $0x4D7D, v27;
	v28 =	vsel vm6, $0x4F7D, v28;
	v29 =	vsel vm6, $0x5D7D, v29  }
0x59: {  	v30 =	vsel vm6, $0x5F7D, v30;
	v31 =	vsel vm6, $0x6D7D, v31;
	v32 =	vsel vm6, $0x6F7D, v32  }
0x5a: {  	v33 =	vsel vm6, $0x7D7D, v33;
	v34 =	vsel vm6, $0x7F7D, v34;
	v35 =	vsel vm6, $0x8D7D, v35  }
0x5b: {  	v36 =	vsel vm6, $0x8F7D, v36;
	v37 =	vsel vm6, $0x9D7D, v37;
	v38 =	vsel vm6, $0x9F7D, v38  }
0x5c: {  	v3 =	vsel vm5, $0x806, v3;
	v11 =	vsel vm5, $0xC06, v11;
	v16 =	vsel vm5, $0xD7E, v16  }
0x5d: {  	v17 =	vsel vm5, $0xF7E, v15;
	v15 =	vadd.s32 $0xC3C, v18;
	v21 =	vsel vm5, $0x1D7E, v21  }
0x5e: {  	v22 =	vsel vm5, $0x1F7E, v22;
	v23 =	vsel vm5, $0x2D7E, v23;
	v24 =	vsel vm5, $0x2F7E, v24  }
0x5f: {  	v25 =	vsel vm5, $0x3D7E, v25;
	v26 =	vsel vm5, $0x3F7E, v26;
	v27 =	vsel vm5, $0x4D7E, v27  }
0x60: {  	v28 =	vsel vm5, $0x4F7E, v28;
	v29 =	vsel vm5, $0x5D7E, v29;
	v30 =	vsel vm5, $0x5F7E, v30  }
0x61: {  	v31 =	vsel vm5, $0x6D7E, v31;
	v32 =	vsel vm5, $0x6F7E, v32;
	v33 =	vsel vm5, $0x7D7E, v33  }
0x62: {  	v34 =	vsel vm5, $0x7F7E, v34;
	v35 =	vsel vm5, $0x8D7E, v35;
	v36 =	vsel vm5, $0x8F7E, v36  }
0x63: {  	v37 =	vsel vm5, $0x9D7E, v37;
	v38 =	vsel vm5, $0x9F7E, v38;
	v3 =	vsel vm4, $0x807, v3  }
0x64: {  	v11 =	vsel vm4, $0xC07, v11;
	v19 =	vsel vm4, $0xD7F, v16;
	v17 =	vsel vm4, $0xF7F, v17  }
0x65: {  	v16 =	vadd.s32 $0xC4C, v18;
	v21 =	vsel vm4, $0x1D7F, v21;
	v22 =	vsel vm4, $0x1F7F, v22  }
0x66: {  	v23 =	vsel vm4, $0x2D7F, v23;
	v24 =	vsel vm4, $0x2F7F, v24;
	v25 =	vsel vm4, $0x3D7F, v25  }
0x67: {  	v26 =	vsel vm4, $0x3F7F, v26;
	v27 =	vsel vm4, $0x4D7F, v27;
	v28 =	vsel vm4, $0x4F7F, v28  }
0x68: {  	s1 =	rddreg [dreg:$0x0];
	v29 =	vsel vm4, $0x5D7F, v29;
	v30 =	vsel vm4, $0x5F7F, v30;
	v31 =	vsel vm4, $0x6D7F, v31  }
0x69: {  	s0 =	rddreg [dreg:$0x1];
	v32 =	vsel vm4, $0x6F7F, v32;
	v33 =	vsel vm4, $0x7D7F, v33;
	v34 =	vsel vm4, $0x7F7F, v34  }
0x6a: {  	s2 =	rddreg [dreg:$0x2];
	v35 =	vsel vm4, $0x8D7F, v35;
	v36 =	vsel vm4, $0x8F7F, v36;
	v37 =	vsel vm4, $0x9D7F, v37  }
0x6b: {  	s4 =	simm.s32 $0x0;
	s3 =	srdreg.scid;
	s5 =	stileid.u32;
	v38 =	vsel vm4, $0x9F7F, v38;
	v3 =	vsel vm3, $0x808, v3;
	v11 =	vsel vm3, $0xC08, v11  }
0x6c: {  	s29 =	simm.s32 $0x4;
	s30 =	simm.s32 $0x300;
	s14 =	simm.s32 $0xA300;
	v19 =	vsel vm3, $0xDFC, v19;
	v20 =	vsel vm3, $0xFFC, v17;
	v17 =	vadd.s32 $0xC5C, v18  }
0x6d: {  	s28 =	simm.s32 $0x7;
	s3 =	sand.u32 $0x1, s3;
	s6 =	sshll.u32 s5, $0x1;
	v18 =	vadd.s32 $0xC6C, v18;
	v21 =	vsel vm3, $0x1DFC, v21;
	v22 =	vsel vm3, $0x1FFC, v22  }
0x6e: {  	s31 =	simm.s32 $0x3;
	[smem:$0x7FF] =	sst s4;
	s11 =	sor.u32 s3, s6;
	v23 =	vsel vm3, $0x2DFC, v23;
	v24 =	vsel vm3, $0x2FFC, v24;
	v25 =	vsel vm3, $0x3DFC, v25  }
0x6f: {  	s5 =	sadd.s32 $0x400, s1;
	s8 =	sadd.s32 $0xCC00, s1;
	s7 =	smul.u32 $0x1900, s11;
	v26 =	vsel vm3, $0x3FFC, v26;
	v27 =	vsel vm3, $0x4DFC, v27;
	v28 =	vsel vm3, $0x4FFC, v28  }
0x70: {  	s9 =	sadd.s32 $0x25C00, s1;
	s3 =	ssub.s32 $0x2, s3;
	s13 =	smul.u32 $0xC80, s11;
	v29 =	vsel vm3, $0x5DFC, v29;
	v30 =	vsel vm3, $0x5FFC, v30;
	v31 =	vsel vm3, $0x6DFC, v31  }
0x71: {  	_ =	strace $0x80000047;
	s15 =	sshrl.u32 s3, $0x1;
	s20 =	smul.u32 $0x320000, s11;
	v32 =	vsel vm3, $0x6FFC, v32;
	v33 =	vsel vm3, $0x7DFC, v33;
	v34 =	vsel vm3, $0x7FFC, v34  }
0x72: {  	s6 =	sadd.s32 $0x6800, s1;
	s11 =	smul.u32 $0x64000, s11;
	s1 =	ssub.s32 s3, s15;
	v35 =	vsel vm3, $0x8DFC, v35;
	v36 =	vsel vm3, $0x8FFC, v36;
	v37 =	vsel vm3, $0x9DFC, v37  }
0x73: {  	s12 =	sshrl.u32 s7, $0x3;
	s10 =	sor.u32 $0x50, s7;
	s18 =	sadd.s32 s8, s13;
	v38 =	vsel vm3, $0x9FFC, v38;
	v3 =	vsel vm2, $0x809, v3;
	v11 =	vsel vm2, $0xC09, v11  }
0x74: {  	s11 =	sadd.s32 s2, s11;
	s1 =	smax.u32 s1, $0x1;
	[dreg:$0x4] =	wrdreg s7;
	v19 =	vsel vm2, $0xDFD, v19;
	v20 =	vsel vm2, $0xFFD, v20;
	v21 =	vsel vm2, $0x1DFD, v21  }
0x75: {  	s13 =	simm.s32 $0x5;
	s16 =	sadd.s32 s5, s12;
	[dreg:$0x7] =	wrdreg s18;
	v22 =	vsel vm2, $0x1FFD, v22;
	v23 =	vsel vm2, $0x2DFD, v23;
	v24 =	vsel vm2, $0x2FFD, v24  }
0x76: {  	s17 =	sshrl.u32 s10, $0x3;
	s12 =	sadd.s32 s6, s12;
	[dreg:$0xd] =	wrdreg s11;
	v25 =	vsel vm2, $0x3DFD, v25;
	v26 =	vsel vm2, $0x3FFD, v26;
	v27 =	vsel vm2, $0x4DFD, v27  }
0x77: {  	s21 =	sshrl.u32 s10, $0x1;
	[dreg:$0x11] =	wrdreg s1;
	s18 =	simm.s32 $0x1;
	v28 =	vsel vm2, $0x4FFD, v28;
	v29 =	vsel vm2, $0x5DFD, v29;
	v30 =	vsel vm2, $0x5FFD, v30  }
0x78: {  	s1 =	simm.s32 $0x8;
	s11 =	simm.s32 $0x0;
	[dreg:$0x5] =	wrdreg s16;
	v31 =	vsel vm2, $0x6DFD, v31;
	v32 =	vsel vm2, $0x6FFD, v32;
	v33 =	vsel vm2, $0x7DFD, v33  }
0x79: {  	[dreg:$0x6] =	wrdreg s12;
	s19 =	sadd.s32 s5, s17;
	s3 =	sadd.s32 s6, s17;
	v34 =	vsel vm2, $0x7FFD, v34;
	v35 =	vsel vm2, $0x8DFD, v35;
	v36 =	vsel vm2, $0x8FFD, v36  }
0x7a: {  	s16 =	sor.u32 $0xA0, s7;
	s12 =	sadd.s32 s8, s21;
	[dreg:$0x8] =	wrdreg s19;
	v37 =	vsel vm2, $0x9DFD, v37;
	v38 =	vsel vm2, $0x9FFD, v38;
	v3 =	vsel vm1, $0x80A, v3  }
0x7b: {  	s21 =	simm.s32 $0x2;
	[dreg:$0x9] =	wrdreg s3;
	s22 =	sshrl.u32 s16, $0x3;
	v11 =	vsel vm1, $0xC0A, v11;
	v19 =	vsel vm1, $0xDFE, v19;
	v20 =	vsel vm1, $0xFFE, v20  }
0x7c: {  	[dreg:$0xa] =	wrdreg s12;
	s3 =	sshrl.u32 s20, $0x3;
	s25 =	sshrl.u32 s16, $0x1;
	v21 =	vsel vm1, $0x1DFE, v21;
	v22 =	vsel vm1, $0x1FFE, v22;
	v23 =	vsel vm1, $0x2DFE, v23  }
0x7d: {  	s19 =	simm.s32 $0x6;
	s23 =	sadd.s32 s5, s22;
	[dreg:$0xe] =	wrdreg s25;
	v24 =	vsel vm1, $0x2FFE, v24;
	v25 =	vsel vm1, $0x3DFE, v25;
	v26 =	vsel vm1, $0x3FFE, v26  }
0x7e: {  	s24 =	sadd.s32 s6, s22;
	s3 =	sadd.s32 s2, s3;
	[dreg:$0xb] =	wrdreg s23;
	v27 =	vsel vm1, $0x4DFE, v27;
	v28 =	vsel vm1, $0x4FFE, v28;
	v29 =	vsel vm1, $0x5DFE, v29  }
0x7f: {  	s20 =	simm.s32 $0x14300;
	[dreg:$0xc] =	wrdreg s24;
	s26 =	sadd.s32 $0x61800, s3;
	v30 =	vsel vm1, $0x5FFE, v30;
	v31 =	vsel vm1, $0x6DFE, v31;
	v32 =	vsel vm1, $0x6FFE, v32  }
0x80: {  	s22 =	sor.u32 $0xF0, s7;
	s3 =	sadd.s32 $0x62C00, s3;
	[dreg:$0xf] =	wrdreg s26;
	v33 =	vsel vm1, $0x7DFE, v33;
	v34 =	vsel vm1, $0x7FFE, v34;
	v35 =	vsel vm1, $0x8DFE, v35  }
0x81: {  	[dreg:$0x10] =	wrdreg s3;
	s26 =	sadd.s32 $0x140, s7;
	s3 =	simm.s32 $0x9;
	v36 =	vsel vm1, $0x8FFE, v36;
	v37 =	vsel vm1, $0x9DFE, v37;
	v38 =	vsel vm1, $0x9FFE, v38  }
.LBB2_1:
0x82: {  	[dreg:$0x12] =	wrdreg s11  }
0x83: {  	s7 =	rddreg [dreg:$0x5]  }
0x84: {  	[tilespmem:s4], [sflag:$0x4] =	stream.linear.gather [hbm4b:s7+s4], $0x50, $0x38;
	[tilespmem:$0x1E780] =	vst v63  }
0x85: {  	s12 =	rddreg [dreg:$0x6];
	s15 =	simm.s32 $0x80  }
0x86: {  	[tilespmem:s15], [sflag:$0x4] =	stream.linear.gather [hbm4b:s12+s4], $0x50, $0x38;
	[tilespmem:$0x1E780] =	vst v63  }
0x87: {  	_ =	swait.ge [sflag:s29], $0x50  }
0x88: {  	[sflag:s29] =	ssyncset.done $0x0  }
0x89: {  	[sflag:s29] =	ssyncadd.s32 $0xFFFFFFB0  }
0x8a: {  	_ =	swait.ge [sflag:s29], $0x50  }
0x8b: {  	[sflag:s29] =	ssyncset.done $0x0  }
0x8c: {  	[sflag:s29] =	ssyncadd.s32 $0xFFFFFFB0  }
0x8d: {  	v39 =	vld [tilespmem:$0x0];
	_ =	sdelay $0x4  }
0x8e: {  	v40 =	vshll.u32 v39, $0x1  }
0x8f: {  	v39 =	vand.u32 $0x7, v39;
	v40 =	vand.u32 $0xFFFFFFF0, v40  }
0x90: {  	v39 =	vor.u32 v39, v40  }
0x91: {  	v40 =	vperm.xlane v39, v0;
	_ =	sdelay $0x1  }
0x92: {  	v39 =	vperm.xlane v39, v2;
	v40 =	vadd.s32 v1, v40;
	_ =	sdelay $0x1  }
0x93: {  	v39 =	vadd.s32 v1, v39;
	_ =	sdelay $0x2  }
0x94: {  	[tilespmem:s30], [sflag:$0x1] =	stream.indirect_vreg.gather [hbm4b:s9+s4], $0x80, v40, vm0, $0xb8;
	[tilespmem:$0x1E780] =	vst v63  }
0x95: {  	s17 =	simm.s32 $0x1300  }
0x96: {  	[tilespmem:s17], [sflag:$0x1] =	stream.indirect_vreg.gather [hbm4b:s9+s4], $0x80, v39, vm0, $0xb8;
	[tilespmem:$0x1E780] =	vst v63  }
0x97: {  	v39 =	vld [tilespmem:$0x10];
	_ =	sdelay $0x4  }
0x98: {  	v44 =	vshll.u32 v39, $0x1  }
0x99: {  	v39 =	vand.u32 $0x7, v39;
	v40 =	vand.u32 $0xFFFFFFF0, v44  }
0x9a: {  	v39 =	vor.u32 v39, v40  }
0x9b: {  	v40 =	vperm.xlane v39, v0;
	_ =	sdelay $0x1  }
0x9c: {  	v39 =	vperm.xlane v39, v2;
	v40 =	vadd.s32 v1, v40;
	_ =	sdelay $0x1  }
0x9d: {  	v39 =	vadd.s32 v1, v39;
	_ =	sdelay $0x1  }
0x9e: {  	s23 =	simm.s32 $0x2300  }
0x9f: {  	[tilespmem:s23], [sflag:$0x1] =	stream.indirect_vreg.gather [hbm4b:s9+s4], $0x80, v40, vm0, $0xb8;
	[tilespmem:$0x1E780] =	vst v63  }
0xa0: {  	s24 =	simm.s32 $0x3300  }
0xa1: {  	[tilespmem:s24], [sflag:$0x1] =	stream.indirect_vreg.gather [hbm4b:s9+s4], $0x80, v39, vm0, $0xb8;
	[tilespmem:$0x1E780] =	vst v63  }
0xa2: {  	v39 =	vld [tilespmem:$0x20];
	_ =	sdelay $0x4  }
0xa3: {  	v45 =	vshll.u32 v39, $0x1  }
0xa4: {  	v39 =	vand.u32 $0x7, v39;
	v40 =	vand.u32 $0xFFFFFFF0, v45  }
0xa5: {  	v39 =	vor.u32 v39, v40  }
0xa6: {  	v40 =	vperm.xlane v39, v0;
	_ =	sdelay $0x1  }
0xa7: {  	v39 =	vperm.xlane v39, v2;
	v40 =	vadd.s32 v1, v40;
	_ =	sdelay $0x1  }
0xa8: {  	v39 =	vadd.s32 v1, v39;
	_ =	sdelay $0x1  }
0xa9: {  	s25 =	simm.s32 $0x4300  }
0xaa: {  	[tilespmem:s25], [sflag:$0x1] =	stream.indirect_vreg.gather [hbm4b:s9+s4], $0x80, v40, vm0, $0xb8;
	[tilespmem:$0x1E780] =	vst v63  }
0xab: {  	s11 =	simm.s32 $0x5300  }
0xac: {  	[tilespmem:s11], [sflag:$0x1] =	stream.indirect_vreg.gather [hbm4b:s9+s4], $0x80, v39, vm0, $0xb8;
	[tilespmem:$0x1E780] =	vst v63  }
0xad: {  	v39 =	vld [tilespmem:$0x30];
	_ =	sdelay $0x4  }
0xae: {  	v46 =	vshll.u32 v39, $0x1  }
0xaf: {  	v39 =	vand.u32 $0x7, v39;
	v40 =	vand.u32 $0xFFFFFFF0, v46  }
0xb0: {  	v39 =	vor.u32 v39, v40  }
0xb1: {  	v40 =	vperm.xlane v39, v0;
	_ =	sdelay $0x1  }
0xb2: {  	v39 =	vperm.xlane v39, v2;
	v40 =	vadd.s32 v1, v40;
	_ =	sdelay $0x1  }
0xb3: {  	v39 =	vadd.s32 v1, v39;
	_ =	sdelay $0x1  }
0xb4: {  	s12 =	simm.s32 $0x6300  }
0xb5: {  	[tilespmem:s12], [sflag:$0x1] =	stream.indirect_vreg.gather [hbm4b:s9+s4], $0x80, v40, vm0, $0xb8;
	[tilespmem:$0x1E780] =	vst v63  }
0xb6: {  	s15 =	simm.s32 $0x7300  }
0xb7: {  	[tilespmem:s15], [sflag:$0x1] =	stream.indirect_vreg.gather [hbm4b:s9+s4], $0x80, v39, vm0, $0xb8;
	[tilespmem:$0x1E780] =	vst v63  }
0xb8: {  	v39 =	vld [tilespmem:$0x40];
	_ =	sdelay $0x4  }
0xb9: {  	v47 =	vshll.u32 v39, $0x1  }
0xba: {  	v39 =	vand.u32 $0x7, v39;
	v40 =	vand.u32 $0xFFFFFFF0, v47  }
0xbb: {  	v39 =	vor.u32 v39, v40  }
0xbc: {  	v40 =	vperm.xlane v39, v0;
	_ =	sdelay $0x1  }
0xbd: {  	v39 =	vperm.xlane v39, v2;
	v40 =	vadd.s32 v1, v40;
	_ =	sdelay $0x1  }
0xbe: {  	v39 =	vadd.s32 v1, v39;
	_ =	sdelay $0x1  }
0xbf: {  	s17 =	simm.s32 $0x8300  }
0xc0: {  	[tilespmem:s17], [sflag:$0x1] =	stream.indirect_vreg.gather [hbm4b:s9+s4], $0x80, v40, vm0, $0xb8;
	[tilespmem:$0x1E780] =	vst v63  }
0xc1: {  	s23 =	simm.s32 $0x9300  }
0xc2: {  	[tilespmem:s23], [sflag:$0x1] =	stream.indirect_vreg.gather [hbm4b:s9+s4], $0x80, v39, vm0, $0xb8;
	[tilespmem:$0x1E780] =	vst v63  }
0xc3: {  	v39 =	vld [tilespmem:$0x80];
	_ =	sdelay $0x4  }
0xc4: {  	v48 =	vshll.u32 v39, $0x1  }
0xc5: {  	v39 =	vand.u32 $0x7, v39;
	v40 =	vand.u32 $0xFFFFFFF0, v48  }
0xc6: {  	v39 =	vor.u32 v39, v40  }
0xc7: {  	v40 =	vperm.xlane v39, v0;
	_ =	sdelay $0x1  }
0xc8: {  	v39 =	vperm.xlane v39, v2;
	v40 =	vadd.s32 v1, v40;
	_ =	sdelay $0x1  }
0xc9: {  	v39 =	vadd.s32 v1, v39;
	_ =	sdelay $0x1  }
0xca: {  	s24 =	simm.s32 $0xB00  }
0xcb: {  	[tilespmem:s24], [sflag:$0x1] =	stream.indirect_vreg.gather [hbm4b:s0+s4], $0x80, v40, vm0, $0xb8;
	[tilespmem:$0x1E780] =	vst v63  }
0xcc: {  	s25 =	simm.s32 $0x1B00  }
0xcd: {  	[tilespmem:s25], [sflag:$0x1] =	stream.indirect_vreg.gather [hbm4b:s0+s4], $0x80, v39, vm0, $0xb8;
	[tilespmem:$0x1E780] =	vst v63  }
0xce: {  	v39 =	vld [tilespmem:$0x90];
	_ =	sdelay $0x4  }
0xcf: {  	v49 =	vshll.u32 v39, $0x1  }
0xd0: {  	v39 =	vand.u32 $0x7, v39;
	v40 =	vand.u32 $0xFFFFFFF0, v49  }
0xd1: {  	v39 =	vor.u32 v39, v40  }
0xd2: {  	v40 =	vperm.xlane v39, v0;
	_ =	sdelay $0x1  }
0xd3: {  	v39 =	vperm.xlane v39, v2;
	v40 =	vadd.s32 v1, v40;
	_ =	sdelay $0x1  }
0xd4: {  	v39 =	vadd.s32 v1, v39;
	_ =	sdelay $0x1  }
0xd5: {  	s11 =	simm.s32 $0x2B00  }
0xd6: {  	[tilespmem:s11], [sflag:$0x1] =	stream.indirect_vreg.gather [hbm4b:s0+s4], $0x80, v40, vm0, $0xb8;
	[tilespmem:$0x1E780] =	vst v63  }
0xd7: {  	s12 =	simm.s32 $0x3B00  }
0xd8: {  	[tilespmem:s12], [sflag:$0x1] =	stream.indirect_vreg.gather [hbm4b:s0+s4], $0x80, v39, vm0, $0xb8;
	[tilespmem:$0x1E780] =	vst v63  }
0xd9: {  	v39 =	vld [tilespmem:$0xA0];
	_ =	sdelay $0x4  }
0xda: {  	v50 =	vshll.u32 v39, $0x1  }
0xdb: {  	v39 =	vand.u32 $0x7, v39;
	v40 =	vand.u32 $0xFFFFFFF0, v50  }
0xdc: {  	v39 =	vor.u32 v39, v40  }
0xdd: {  	v40 =	vperm.xlane v39, v0;
	_ =	sdelay $0x1  }
0xde: {  	v39 =	vperm.xlane v39, v2;
	v40 =	vadd.s32 v1, v40;
	_ =	sdelay $0x1  }
0xdf: {  	v39 =	vadd.s32 v1, v39;
	_ =	sdelay $0x1  }
0xe0: {  	s15 =	simm.s32 $0x4B00  }
0xe1: {  	[tilespmem:s15], [sflag:$0x1] =	stream.indirect_vreg.gather [hbm4b:s0+s4], $0x80, v40, vm0, $0xb8;
	[tilespmem:$0x1E780] =	vst v63  }
0xe2: {  	s17 =	simm.s32 $0x5B00  }
0xe3: {  	[tilespmem:s17], [sflag:$0x1] =	stream.indirect_vreg.gather [hbm4b:s0+s4], $0x80, v39, vm0, $0xb8;
	[tilespmem:$0x1E780] =	vst v63  }
0xe4: {  	v39 =	vld [tilespmem:$0xB0];
	_ =	sdelay $0x4  }
0xe5: {  	v51 =	vshll.u32 v39, $0x1  }
0xe6: {  	v39 =	vand.u32 $0x7, v39;
	v40 =	vand.u32 $0xFFFFFFF0, v51  }
0xe7: {  	v39 =	vor.u32 v39, v40  }
0xe8: {  	v40 =	vperm.xlane v39, v0;
	_ =	sdelay $0x1  }
0xe9: {  	v39 =	vperm.xlane v39, v2;
	v40 =	vadd.s32 v1, v40;
	_ =	sdelay $0x1  }
0xea: {  	v39 =	vadd.s32 v1, v39;
	_ =	sdelay $0x1  }
0xeb: {  	s23 =	simm.s32 $0x6B00  }
0xec: {  	[tilespmem:s23], [sflag:$0x1] =	stream.indirect_vreg.gather [hbm4b:s0+s4], $0x80, v40, vm0, $0xb8;
	[tilespmem:$0x1E780] =	vst v63  }
0xed: {  	s24 =	simm.s32 $0x7B00  }
0xee: {  	[tilespmem:s24], [sflag:$0x1] =	stream.indirect_vreg.gather [hbm4b:s0+s4], $0x80, v39, vm0, $0xb8;
	[tilespmem:$0x1E780] =	vst v63  }
0xef: {  	v39 =	vld [tilespmem:$0xC0];
	_ =	sdelay $0x4  }
0xf0: {  	v52 =	vshll.u32 v39, $0x1  }
0xf1: {  	v39 =	vand.u32 $0x7, v39;
	v40 =	vand.u32 $0xFFFFFFF0, v52  }
0xf2: {  	v39 =	vor.u32 v39, v40  }
0xf3: {  	v40 =	vperm.xlane v39, v0;
	_ =	sdelay $0x1  }
0xf4: {  	v39 =	vperm.xlane v39, v2;
	v40 =	vadd.s32 v1, v40;
	_ =	sdelay $0x1  }
0xf5: {  	v39 =	vadd.s32 v1, v39;
	_ =	sdelay $0x1  }
0xf6: {  	s25 =	simm.s32 $0x8B00  }
0xf7: {  	[tilespmem:s25], [sflag:$0x1] =	stream.indirect_vreg.gather [hbm4b:s0+s4], $0x80, v40, vm0, $0xb8;
	[tilespmem:$0x1E780] =	vst v63  }
0xf8: {  	s11 =	simm.s32 $0x9B00  }
0xf9: {  	[tilespmem:s11], [sflag:$0x1] =	stream.indirect_vreg.gather [hbm4b:s0+s4], $0x80, v39, vm0, $0xb8;
	[tilespmem:$0x1E780] =	vst v63  }
0xfa: {  	s12 =	rddreg [dreg:$0x7];
	s15 =	simm.s32 $0x1E300  }
0xfb: {  	[tilespmem:s15], [sflag:$0x1] =	stream.linear.gather [hbm4b:s12+s4], $0x140, $0x38;
	[tilespmem:$0x1E780] =	vst v63  }
0xfc: {  	s17 =	rddreg [dreg:$0x8];
	s23 =	simm.s32 $0x100  }
0xfd: {  	[tilespmem:s23], [sflag:$0x5] =	stream.linear.gather [hbm4b:s17+s4], $0x50, $0x38;
	[tilespmem:$0x1E780] =	vst v63  }
0xfe: {  	s24 =	rddreg [dreg:$0x9];
	s25 =	simm.s32 $0x180  }
0xff: {  	[tilespmem:s25], [sflag:$0x5] =	stream.linear.gather [hbm4b:s24+s4], $0x50, $0x38;
	[tilespmem:$0x1E780] =	vst v63  }
0x100: {  	_ =	swait.ge [sflag:s13], $0x50  }
0x101: {  	[sflag:s13] =	ssyncset.done $0x0  }
0x102: {  	[sflag:s13] =	ssyncadd.s32 $0xFFFFFFB0  }
0x103: {  	_ =	swait.ge [sflag:s13], $0x50  }
0x104: {  	[sflag:s13] =	ssyncset.done $0x0  }
0x105: {  	[sflag:s13] =	ssyncadd.s32 $0xFFFFFFB0  }
0x106: {  	v53 =	vld [tilespmem:$0x100];
	_ =	sdelay $0x4  }
0x107: {  	v54 =	vshll.u32 v53, $0x1  }
0x108: {  	v39 =	vand.u32 $0x7, v53;
	v40 =	vand.u32 $0xFFFFFFF0, v54  }
0x109: {  	v39 =	vor.u32 v39, v40  }
0x10a: {  	v40 =	vperm.xlane v39, v0;
	_ =	sdelay $0x1  }
0x10b: {  	v39 =	vperm.xlane v39, v2;
	v40 =	vadd.s32 v1, v40;
	_ =	sdelay $0x1  }
0x10c: {  	v39 =	vadd.s32 v1, v39;
	_ =	sdelay $0x2  }
0x10d: {  	[tilespmem:s14], [sflag:$0x2] =	stream.indirect_vreg.gather [hbm4b:s9+s4], $0x80, v40, vm0, $0xb8;
	[tilespmem:$0x1E780] =	vst v63  }
0x10e: {  	s11 =	simm.s32 $0xB300  }
0x10f: {  	[tilespmem:s11], [sflag:$0x2] =	stream.indirect_vreg.gather [hbm4b:s9+s4], $0x80, v39, vm0, $0xb8;
	[tilespmem:$0x1E780] =	vst v63  }
0x110: {  	v39 =	vld [tilespmem:$0x110];
	_ =	sdelay $0x4  }
0x111: {  	v55 =	vshll.u32 v39, $0x1  }
0x112: {  	v39 =	vand.u32 $0x7, v39;
	v40 =	vand.u32 $0xFFFFFFF0, v55  }
0x113: {  	v39 =	vor.u32 v39, v40  }
0x114: {  	v40 =	vperm.xlane v39, v0;
	_ =	sdelay $0x1  }
0x115: {  	v39 =	vperm.xlane v39, v2;
	v40 =	vadd.s32 v1, v40;
	_ =	sdelay $0x1  }
0x116: {  	v39 =	vadd.s32 v1, v39;
	_ =	sdelay $0x1  }
0x117: {  	s12 =	simm.s32 $0xC300  }
0x118: {  	[tilespmem:s12], [sflag:$0x2] =	stream.indirect_vreg.gather [hbm4b:s9+s4], $0x80, v40, vm0, $0xb8;
	[tilespmem:$0x1E780] =	vst v63  }
0x119: {  	s15 =	simm.s32 $0xD300  }
0x11a: {  	[tilespmem:s15], [sflag:$0x2] =	stream.indirect_vreg.gather [hbm4b:s9+s4], $0x80, v39, vm0, $0xb8;
	[tilespmem:$0x1E780] =	vst v63  }
0x11b: {  	v39 =	vld [tilespmem:$0x120];
	_ =	sdelay $0x4  }
0x11c: {  	v56 =	vshll.u32 v39, $0x1  }
0x11d: {  	v39 =	vand.u32 $0x7, v39;
	v40 =	vand.u32 $0xFFFFFFF0, v56  }
0x11e: {  	v39 =	vor.u32 v39, v40  }
0x11f: {  	v40 =	vperm.xlane v39, v0;
	_ =	sdelay $0x1  }
0x120: {  	v39 =	vperm.xlane v39, v2;
	v40 =	vadd.s32 v1, v40;
	_ =	sdelay $0x1  }
0x121: {  	v39 =	vadd.s32 v1, v39;
	_ =	sdelay $0x1  }
0x122: {  	s17 =	simm.s32 $0xE300  }
0x123: {  	[tilespmem:s17], [sflag:$0x2] =	stream.indirect_vreg.gather [hbm4b:s9+s4], $0x80, v40, vm0, $0xb8;
	[tilespmem:$0x1E780] =	vst v63  }
0x124: {  	s23 =	simm.s32 $0xF300  }
0x125: {  	[tilespmem:s23], [sflag:$0x2] =	stream.indirect_vreg.gather [hbm4b:s9+s4], $0x80, v39, vm0, $0xb8;
	[tilespmem:$0x1E780] =	vst v63  }
0x126: {  	v39 =	vld [tilespmem:$0x130];
	_ =	sdelay $0x4  }
0x127: {  	v57 =	vshll.u32 v39, $0x1  }
0x128: {  	v39 =	vand.u32 $0x7, v39;
	v40 =	vand.u32 $0xFFFFFFF0, v57  }
0x129: {  	v39 =	vor.u32 v39, v40  }
0x12a: {  	v40 =	vperm.xlane v39, v0;
	_ =	sdelay $0x1  }
0x12b: {  	v39 =	vperm.xlane v39, v2;
	v40 =	vadd.s32 v1, v40;
	_ =	sdelay $0x1  }
0x12c: {  	v39 =	vadd.s32 v1, v39;
	_ =	sdelay $0x1  }
0x12d: {  	s24 =	simm.s32 $0x10300  }
0x12e: {  	[tilespmem:s24], [sflag:$0x2] =	stream.indirect_vreg.gather [hbm4b:s9+s4], $0x80, v40, vm0, $0xb8;
	[tilespmem:$0x1E780] =	vst v63  }
0x12f: {  	s25 =	simm.s32 $0x11300  }
0x130: {  	[tilespmem:s25], [sflag:$0x2] =	stream.indirect_vreg.gather [hbm4b:s9+s4], $0x80, v39, vm0, $0xb8;
	[tilespmem:$0x1E780] =	vst v63  }
0x131: {  	v39 =	vld [tilespmem:$0x140];
	_ =	sdelay $0x4  }
0x132: {  	v58 =	vshll.u32 v39, $0x1  }
0x133: {  	v39 =	vand.u32 $0x7, v39;
	v40 =	vand.u32 $0xFFFFFFF0, v58  }
0x134: {  	v39 =	vor.u32 v39, v40  }
0x135: {  	v40 =	vperm.xlane v39, v0;
	_ =	sdelay $0x1  }
0x136: {  	v39 =	vperm.xlane v39, v2;
	v40 =	vadd.s32 v1, v40;
	_ =	sdelay $0x1  }
0x137: {  	v39 =	vadd.s32 v1, v39;
	_ =	sdelay $0x1  }
0x138: {  	s11 =	simm.s32 $0x12300  }
0x139: {  	[tilespmem:s11], [sflag:$0x2] =	stream.indirect_vreg.gather [hbm4b:s9+s4], $0x80, v40, vm0, $0xb8;
	[tilespmem:$0x1E780] =	vst v63  }
0x13a: {  	s12 =	simm.s32 $0x13300  }
0x13b: {  	[tilespmem:s12], [sflag:$0x2] =	stream.indirect_vreg.gather [hbm4b:s9+s4], $0x80, v39, vm0, $0xb8;
	[tilespmem:$0x1E780] =	vst v63  }
0x13c: {  	v39 =	vld [tilespmem:$0x180];
	_ =	sdelay $0x4  }
0x13d: {  	v59 =	vshll.u32 v39, $0x1  }
0x13e: {  	v39 =	vand.u32 $0x7, v39;
	v40 =	vand.u32 $0xFFFFFFF0, v59  }
0x13f: {  	v39 =	vor.u32 v39, v40  }
0x140: {  	v40 =	vperm.xlane v39, v0;
	_ =	sdelay $0x1  }
0x141: {  	v39 =	vperm.xlane v39, v2;
	v40 =	vadd.s32 v1, v40;
	_ =	sdelay $0x1  }
0x142: {  	v39 =	vadd.s32 v1, v39;
	_ =	sdelay $0x1  }
0x143: {  	s15 =	simm.s32 $0xAB00  }
0x144: {  	[tilespmem:s15], [sflag:$0x2] =	stream.indirect_vreg.gather [hbm4b:s0+s4], $0x80, v40, vm0, $0xb8;
	[tilespmem:$0x1E780] =	vst v63  }
0x145: {  	s17 =	simm.s32 $0xBB00  }
0x146: {  	[tilespmem:s17], [sflag:$0x2] =	stream.indirect_vreg.gather [hbm4b:s0+s4], $0x80, v39, vm0, $0xb8;
	[tilespmem:$0x1E780] =	vst v63  }
0x147: {  	v39 =	vld [tilespmem:$0x190];
	_ =	sdelay $0x4  }
0x148: {  	v60 =	vshll.u32 v39, $0x1  }
0x149: {  	v39 =	vand.u32 $0x7, v39;
	v40 =	vand.u32 $0xFFFFFFF0, v60  }
0x14a: {  	v39 =	vor.u32 v39, v40  }
0x14b: {  	v40 =	vperm.xlane v39, v0;
	_ =	sdelay $0x1  }
0x14c: {  	v39 =	vperm.xlane v39, v2;
	v40 =	vadd.s32 v1, v40;
	_ =	sdelay $0x1  }
0x14d: {  	v39 =	vadd.s32 v1, v39;
	_ =	sdelay $0x1  }
0x14e: {  	s23 =	simm.s32 $0xCB00  }
0x14f: {  	[tilespmem:s23], [sflag:$0x2] =	stream.indirect_vreg.gather [hbm4b:s0+s4], $0x80, v40, vm0, $0xb8;
	[tilespmem:$0x1E780] =	vst v63  }
0x150: {  	s24 =	simm.s32 $0xDB00  }
0x151: {  	[tilespmem:s24], [sflag:$0x2] =	stream.indirect_vreg.gather [hbm4b:s0+s4], $0x80, v39, vm0, $0xb8;
	[tilespmem:$0x1E780] =	vst v63  }
0x152: {  	v39 =	vld [tilespmem:$0x1A0];
	_ =	sdelay $0x4  }
0x153: {  	v61 =	vshll.u32 v39, $0x1  }
0x154: {  	v39 =	vand.u32 $0x7, v39;
	v40 =	vand.u32 $0xFFFFFFF0, v61  }
0x155: {  	v39 =	vor.u32 v39, v40  }
0x156: {  	v40 =	vperm.xlane v39, v0;
	_ =	sdelay $0x1  }
0x157: {  	v39 =	vperm.xlane v39, v2;
	v40 =	vadd.s32 v1, v40;
	_ =	sdelay $0x1  }
0x158: {  	v39 =	vadd.s32 v1, v39;
	_ =	sdelay $0x1  }
0x159: {  	s25 =	simm.s32 $0xEB00  }
0x15a: {  	[tilespmem:s25], [sflag:$0x2] =	stream.indirect_vreg.gather [hbm4b:s0+s4], $0x80, v40, vm0, $0xb8;
	[tilespmem:$0x1E780] =	vst v63  }
0x15b: {  	s11 =	simm.s32 $0xFB00  }
0x15c: {  	[tilespmem:s11], [sflag:$0x2] =	stream.indirect_vreg.gather [hbm4b:s0+s4], $0x80, v39, vm0, $0xb8;
	[tilespmem:$0x1E780] =	vst v63  }
0x15d: {  	v39 =	vld [tilespmem:$0x1B0];
	_ =	sdelay $0x4  }
0x15e: {  	v62 =	vshll.u32 v39, $0x1  }
0x15f: {  	v39 =	vand.u32 $0x7, v39;
	v40 =	vand.u32 $0xFFFFFFF0, v62  }
0x160: {  	v39 =	vor.u32 v39, v40  }
0x161: {  	v40 =	vperm.xlane v39, v0;
	_ =	sdelay $0x1  }
0x162: {  	v39 =	vperm.xlane v39, v2;
	v40 =	vadd.s32 v1, v40;
	_ =	sdelay $0x1  }
0x163: {  	v39 =	vadd.s32 v1, v39;
	_ =	sdelay $0x1  }
0x164: {  	s12 =	simm.s32 $0x10B00  }
0x165: {  	[tilespmem:s12], [sflag:$0x2] =	stream.indirect_vreg.gather [hbm4b:s0+s4], $0x80, v40, vm0, $0xb8;
	[tilespmem:$0x1E780] =	vst v63  }
0x166: {  	s15 =	simm.s32 $0x11B00  }
0x167: {  	[tilespmem:s15], [sflag:$0x2] =	stream.indirect_vreg.gather [hbm4b:s0+s4], $0x80, v39, vm0, $0xb8;
	[tilespmem:$0x1E780] =	vst v63  }
0x168: {  	v39 =	vld [tilespmem:$0x1C0];
	_ =	sdelay $0x4  }
0x169: {  	v63 =	vshll.u32 v39, $0x1  }
0x16a: {  	v39 =	vand.u32 $0x7, v39;
	v40 =	vand.u32 $0xFFFFFFF0, v63  }
0x16b: {  	v39 =	vor.u32 v39, v40  }
0x16c: {  	v40 =	vperm.xlane v39, v0;
	_ =	sdelay $0x1  }
0x16d: {  	v39 =	vperm.xlane v39, v2;
	v40 =	vadd.s32 v1, v40;
	_ =	sdelay $0x1  }
0x16e: {  	v39 =	vadd.s32 v1, v39;
	_ =	sdelay $0x1  }
0x16f: {  	s17 =	simm.s32 $0x12B00  }
0x170: {  	[tilespmem:s17], [sflag:$0x2] =	stream.indirect_vreg.gather [hbm4b:s0+s4], $0x80, v40, vm0, $0xb8;
	[tilespmem:$0x1E780] =	vst v63  }
0x171: {  	s23 =	simm.s32 $0x13B00  }
0x172: {  	[tilespmem:s23], [sflag:$0x2] =	stream.indirect_vreg.gather [hbm4b:s0+s4], $0x80, v39, vm0, $0xb8;
	[tilespmem:$0x1E780] =	vst v63  }
0x173: {  	s24 =	rddreg [dreg:$0xa];
	s25 =	simm.s32 $0x1E480;
	s11 =	simm.s32 $0x0  }
0x174: {  	[tilespmem:s25], [sflag:$0x2] =	stream.linear.gather [hbm4b:s24+s4], $0x140, $0x38;
	[tilespmem:$0x1E780] =	vst v63  }
.LBB2_2:
0x175: {  	p0 =	sne.s32 s11, $0x0  }
.Ltmp0:
0x176: {  	_ = 	snop;
	(pc) =	sbr.rel @!p0 .LBB2_3-.Ltmp0, $1  }
0x177: {  	_ =	sdelay $0x3  }
0x178: {  	s12 =	smul.u32 $0xF0, s11;
	_ =	sdelay $0x1  }
0x179: {  	s15 =	sadd.s32 s12, s16  }
0x17a: {  	s23 =	sshrl.u32 s15, $0x3  }
0x17b: {  	s17 =	simm.s32 $0x0;
	s7 =	simm.s32 $0x200;
	s24 =	sadd.s32 s5, s23  }
0x17c: {  	[tilespmem:s7], [sflag:$0x6] =	stream.linear.gather [hbm4b:s24+s17], $0x50, $0x38;
	[tilespmem:$0x1E780] =	vst v63  }
0x17d: {  	s23 =	sadd.s32 s6, s23;
	s24 =	simm.s32 $0x280  }
0x17e: {  	[tilespmem:s24], [sflag:$0x6] =	stream.linear.gather [hbm4b:s23+s17], $0x50, $0x38;
	[tilespmem:$0x1E780] =	vst v63  }
0x17f: {  	_ =	swait.ge [sflag:s18], $0x5000  }
0x180: {  	[sflag:s18] =	ssyncset.done $0x0  }
0x181: {  	[sflag:s18] =	ssyncadd.s32 $0xFFFFB000  }
0x182: {  	_ =	swait.ge [sflag:s18], $0x5000  }
0x183: {  	[sflag:s18] =	ssyncset.done $0x0  }
0x184: {  	v39 =	vmov s17;
	[sflag:s18] =	ssyncadd.s32 $0xFFFFB000  }
0x185: {  	v40 =	vshll.u32 v39, $0x9;
	v39 =	vshll.u32 v39, $0x7;
	_ =	swait.ge [sflag:s18], $0x140  }
0x186: {  	s25 =	sand.u32 $0xF000, s17;
	v40 =	vand.u32 $0xF000, v40;
	v39 =	vand.u32 $0x380, v39;
	s7 =	sand.u32 $0x380, s17;
	[sflag:s18] =	ssyncset.done $0x0  }
0x187: {  	v39 =	vor.u32 v40, v39;
	s23 =	sor.u32 s7, s25;
	[sflag:s18] =	ssyncadd.s32 $0xFFFFFEC0  }
0x188: {  	v41 =	vor.u32 v3, v39;
	v49 =	vld [tilespmem:s23+$0xB00];
	_ =	sdelay $0x4  }
0x189: {  	[tilespmem:v41+s30+$0x0] =	vst.idx.msk $0xffff, v49  }
0x18a: {  	v50 =	vor.u32 v4, v39;
	v40 =	vld [tilespmem:s23+$0xB10];
	_ =	sdelay $0x4  }
0x18b: {  	[tilespmem:v50+s30+$0x0] =	vst.idx.msk $0xffff, v40  }
0x18c: {  	v51 =	vor.u32 v5, v39;
	v40 =	vld [tilespmem:s23+$0xB20];
	_ =	sdelay $0x4  }
0x18d: {  	[tilespmem:v51+s30+$0x0] =	vst.idx.msk $0xffff, v40  }
0x18e: {  	v52 =	vor.u32 v6, v39;
	v40 =	vld [tilespmem:s23+$0xB30];
	_ =	sdelay $0x4  }
0x18f: {  	[tilespmem:v52+s30+$0x0] =	vst.idx.msk $0xffff, v40  }
0x190: {  	v53 =	vor.u32 v7, v39;
	v40 =	vld [tilespmem:s23+$0xB40];
	_ =	sdelay $0x4  }
0x191: {  	[tilespmem:v53+s30+$0x0] =	vst.idx.msk $0xffff, v40  }
0x192: {  	v54 =	vor.u32 v8, v39;
	v40 =	vld [tilespmem:s23+$0xB50];
	_ =	sdelay $0x4  }
0x193: {  	[tilespmem:v54+s30+$0x0] =	vst.idx.msk $0xffff, v40  }
0x194: {  	v55 =	vor.u32 v9, v39;
	v40 =	vld [tilespmem:s23+$0xB60];
	_ =	sdelay $0x4  }
0x195: {  	[tilespmem:v55+s30+$0x0] =	vst.idx.msk $0xffff, v40  }
0x196: {  	v56 =	vor.u32 v10, v39;
	v40 =	vld [tilespmem:s23+$0xB70];
	_ =	sdelay $0x4  }
0x197: {  	[tilespmem:v56+s30+$0x0] =	vst.idx.msk $0xffff, v40  }
0x198: {  	v57 =	vor.u32 v11, v39;
	v40 =	vld [tilespmem:s23+$0xF00];
	_ =	sdelay $0x4  }
0x199: {  	[tilespmem:v57+s30+$0x0] =	vst.idx.msk $0xffff, v40  }
0x19a: {  	v58 =	vor.u32 v12, v39;
	v40 =	vld [tilespmem:s23+$0xF10];
	_ =	sdelay $0x4  }
0x19b: {  	[tilespmem:v58+s30+$0x0] =	vst.idx.msk $0xffff, v40  }
0x19c: {  	v59 =	vor.u32 v13, v39;
	v40 =	vld [tilespmem:s23+$0xF20];
	_ =	sdelay $0x4  }
0x19d: {  	[tilespmem:v59+s30+$0x0] =	vst.idx.msk $0xffff, v40  }
0x19e: {  	v60 =	vor.u32 v14, v39;
	v40 =	vld [tilespmem:s23+$0xF30];
	_ =	sdelay $0x4  }
0x19f: {  	[tilespmem:v60+s30+$0x0] =	vst.idx.msk $0xffff, v40  }
0x1a0: {  	v61 =	vor.u32 v15, v39;
	v40 =	vld [tilespmem:s23+$0xF40];
	_ =	sdelay $0x4  }
0x1a1: {  	[tilespmem:v61+s30+$0x0] =	vst.idx.msk $0xffff, v40  }
0x1a2: {  	v62 =	vor.u32 v16, v39;
	v40 =	vld [tilespmem:s23+$0xF50];
	_ =	sdelay $0x4  }
0x1a3: {  	[tilespmem:v62+s30+$0x0] =	vst.idx.msk $0xffff, v40  }
0x1a4: {  	v63 =	vor.u32 v17, v39;
	v40 =	vld [tilespmem:s23+$0xF60];
	_ =	sdelay $0x4  }
0x1a5: {  	[tilespmem:v63+s30+$0x0] =	vst.idx.msk $0xffff, v40  }
0x1a6: {  	v41 =	vor.u32 v18, v39;
	v40 =	vld [tilespmem:s23+$0xF70]  }
0x1a7: {  	s25 =	simm.s32 $0x1  }
0x1a8: {  	s24 =	simm.s32 $0x2;
	v39 =	vmov s25;
	s23 =	simm.s32 $0x0  }
.LBB2_7:
0x1a9: {  	p0 =	sne.s32 s24, $0x4F;
	v42 =	vshll.u32 v39, $0x9;
	v39 =	vshll.u32 v39, $0x7;
	s17 =	sadd.s32 $0x80, s17;
	s23 =	sadd.s32 $0x200, s23  }
0x1aa: {  	s25 =	sand.u32 $0xF000, s23;
	s7 =	sand.u32 $0x380, s17;
	v42 =	vand.u32 $0xF000, v42;
	v39 =	vand.u32 $0x380, v39  }
0x1ab: {  	s25 =	sor.u32 s7, s25;
	v39 =	vor.u32 v42, v39;
	[tilespmem:v41+s30+$0x0] =	vst.idx.msk $0xffff, v40  }
0x1ac: {  	v40 =	vld [tilespmem:s25+$0xB00];
	v41 =	vor.u32 v3, v39;
	_ =	sdelay $0x4  }
0x1ad: {  	[tilespmem:v41+s30+$0x0] =	vst.idx.msk $0xffff, v40  }
0x1ae: {  	v41 =	vor.u32 v4, v39;
	v40 =	vld [tilespmem:s25+$0xB10];
	_ =	sdelay $0x4  }
0x1af: {  	[tilespmem:v41+s30+$0x0] =	vst.idx.msk $0xffff, v40  }
0x1b0: {  	v41 =	vor.u32 v5, v39;
	v40 =	vld [tilespmem:s25+$0xB20];
	_ =	sdelay $0x4  }
0x1b1: {  	[tilespmem:v41+s30+$0x0] =	vst.idx.msk $0xffff, v40  }
0x1b2: {  	v41 =	vor.u32 v6, v39;
	v40 =	vld [tilespmem:s25+$0xB30];
	_ =	sdelay $0x4  }
0x1b3: {  	[tilespmem:v41+s30+$0x0] =	vst.idx.msk $0xffff, v40  }
0x1b4: {  	v41 =	vor.u32 v7, v39;
	v40 =	vld [tilespmem:s25+$0xB40];
	_ =	sdelay $0x4  }
0x1b5: {  	[tilespmem:v41+s30+$0x0] =	vst.idx.msk $0xffff, v40  }
0x1b6: {  	v41 =	vor.u32 v8, v39;
	v40 =	vld [tilespmem:s25+$0xB50];
	_ =	sdelay $0x4  }
0x1b7: {  	[tilespmem:v41+s30+$0x0] =	vst.idx.msk $0xffff, v40  }
0x1b8: {  	v41 =	vor.u32 v9, v39;
	v40 =	vld [tilespmem:s25+$0xB60];
	_ =	sdelay $0x4  }
0x1b9: {  	[tilespmem:v41+s30+$0x0] =	vst.idx.msk $0xffff, v40  }
0x1ba: {  	v41 =	vor.u32 v10, v39;
	v40 =	vld [tilespmem:s25+$0xB70];
	_ =	sdelay $0x4  }
0x1bb: {  	[tilespmem:v41+s30+$0x0] =	vst.idx.msk $0xffff, v40  }
0x1bc: {  	v41 =	vor.u32 v11, v39;
	v40 =	vld [tilespmem:s25+$0xF00];
	_ =	sdelay $0x4  }
0x1bd: {  	[tilespmem:v41+s30+$0x0] =	vst.idx.msk $0xffff, v40  }
0x1be: {  	v41 =	vor.u32 v12, v39;
	v40 =	vld [tilespmem:s25+$0xF10];
	_ =	sdelay $0x4  }
0x1bf: {  	[tilespmem:v41+s30+$0x0] =	vst.idx.msk $0xffff, v40  }
0x1c0: {  	v41 =	vor.u32 v13, v39;
	v40 =	vld [tilespmem:s25+$0xF20];
	_ =	sdelay $0x4  }
0x1c1: {  	[tilespmem:v41+s30+$0x0] =	vst.idx.msk $0xffff, v40  }
0x1c2: {  	v41 =	vor.u32 v14, v39;
	v40 =	vld [tilespmem:s25+$0xF30];
	_ =	sdelay $0x4  }
0x1c3: {  	[tilespmem:v41+s30+$0x0] =	vst.idx.msk $0xffff, v40  }
0x1c4: {  	v41 =	vor.u32 v15, v39;
	v40 =	vld [tilespmem:s25+$0xF40];
	_ =	sdelay $0x4  }
0x1c5: {  	[tilespmem:v41+s30+$0x0] =	vst.idx.msk $0xffff, v40  }
0x1c6: {  	v41 =	vor.u32 v16, v39;
	v40 =	vld [tilespmem:s25+$0xF50];
	_ =	sdelay $0x4  }
0x1c7: {  	[tilespmem:v41+s30+$0x0] =	vst.idx.msk $0xffff, v40  }
0x1c8: {  	v41 =	vor.u32 v17, v39;
	v40 =	vld [tilespmem:s25+$0xF60];
	_ =	sdelay $0x3  }
.Ltmp1:
0x1c9: {  	(pc) =	sbr.rel @p0 .LBB2_7-.Ltmp1, $3  }
0x1ca: {  	[tilespmem:v41+s30+$0x0] =	vst.idx.msk $0xffff, v40  }
0x1cb: {  	v41 =	vor.u32 v18, v39;
	v40 =	vld [tilespmem:s25+$0xF70];
	_ =	sdelay $0x1  }
0x1cc: {  	v39 =	vmov s24;
	s24 =	sadd.s32 $0x1, s24  }
0x1cd: {  	_ =	sdelay $0x1  }
0x1ce: {  	v42 =	vshll.u32 v39, $0x9;
	v57 =	vshll.u32 v39, $0x7;
	s7 =	sadd.s32 $0x80, s17;
	s25 =	sadd.s32 $0x200, s23  }
0x1cf: {  	s17 =	sand.u32 $0xF000, s25;
	s7 =	sand.u32 $0x380, s7;
	v42 =	vand.u32 $0xF000, v42;
	v39 =	vand.u32 $0x380, v57  }
0x1d0: {  	s7 =	sor.u32 s7, s17;
	v39 =	vor.u32 v42, v39;
	[tilespmem:v41+s30+$0x0] =	vst.idx.msk $0xffff, v40  }
0x1d1: {  	v40 =	vld [tilespmem:s7+$0xB00];
	v58 =	vor.u32 v3, v39;
	_ =	sdelay $0x4  }
0x1d2: {  	[tilespmem:v58+s30+$0x0] =	vst.idx.msk $0xffff, v40  }
0x1d3: {  	v59 =	vor.u32 v4, v39;
	v40 =	vld [tilespmem:s7+$0xB10];
	_ =	sdelay $0x4  }
0x1d4: {  	[tilespmem:v59+s30+$0x0] =	vst.idx.msk $0xffff, v40  }
0x1d5: {  	v60 =	vor.u32 v5, v39;
	v40 =	vld [tilespmem:s7+$0xB20];
	_ =	sdelay $0x4  }
0x1d6: {  	[tilespmem:v60+s30+$0x0] =	vst.idx.msk $0xffff, v40  }
0x1d7: {  	v61 =	vor.u32 v6, v39;
	v40 =	vld [tilespmem:s7+$0xB30];
	_ =	sdelay $0x4  }
0x1d8: {  	[tilespmem:v61+s30+$0x0] =	vst.idx.msk $0xffff, v40  }
0x1d9: {  	v62 =	vor.u32 v7, v39;
	v40 =	vld [tilespmem:s7+$0xB40];
	_ =	sdelay $0x4  }
0x1da: {  	[tilespmem:v62+s30+$0x0] =	vst.idx.msk $0xffff, v40  }
0x1db: {  	v63 =	vor.u32 v8, v39;
	v40 =	vld [tilespmem:s7+$0xB50];
	_ =	sdelay $0x4  }
0x1dc: {  	[tilespmem:v63+s30+$0x0] =	vst.idx.msk $0xffff, v40  }
0x1dd: {  	v44 =	vor.u32 v9, v39;
	v40 =	vld [tilespmem:s7+$0xB60];
	_ =	sdelay $0x4  }
0x1de: {  	[tilespmem:v44+s30+$0x0] =	vst.idx.msk $0xffff, v40  }
0x1df: {  	v45 =	vor.u32 v10, v39;
	v40 =	vld [tilespmem:s7+$0xB70];
	_ =	sdelay $0x4  }
0x1e0: {  	[tilespmem:v45+s30+$0x0] =	vst.idx.msk $0xffff, v40  }
0x1e1: {  	v46 =	vor.u32 v11, v39;
	v40 =	vld [tilespmem:s7+$0xF00];
	_ =	sdelay $0x4  }
0x1e2: {  	[tilespmem:v46+s30+$0x0] =	vst.idx.msk $0xffff, v40  }
0x1e3: {  	v47 =	vor.u32 v12, v39;
	v40 =	vld [tilespmem:s7+$0xF10];
	_ =	sdelay $0x4  }
0x1e4: {  	[tilespmem:v47+s30+$0x0] =	vst.idx.msk $0xffff, v40  }
0x1e5: {  	v48 =	vor.u32 v13, v39;
	v40 =	vld [tilespmem:s7+$0xF20];
	_ =	sdelay $0x4  }
0x1e6: {  	[tilespmem:v48+s30+$0x0] =	vst.idx.msk $0xffff, v40  }
0x1e7: {  	v49 =	vor.u32 v14, v39;
	v40 =	vld [tilespmem:s7+$0xF30];
	_ =	sdelay $0x4  }
0x1e8: {  	[tilespmem:v49+s30+$0x0] =	vst.idx.msk $0xffff, v40  }
0x1e9: {  	v50 =	vor.u32 v15, v39;
	v40 =	vld [tilespmem:s7+$0xF40];
	_ =	sdelay $0x4  }
0x1ea: {  	[tilespmem:v50+s30+$0x0] =	vst.idx.msk $0xffff, v40  }
0x1eb: {  	v51 =	vor.u32 v16, v39;
	v40 =	vld [tilespmem:s7+$0xF50];
	_ =	sdelay $0x4  }
0x1ec: {  	[tilespmem:v51+s30+$0x0] =	vst.idx.msk $0xffff, v40  }
0x1ed: {  	v52 =	vor.u32 v17, v39;
	v40 =	vld [tilespmem:s7+$0xF60];
	_ =	sdelay $0x4  }
0x1ee: {  	[tilespmem:v52+s30+$0x0] =	vst.idx.msk $0xffff, v40  }
0x1ef: {  	v39 =	vor.u32 v18, v39;
	v40 =	vld [tilespmem:s7+$0xF70];
	_ =	sdelay $0x4  }
0x1f0: {  	[tilespmem:v39+s30+$0x0] =	vst.idx.msk $0xffff, v40  }
0x1f1: {  	v39 =	vld [tilespmem:$0x1E300];
	_ =	sdelay $0x4  }
0x1f2: {  	[tilespmem:v19+s30+$0x0] =	vst.idx.msk $0xffff, v39  }
0x1f3: {  	v39 =	vld [tilespmem:$0x1E310];
	_ =	sdelay $0x4  }
0x1f4: {  	[tilespmem:v20+s30+$0x0] =	vst.idx.msk $0xffff, v39  }
0x1f5: {  	v39 =	vld [tilespmem:$0x1E320];
	_ =	sdelay $0x4  }
0x1f6: {  	[tilespmem:v21+s30+$0x0] =	vst.idx.msk $0xffff, v39  }
0x1f7: {  	v39 =	vld [tilespmem:$0x1E330];
	_ =	sdelay $0x4  }
0x1f8: {  	[tilespmem:v22+s30+$0x0] =	vst.idx.msk $0xffff, v39  }
0x1f9: {  	v39 =	vld [tilespmem:$0x1E340];
	_ =	sdelay $0x4  }
0x1fa: {  	[tilespmem:v23+s30+$0x0] =	vst.idx.msk $0xffff, v39  }
0x1fb: {  	v39 =	vld [tilespmem:$0x1E350];
	_ =	sdelay $0x4  }
0x1fc: {  	[tilespmem:v24+s30+$0x0] =	vst.idx.msk $0xffff, v39  }
0x1fd: {  	v39 =	vld [tilespmem:$0x1E360];
	_ =	sdelay $0x4  }
0x1fe: {  	[tilespmem:v25+s30+$0x0] =	vst.idx.msk $0xffff, v39  }
0x1ff: {  	v39 =	vld [tilespmem:$0x1E370];
	_ =	sdelay $0x4  }
0x200: {  	[tilespmem:v26+s30+$0x0] =	vst.idx.msk $0xffff, v39  }
0x201: {  	v39 =	vld [tilespmem:$0x1E380];
	_ =	sdelay $0x4  }
0x202: {  	[tilespmem:v27+s30+$0x0] =	vst.idx.msk $0xffff, v39  }
0x203: {  	v39 =	vld [tilespmem:$0x1E390];
	_ =	sdelay $0x4  }
0x204: {  	[tilespmem:v28+s30+$0x0] =	vst.idx.msk $0xffff, v39  }
0x205: {  	v39 =	vld [tilespmem:$0x1E3A0];
	_ =	sdelay $0x4  }
0x206: {  	[tilespmem:v29+s30+$0x0] =	vst.idx.msk $0xffff, v39  }
0x207: {  	v39 =	vld [tilespmem:$0x1E3B0];
	_ =	sdelay $0x4  }
0x208: {  	[tilespmem:v30+s30+$0x0] =	vst.idx.msk $0xffff, v39  }
0x209: {  	v39 =	vld [tilespmem:$0x1E3C0];
	_ =	sdelay $0x4  }
0x20a: {  	[tilespmem:v31+s30+$0x0] =	vst.idx.msk $0xffff, v39  }
0x20b: {  	v39 =	vld [tilespmem:$0x1E3D0];
	_ =	sdelay $0x4  }
0x20c: {  	[tilespmem:v32+s30+$0x0] =	vst.idx.msk $0xffff, v39  }
0x20d: {  	v39 =	vld [tilespmem:$0x1E3E0];
	_ =	sdelay $0x4  }
0x20e: {  	[tilespmem:v33+s30+$0x0] =	vst.idx.msk $0xffff, v39  }
0x20f: {  	v39 =	vld [tilespmem:$0x1E3F0];
	_ =	sdelay $0x4  }
0x210: {  	[tilespmem:v34+s30+$0x0] =	vst.idx.msk $0xffff, v39  }
0x211: {  	v39 =	vld [tilespmem:$0x1E400];
	_ =	sdelay $0x4  }
0x212: {  	[tilespmem:v35+s30+$0x0] =	vst.idx.msk $0xffff, v39  }
0x213: {  	v39 =	vld [tilespmem:$0x1E410];
	_ =	sdelay $0x4  }
0x214: {  	[tilespmem:v36+s30+$0x0] =	vst.idx.msk $0xffff, v39  }
0x215: {  	v39 =	vld [tilespmem:$0x1E420];
	_ =	sdelay $0x4  }
0x216: {  	[tilespmem:v37+s30+$0x0] =	vst.idx.msk $0xffff, v39  }
0x217: {  	v39 =	vld [tilespmem:$0x1E430];
	_ =	sdelay $0x1  }
0x218: {  	s17 =	rddreg [dreg:$0x4]  }
0x219: {  	s7 =	sadd.s32 s17, s12  }
0x21a: {  	s7 =	sshll.u32 s7, $0x6  }
0x21b: {  	s7 =	sadd.s32 s2, s7;
	[tilespmem:v38+s30+$0x0] =	vst.idx.msk $0xffff, v39  }
0x21c: {  	[hbm4b:s7+s4] =	stream.linear.scatter [tilespmem:s30], [sflag:$0x7], $0xA000, $0x38;
	[tilespmem:$0x1E780] =	vst v63  }
0x21d: {  	_ =	swait.ge [sflag:s3], $0xA000  }
0x21e: {  	[sflag:s3] =	ssyncset.done $0x0  }
0x21f: {  	[sflag:s3] =	ssyncadd.s32 $0xFFFF6000  }
0x220: {  	_ =	swait.ge [sflag:s19], $0x50  }
0x221: {  	[sflag:s19] =	ssyncset.done $0x0  }
0x222: {  	[sflag:s19] =	ssyncadd.s32 $0xFFFFFFB0  }
0x223: {  	_ =	swait.ge [sflag:s19], $0x50  }
0x224: {  	[sflag:s19] =	ssyncset.done $0x0  }
0x225: {  	[sflag:s19] =	ssyncadd.s32 $0xFFFFFFB0  }
0x226: {  	v53 =	vld [tilespmem:$0x200];
	_ =	sdelay $0x4  }
0x227: {  	v54 =	vshll.u32 v53, $0x1  }
0x228: {  	v39 =	vand.u32 $0x7, v53;
	v40 =	vand.u32 $0xFFFFFFF0, v54  }
0x229: {  	v39 =	vor.u32 v39, v40  }
0x22a: {  	v40 =	vperm.xlane v39, v0;
	_ =	sdelay $0x1  }
0x22b: {  	v39 =	vperm.xlane v39, v2;
	v40 =	vadd.s32 v1, v40;
	_ =	sdelay $0x1  }
0x22c: {  	v39 =	vadd.s32 v1, v39;
	_ =	sdelay $0x2  }
0x22d: {  	[tilespmem:s20], [sflag:$0x3] =	stream.indirect_vreg.gather [hbm4b:s9+s4], $0x80, v40, vm0, $0xb8;
	[tilespmem:$0x1E780] =	vst v63  }
0x22e: {  	s23 =	simm.s32 $0x15300  }
0x22f: {  	[tilespmem:s23], [sflag:$0x3] =	stream.indirect_vreg.gather [hbm4b:s9+s4], $0x80, v39, vm0, $0xb8;
	[tilespmem:$0x1E780] =	vst v63  }
0x230: {  	v39 =	vld [tilespmem:$0x210];
	_ =	sdelay $0x4  }
0x231: {  	v55 =	vshll.u32 v39, $0x1  }
0x232: {  	v39 =	vand.u32 $0x7, v39;
	v40 =	vand.u32 $0xFFFFFFF0, v55  }
0x233: {  	v39 =	vor.u32 v39, v40  }
0x234: {  	v40 =	vperm.xlane v39, v0;
	_ =	sdelay $0x1  }
0x235: {  	v39 =	vperm.xlane v39, v2;
	v40 =	vadd.s32 v1, v40;
	_ =	sdelay $0x1  }
0x236: {  	v39 =	vadd.s32 v1, v39;
	_ =	sdelay $0x1  }
0x237: {  	s24 =	simm.s32 $0x16300  }
0x238: {  	[tilespmem:s24], [sflag:$0x3] =	stream.indirect_vreg.gather [hbm4b:s9+s4], $0x80, v40, vm0, $0xb8;
	[tilespmem:$0x1E780] =	vst v63  }
0x239: {  	s25 =	simm.s32 $0x17300  }
0x23a: {  	[tilespmem:s25], [sflag:$0x3] =	stream.indirect_vreg.gather [hbm4b:s9+s4], $0x80, v39, vm0, $0xb8;
	[tilespmem:$0x1E780] =	vst v63  }
0x23b: {  	v39 =	vld [tilespmem:$0x220];
	_ =	sdelay $0x4  }
0x23c: {  	v56 =	vshll.u32 v39, $0x1  }
0x23d: {  	v39 =	vand.u32 $0x7, v39;
	v40 =	vand.u32 $0xFFFFFFF0, v56  }
0x23e: {  	v39 =	vor.u32 v39, v40  }
0x23f: {  	v40 =	vperm.xlane v39, v0;
	_ =	sdelay $0x1  }
0x240: {  	v39 =	vperm.xlane v39, v2;
	v40 =	vadd.s32 v1, v40;
	_ =	sdelay $0x1  }
0x241: {  	v39 =	vadd.s32 v1, v39;
	_ =	sdelay $0x1  }
0x242: {  	s17 =	simm.s32 $0x18300  }
0x243: {  	[tilespmem:s17], [sflag:$0x3] =	stream.indirect_vreg.gather [hbm4b:s9+s4], $0x80, v40, vm0, $0xb8;
	[tilespmem:$0x1E780] =	vst v63  }
0x244: {  	s23 =	simm.s32 $0x19300  }
0x245: {  	[tilespmem:s23], [sflag:$0x3] =	stream.indirect_vreg.gather [hbm4b:s9+s4], $0x80, v39, vm0, $0xb8;
	[tilespmem:$0x1E780] =	vst v63  }
0x246: {  	v39 =	vld [tilespmem:$0x230];
	_ =	sdelay $0x4  }
0x247: {  	v57 =	vshll.u32 v39, $0x1  }
0x248: {  	v39 =	vand.u32 $0x7, v39;
	v40 =	vand.u32 $0xFFFFFFF0, v57  }
0x249: {  	v39 =	vor.u32 v39, v40  }
0x24a: {  	v40 =	vperm.xlane v39, v0;
	_ =	sdelay $0x1  }
0x24b: {  	v39 =	vperm.xlane v39, v2;
	v40 =	vadd.s32 v1, v40;
	_ =	sdelay $0x1  }
0x24c: {  	v39 =	vadd.s32 v1, v39;
	_ =	sdelay $0x1  }
0x24d: {  	s24 =	simm.s32 $0x1A300  }
0x24e: {  	[tilespmem:s24], [sflag:$0x3] =	stream.indirect_vreg.gather [hbm4b:s9+s4], $0x80, v40, vm0, $0xb8;
	[tilespmem:$0x1E780] =	vst v63  }
0x24f: {  	s25 =	simm.s32 $0x1B300  }
0x250: {  	[tilespmem:s25], [sflag:$0x3] =	stream.indirect_vreg.gather [hbm4b:s9+s4], $0x80, v39, vm0, $0xb8;
	[tilespmem:$0x1E780] =	vst v63  }
0x251: {  	v39 =	vld [tilespmem:$0x240];
	_ =	sdelay $0x4  }
0x252: {  	v58 =	vshll.u32 v39, $0x1  }
0x253: {  	v39 =	vand.u32 $0x7, v39;
	v40 =	vand.u32 $0xFFFFFFF0, v58  }
0x254: {  	v39 =	vor.u32 v39, v40  }
0x255: {  	v40 =	vperm.xlane v39, v0;
	_ =	sdelay $0x1  }
0x256: {  	v39 =	vperm.xlane v39, v2;
	v40 =	vadd.s32 v1, v40;
	_ =	sdelay $0x1  }
0x257: {  	v39 =	vadd.s32 v1, v39;
	_ =	sdelay $0x1  }
0x258: {  	s17 =	simm.s32 $0x1C300  }
0x259: {  	[tilespmem:s17], [sflag:$0x3] =	stream.indirect_vreg.gather [hbm4b:s9+s4], $0x80, v40, vm0, $0xb8;
	[tilespmem:$0x1E780] =	vst v63  }
0x25a: {  	s23 =	simm.s32 $0x1D300  }
0x25b: {  	[tilespmem:s23], [sflag:$0x3] =	stream.indirect_vreg.gather [hbm4b:s9+s4], $0x80, v39, vm0, $0xb8;
	[tilespmem:$0x1E780] =	vst v63  }
0x25c: {  	v39 =	vld [tilespmem:$0x280];
	_ =	sdelay $0x4  }
0x25d: {  	v59 =	vshll.u32 v39, $0x1  }
0x25e: {  	v39 =	vand.u32 $0x7, v39;
	v40 =	vand.u32 $0xFFFFFFF0, v59  }
0x25f: {  	v39 =	vor.u32 v39, v40  }
0x260: {  	v40 =	vperm.xlane v39, v0;
	_ =	sdelay $0x1  }
0x261: {  	v39 =	vperm.xlane v39, v2;
	v40 =	vadd.s32 v1, v40;
	_ =	sdelay $0x1  }
0x262: {  	v39 =	vadd.s32 v1, v39;
	_ =	sdelay $0x1  }
0x263: {  	s24 =	simm.s32 $0x14B00  }
0x264: {  	[tilespmem:s24], [sflag:$0x3] =	stream.indirect_vreg.gather [hbm4b:s0+s4], $0x80, v40, vm0, $0xb8;
	[tilespmem:$0x1E780] =	vst v63  }
0x265: {  	s25 =	simm.s32 $0x15B00  }
0x266: {  	[tilespmem:s25], [sflag:$0x3] =	stream.indirect_vreg.gather [hbm4b:s0+s4], $0x80, v39, vm0, $0xb8;
	[tilespmem:$0x1E780] =	vst v63  }
0x267: {  	v39 =	vld [tilespmem:$0x290];
	_ =	sdelay $0x4  }
0x268: {  	v60 =	vshll.u32 v39, $0x1  }
0x269: {  	v39 =	vand.u32 $0x7, v39;
	v40 =	vand.u32 $0xFFFFFFF0, v60  }
0x26a: {  	v39 =	vor.u32 v39, v40  }
0x26b: {  	v40 =	vperm.xlane v39, v0;
	_ =	sdelay $0x1  }
0x26c: {  	v39 =	vperm.xlane v39, v2;
	v40 =	vadd.s32 v1, v40;
	_ =	sdelay $0x1  }
0x26d: {  	v39 =	vadd.s32 v1, v39;
	_ =	sdelay $0x1  }
0x26e: {  	s17 =	simm.s32 $0x16B00  }
0x26f: {  	[tilespmem:s17], [sflag:$0x3] =	stream.indirect_vreg.gather [hbm4b:s0+s4], $0x80, v40, vm0, $0xb8;
	[tilespmem:$0x1E780] =	vst v63  }
0x270: {  	s23 =	simm.s32 $0x17B00  }
0x271: {  	[tilespmem:s23], [sflag:$0x3] =	stream.indirect_vreg.gather [hbm4b:s0+s4], $0x80, v39, vm0, $0xb8;
	[tilespmem:$0x1E780] =	vst v63  }
0x272: {  	v39 =	vld [tilespmem:$0x2A0];
	_ =	sdelay $0x4  }
0x273: {  	v61 =	vshll.u32 v39, $0x1  }
0x274: {  	v39 =	vand.u32 $0x7, v39;
	v40 =	vand.u32 $0xFFFFFFF0, v61  }
0x275: {  	v39 =	vor.u32 v39, v40  }
0x276: {  	v40 =	vperm.xlane v39, v0;
	_ =	sdelay $0x1  }
0x277: {  	v39 =	vperm.xlane v39, v2;
	v40 =	vadd.s32 v1, v40;
	_ =	sdelay $0x1  }
0x278: {  	v39 =	vadd.s32 v1, v39;
	_ =	sdelay $0x1  }
0x279: {  	s24 =	simm.s32 $0x18B00  }
0x27a: {  	[tilespmem:s24], [sflag:$0x3] =	stream.indirect_vreg.gather [hbm4b:s0+s4], $0x80, v40, vm0, $0xb8;
	[tilespmem:$0x1E780] =	vst v63  }
0x27b: {  	s25 =	simm.s32 $0x19B00  }
0x27c: {  	[tilespmem:s25], [sflag:$0x3] =	stream.indirect_vreg.gather [hbm4b:s0+s4], $0x80, v39, vm0, $0xb8;
	[tilespmem:$0x1E780] =	vst v63  }
0x27d: {  	v39 =	vld [tilespmem:$0x2B0];
	_ =	sdelay $0x4  }
0x27e: {  	v62 =	vshll.u32 v39, $0x1  }
0x27f: {  	v39 =	vand.u32 $0x7, v39;
	v40 =	vand.u32 $0xFFFFFFF0, v62  }
0x280: {  	v39 =	vor.u32 v39, v40  }
0x281: {  	v40 =	vperm.xlane v39, v0;
	_ =	sdelay $0x1  }
0x282: {  	v39 =	vperm.xlane v39, v2;
	v40 =	vadd.s32 v1, v40;
	_ =	sdelay $0x1  }
0x283: {  	v39 =	vadd.s32 v1, v39;
	_ =	sdelay $0x1  }
0x284: {  	s17 =	simm.s32 $0x1AB00  }
0x285: {  	[tilespmem:s17], [sflag:$0x3] =	stream.indirect_vreg.gather [hbm4b:s0+s4], $0x80, v40, vm0, $0xb8;
	[tilespmem:$0x1E780] =	vst v63  }
0x286: {  	s23 =	simm.s32 $0x1BB00  }
0x287: {  	[tilespmem:s23], [sflag:$0x3] =	stream.indirect_vreg.gather [hbm4b:s0+s4], $0x80, v39, vm0, $0xb8;
	[tilespmem:$0x1E780] =	vst v63  }
0x288: {  	v39 =	vld [tilespmem:$0x2C0];
	_ =	sdelay $0x4  }
0x289: {  	v63 =	vshll.u32 v39, $0x1  }
0x28a: {  	v39 =	vand.u32 $0x7, v39;
	v40 =	vand.u32 $0xFFFFFFF0, v63  }
0x28b: {  	v39 =	vor.u32 v39, v40  }
0x28c: {  	v40 =	vperm.xlane v39, v0;
	_ =	sdelay $0x1  }
0x28d: {  	v39 =	vperm.xlane v39, v2;
	v40 =	vadd.s32 v1, v40;
	_ =	sdelay $0x1  }
0x28e: {  	v39 =	vadd.s32 v1, v39  }
.Ltmp2:
0x28f: {  	_ = 	snop;
	(pc) =	sbr.rel .LBB2_9-.Ltmp2, $4  }
0x290: {  	s24 =	simm.s32 $0x1CB00  }
0x291: {  	[tilespmem:s24], [sflag:$0x3] =	stream.indirect_vreg.gather [hbm4b:s0+s4], $0x80, v40, vm0, $0xb8;
	[tilespmem:$0x1E780] =	vst v63  }
0x292: {  	s15 =	sshrl.u32 s15, $0x1;
	s25 =	simm.s32 $0x1DB00  }
0x293: {  	[tilespmem:s25], [sflag:$0x3] =	stream.indirect_vreg.gather [hbm4b:s0+s4], $0x80, v39, vm0, $0xb8;
	[tilespmem:$0x1E780] =	vst v63  }
.LBB2_3:
0x294: {  	s12 =	simm.s32 $0x0;
	s7 =	rddreg [dreg:$0xb];
	s15 =	simm.s32 $0x200  }
0x295: {  	[tilespmem:s15], [sflag:$0x6] =	stream.linear.gather [hbm4b:s7+s12], $0x50, $0x38;
	[tilespmem:$0x1E780] =	vst v63  }
0x296: {  	s17 =	rddreg [dreg:$0xc];
	s23 =	simm.s32 $0x280  }
0x297: {  	[tilespmem:s23], [sflag:$0x6] =	stream.linear.gather [hbm4b:s17+s12], $0x50, $0x38;
	[tilespmem:$0x1E780] =	vst v63  }
0x298: {  	_ =	swait.ge [sflag:s18], $0x5000  }
0x299: {  	[sflag:s18] =	ssyncset.done $0x0  }
0x29a: {  	[sflag:s18] =	ssyncadd.s32 $0xFFFFB000  }
0x29b: {  	_ =	swait.ge [sflag:s18], $0x5000  }
0x29c: {  	[sflag:s18] =	ssyncset.done $0x0  }
0x29d: {  	v39 =	vmov s12;
	[sflag:s18] =	ssyncadd.s32 $0xFFFFB000  }
0x29e: {  	v40 =	vshll.u32 v39, $0x9;
	v39 =	vshll.u32 v39, $0x7;
	_ =	swait.ge [sflag:s18], $0x140  }
0x29f: {  	s24 =	sand.u32 $0xF000, s12;
	s17 =	sand.u32 $0x380, s12;
	v40 =	vand.u32 $0xF000, v40;
	v39 =	vand.u32 $0x380, v39;
	[sflag:s18] =	ssyncset.done $0x0  }
0x2a0: {  	s15 =	sor.u32 s17, s24;
	v39 =	vor.u32 v40, v39;
	[sflag:s18] =	ssyncadd.s32 $0xFFFFFEC0  }
0x2a1: {  	v41 =	vor.u32 v3, v39;
	v49 =	vld [tilespmem:s15+$0xB00];
	_ =	sdelay $0x4  }
0x2a2: {  	[tilespmem:v41+s30+$0x0] =	vst.idx.msk $0xffff, v49  }
0x2a3: {  	v50 =	vor.u32 v4, v39;
	v40 =	vld [tilespmem:s15+$0xB10];
	_ =	sdelay $0x4  }
0x2a4: {  	[tilespmem:v50+s30+$0x0] =	vst.idx.msk $0xffff, v40  }
0x2a5: {  	v51 =	vor.u32 v5, v39;
	v40 =	vld [tilespmem:s15+$0xB20];
	_ =	sdelay $0x4  }
0x2a6: {  	[tilespmem:v51+s30+$0x0] =	vst.idx.msk $0xffff, v40  }
0x2a7: {  	v52 =	vor.u32 v6, v39;
	v40 =	vld [tilespmem:s15+$0xB30];
	_ =	sdelay $0x4  }
0x2a8: {  	[tilespmem:v52+s30+$0x0] =	vst.idx.msk $0xffff, v40  }
0x2a9: {  	v53 =	vor.u32 v7, v39;
	v40 =	vld [tilespmem:s15+$0xB40];
	_ =	sdelay $0x4  }
0x2aa: {  	[tilespmem:v53+s30+$0x0] =	vst.idx.msk $0xffff, v40  }
0x2ab: {  	v54 =	vor.u32 v8, v39;
	v40 =	vld [tilespmem:s15+$0xB50];
	_ =	sdelay $0x4  }
0x2ac: {  	[tilespmem:v54+s30+$0x0] =	vst.idx.msk $0xffff, v40  }
0x2ad: {  	v55 =	vor.u32 v9, v39;
	v40 =	vld [tilespmem:s15+$0xB60];
	_ =	sdelay $0x4  }
0x2ae: {  	[tilespmem:v55+s30+$0x0] =	vst.idx.msk $0xffff, v40  }
0x2af: {  	v56 =	vor.u32 v10, v39;
	v40 =	vld [tilespmem:s15+$0xB70];
	_ =	sdelay $0x4  }
0x2b0: {  	[tilespmem:v56+s30+$0x0] =	vst.idx.msk $0xffff, v40  }
0x2b1: {  	v57 =	vor.u32 v11, v39;
	v40 =	vld [tilespmem:s15+$0xF00];
	_ =	sdelay $0x4  }
0x2b2: {  	[tilespmem:v57+s30+$0x0] =	vst.idx.msk $0xffff, v40  }
0x2b3: {  	v58 =	vor.u32 v12, v39;
	v40 =	vld [tilespmem:s15+$0xF10];
	_ =	sdelay $0x4  }
0x2b4: {  	[tilespmem:v58+s30+$0x0] =	vst.idx.msk $0xffff, v40  }
0x2b5: {  	v59 =	vor.u32 v13, v39;
	v40 =	vld [tilespmem:s15+$0xF20];
	_ =	sdelay $0x4  }
0x2b6: {  	[tilespmem:v59+s30+$0x0] =	vst.idx.msk $0xffff, v40  }
0x2b7: {  	v60 =	vor.u32 v14, v39;
	v40 =	vld [tilespmem:s15+$0xF30];
	_ =	sdelay $0x4  }
0x2b8: {  	[tilespmem:v60+s30+$0x0] =	vst.idx.msk $0xffff, v40  }
0x2b9: {  	v61 =	vor.u32 v15, v39;
	v40 =	vld [tilespmem:s15+$0xF40];
	_ =	sdelay $0x4  }
0x2ba: {  	[tilespmem:v61+s30+$0x0] =	vst.idx.msk $0xffff, v40  }
0x2bb: {  	v62 =	vor.u32 v16, v39;
	v40 =	vld [tilespmem:s15+$0xF50];
	_ =	sdelay $0x4  }
0x2bc: {  	[tilespmem:v62+s30+$0x0] =	vst.idx.msk $0xffff, v40  }
0x2bd: {  	v63 =	vor.u32 v17, v39;
	v40 =	vld [tilespmem:s15+$0xF60];
	_ =	sdelay $0x4  }
0x2be: {  	[tilespmem:v63+s30+$0x0] =	vst.idx.msk $0xffff, v40  }
0x2bf: {  	v41 =	vor.u32 v18, v39;
	v40 =	vld [tilespmem:s15+$0xF70]  }
0x2c0: {  	s25 =	simm.s32 $0x1  }
0x2c1: {  	s17 =	simm.s32 $0x2;
	v39 =	vmov s25;
	s15 =	simm.s32 $0x0  }
.LBB2_4:
0x2c2: {  	p0 =	sne.s32 s17, $0x4F;
	v42 =	vshll.u32 v39, $0x9;
	v39 =	vshll.u32 v39, $0x7;
	s12 =	sadd.s32 $0x80, s12;
	s15 =	sadd.s32 $0x200, s15  }
0x2c3: {  	s23 =	sand.u32 $0xF000, s15;
	s24 =	sand.u32 $0x380, s12;
	v42 =	vand.u32 $0xF000, v42;
	v39 =	vand.u32 $0x380, v39  }
0x2c4: {  	s23 =	sor.u32 s24, s23;
	v39 =	vor.u32 v42, v39;
	[tilespmem:v41+s30+$0x0] =	vst.idx.msk $0xffff, v40  }
0x2c5: {  	v40 =	vld [tilespmem:s23+$0xB00];
	v41 =	vor.u32 v3, v39;
	_ =	sdelay $0x4  }
0x2c6: {  	[tilespmem:v41+s30+$0x0] =	vst.idx.msk $0xffff, v40  }
0x2c7: {  	v41 =	vor.u32 v4, v39;
	v40 =	vld [tilespmem:s23+$0xB10];
	_ =	sdelay $0x4  }
0x2c8: {  	[tilespmem:v41+s30+$0x0] =	vst.idx.msk $0xffff, v40  }
0x2c9: {  	v41 =	vor.u32 v5, v39;
	v40 =	vld [tilespmem:s23+$0xB20];
	_ =	sdelay $0x4  }
0x2ca: {  	[tilespmem:v41+s30+$0x0] =	vst.idx.msk $0xffff, v40  }
0x2cb: {  	v41 =	vor.u32 v6, v39;
	v40 =	vld [tilespmem:s23+$0xB30];
	_ =	sdelay $0x4  }
0x2cc: {  	[tilespmem:v41+s30+$0x0] =	vst.idx.msk $0xffff, v40  }
0x2cd: {  	v41 =	vor.u32 v7, v39;
	v40 =	vld [tilespmem:s23+$0xB40];
	_ =	sdelay $0x4  }
0x2ce: {  	[tilespmem:v41+s30+$0x0] =	vst.idx.msk $0xffff, v40  }
0x2cf: {  	v41 =	vor.u32 v8, v39;
	v40 =	vld [tilespmem:s23+$0xB50];
	_ =	sdelay $0x4  }
0x2d0: {  	[tilespmem:v41+s30+$0x0] =	vst.idx.msk $0xffff, v40  }
0x2d1: {  	v41 =	vor.u32 v9, v39;
	v40 =	vld [tilespmem:s23+$0xB60];
	_ =	sdelay $0x4  }
0x2d2: {  	[tilespmem:v41+s30+$0x0] =	vst.idx.msk $0xffff, v40  }
0x2d3: {  	v41 =	vor.u32 v10, v39;
	v40 =	vld [tilespmem:s23+$0xB70];
	_ =	sdelay $0x4  }
0x2d4: {  	[tilespmem:v41+s30+$0x0] =	vst.idx.msk $0xffff, v40  }
0x2d5: {  	v41 =	vor.u32 v11, v39;
	v40 =	vld [tilespmem:s23+$0xF00];
	_ =	sdelay $0x4  }
0x2d6: {  	[tilespmem:v41+s30+$0x0] =	vst.idx.msk $0xffff, v40  }
0x2d7: {  	v41 =	vor.u32 v12, v39;
	v40 =	vld [tilespmem:s23+$0xF10];
	_ =	sdelay $0x4  }
0x2d8: {  	[tilespmem:v41+s30+$0x0] =	vst.idx.msk $0xffff, v40  }
0x2d9: {  	v41 =	vor.u32 v13, v39;
	v40 =	vld [tilespmem:s23+$0xF20];
	_ =	sdelay $0x4  }
0x2da: {  	[tilespmem:v41+s30+$0x0] =	vst.idx.msk $0xffff, v40  }
0x2db: {  	v41 =	vor.u32 v14, v39;
	v40 =	vld [tilespmem:s23+$0xF30];
	_ =	sdelay $0x4  }
0x2dc: {  	[tilespmem:v41+s30+$0x0] =	vst.idx.msk $0xffff, v40  }
0x2dd: {  	v41 =	vor.u32 v15, v39;
	v40 =	vld [tilespmem:s23+$0xF40];
	_ =	sdelay $0x4  }
0x2de: {  	[tilespmem:v41+s30+$0x0] =	vst.idx.msk $0xffff, v40  }
0x2df: {  	v41 =	vor.u32 v16, v39;
	v40 =	vld [tilespmem:s23+$0xF50];
	_ =	sdelay $0x4  }
0x2e0: {  	[tilespmem:v41+s30+$0x0] =	vst.idx.msk $0xffff, v40  }
0x2e1: {  	v41 =	vor.u32 v17, v39;
	v40 =	vld [tilespmem:s23+$0xF60];
	_ =	sdelay $0x3  }
.Ltmp3:
0x2e2: {  	(pc) =	sbr.rel @p0 .LBB2_4-.Ltmp3, $3  }
0x2e3: {  	[tilespmem:v41+s30+$0x0] =	vst.idx.msk $0xffff, v40  }
0x2e4: {  	v41 =	vor.u32 v18, v39;
	v40 =	vld [tilespmem:s23+$0xF70];
	_ =	sdelay $0x1  }
0x2e5: {  	v39 =	vmov s17;
	s17 =	sadd.s32 $0x1, s17  }
0x2e6: {  	_ =	sdelay $0x1  }
0x2e7: {  	v42 =	vshll.u32 v39, $0x9;
	v57 =	vshll.u32 v39, $0x7;
	s12 =	sadd.s32 $0x80, s12;
	s15 =	sadd.s32 $0x200, s15  }
0x2e8: {  	s15 =	sand.u32 $0xF000, s15;
	s12 =	sand.u32 $0x380, s12;
	v42 =	vand.u32 $0xF000, v42;
	v39 =	vand.u32 $0x380, v57  }
0x2e9: {  	s12 =	sor.u32 s12, s15;
	v39 =	vor.u32 v42, v39;
	[tilespmem:v41+s30+$0x0] =	vst.idx.msk $0xffff, v40  }
0x2ea: {  	v40 =	vld [tilespmem:s12+$0xB00];
	v58 =	vor.u32 v3, v39;
	_ =	sdelay $0x4  }
0x2eb: {  	[tilespmem:v58+s30+$0x0] =	vst.idx.msk $0xffff, v40  }
0x2ec: {  	v59 =	vor.u32 v4, v39;
	v40 =	vld [tilespmem:s12+$0xB10];
	_ =	sdelay $0x4  }
0x2ed: {  	[tilespmem:v59+s30+$0x0] =	vst.idx.msk $0xffff, v40  }
0x2ee: {  	v60 =	vor.u32 v5, v39;
	v40 =	vld [tilespmem:s12+$0xB20];
	_ =	sdelay $0x4  }
0x2ef: {  	[tilespmem:v60+s30+$0x0] =	vst.idx.msk $0xffff, v40  }
0x2f0: {  	v61 =	vor.u32 v6, v39;
	v40 =	vld [tilespmem:s12+$0xB30];
	_ =	sdelay $0x4  }
0x2f1: {  	[tilespmem:v61+s30+$0x0] =	vst.idx.msk $0xffff, v40  }
0x2f2: {  	v62 =	vor.u32 v7, v39;
	v40 =	vld [tilespmem:s12+$0xB40];
	_ =	sdelay $0x4  }
0x2f3: {  	[tilespmem:v62+s30+$0x0] =	vst.idx.msk $0xffff, v40  }
0x2f4: {  	v63 =	vor.u32 v8, v39;
	v40 =	vld [tilespmem:s12+$0xB50];
	_ =	sdelay $0x4  }
0x2f5: {  	[tilespmem:v63+s30+$0x0] =	vst.idx.msk $0xffff, v40  }
0x2f6: {  	v44 =	vor.u32 v9, v39;
	v40 =	vld [tilespmem:s12+$0xB60];
	_ =	sdelay $0x4  }
0x2f7: {  	[tilespmem:v44+s30+$0x0] =	vst.idx.msk $0xffff, v40  }
0x2f8: {  	v45 =	vor.u32 v10, v39;
	v40 =	vld [tilespmem:s12+$0xB70];
	_ =	sdelay $0x4  }
0x2f9: {  	[tilespmem:v45+s30+$0x0] =	vst.idx.msk $0xffff, v40  }
0x2fa: {  	v46 =	vor.u32 v11, v39;
	v40 =	vld [tilespmem:s12+$0xF00];
	_ =	sdelay $0x4  }
0x2fb: {  	[tilespmem:v46+s30+$0x0] =	vst.idx.msk $0xffff, v40  }
0x2fc: {  	v47 =	vor.u32 v12, v39;
	v40 =	vld [tilespmem:s12+$0xF10];
	_ =	sdelay $0x4  }
0x2fd: {  	[tilespmem:v47+s30+$0x0] =	vst.idx.msk $0xffff, v40  }
0x2fe: {  	v48 =	vor.u32 v13, v39;
	v40 =	vld [tilespmem:s12+$0xF20];
	_ =	sdelay $0x4  }
0x2ff: {  	[tilespmem:v48+s30+$0x0] =	vst.idx.msk $0xffff, v40  }
0x300: {  	v49 =	vor.u32 v14, v39;
	v40 =	vld [tilespmem:s12+$0xF30];
	_ =	sdelay $0x4  }
0x301: {  	[tilespmem:v49+s30+$0x0] =	vst.idx.msk $0xffff, v40  }
0x302: {  	v50 =	vor.u32 v15, v39;
	v40 =	vld [tilespmem:s12+$0xF40];
	_ =	sdelay $0x4  }
0x303: {  	[tilespmem:v50+s30+$0x0] =	vst.idx.msk $0xffff, v40  }
0x304: {  	v51 =	vor.u32 v16, v39;
	v40 =	vld [tilespmem:s12+$0xF50];
	_ =	sdelay $0x4  }
0x305: {  	[tilespmem:v51+s30+$0x0] =	vst.idx.msk $0xffff, v40  }
0x306: {  	v52 =	vor.u32 v17, v39;
	v40 =	vld [tilespmem:s12+$0xF60];
	_ =	sdelay $0x4  }
0x307: {  	[tilespmem:v52+s30+$0x0] =	vst.idx.msk $0xffff, v40  }
0x308: {  	v39 =	vor.u32 v18, v39;
	v40 =	vld [tilespmem:s12+$0xF70];
	_ =	sdelay $0x4  }
0x309: {  	[tilespmem:v39+s30+$0x0] =	vst.idx.msk $0xffff, v40  }
0x30a: {  	v39 =	vld [tilespmem:$0x1E300];
	_ =	sdelay $0x4  }
0x30b: {  	[tilespmem:v19+s30+$0x0] =	vst.idx.msk $0xffff, v39  }
0x30c: {  	v39 =	vld [tilespmem:$0x1E310];
	_ =	sdelay $0x4  }
0x30d: {  	[tilespmem:v20+s30+$0x0] =	vst.idx.msk $0xffff, v39  }
0x30e: {  	v39 =	vld [tilespmem:$0x1E320];
	_ =	sdelay $0x4  }
0x30f: {  	[tilespmem:v21+s30+$0x0] =	vst.idx.msk $0xffff, v39  }
0x310: {  	v39 =	vld [tilespmem:$0x1E330];
	_ =	sdelay $0x4  }
0x311: {  	[tilespmem:v22+s30+$0x0] =	vst.idx.msk $0xffff, v39  }
0x312: {  	v39 =	vld [tilespmem:$0x1E340];
	_ =	sdelay $0x4  }
0x313: {  	[tilespmem:v23+s30+$0x0] =	vst.idx.msk $0xffff, v39  }
0x314: {  	v39 =	vld [tilespmem:$0x1E350];
	_ =	sdelay $0x4  }
0x315: {  	[tilespmem:v24+s30+$0x0] =	vst.idx.msk $0xffff, v39  }
0x316: {  	v39 =	vld [tilespmem:$0x1E360];
	_ =	sdelay $0x4  }
0x317: {  	[tilespmem:v25+s30+$0x0] =	vst.idx.msk $0xffff, v39  }
0x318: {  	v39 =	vld [tilespmem:$0x1E370];
	_ =	sdelay $0x4  }
0x319: {  	[tilespmem:v26+s30+$0x0] =	vst.idx.msk $0xffff, v39  }
0x31a: {  	v39 =	vld [tilespmem:$0x1E380];
	_ =	sdelay $0x4  }
0x31b: {  	[tilespmem:v27+s30+$0x0] =	vst.idx.msk $0xffff, v39  }
0x31c: {  	v39 =	vld [tilespmem:$0x1E390];
	_ =	sdelay $0x4  }
0x31d: {  	[tilespmem:v28+s30+$0x0] =	vst.idx.msk $0xffff, v39  }
0x31e: {  	v39 =	vld [tilespmem:$0x1E3A0];
	_ =	sdelay $0x4  }
0x31f: {  	[tilespmem:v29+s30+$0x0] =	vst.idx.msk $0xffff, v39  }
0x320: {  	v39 =	vld [tilespmem:$0x1E3B0];
	_ =	sdelay $0x4  }
0x321: {  	[tilespmem:v30+s30+$0x0] =	vst.idx.msk $0xffff, v39  }
0x322: {  	v39 =	vld [tilespmem:$0x1E3C0];
	_ =	sdelay $0x4  }
0x323: {  	[tilespmem:v31+s30+$0x0] =	vst.idx.msk $0xffff, v39  }
0x324: {  	v39 =	vld [tilespmem:$0x1E3D0];
	_ =	sdelay $0x4  }
0x325: {  	[tilespmem:v32+s30+$0x0] =	vst.idx.msk $0xffff, v39  }
0x326: {  	v39 =	vld [tilespmem:$0x1E3E0];
	_ =	sdelay $0x4  }
0x327: {  	[tilespmem:v33+s30+$0x0] =	vst.idx.msk $0xffff, v39  }
0x328: {  	v39 =	vld [tilespmem:$0x1E3F0];
	_ =	sdelay $0x4  }
0x329: {  	[tilespmem:v34+s30+$0x0] =	vst.idx.msk $0xffff, v39  }
0x32a: {  	v39 =	vld [tilespmem:$0x1E400];
	_ =	sdelay $0x4  }
0x32b: {  	[tilespmem:v35+s30+$0x0] =	vst.idx.msk $0xffff, v39  }
0x32c: {  	v39 =	vld [tilespmem:$0x1E410];
	_ =	sdelay $0x4  }
0x32d: {  	[tilespmem:v36+s30+$0x0] =	vst.idx.msk $0xffff, v39  }
0x32e: {  	v39 =	vld [tilespmem:$0x1E420];
	_ =	sdelay $0x4  }
0x32f: {  	[tilespmem:v37+s30+$0x0] =	vst.idx.msk $0xffff, v39  }
0x330: {  	v39 =	vld [tilespmem:$0x1E430];
	_ =	sdelay $0x4  }
0x331: {  	s7 =	rddreg [dreg:$0xd];
	s12 =	simm.s32 $0x0;
	[tilespmem:v38+s30+$0x0] =	vst.idx.msk $0xffff, v39  }
0x332: {  	[hbm4b:s7+s12] =	stream.linear.scatter [tilespmem:s30], [sflag:$0x7], $0xA000, $0x38;
	[tilespmem:$0x1E780] =	vst v63  }
0x333: {  	_ =	swait.ge [sflag:s19], $0x50  }
0x334: {  	[sflag:s19] =	ssyncset.done $0x0  }
0x335: {  	[sflag:s19] =	ssyncadd.s32 $0xFFFFFFB0  }
0x336: {  	_ =	swait.ge [sflag:s19], $0x50  }
0x337: {  	[sflag:s19] =	ssyncset.done $0x0  }
0x338: {  	[sflag:s19] =	ssyncadd.s32 $0xFFFFFFB0  }
0x339: {  	v53 =	vld [tilespmem:$0x200];
	_ =	sdelay $0x4  }
0x33a: {  	v54 =	vshll.u32 v53, $0x1  }
0x33b: {  	v39 =	vand.u32 $0x7, v53;
	v40 =	vand.u32 $0xFFFFFFF0, v54  }
0x33c: {  	v39 =	vor.u32 v39, v40  }
0x33d: {  	v40 =	vperm.xlane v39, v0;
	_ =	sdelay $0x1  }
0x33e: {  	v39 =	vperm.xlane v39, v2;
	v40 =	vadd.s32 v1, v40;
	_ =	sdelay $0x1  }
0x33f: {  	v39 =	vadd.s32 v1, v39;
	_ =	sdelay $0x2  }
0x340: {  	[tilespmem:s20], [sflag:$0x3] =	stream.indirect_vreg.gather [hbm4b:s9+s12], $0x80, v40, vm0, $0xb8;
	[tilespmem:$0x1E780] =	vst v63  }
0x341: {  	s17 =	simm.s32 $0x15300  }
0x342: {  	[tilespmem:s17], [sflag:$0x3] =	stream.indirect_vreg.gather [hbm4b:s9+s12], $0x80, v39, vm0, $0xb8;
	[tilespmem:$0x1E780] =	vst v63  }
0x343: {  	v39 =	vld [tilespmem:$0x210];
	_ =	sdelay $0x4  }
0x344: {  	v55 =	vshll.u32 v39, $0x1  }
0x345: {  	v39 =	vand.u32 $0x7, v39;
	v40 =	vand.u32 $0xFFFFFFF0, v55  }
0x346: {  	v39 =	vor.u32 v39, v40  }
0x347: {  	v40 =	vperm.xlane v39, v0;
	_ =	sdelay $0x1  }
0x348: {  	v39 =	vperm.xlane v39, v2;
	v40 =	vadd.s32 v1, v40;
	_ =	sdelay $0x1  }
0x349: {  	v39 =	vadd.s32 v1, v39;
	_ =	sdelay $0x1  }
0x34a: {  	s23 =	simm.s32 $0x16300  }
0x34b: {  	[tilespmem:s23], [sflag:$0x3] =	stream.indirect_vreg.gather [hbm4b:s9+s12], $0x80, v40, vm0, $0xb8;
	[tilespmem:$0x1E780] =	vst v63  }
0x34c: {  	s24 =	simm.s32 $0x17300  }
0x34d: {  	[tilespmem:s24], [sflag:$0x3] =	stream.indirect_vreg.gather [hbm4b:s9+s12], $0x80, v39, vm0, $0xb8;
	[tilespmem:$0x1E780] =	vst v63  }
0x34e: {  	v39 =	vld [tilespmem:$0x220];
	_ =	sdelay $0x4  }
0x34f: {  	v56 =	vshll.u32 v39, $0x1  }
0x350: {  	v39 =	vand.u32 $0x7, v39;
	v40 =	vand.u32 $0xFFFFFFF0, v56  }
0x351: {  	v39 =	vor.u32 v39, v40  }
0x352: {  	v40 =	vperm.xlane v39, v0;
	_ =	sdelay $0x1  }
0x353: {  	v39 =	vperm.xlane v39, v2;
	v40 =	vadd.s32 v1, v40;
	_ =	sdelay $0x1  }
0x354: {  	v39 =	vadd.s32 v1, v39;
	_ =	sdelay $0x1  }
0x355: {  	s25 =	simm.s32 $0x18300  }
0x356: {  	[tilespmem:s25], [sflag:$0x3] =	stream.indirect_vreg.gather [hbm4b:s9+s12], $0x80, v40, vm0, $0xb8;
	[tilespmem:$0x1E780] =	vst v63  }
0x357: {  	s15 =	simm.s32 $0x19300  }
0x358: {  	[tilespmem:s15], [sflag:$0x3] =	stream.indirect_vreg.gather [hbm4b:s9+s12], $0x80, v39, vm0, $0xb8;
	[tilespmem:$0x1E780] =	vst v63  }
0x359: {  	v39 =	vld [tilespmem:$0x230];
	_ =	sdelay $0x4  }
0x35a: {  	v57 =	vshll.u32 v39, $0x1  }
0x35b: {  	v39 =	vand.u32 $0x7, v39;
	v40 =	vand.u32 $0xFFFFFFF0, v57  }
0x35c: {  	v39 =	vor.u32 v39, v40  }
0x35d: {  	v40 =	vperm.xlane v39, v0;
	_ =	sdelay $0x1  }
0x35e: {  	v39 =	vperm.xlane v39, v2;
	v40 =	vadd.s32 v1, v40;
	_ =	sdelay $0x1  }
0x35f: {  	v39 =	vadd.s32 v1, v39;
	_ =	sdelay $0x1  }
0x360: {  	s17 =	simm.s32 $0x1A300  }
0x361: {  	[tilespmem:s17], [sflag:$0x3] =	stream.indirect_vreg.gather [hbm4b:s9+s12], $0x80, v40, vm0, $0xb8;
	[tilespmem:$0x1E780] =	vst v63  }
0x362: {  	s23 =	simm.s32 $0x1B300  }
0x363: {  	[tilespmem:s23], [sflag:$0x3] =	stream.indirect_vreg.gather [hbm4b:s9+s12], $0x80, v39, vm0, $0xb8;
	[tilespmem:$0x1E780] =	vst v63  }
0x364: {  	v39 =	vld [tilespmem:$0x240];
	_ =	sdelay $0x4  }
0x365: {  	v58 =	vshll.u32 v39, $0x1  }
0x366: {  	v39 =	vand.u32 $0x7, v39;
	v40 =	vand.u32 $0xFFFFFFF0, v58  }
0x367: {  	v39 =	vor.u32 v39, v40  }
0x368: {  	v40 =	vperm.xlane v39, v0;
	_ =	sdelay $0x1  }
0x369: {  	v39 =	vperm.xlane v39, v2;
	v40 =	vadd.s32 v1, v40;
	_ =	sdelay $0x1  }
0x36a: {  	v39 =	vadd.s32 v1, v39;
	_ =	sdelay $0x1  }
0x36b: {  	s24 =	simm.s32 $0x1C300  }
0x36c: {  	[tilespmem:s24], [sflag:$0x3] =	stream.indirect_vreg.gather [hbm4b:s9+s12], $0x80, v40, vm0, $0xb8;
	[tilespmem:$0x1E780] =	vst v63  }
0x36d: {  	s25 =	simm.s32 $0x1D300  }
0x36e: {  	[tilespmem:s25], [sflag:$0x3] =	stream.indirect_vreg.gather [hbm4b:s9+s12], $0x80, v39, vm0, $0xb8;
	[tilespmem:$0x1E780] =	vst v63  }
0x36f: {  	v39 =	vld [tilespmem:$0x280];
	_ =	sdelay $0x4  }
0x370: {  	v59 =	vshll.u32 v39, $0x1  }
0x371: {  	v39 =	vand.u32 $0x7, v39;
	v40 =	vand.u32 $0xFFFFFFF0, v59  }
0x372: {  	v39 =	vor.u32 v39, v40  }
0x373: {  	v40 =	vperm.xlane v39, v0;
	_ =	sdelay $0x1  }
0x374: {  	v39 =	vperm.xlane v39, v2;
	v40 =	vadd.s32 v1, v40;
	_ =	sdelay $0x1  }
0x375: {  	v39 =	vadd.s32 v1, v39;
	_ =	sdelay $0x1  }
0x376: {  	s15 =	simm.s32 $0x14B00  }
0x377: {  	[tilespmem:s15], [sflag:$0x3] =	stream.indirect_vreg.gather [hbm4b:s0+s12], $0x80, v40, vm0, $0xb8;
	[tilespmem:$0x1E780] =	vst v63  }
0x378: {  	s17 =	simm.s32 $0x15B00  }
0x379: {  	[tilespmem:s17], [sflag:$0x3] =	stream.indirect_vreg.gather [hbm4b:s0+s12], $0x80, v39, vm0, $0xb8;
	[tilespmem:$0x1E780] =	vst v63  }
0x37a: {  	v39 =	vld [tilespmem:$0x290];
	_ =	sdelay $0x4  }
0x37b: {  	v60 =	vshll.u32 v39, $0x1  }
0x37c: {  	v39 =	vand.u32 $0x7, v39;
	v40 =	vand.u32 $0xFFFFFFF0, v60  }
0x37d: {  	v39 =	vor.u32 v39, v40  }
0x37e: {  	v40 =	vperm.xlane v39, v0;
	_ =	sdelay $0x1  }
0x37f: {  	v39 =	vperm.xlane v39, v2;
	v40 =	vadd.s32 v1, v40;
	_ =	sdelay $0x1  }
0x380: {  	v39 =	vadd.s32 v1, v39;
	_ =	sdelay $0x1  }
0x381: {  	s23 =	simm.s32 $0x16B00  }
0x382: {  	[tilespmem:s23], [sflag:$0x3] =	stream.indirect_vreg.gather [hbm4b:s0+s12], $0x80, v40, vm0, $0xb8;
	[tilespmem:$0x1E780] =	vst v63  }
0x383: {  	s24 =	simm.s32 $0x17B00  }
0x384: {  	[tilespmem:s24], [sflag:$0x3] =	stream.indirect_vreg.gather [hbm4b:s0+s12], $0x80, v39, vm0, $0xb8;
	[tilespmem:$0x1E780] =	vst v63  }
0x385: {  	v39 =	vld [tilespmem:$0x2A0];
	_ =	sdelay $0x4  }
0x386: {  	v61 =	vshll.u32 v39, $0x1  }
0x387: {  	v39 =	vand.u32 $0x7, v39;
	v40 =	vand.u32 $0xFFFFFFF0, v61  }
0x388: {  	v39 =	vor.u32 v39, v40  }
0x389: {  	v40 =	vperm.xlane v39, v0;
	_ =	sdelay $0x1  }
0x38a: {  	v39 =	vperm.xlane v39, v2;
	v40 =	vadd.s32 v1, v40;
	_ =	sdelay $0x1  }
0x38b: {  	v39 =	vadd.s32 v1, v39;
	_ =	sdelay $0x1  }
0x38c: {  	s25 =	simm.s32 $0x18B00  }
0x38d: {  	[tilespmem:s25], [sflag:$0x3] =	stream.indirect_vreg.gather [hbm4b:s0+s12], $0x80, v40, vm0, $0xb8;
	[tilespmem:$0x1E780] =	vst v63  }
0x38e: {  	s15 =	simm.s32 $0x19B00  }
0x38f: {  	[tilespmem:s15], [sflag:$0x3] =	stream.indirect_vreg.gather [hbm4b:s0+s12], $0x80, v39, vm0, $0xb8;
	[tilespmem:$0x1E780] =	vst v63  }
0x390: {  	v39 =	vld [tilespmem:$0x2B0];
	_ =	sdelay $0x4  }
0x391: {  	v62 =	vshll.u32 v39, $0x1  }
0x392: {  	v39 =	vand.u32 $0x7, v39;
	v40 =	vand.u32 $0xFFFFFFF0, v62  }
0x393: {  	v39 =	vor.u32 v39, v40  }
0x394: {  	v40 =	vperm.xlane v39, v0;
	_ =	sdelay $0x1  }
0x395: {  	v39 =	vperm.xlane v39, v2;
	v40 =	vadd.s32 v1, v40;
	_ =	sdelay $0x1  }
0x396: {  	v39 =	vadd.s32 v1, v39;
	_ =	sdelay $0x1  }
0x397: {  	s17 =	simm.s32 $0x1AB00  }
0x398: {  	[tilespmem:s17], [sflag:$0x3] =	stream.indirect_vreg.gather [hbm4b:s0+s12], $0x80, v40, vm0, $0xb8;
	[tilespmem:$0x1E780] =	vst v63  }
0x399: {  	s23 =	simm.s32 $0x1BB00  }
0x39a: {  	[tilespmem:s23], [sflag:$0x3] =	stream.indirect_vreg.gather [hbm4b:s0+s12], $0x80, v39, vm0, $0xb8;
	[tilespmem:$0x1E780] =	vst v63  }
0x39b: {  	v39 =	vld [tilespmem:$0x2C0];
	_ =	sdelay $0x4  }
0x39c: {  	v63 =	vshll.u32 v39, $0x1  }
0x39d: {  	v39 =	vand.u32 $0x7, v39;
	v40 =	vand.u32 $0xFFFFFFF0, v63  }
0x39e: {  	v39 =	vor.u32 v39, v40  }
0x39f: {  	v40 =	vperm.xlane v39, v0;
	_ =	sdelay $0x1  }
0x3a0: {  	v39 =	vperm.xlane v39, v2;
	v40 =	vadd.s32 v1, v40;
	_ =	sdelay $0x1  }
0x3a1: {  	v39 =	vadd.s32 v1, v39;
	_ =	sdelay $0x1  }
0x3a2: {  	s24 =	simm.s32 $0x1CB00  }
0x3a3: {  	[tilespmem:s24], [sflag:$0x3] =	stream.indirect_vreg.gather [hbm4b:s0+s12], $0x80, v40, vm0, $0xb8;
	[tilespmem:$0x1E780] =	vst v63  }
0x3a4: {  	s25 =	simm.s32 $0x1DB00;
	s15 =	rddreg [dreg:$0xe]  }
0x3a5: {  	[tilespmem:s25], [sflag:$0x3] =	stream.indirect_vreg.gather [hbm4b:s0+s12], $0x80, v39, vm0, $0xb8;
	[tilespmem:$0x1E780] =	vst v63  }
.LBB2_9:
0x3a6: {  	s7 =	sadd.s32 s8, s15  }
0x3a7: {  	s17 =	simm.s32 $0x0;
	s23 =	simm.s32 $0x1E600;
	s15 =	sadd.s32 s12, s22  }
0x3a8: {  	[tilespmem:s23], [sflag:$0x3] =	stream.linear.gather [hbm4b:s7+s17], $0x140, $0x38;
	[tilespmem:$0x1E780] =	vst v63  }
0x3a9: {  	s24 =	sshrl.u32 s15, $0x3  }
0x3aa: {  	s23 =	sadd.s32 s5, s24  }
0x3ab: {  	[tilespmem:s17], [sflag:$0x4] =	stream.linear.gather [hbm4b:s23+s17], $0x50, $0x38;
	[tilespmem:$0x1E780] =	vst v63  }
0x3ac: {  	s25 =	simm.s32 $0x80;
	s7 =	sadd.s32 s6, s24  }
0x3ad: {  	[tilespmem:s25], [sflag:$0x4] =	stream.linear.gather [hbm4b:s7+s17], $0x50, $0x38;
	[tilespmem:$0x1E780] =	vst v63  }
0x3ae: {  	_ =	swait.ge [sflag:s21], $0x5000  }
0x3af: {  	[sflag:s21] =	ssyncset.done $0x0  }
0x3b0: {  	[sflag:s21] =	ssyncadd.s32 $0xFFFFB000  }
0x3b1: {  	_ =	swait.ge [sflag:s21], $0x5000  }
0x3b2: {  	[sflag:s21] =	ssyncset.done $0x0  }
0x3b3: {  	v39 =	vmov s17;
	[sflag:s21] =	ssyncadd.s32 $0xFFFFB000  }
0x3b4: {  	v40 =	vshll.u32 v39, $0x9;
	v39 =	vshll.u32 v39, $0x7;
	_ =	swait.ge [sflag:s21], $0x140  }
0x3b5: {  	s24 =	sand.u32 $0x380, s17;
	s23 =	sand.u32 $0xF000, s17;
	v40 =	vand.u32 $0xF000, v40;
	v39 =	vand.u32 $0x380, v39;
	[sflag:s21] =	ssyncset.done $0x0  }
0x3b6: {  	v39 =	vor.u32 v40, v39;
	s7 =	sor.u32 s24, s23;
	[sflag:s21] =	ssyncadd.s32 $0xFFFFFEC0  }
0x3b7: {  	v41 =	vor.u32 v3, v39;
	v49 =	vld [tilespmem:s7+$0xAB00];
	_ =	sdelay $0x4  }
0x3b8: {  	[tilespmem:v41+s14+$0x0] =	vst.idx.msk $0xffff, v49  }
0x3b9: {  	v50 =	vor.u32 v4, v39;
	v40 =	vld [tilespmem:s7+$0xAB10];
	_ =	sdelay $0x4  }
0x3ba: {  	[tilespmem:v50+s14+$0x0] =	vst.idx.msk $0xffff, v40  }
0x3bb: {  	v51 =	vor.u32 v5, v39;
	v40 =	vld [tilespmem:s7+$0xAB20];
	_ =	sdelay $0x4  }
0x3bc: {  	[tilespmem:v51+s14+$0x0] =	vst.idx.msk $0xffff, v40  }
0x3bd: {  	v52 =	vor.u32 v6, v39;
	v40 =	vld [tilespmem:s7+$0xAB30];
	_ =	sdelay $0x4  }
0x3be: {  	[tilespmem:v52+s14+$0x0] =	vst.idx.msk $0xffff, v40  }
0x3bf: {  	v53 =	vor.u32 v7, v39;
	v40 =	vld [tilespmem:s7+$0xAB40];
	_ =	sdelay $0x4  }
0x3c0: {  	[tilespmem:v53+s14+$0x0] =	vst.idx.msk $0xffff, v40  }
0x3c1: {  	v54 =	vor.u32 v8, v39;
	v40 =	vld [tilespmem:s7+$0xAB50];
	_ =	sdelay $0x4  }
0x3c2: {  	[tilespmem:v54+s14+$0x0] =	vst.idx.msk $0xffff, v40  }
0x3c3: {  	v55 =	vor.u32 v9, v39;
	v40 =	vld [tilespmem:s7+$0xAB60];
	_ =	sdelay $0x4  }
0x3c4: {  	[tilespmem:v55+s14+$0x0] =	vst.idx.msk $0xffff, v40  }
0x3c5: {  	v56 =	vor.u32 v10, v39;
	v40 =	vld [tilespmem:s7+$0xAB70];
	_ =	sdelay $0x4  }
0x3c6: {  	[tilespmem:v56+s14+$0x0] =	vst.idx.msk $0xffff, v40  }
0x3c7: {  	v57 =	vor.u32 v11, v39;
	v40 =	vld [tilespmem:s7+$0xAF00];
	_ =	sdelay $0x4  }
0x3c8: {  	[tilespmem:v57+s14+$0x0] =	vst.idx.msk $0xffff, v40  }
0x3c9: {  	v58 =	vor.u32 v12, v39;
	v40 =	vld [tilespmem:s7+$0xAF10];
	_ =	sdelay $0x4  }
0x3ca: {  	[tilespmem:v58+s14+$0x0] =	vst.idx.msk $0xffff, v40  }
0x3cb: {  	v59 =	vor.u32 v13, v39;
	v40 =	vld [tilespmem:s7+$0xAF20];
	_ =	sdelay $0x4  }
0x3cc: {  	[tilespmem:v59+s14+$0x0] =	vst.idx.msk $0xffff, v40  }
0x3cd: {  	v60 =	vor.u32 v14, v39;
	v40 =	vld [tilespmem:s7+$0xAF30];
	_ =	sdelay $0x4  }
0x3ce: {  	[tilespmem:v60+s14+$0x0] =	vst.idx.msk $0xffff, v40  }
0x3cf: {  	v61 =	vor.u32 v15, v39;
	v40 =	vld [tilespmem:s7+$0xAF40];
	_ =	sdelay $0x4  }
0x3d0: {  	[tilespmem:v61+s14+$0x0] =	vst.idx.msk $0xffff, v40  }
0x3d1: {  	v62 =	vor.u32 v16, v39;
	v40 =	vld [tilespmem:s7+$0xAF50];
	_ =	sdelay $0x4  }
0x3d2: {  	[tilespmem:v62+s14+$0x0] =	vst.idx.msk $0xffff, v40  }
0x3d3: {  	v63 =	vor.u32 v17, v39;
	v40 =	vld [tilespmem:s7+$0xAF60];
	_ =	sdelay $0x4  }
0x3d4: {  	[tilespmem:v63+s14+$0x0] =	vst.idx.msk $0xffff, v40  }
0x3d5: {  	v41 =	vor.u32 v18, v39;
	v40 =	vld [tilespmem:s7+$0xAF70]  }
0x3d6: {  	s25 =	simm.s32 $0x1  }
0x3d7: {  	s24 =	simm.s32 $0x2;
	s23 =	simm.s32 $0x0;
	v39 =	vmov s25  }
.LBB2_10:
0x3d8: {  	p0 =	sne.s32 s24, $0x4F;
	v42 =	vshll.u32 v39, $0x9;
	v39 =	vshll.u32 v39, $0x7;
	s17 =	sadd.s32 $0x80, s17;
	s23 =	sadd.s32 $0x200, s23  }
0x3d9: {  	s7 =	sand.u32 $0xF000, s23;
	s25 =	sand.u32 $0x380, s17;
	v42 =	vand.u32 $0xF000, v42;
	v39 =	vand.u32 $0x380, v39  }
0x3da: {  	s25 =	sor.u32 s25, s7;
	v39 =	vor.u32 v42, v39;
	[tilespmem:v41+s14+$0x0] =	vst.idx.msk $0xffff, v40  }
0x3db: {  	v40 =	vld [tilespmem:s25+$0xAB00];
	v41 =	vor.u32 v3, v39;
	_ =	sdelay $0x4  }
0x3dc: {  	[tilespmem:v41+s14+$0x0] =	vst.idx.msk $0xffff, v40  }
0x3dd: {  	v41 =	vor.u32 v4, v39;
	v40 =	vld [tilespmem:s25+$0xAB10];
	_ =	sdelay $0x4  }
0x3de: {  	[tilespmem:v41+s14+$0x0] =	vst.idx.msk $0xffff, v40  }
0x3df: {  	v41 =	vor.u32 v5, v39;
	v40 =	vld [tilespmem:s25+$0xAB20];
	_ =	sdelay $0x4  }
0x3e0: {  	[tilespmem:v41+s14+$0x0] =	vst.idx.msk $0xffff, v40  }
0x3e1: {  	v41 =	vor.u32 v6, v39;
	v40 =	vld [tilespmem:s25+$0xAB30];
	_ =	sdelay $0x4  }
0x3e2: {  	[tilespmem:v41+s14+$0x0] =	vst.idx.msk $0xffff, v40  }
0x3e3: {  	v41 =	vor.u32 v7, v39;
	v40 =	vld [tilespmem:s25+$0xAB40];
	_ =	sdelay $0x4  }
0x3e4: {  	[tilespmem:v41+s14+$0x0] =	vst.idx.msk $0xffff, v40  }
0x3e5: {  	v41 =	vor.u32 v8, v39;
	v40 =	vld [tilespmem:s25+$0xAB50];
	_ =	sdelay $0x4  }
0x3e6: {  	[tilespmem:v41+s14+$0x0] =	vst.idx.msk $0xffff, v40  }
0x3e7: {  	v41 =	vor.u32 v9, v39;
	v40 =	vld [tilespmem:s25+$0xAB60];
	_ =	sdelay $0x4  }
0x3e8: {  	[tilespmem:v41+s14+$0x0] =	vst.idx.msk $0xffff, v40  }
0x3e9: {  	v41 =	vor.u32 v10, v39;
	v40 =	vld [tilespmem:s25+$0xAB70];
	_ =	sdelay $0x4  }
0x3ea: {  	[tilespmem:v41+s14+$0x0] =	vst.idx.msk $0xffff, v40  }
0x3eb: {  	v41 =	vor.u32 v11, v39;
	v40 =	vld [tilespmem:s25+$0xAF00];
	_ =	sdelay $0x4  }
0x3ec: {  	[tilespmem:v41+s14+$0x0] =	vst.idx.msk $0xffff, v40  }
0x3ed: {  	v41 =	vor.u32 v12, v39;
	v40 =	vld [tilespmem:s25+$0xAF10];
	_ =	sdelay $0x4  }
0x3ee: {  	[tilespmem:v41+s14+$0x0] =	vst.idx.msk $0xffff, v40  }
0x3ef: {  	v41 =	vor.u32 v13, v39;
	v40 =	vld [tilespmem:s25+$0xAF20];
	_ =	sdelay $0x4  }
0x3f0: {  	[tilespmem:v41+s14+$0x0] =	vst.idx.msk $0xffff, v40  }
0x3f1: {  	v41 =	vor.u32 v14, v39;
	v40 =	vld [tilespmem:s25+$0xAF30];
	_ =	sdelay $0x4  }
0x3f2: {  	[tilespmem:v41+s14+$0x0] =	vst.idx.msk $0xffff, v40  }
0x3f3: {  	v41 =	vor.u32 v15, v39;
	v40 =	vld [tilespmem:s25+$0xAF40];
	_ =	sdelay $0x4  }
0x3f4: {  	[tilespmem:v41+s14+$0x0] =	vst.idx.msk $0xffff, v40  }
0x3f5: {  	v41 =	vor.u32 v16, v39;
	v40 =	vld [tilespmem:s25+$0xAF50];
	_ =	sdelay $0x4  }
0x3f6: {  	[tilespmem:v41+s14+$0x0] =	vst.idx.msk $0xffff, v40  }
0x3f7: {  	v41 =	vor.u32 v17, v39;
	v40 =	vld [tilespmem:s25+$0xAF60];
	_ =	sdelay $0x3  }
.Ltmp4:
0x3f8: {  	(pc) =	sbr.rel @p0 .LBB2_10-.Ltmp4, $3  }
0x3f9: {  	[tilespmem:v41+s14+$0x0] =	vst.idx.msk $0xffff, v40  }
0x3fa: {  	v41 =	vor.u32 v18, v39;
	v40 =	vld [tilespmem:s25+$0xAF70];
	_ =	sdelay $0x1  }
0x3fb: {  	v39 =	vmov s24;
	s24 =	sadd.s32 $0x1, s24  }
0x3fc: {  	_ =	sdelay $0x1  }
0x3fd: {  	v42 =	vshll.u32 v39, $0x9;
	v59 =	vshll.u32 v39, $0x7;
	s7 =	sadd.s32 $0x80, s17;
	s23 =	sadd.s32 $0x200, s23  }
0x3fe: {  	s17 =	sand.u32 $0xF000, s23;
	s7 =	sand.u32 $0x380, s7;
	v42 =	vand.u32 $0xF000, v42;
	v39 =	vand.u32 $0x380, v59  }
0x3ff: {  	s7 =	sor.u32 s7, s17;
	v39 =	vor.u32 v42, v39;
	[tilespmem:v41+s14+$0x0] =	vst.idx.msk $0xffff, v40  }
0x400: {  	v40 =	vld [tilespmem:s7+$0xAB00];
	v60 =	vor.u32 v3, v39;
	_ =	sdelay $0x4  }
0x401: {  	[tilespmem:v60+s14+$0x0] =	vst.idx.msk $0xffff, v40  }
0x402: {  	v61 =	vor.u32 v4, v39;
	v40 =	vld [tilespmem:s7+$0xAB10];
	_ =	sdelay $0x4  }
0x403: {  	[tilespmem:v61+s14+$0x0] =	vst.idx.msk $0xffff, v40  }
0x404: {  	v62 =	vor.u32 v5, v39;
	v40 =	vld [tilespmem:s7+$0xAB20];
	_ =	sdelay $0x4  }
0x405: {  	[tilespmem:v62+s14+$0x0] =	vst.idx.msk $0xffff, v40  }
0x406: {  	v63 =	vor.u32 v6, v39;
	v40 =	vld [tilespmem:s7+$0xAB30];
	_ =	sdelay $0x4  }
0x407: {  	[tilespmem:v63+s14+$0x0] =	vst.idx.msk $0xffff, v40  }
0x408: {  	v44 =	vor.u32 v7, v39;
	v40 =	vld [tilespmem:s7+$0xAB40];
	_ =	sdelay $0x4  }
0x409: {  	[tilespmem:v44+s14+$0x0] =	vst.idx.msk $0xffff, v40  }
0x40a: {  	v45 =	vor.u32 v8, v39;
	v40 =	vld [tilespmem:s7+$0xAB50];
	_ =	sdelay $0x4  }
0x40b: {  	[tilespmem:v45+s14+$0x0] =	vst.idx.msk $0xffff, v40  }
0x40c: {  	v46 =	vor.u32 v9, v39;
	v40 =	vld [tilespmem:s7+$0xAB60];
	_ =	sdelay $0x4  }
0x40d: {  	[tilespmem:v46+s14+$0x0] =	vst.idx.msk $0xffff, v40  }
0x40e: {  	v47 =	vor.u32 v10, v39;
	v40 =	vld [tilespmem:s7+$0xAB70];
	_ =	sdelay $0x4  }
0x40f: {  	[tilespmem:v47+s14+$0x0] =	vst.idx.msk $0xffff, v40  }
0x410: {  	v48 =	vor.u32 v11, v39;
	v40 =	vld [tilespmem:s7+$0xAF00];
	_ =	sdelay $0x4  }
0x411: {  	[tilespmem:v48+s14+$0x0] =	vst.idx.msk $0xffff, v40  }
0x412: {  	v49 =	vor.u32 v12, v39;
	v40 =	vld [tilespmem:s7+$0xAF10];
	_ =	sdelay $0x4  }
0x413: {  	[tilespmem:v49+s14+$0x0] =	vst.idx.msk $0xffff, v40  }
0x414: {  	v50 =	vor.u32 v13, v39;
	v40 =	vld [tilespmem:s7+$0xAF20];
	_ =	sdelay $0x4  }
0x415: {  	[tilespmem:v50+s14+$0x0] =	vst.idx.msk $0xffff, v40  }
0x416: {  	v51 =	vor.u32 v14, v39;
	v40 =	vld [tilespmem:s7+$0xAF30];
	_ =	sdelay $0x4  }
0x417: {  	[tilespmem:v51+s14+$0x0] =	vst.idx.msk $0xffff, v40  }
0x418: {  	v52 =	vor.u32 v15, v39;
	v40 =	vld [tilespmem:s7+$0xAF40];
	_ =	sdelay $0x4  }
0x419: {  	[tilespmem:v52+s14+$0x0] =	vst.idx.msk $0xffff, v40  }
0x41a: {  	v53 =	vor.u32 v16, v39;
	v40 =	vld [tilespmem:s7+$0xAF50];
	_ =	sdelay $0x4  }
0x41b: {  	[tilespmem:v53+s14+$0x0] =	vst.idx.msk $0xffff, v40  }
0x41c: {  	v54 =	vor.u32 v17, v39;
	v40 =	vld [tilespmem:s7+$0xAF60];
	_ =	sdelay $0x4  }
0x41d: {  	[tilespmem:v54+s14+$0x0] =	vst.idx.msk $0xffff, v40  }
0x41e: {  	v39 =	vor.u32 v18, v39;
	v40 =	vld [tilespmem:s7+$0xAF70];
	_ =	sdelay $0x4  }
0x41f: {  	[tilespmem:v39+s14+$0x0] =	vst.idx.msk $0xffff, v40  }
0x420: {  	v39 =	vld [tilespmem:$0x1E480];
	_ =	sdelay $0x4  }
0x421: {  	[tilespmem:v19+s14+$0x0] =	vst.idx.msk $0xffff, v39  }
0x422: {  	v39 =	vld [tilespmem:$0x1E490];
	_ =	sdelay $0x4  }
0x423: {  	[tilespmem:v20+s14+$0x0] =	vst.idx.msk $0xffff, v39  }
0x424: {  	v39 =	vld [tilespmem:$0x1E4A0];
	_ =	sdelay $0x4  }
0x425: {  	[tilespmem:v21+s14+$0x0] =	vst.idx.msk $0xffff, v39  }
0x426: {  	v39 =	vld [tilespmem:$0x1E4B0];
	_ =	sdelay $0x4  }
0x427: {  	[tilespmem:v22+s14+$0x0] =	vst.idx.msk $0xffff, v39  }
0x428: {  	v39 =	vld [tilespmem:$0x1E4C0];
	_ =	sdelay $0x4  }
0x429: {  	[tilespmem:v23+s14+$0x0] =	vst.idx.msk $0xffff, v39  }
0x42a: {  	v39 =	vld [tilespmem:$0x1E4D0];
	_ =	sdelay $0x4  }
0x42b: {  	[tilespmem:v24+s14+$0x0] =	vst.idx.msk $0xffff, v39  }
0x42c: {  	v39 =	vld [tilespmem:$0x1E4E0];
	_ =	sdelay $0x4  }
0x42d: {  	[tilespmem:v25+s14+$0x0] =	vst.idx.msk $0xffff, v39  }
0x42e: {  	v39 =	vld [tilespmem:$0x1E4F0];
	_ =	sdelay $0x4  }
0x42f: {  	[tilespmem:v26+s14+$0x0] =	vst.idx.msk $0xffff, v39  }
0x430: {  	v39 =	vld [tilespmem:$0x1E500];
	_ =	sdelay $0x4  }
0x431: {  	[tilespmem:v27+s14+$0x0] =	vst.idx.msk $0xffff, v39  }
0x432: {  	v39 =	vld [tilespmem:$0x1E510];
	_ =	sdelay $0x4  }
0x433: {  	[tilespmem:v28+s14+$0x0] =	vst.idx.msk $0xffff, v39  }
0x434: {  	v39 =	vld [tilespmem:$0x1E520];
	_ =	sdelay $0x4  }
0x435: {  	[tilespmem:v29+s14+$0x0] =	vst.idx.msk $0xffff, v39  }
0x436: {  	v39 =	vld [tilespmem:$0x1E530];
	_ =	sdelay $0x4  }
0x437: {  	[tilespmem:v30+s14+$0x0] =	vst.idx.msk $0xffff, v39  }
0x438: {  	v39 =	vld [tilespmem:$0x1E540];
	_ =	sdelay $0x4  }
0x439: {  	[tilespmem:v31+s14+$0x0] =	vst.idx.msk $0xffff, v39  }
0x43a: {  	v39 =	vld [tilespmem:$0x1E550];
	_ =	sdelay $0x4  }
0x43b: {  	[tilespmem:v32+s14+$0x0] =	vst.idx.msk $0xffff, v39  }
0x43c: {  	v39 =	vld [tilespmem:$0x1E560];
	_ =	sdelay $0x4  }
0x43d: {  	[tilespmem:v33+s14+$0x0] =	vst.idx.msk $0xffff, v39  }
0x43e: {  	v39 =	vld [tilespmem:$0x1E570];
	_ =	sdelay $0x4  }
0x43f: {  	[tilespmem:v34+s14+$0x0] =	vst.idx.msk $0xffff, v39  }
0x440: {  	v39 =	vld [tilespmem:$0x1E580];
	_ =	sdelay $0x4  }
0x441: {  	[tilespmem:v35+s14+$0x0] =	vst.idx.msk $0xffff, v39  }
0x442: {  	v39 =	vld [tilespmem:$0x1E590];
	_ =	sdelay $0x4  }
0x443: {  	[tilespmem:v36+s14+$0x0] =	vst.idx.msk $0xffff, v39  }
0x444: {  	v39 =	vld [tilespmem:$0x1E5A0];
	_ =	sdelay $0x4  }
0x445: {  	[tilespmem:v37+s14+$0x0] =	vst.idx.msk $0xffff, v39  }
0x446: {  	v39 =	vld [tilespmem:$0x1E5B0];
	_ =	sdelay $0x2  }
0x447: {  	s24 =	sadd.s32 s12, s10  }
0x448: {  	s7 =	sshll.u32 s24, $0x6  }
0x449: {  	s17 =	simm.s32 $0x0;
	s7 =	sadd.s32 s2, s7;
	[tilespmem:v38+s14+$0x0] =	vst.idx.msk $0xffff, v39  }
0x44a: {  	[hbm4b:s7+s17] =	stream.linear.scatter [tilespmem:s14], [sflag:$0x8], $0xA000, $0x38;
	[tilespmem:$0x1E780] =	vst v63  }
0x44b: {  	_ =	swait.ge [sflag:s28], $0xA000  }
0x44c: {  	[sflag:s28] =	ssyncset.done $0x0  }
0x44d: {  	[sflag:s28] =	ssyncadd.s32 $0xFFFF6000  }
0x44e: {  	_ =	swait.ge [sflag:s29], $0x50  }
0x44f: {  	[sflag:s29] =	ssyncset.done $0x0  }
0x450: {  	[sflag:s29] =	ssyncadd.s32 $0xFFFFFFB0  }
0x451: {  	_ =	swait.ge [sflag:s29], $0x50  }
0x452: {  	[sflag:s29] =	ssyncset.done $0x0  }
0x453: {  	[sflag:s29] =	ssyncadd.s32 $0xFFFFFFB0  }
0x454: {  	v55 =	vld [tilespmem:$0x0];
	_ =	sdelay $0x4  }
0x455: {  	v56 =	vshll.u32 v55, $0x1  }
0x456: {  	v39 =	vand.u32 $0x7, v55;
	v40 =	vand.u32 $0xFFFFFFF0, v56  }
0x457: {  	v39 =	vor.u32 v39, v40  }
0x458: {  	v40 =	vperm.xlane v39, v0;
	_ =	sdelay $0x1  }
0x459: {  	v39 =	vperm.xlane v39, v2;
	v40 =	vadd.s32 v1, v40;
	_ =	sdelay $0x1  }
0x45a: {  	v39 =	vadd.s32 v1, v39;
	_ =	sdelay $0x2  }
0x45b: {  	[tilespmem:s30], [sflag:$0x1] =	stream.indirect_vreg.gather [hbm4b:s9+s17], $0x80, v40, vm0, $0xb8;
	[tilespmem:$0x1E780] =	vst v63  }
0x45c: {  	s25 =	simm.s32 $0x1300  }
0x45d: {  	[tilespmem:s25], [sflag:$0x1] =	stream.indirect_vreg.gather [hbm4b:s9+s17], $0x80, v39, vm0, $0xb8;
	[tilespmem:$0x1E780] =	vst v63  }
0x45e: {  	v39 =	vld [tilespmem:$0x10];
	_ =	sdelay $0x4  }
0x45f: {  	v57 =	vshll.u32 v39, $0x1  }
0x460: {  	v39 =	vand.u32 $0x7, v39;
	v40 =	vand.u32 $0xFFFFFFF0, v57  }
0x461: {  	v39 =	vor.u32 v39, v40  }
0x462: {  	v40 =	vperm.xlane v39, v0;
	_ =	sdelay $0x1  }
0x463: {  	v39 =	vperm.xlane v39, v2;
	v40 =	vadd.s32 v1, v40;
	_ =	sdelay $0x1  }
0x464: {  	v39 =	vadd.s32 v1, v39;
	_ =	sdelay $0x1  }
0x465: {  	s23 =	simm.s32 $0x2300  }
0x466: {  	[tilespmem:s23], [sflag:$0x1] =	stream.indirect_vreg.gather [hbm4b:s9+s17], $0x80, v40, vm0, $0xb8;
	[tilespmem:$0x1E780] =	vst v63  }
0x467: {  	s24 =	simm.s32 $0x3300  }
0x468: {  	[tilespmem:s24], [sflag:$0x1] =	stream.indirect_vreg.gather [hbm4b:s9+s17], $0x80, v39, vm0, $0xb8;
	[tilespmem:$0x1E780] =	vst v63  }
0x469: {  	v39 =	vld [tilespmem:$0x20];
	_ =	sdelay $0x4  }
0x46a: {  	v58 =	vshll.u32 v39, $0x1  }
0x46b: {  	v39 =	vand.u32 $0x7, v39;
	v40 =	vand.u32 $0xFFFFFFF0, v58  }
0x46c: {  	v39 =	vor.u32 v39, v40  }
0x46d: {  	v40 =	vperm.xlane v39, v0;
	_ =	sdelay $0x1  }
0x46e: {  	v39 =	vperm.xlane v39, v2;
	v40 =	vadd.s32 v1, v40;
	_ =	sdelay $0x1  }
0x46f: {  	v39 =	vadd.s32 v1, v39;
	_ =	sdelay $0x1  }
0x470: {  	s25 =	simm.s32 $0x4300  }
0x471: {  	[tilespmem:s25], [sflag:$0x1] =	stream.indirect_vreg.gather [hbm4b:s9+s17], $0x80, v40, vm0, $0xb8;
	[tilespmem:$0x1E780] =	vst v63  }
0x472: {  	s23 =	simm.s32 $0x5300  }
0x473: {  	[tilespmem:s23], [sflag:$0x1] =	stream.indirect_vreg.gather [hbm4b:s9+s17], $0x80, v39, vm0, $0xb8;
	[tilespmem:$0x1E780] =	vst v63  }
0x474: {  	v39 =	vld [tilespmem:$0x30];
	_ =	sdelay $0x4  }
0x475: {  	v59 =	vshll.u32 v39, $0x1  }
0x476: {  	v39 =	vand.u32 $0x7, v39;
	v40 =	vand.u32 $0xFFFFFFF0, v59  }
0x477: {  	v39 =	vor.u32 v39, v40  }
0x478: {  	v40 =	vperm.xlane v39, v0;
	_ =	sdelay $0x1  }
0x479: {  	v39 =	vperm.xlane v39, v2;
	v40 =	vadd.s32 v1, v40;
	_ =	sdelay $0x1  }
0x47a: {  	v39 =	vadd.s32 v1, v39;
	_ =	sdelay $0x1  }
0x47b: {  	s24 =	simm.s32 $0x6300  }
0x47c: {  	[tilespmem:s24], [sflag:$0x1] =	stream.indirect_vreg.gather [hbm4b:s9+s17], $0x80, v40, vm0, $0xb8;
	[tilespmem:$0x1E780] =	vst v63  }
0x47d: {  	s25 =	simm.s32 $0x7300  }
0x47e: {  	[tilespmem:s25], [sflag:$0x1] =	stream.indirect_vreg.gather [hbm4b:s9+s17], $0x80, v39, vm0, $0xb8;
	[tilespmem:$0x1E780] =	vst v63  }
0x47f: {  	v39 =	vld [tilespmem:$0x40];
	_ =	sdelay $0x4  }
0x480: {  	v60 =	vshll.u32 v39, $0x1  }
0x481: {  	v39 =	vand.u32 $0x7, v39;
	v40 =	vand.u32 $0xFFFFFFF0, v60  }
0x482: {  	v39 =	vor.u32 v39, v40  }
0x483: {  	v40 =	vperm.xlane v39, v0;
	_ =	sdelay $0x1  }
0x484: {  	v39 =	vperm.xlane v39, v2;
	v40 =	vadd.s32 v1, v40;
	_ =	sdelay $0x1  }
0x485: {  	v39 =	vadd.s32 v1, v39;
	_ =	sdelay $0x1  }
0x486: {  	s23 =	simm.s32 $0x8300  }
0x487: {  	[tilespmem:s23], [sflag:$0x1] =	stream.indirect_vreg.gather [hbm4b:s9+s17], $0x80, v40, vm0, $0xb8;
	[tilespmem:$0x1E780] =	vst v63  }
0x488: {  	s24 =	simm.s32 $0x9300  }
0x489: {  	[tilespmem:s24], [sflag:$0x1] =	stream.indirect_vreg.gather [hbm4b:s9+s17], $0x80, v39, vm0, $0xb8;
	[tilespmem:$0x1E780] =	vst v63  }
0x48a: {  	v39 =	vld [tilespmem:$0x80];
	_ =	sdelay $0x4  }
0x48b: {  	v61 =	vshll.u32 v39, $0x1  }
0x48c: {  	v39 =	vand.u32 $0x7, v39;
	v40 =	vand.u32 $0xFFFFFFF0, v61  }
0x48d: {  	v39 =	vor.u32 v39, v40  }
0x48e: {  	v40 =	vperm.xlane v39, v0;
	_ =	sdelay $0x1  }
0x48f: {  	v39 =	vperm.xlane v39, v2;
	v40 =	vadd.s32 v1, v40;
	_ =	sdelay $0x1  }
0x490: {  	v39 =	vadd.s32 v1, v39;
	_ =	sdelay $0x1  }
0x491: {  	s25 =	simm.s32 $0xB00  }
0x492: {  	[tilespmem:s25], [sflag:$0x1] =	stream.indirect_vreg.gather [hbm4b:s0+s17], $0x80, v40, vm0, $0xb8;
	[tilespmem:$0x1E780] =	vst v63  }
0x493: {  	s23 =	simm.s32 $0x1B00  }
0x494: {  	[tilespmem:s23], [sflag:$0x1] =	stream.indirect_vreg.gather [hbm4b:s0+s17], $0x80, v39, vm0, $0xb8;
	[tilespmem:$0x1E780] =	vst v63  }
0x495: {  	v39 =	vld [tilespmem:$0x90];
	_ =	sdelay $0x4  }
0x496: {  	v62 =	vshll.u32 v39, $0x1  }
0x497: {  	v39 =	vand.u32 $0x7, v39;
	v40 =	vand.u32 $0xFFFFFFF0, v62  }
0x498: {  	v39 =	vor.u32 v39, v40  }
0x499: {  	v40 =	vperm.xlane v39, v0;
	_ =	sdelay $0x1  }
0x49a: {  	v39 =	vperm.xlane v39, v2;
	v40 =	vadd.s32 v1, v40;
	_ =	sdelay $0x1  }
0x49b: {  	v39 =	vadd.s32 v1, v39;
	_ =	sdelay $0x1  }
0x49c: {  	s24 =	simm.s32 $0x2B00  }
0x49d: {  	[tilespmem:s24], [sflag:$0x1] =	stream.indirect_vreg.gather [hbm4b:s0+s17], $0x80, v40, vm0, $0xb8;
	[tilespmem:$0x1E780] =	vst v63  }
0x49e: {  	s25 =	simm.s32 $0x3B00  }
0x49f: {  	[tilespmem:s25], [sflag:$0x1] =	stream.indirect_vreg.gather [hbm4b:s0+s17], $0x80, v39, vm0, $0xb8;
	[tilespmem:$0x1E780] =	vst v63  }
0x4a0: {  	v39 =	vld [tilespmem:$0xA0];
	_ =	sdelay $0x4  }
0x4a1: {  	v63 =	vshll.u32 v39, $0x1  }
0x4a2: {  	v39 =	vand.u32 $0x7, v39;
	v40 =	vand.u32 $0xFFFFFFF0, v63  }
0x4a3: {  	v39 =	vor.u32 v39, v40  }
0x4a4: {  	v40 =	vperm.xlane v39, v0;
	_ =	sdelay $0x1  }
0x4a5: {  	v39 =	vperm.xlane v39, v2;
	v40 =	vadd.s32 v1, v40;
	_ =	sdelay $0x1  }
0x4a6: {  	v39 =	vadd.s32 v1, v39;
	_ =	sdelay $0x1  }
0x4a7: {  	s23 =	simm.s32 $0x4B00  }
0x4a8: {  	[tilespmem:s23], [sflag:$0x1] =	stream.indirect_vreg.gather [hbm4b:s0+s17], $0x80, v40, vm0, $0xb8;
	[tilespmem:$0x1E780] =	vst v63  }
0x4a9: {  	s24 =	simm.s32 $0x5B00  }
0x4aa: {  	[tilespmem:s24], [sflag:$0x1] =	stream.indirect_vreg.gather [hbm4b:s0+s17], $0x80, v39, vm0, $0xb8;
	[tilespmem:$0x1E780] =	vst v63  }
0x4ab: {  	v39 =	vld [tilespmem:$0xB0];
	_ =	sdelay $0x4  }
0x4ac: {  	v44 =	vshll.u32 v39, $0x1  }
0x4ad: {  	v39 =	vand.u32 $0x7, v39;
	v40 =	vand.u32 $0xFFFFFFF0, v44  }
0x4ae: {  	v39 =	vor.u32 v39, v40  }
0x4af: {  	v40 =	vperm.xlane v39, v0;
	_ =	sdelay $0x1  }
0x4b0: {  	v39 =	vperm.xlane v39, v2;
	v40 =	vadd.s32 v1, v40;
	_ =	sdelay $0x1  }
0x4b1: {  	v39 =	vadd.s32 v1, v39;
	_ =	sdelay $0x1  }
0x4b2: {  	s25 =	simm.s32 $0x6B00  }
0x4b3: {  	[tilespmem:s25], [sflag:$0x1] =	stream.indirect_vreg.gather [hbm4b:s0+s17], $0x80, v40, vm0, $0xb8;
	[tilespmem:$0x1E780] =	vst v63  }
0x4b4: {  	s23 =	simm.s32 $0x7B00  }
0x4b5: {  	[tilespmem:s23], [sflag:$0x1] =	stream.indirect_vreg.gather [hbm4b:s0+s17], $0x80, v39, vm0, $0xb8;
	[tilespmem:$0x1E780] =	vst v63  }
0x4b6: {  	v39 =	vld [tilespmem:$0xC0];
	_ =	sdelay $0x4  }
0x4b7: {  	v45 =	vshll.u32 v39, $0x1  }
0x4b8: {  	v39 =	vand.u32 $0x7, v39;
	v40 =	vand.u32 $0xFFFFFFF0, v45  }
0x4b9: {  	v39 =	vor.u32 v39, v40  }
0x4ba: {  	v40 =	vperm.xlane v39, v0;
	_ =	sdelay $0x1  }
0x4bb: {  	v39 =	vperm.xlane v39, v2;
	v40 =	vadd.s32 v1, v40;
	_ =	sdelay $0x1  }
0x4bc: {  	v39 =	vadd.s32 v1, v39;
	_ =	sdelay $0x1  }
0x4bd: {  	s24 =	simm.s32 $0x8B00  }
0x4be: {  	[tilespmem:s24], [sflag:$0x1] =	stream.indirect_vreg.gather [hbm4b:s0+s17], $0x80, v40, vm0, $0xb8;
	[tilespmem:$0x1E780] =	vst v63  }
0x4bf: {  	s25 =	simm.s32 $0x9B00;
	s23 =	sshrl.u32 s15, $0x1  }
0x4c0: {  	[tilespmem:s25], [sflag:$0x1] =	stream.indirect_vreg.gather [hbm4b:s0+s17], $0x80, v39, vm0, $0xb8;
	[tilespmem:$0x1E780] =	vst v63  }
0x4c1: {  	s15 =	sadd.s32 s12, s26;
	s7 =	sadd.s32 s8, s23;
	s24 =	simm.s32 $0x1E300  }
0x4c2: {  	[tilespmem:s24], [sflag:$0x1] =	stream.linear.gather [hbm4b:s7+s17], $0x140, $0x38;
	[tilespmem:$0x1E780] =	vst v63  }
0x4c3: {  	s7 =	sshrl.u32 s15, $0x3  }
0x4c4: {  	s24 =	simm.s32 $0x100;
	s25 =	sadd.s32 s5, s7  }
0x4c5: {  	[tilespmem:s24], [sflag:$0x5] =	stream.linear.gather [hbm4b:s25+s17], $0x50, $0x38;
	[tilespmem:$0x1E780] =	vst v63  }
0x4c6: {  	s7 =	sadd.s32 s6, s7;
	s25 =	simm.s32 $0x180  }
0x4c7: {  	[tilespmem:s25], [sflag:$0x5] =	stream.linear.gather [hbm4b:s7+s17], $0x50, $0x38;
	[tilespmem:$0x1E780] =	vst v63  }
0x4c8: {  	_ =	swait.ge [sflag:s31], $0x5000  }
0x4c9: {  	[sflag:s31] =	ssyncset.done $0x0  }
0x4ca: {  	[sflag:s31] =	ssyncadd.s32 $0xFFFFB000  }
0x4cb: {  	_ =	swait.ge [sflag:s31], $0x5000  }
0x4cc: {  	[sflag:s31] =	ssyncset.done $0x0  }
0x4cd: {  	v46 =	vmov s17;
	[sflag:s31] =	ssyncadd.s32 $0xFFFFB000  }
0x4ce: {  	v47 =	vshll.u32 v46, $0x9;
	v39 =	vshll.u32 v46, $0x7;
	s24 =	sand.u32 $0xF000, s17;
	s17 =	sand.u32 $0x380, s17;
	_ =	swait.ge [sflag:s31], $0x140  }
0x4cf: {  	v40 =	vand.u32 $0xF000, v47;
	v39 =	vand.u32 $0x380, v39;
	s7 =	sor.u32 s17, s24;
	[sflag:s31] =	ssyncset.done $0x0  }
0x4d0: {  	v39 =	vor.u32 v40, v39;
	s7 =	sadd.s32 $0x14300, s7;
	[sflag:s31] =	ssyncadd.s32 $0xFFFFFEC0  }
0x4d1: {  	v49 =	vor.u32 v3, v39;
	v48 =	vld [tilespmem:s7+$0x800];
	_ =	sdelay $0x4  }
0x4d2: {  	[tilespmem:v49+s20+$0x0] =	vst.idx.msk $0xffff, v48  }
0x4d3: {  	v50 =	vor.u32 v4, v39;
	v40 =	vld [tilespmem:s7+$0x810];
	_ =	sdelay $0x4  }
0x4d4: {  	[tilespmem:v50+s20+$0x0] =	vst.idx.msk $0xffff, v40  }
0x4d5: {  	v51 =	vor.u32 v5, v39;
	v40 =	vld [tilespmem:s7+$0x820];
	_ =	sdelay $0x4  }
0x4d6: {  	[tilespmem:v51+s20+$0x0] =	vst.idx.msk $0xffff, v40  }
0x4d7: {  	v52 =	vor.u32 v6, v39;
	v40 =	vld [tilespmem:s7+$0x830];
	_ =	sdelay $0x4  }
0x4d8: {  	[tilespmem:v52+s20+$0x0] =	vst.idx.msk $0xffff, v40  }
0x4d9: {  	v53 =	vor.u32 v7, v39;
	v40 =	vld [tilespmem:s7+$0x840];
	_ =	sdelay $0x4  }
0x4da: {  	[tilespmem:v53+s20+$0x0] =	vst.idx.msk $0xffff, v40  }
0x4db: {  	v54 =	vor.u32 v8, v39;
	v40 =	vld [tilespmem:s7+$0x850];
	_ =	sdelay $0x4  }
0x4dc: {  	[tilespmem:v54+s20+$0x0] =	vst.idx.msk $0xffff, v40  }
0x4dd: {  	v55 =	vor.u32 v9, v39;
	v40 =	vld [tilespmem:s7+$0x860];
	_ =	sdelay $0x4  }
0x4de: {  	[tilespmem:v55+s20+$0x0] =	vst.idx.msk $0xffff, v40  }
0x4df: {  	v56 =	vor.u32 v10, v39;
	v40 =	vld [tilespmem:s7+$0x870];
	_ =	sdelay $0x4  }
0x4e0: {  	[tilespmem:v56+s20+$0x0] =	vst.idx.msk $0xffff, v40  }
0x4e1: {  	v57 =	vor.u32 v11, v39;
	v40 =	vld [tilespmem:s7+$0xC00];
	_ =	sdelay $0x4  }
0x4e2: {  	[tilespmem:v57+s20+$0x0] =	vst.idx.msk $0xffff, v40  }
0x4e3: {  	v58 =	vor.u32 v12, v39;
	v40 =	vld [tilespmem:s7+$0xC10];
	_ =	sdelay $0x4  }
0x4e4: {  	[tilespmem:v58+s20+$0x0] =	vst.idx.msk $0xffff, v40  }
0x4e5: {  	v59 =	vor.u32 v13, v39;
	v40 =	vld [tilespmem:s7+$0xC20];
	_ =	sdelay $0x4  }
0x4e6: {  	[tilespmem:v59+s20+$0x0] =	vst.idx.msk $0xffff, v40  }
0x4e7: {  	v60 =	vor.u32 v14, v39;
	v40 =	vld [tilespmem:s7+$0xC30];
	_ =	sdelay $0x4  }
0x4e8: {  	[tilespmem:v60+s20+$0x0] =	vst.idx.msk $0xffff, v40  }
0x4e9: {  	v61 =	vor.u32 v15, v39;
	v40 =	vld [tilespmem:s7+$0xC40];
	_ =	sdelay $0x4  }
0x4ea: {  	[tilespmem:v61+s20+$0x0] =	vst.idx.msk $0xffff, v40  }
0x4eb: {  	v62 =	vor.u32 v16, v39;
	v40 =	vld [tilespmem:s7+$0xC50];
	_ =	sdelay $0x4  }
0x4ec: {  	[tilespmem:v62+s20+$0x0] =	vst.idx.msk $0xffff, v40  }
0x4ed: {  	v63 =	vor.u32 v17, v39;
	v40 =	vld [tilespmem:s7+$0xC60];
	_ =	sdelay $0x4  }
0x4ee: {  	[tilespmem:v63+s20+$0x0] =	vst.idx.msk $0xffff, v40  }
0x4ef: {  	v41 =	vor.u32 v18, v39;
	v40 =	vld [tilespmem:s7+$0xC70]  }
0x4f0: {  	s25 =	simm.s32 $0x1  }
0x4f1: {  	s23 =	simm.s32 $0x2;
	v39 =	vmov s25;
	s17 =	simm.s32 $0x80;
	s24 =	simm.s32 $0x200  }
.LBB2_12:
0x4f2: {  	p0 =	sne.s32 s23, $0x4F;
	s7 =	sand.u32 $0xF000, s24;
	s25 =	sand.u32 $0x380, s17;
	v42 =	vshll.u32 v39, $0x9;
	v39 =	vshll.u32 v39, $0x7  }
0x4f3: {  	s7 =	sor.u32 s25, s7;
	v42 =	vand.u32 $0xF000, v42;
	v39 =	vand.u32 $0x380, v39  }
0x4f4: {  	s25 =	sadd.s32 $0x14300, s7;
	v39 =	vor.u32 v42, v39;
	[tilespmem:v41+s20+$0x0] =	vst.idx.msk $0xffff, v40  }
0x4f5: {  	v40 =	vld [tilespmem:s25+$0x800];
	v41 =	vor.u32 v3, v39;
	_ =	sdelay $0x4  }
0x4f6: {  	[tilespmem:v41+s20+$0x0] =	vst.idx.msk $0xffff, v40  }
0x4f7: {  	v41 =	vor.u32 v4, v39;
	v40 =	vld [tilespmem:s25+$0x810];
	_ =	sdelay $0x4  }
0x4f8: {  	[tilespmem:v41+s20+$0x0] =	vst.idx.msk $0xffff, v40  }
0x4f9: {  	v41 =	vor.u32 v5, v39;
	v40 =	vld [tilespmem:s25+$0x820];
	_ =	sdelay $0x4  }
0x4fa: {  	[tilespmem:v41+s20+$0x0] =	vst.idx.msk $0xffff, v40  }
0x4fb: {  	v41 =	vor.u32 v6, v39;
	v40 =	vld [tilespmem:s25+$0x830];
	_ =	sdelay $0x4  }
0x4fc: {  	[tilespmem:v41+s20+$0x0] =	vst.idx.msk $0xffff, v40  }
0x4fd: {  	v41 =	vor.u32 v7, v39;
	v40 =	vld [tilespmem:s25+$0x840];
	_ =	sdelay $0x4  }
0x4fe: {  	[tilespmem:v41+s20+$0x0] =	vst.idx.msk $0xffff, v40  }
0x4ff: {  	v41 =	vor.u32 v8, v39;
	v40 =	vld [tilespmem:s25+$0x850];
	_ =	sdelay $0x4  }
0x500: {  	[tilespmem:v41+s20+$0x0] =	vst.idx.msk $0xffff, v40  }
0x501: {  	v41 =	vor.u32 v9, v39;
	v40 =	vld [tilespmem:s25+$0x860];
	_ =	sdelay $0x4  }
0x502: {  	[tilespmem:v41+s20+$0x0] =	vst.idx.msk $0xffff, v40  }
0x503: {  	v41 =	vor.u32 v10, v39;
	v40 =	vld [tilespmem:s25+$0x870];
	_ =	sdelay $0x4  }
0x504: {  	[tilespmem:v41+s20+$0x0] =	vst.idx.msk $0xffff, v40  }
0x505: {  	v41 =	vor.u32 v11, v39;
	v40 =	vld [tilespmem:s25+$0xC00];
	_ =	sdelay $0x4  }
0x506: {  	[tilespmem:v41+s20+$0x0] =	vst.idx.msk $0xffff, v40  }
0x507: {  	v41 =	vor.u32 v12, v39;
	v40 =	vld [tilespmem:s25+$0xC10];
	_ =	sdelay $0x4  }
0x508: {  	[tilespmem:v41+s20+$0x0] =	vst.idx.msk $0xffff, v40  }
0x509: {  	v41 =	vor.u32 v13, v39;
	v40 =	vld [tilespmem:s25+$0xC20];
	_ =	sdelay $0x4  }
0x50a: {  	[tilespmem:v41+s20+$0x0] =	vst.idx.msk $0xffff, v40  }
0x50b: {  	v41 =	vor.u32 v14, v39;
	v40 =	vld [tilespmem:s25+$0xC30];
	_ =	sdelay $0x4  }
0x50c: {  	[tilespmem:v41+s20+$0x0] =	vst.idx.msk $0xffff, v40  }
0x50d: {  	v41 =	vor.u32 v15, v39;
	v40 =	vld [tilespmem:s25+$0xC40];
	_ =	sdelay $0x4  }
0x50e: {  	[tilespmem:v41+s20+$0x0] =	vst.idx.msk $0xffff, v40  }
0x50f: {  	v41 =	vor.u32 v16, v39;
	v40 =	vld [tilespmem:s25+$0xC50];
	_ =	sdelay $0x4  }
0x510: {  	[tilespmem:v41+s20+$0x0] =	vst.idx.msk $0xffff, v40  }
0x511: {  	v41 =	vor.u32 v17, v39;
	v40 =	vld [tilespmem:s25+$0xC60];
	_ =	sdelay $0x3  }
.Ltmp5:
0x512: {  	(pc) =	sbr.rel @p0 .LBB2_12-.Ltmp5, $3  }
0x513: {  	[tilespmem:v41+s20+$0x0] =	vst.idx.msk $0xffff, v40  }
0x514: {  	v41 =	vor.u32 v18, v39;
	v40 =	vld [tilespmem:s25+$0xC70];
	_ =	sdelay $0x1  }
0x515: {  	s17 =	sadd.s32 $0x80, s17;
	s24 =	sadd.s32 $0x200, s24;
	v39 =	vmov s23;
	s23 =	sadd.s32 $0x1, s23  }
0x516: {  	_ =	sdelay $0x1  }
0x517: {  	s7 =	sand.u32 $0xF000, s24;
	s17 =	sand.u32 $0x380, s17;
	v42 =	vshll.u32 v39, $0x9;
	v57 =	vshll.u32 v39, $0x7  }
0x518: {  	s7 =	sor.u32 s17, s7;
	v42 =	vand.u32 $0xF000, v42;
	v39 =	vand.u32 $0x380, v57  }
0x519: {  	s7 =	sadd.s32 $0x14300, s7;
	v39 =	vor.u32 v42, v39;
	[tilespmem:v41+s20+$0x0] =	vst.idx.msk $0xffff, v40  }
0x51a: {  	v40 =	vld [tilespmem:s7+$0x800];
	v58 =	vor.u32 v3, v39;
	_ =	sdelay $0x4  }
0x51b: {  	[tilespmem:v58+s20+$0x0] =	vst.idx.msk $0xffff, v40  }
0x51c: {  	v59 =	vor.u32 v4, v39;
	v40 =	vld [tilespmem:s7+$0x810];
	_ =	sdelay $0x4  }
0x51d: {  	[tilespmem:v59+s20+$0x0] =	vst.idx.msk $0xffff, v40  }
0x51e: {  	v60 =	vor.u32 v5, v39;
	v40 =	vld [tilespmem:s7+$0x820];
	_ =	sdelay $0x4  }
0x51f: {  	[tilespmem:v60+s20+$0x0] =	vst.idx.msk $0xffff, v40  }
0x520: {  	v61 =	vor.u32 v6, v39;
	v40 =	vld [tilespmem:s7+$0x830];
	_ =	sdelay $0x4  }
0x521: {  	[tilespmem:v61+s20+$0x0] =	vst.idx.msk $0xffff, v40  }
0x522: {  	v62 =	vor.u32 v7, v39;
	v40 =	vld [tilespmem:s7+$0x840];
	_ =	sdelay $0x4  }
0x523: {  	[tilespmem:v62+s20+$0x0] =	vst.idx.msk $0xffff, v40  }
0x524: {  	v63 =	vor.u32 v8, v39;
	v40 =	vld [tilespmem:s7+$0x850];
	_ =	sdelay $0x4  }
0x525: {  	[tilespmem:v63+s20+$0x0] =	vst.idx.msk $0xffff, v40  }
0x526: {  	v44 =	vor.u32 v9, v39;
	v40 =	vld [tilespmem:s7+$0x860];
	_ =	sdelay $0x4  }
0x527: {  	[tilespmem:v44+s20+$0x0] =	vst.idx.msk $0xffff, v40  }
0x528: {  	v45 =	vor.u32 v10, v39;
	v40 =	vld [tilespmem:s7+$0x870];
	_ =	sdelay $0x4  }
0x529: {  	[tilespmem:v45+s20+$0x0] =	vst.idx.msk $0xffff, v40  }
0x52a: {  	v46 =	vor.u32 v11, v39;
	v40 =	vld [tilespmem:s7+$0xC00];
	_ =	sdelay $0x4  }
0x52b: {  	[tilespmem:v46+s20+$0x0] =	vst.idx.msk $0xffff, v40  }
0x52c: {  	v47 =	vor.u32 v12, v39;
	v40 =	vld [tilespmem:s7+$0xC10];
	_ =	sdelay $0x4  }
0x52d: {  	[tilespmem:v47+s20+$0x0] =	vst.idx.msk $0xffff, v40  }
0x52e: {  	v48 =	vor.u32 v13, v39;
	v40 =	vld [tilespmem:s7+$0xC20];
	_ =	sdelay $0x4  }
0x52f: {  	[tilespmem:v48+s20+$0x0] =	vst.idx.msk $0xffff, v40  }
0x530: {  	v49 =	vor.u32 v14, v39;
	v40 =	vld [tilespmem:s7+$0xC30];
	_ =	sdelay $0x4  }
0x531: {  	[tilespmem:v49+s20+$0x0] =	vst.idx.msk $0xffff, v40  }
0x532: {  	v50 =	vor.u32 v15, v39;
	v40 =	vld [tilespmem:s7+$0xC40];
	_ =	sdelay $0x4  }
0x533: {  	[tilespmem:v50+s20+$0x0] =	vst.idx.msk $0xffff, v40  }
0x534: {  	v51 =	vor.u32 v16, v39;
	v40 =	vld [tilespmem:s7+$0xC50];
	_ =	sdelay $0x4  }
0x535: {  	[tilespmem:v51+s20+$0x0] =	vst.idx.msk $0xffff, v40  }
0x536: {  	v52 =	vor.u32 v17, v39;
	v40 =	vld [tilespmem:s7+$0xC60];
	_ =	sdelay $0x4  }
0x537: {  	[tilespmem:v52+s20+$0x0] =	vst.idx.msk $0xffff, v40  }
0x538: {  	v39 =	vor.u32 v18, v39;
	v40 =	vld [tilespmem:s7+$0xC70];
	_ =	sdelay $0x4  }
0x539: {  	[tilespmem:v39+s20+$0x0] =	vst.idx.msk $0xffff, v40  }
0x53a: {  	v39 =	vld [tilespmem:$0x1E600];
	_ =	sdelay $0x4  }
0x53b: {  	[tilespmem:v19+s20+$0x0] =	vst.idx.msk $0xffff, v39  }
0x53c: {  	v39 =	vld [tilespmem:$0x1E610];
	_ =	sdelay $0x4  }
0x53d: {  	[tilespmem:v20+s20+$0x0] =	vst.idx.msk $0xffff, v39  }
0x53e: {  	v39 =	vld [tilespmem:$0x1E620];
	_ =	sdelay $0x4  }
0x53f: {  	[tilespmem:v21+s20+$0x0] =	vst.idx.msk $0xffff, v39  }
0x540: {  	v39 =	vld [tilespmem:$0x1E630];
	_ =	sdelay $0x4  }
0x541: {  	[tilespmem:v22+s20+$0x0] =	vst.idx.msk $0xffff, v39  }
0x542: {  	v39 =	vld [tilespmem:$0x1E640];
	_ =	sdelay $0x4  }
0x543: {  	[tilespmem:v23+s20+$0x0] =	vst.idx.msk $0xffff, v39  }
0x544: {  	v39 =	vld [tilespmem:$0x1E650];
	_ =	sdelay $0x4  }
0x545: {  	[tilespmem:v24+s20+$0x0] =	vst.idx.msk $0xffff, v39  }
0x546: {  	v39 =	vld [tilespmem:$0x1E660];
	_ =	sdelay $0x4  }
0x547: {  	[tilespmem:v25+s20+$0x0] =	vst.idx.msk $0xffff, v39  }
0x548: {  	v39 =	vld [tilespmem:$0x1E670];
	_ =	sdelay $0x4  }
0x549: {  	[tilespmem:v26+s20+$0x0] =	vst.idx.msk $0xffff, v39  }
0x54a: {  	v39 =	vld [tilespmem:$0x1E680];
	_ =	sdelay $0x4  }
0x54b: {  	[tilespmem:v27+s20+$0x0] =	vst.idx.msk $0xffff, v39  }
0x54c: {  	v39 =	vld [tilespmem:$0x1E690];
	_ =	sdelay $0x4  }
0x54d: {  	[tilespmem:v28+s20+$0x0] =	vst.idx.msk $0xffff, v39  }
0x54e: {  	v39 =	vld [tilespmem:$0x1E6A0];
	_ =	sdelay $0x4  }
0x54f: {  	[tilespmem:v29+s20+$0x0] =	vst.idx.msk $0xffff, v39  }
0x550: {  	v39 =	vld [tilespmem:$0x1E6B0];
	_ =	sdelay $0x4  }
0x551: {  	[tilespmem:v30+s20+$0x0] =	vst.idx.msk $0xffff, v39  }
0x552: {  	v39 =	vld [tilespmem:$0x1E6C0];
	_ =	sdelay $0x4  }
0x553: {  	[tilespmem:v31+s20+$0x0] =	vst.idx.msk $0xffff, v39  }
0x554: {  	v39 =	vld [tilespmem:$0x1E6D0];
	_ =	sdelay $0x4  }
0x555: {  	[tilespmem:v32+s20+$0x0] =	vst.idx.msk $0xffff, v39  }
0x556: {  	v39 =	vld [tilespmem:$0x1E6E0];
	_ =	sdelay $0x4  }
0x557: {  	[tilespmem:v33+s20+$0x0] =	vst.idx.msk $0xffff, v39  }
0x558: {  	v39 =	vld [tilespmem:$0x1E6F0];
	_ =	sdelay $0x4  }
0x559: {  	[tilespmem:v34+s20+$0x0] =	vst.idx.msk $0xffff, v39  }
0x55a: {  	v39 =	vld [tilespmem:$0x1E700];
	_ =	sdelay $0x4  }
0x55b: {  	[tilespmem:v35+s20+$0x0] =	vst.idx.msk $0xffff, v39  }
0x55c: {  	v39 =	vld [tilespmem:$0x1E710];
	_ =	sdelay $0x4  }
0x55d: {  	[tilespmem:v36+s20+$0x0] =	vst.idx.msk $0xffff, v39  }
0x55e: {  	v39 =	vld [tilespmem:$0x1E720];
	_ =	sdelay $0x4  }
0x55f: {  	[tilespmem:v37+s20+$0x0] =	vst.idx.msk $0xffff, v39  }
0x560: {  	v39 =	vld [tilespmem:$0x1E730];
	_ =	sdelay $0x2  }
0x561: {  	s24 =	sadd.s32 s12, s16  }
0x562: {  	s7 =	sshll.u32 s24, $0x6  }
0x563: {  	s7 =	sadd.s32 s2, s7;
	[tilespmem:v38+s20+$0x0] =	vst.idx.msk $0xffff, v39  }
0x564: {  	[hbm4b:s7+s4] =	stream.linear.scatter [tilespmem:s20], [sflag:$0x9], $0xA000, $0x38;
	[tilespmem:$0x1E780] =	vst v63  }
0x565: {  	_ =	swait.ge [sflag:s1], $0xA000  }
0x566: {  	[sflag:s1] =	ssyncset.done $0x0  }
0x567: {  	[sflag:s1] =	ssyncadd.s32 $0xFFFF6000  }
0x568: {  	_ =	swait.ge [sflag:s13], $0x50  }
0x569: {  	[sflag:s13] =	ssyncset.done $0x0  }
0x56a: {  	[sflag:s13] =	ssyncadd.s32 $0xFFFFFFB0  }
0x56b: {  	_ =	swait.ge [sflag:s13], $0x50  }
0x56c: {  	[sflag:s13] =	ssyncset.done $0x0  }
0x56d: {  	[sflag:s13] =	ssyncadd.s32 $0xFFFFFFB0  }
0x56e: {  	v53 =	vld [tilespmem:$0x100];
	_ =	sdelay $0x4  }
0x56f: {  	v54 =	vshll.u32 v53, $0x1  }
0x570: {  	v39 =	vand.u32 $0x7, v53;
	v40 =	vand.u32 $0xFFFFFFF0, v54  }
0x571: {  	v39 =	vor.u32 v39, v40  }
0x572: {  	v40 =	vperm.xlane v39, v0;
	_ =	sdelay $0x1  }
0x573: {  	v39 =	vperm.xlane v39, v2;
	v40 =	vadd.s32 v1, v40;
	_ =	sdelay $0x1  }
0x574: {  	v39 =	vadd.s32 v1, v39;
	_ =	sdelay $0x2  }
0x575: {  	[tilespmem:s14], [sflag:$0x2] =	stream.indirect_vreg.gather [hbm4b:s9+s4], $0x80, v40, vm0, $0xb8;
	[tilespmem:$0x1E780] =	vst v63  }
0x576: {  	s25 =	simm.s32 $0xB300  }
0x577: {  	[tilespmem:s25], [sflag:$0x2] =	stream.indirect_vreg.gather [hbm4b:s9+s4], $0x80, v39, vm0, $0xb8;
	[tilespmem:$0x1E780] =	vst v63  }
0x578: {  	v39 =	vld [tilespmem:$0x110];
	_ =	sdelay $0x4  }
0x579: {  	v55 =	vshll.u32 v39, $0x1  }
0x57a: {  	v39 =	vand.u32 $0x7, v39;
	v40 =	vand.u32 $0xFFFFFFF0, v55  }
0x57b: {  	v39 =	vor.u32 v39, v40  }
0x57c: {  	v40 =	vperm.xlane v39, v0;
	_ =	sdelay $0x1  }
0x57d: {  	v39 =	vperm.xlane v39, v2;
	v40 =	vadd.s32 v1, v40;
	_ =	sdelay $0x1  }
0x57e: {  	v39 =	vadd.s32 v1, v39;
	_ =	sdelay $0x1  }
0x57f: {  	s12 =	simm.s32 $0xC300  }
0x580: {  	[tilespmem:s12], [sflag:$0x2] =	stream.indirect_vreg.gather [hbm4b:s9+s4], $0x80, v40, vm0, $0xb8;
	[tilespmem:$0x1E780] =	vst v63  }
0x581: {  	s17 =	simm.s32 $0xD300  }
0x582: {  	[tilespmem:s17], [sflag:$0x2] =	stream.indirect_vreg.gather [hbm4b:s9+s4], $0x80, v39, vm0, $0xb8;
	[tilespmem:$0x1E780] =	vst v63  }
0x583: {  	v39 =	vld [tilespmem:$0x120];
	_ =	sdelay $0x4  }
0x584: {  	v56 =	vshll.u32 v39, $0x1  }
0x585: {  	v39 =	vand.u32 $0x7, v39;
	v40 =	vand.u32 $0xFFFFFFF0, v56  }
0x586: {  	v39 =	vor.u32 v39, v40  }
0x587: {  	v40 =	vperm.xlane v39, v0;
	_ =	sdelay $0x1  }
0x588: {  	v39 =	vperm.xlane v39, v2;
	v40 =	vadd.s32 v1, v40;
	_ =	sdelay $0x1  }
0x589: {  	v39 =	vadd.s32 v1, v39;
	_ =	sdelay $0x1  }
0x58a: {  	s23 =	simm.s32 $0xE300  }
0x58b: {  	[tilespmem:s23], [sflag:$0x2] =	stream.indirect_vreg.gather [hbm4b:s9+s4], $0x80, v40, vm0, $0xb8;
	[tilespmem:$0x1E780] =	vst v63  }
0x58c: {  	s24 =	simm.s32 $0xF300  }
0x58d: {  	[tilespmem:s24], [sflag:$0x2] =	stream.indirect_vreg.gather [hbm4b:s9+s4], $0x80, v39, vm0, $0xb8;
	[tilespmem:$0x1E780] =	vst v63  }
0x58e: {  	v39 =	vld [tilespmem:$0x130];
	_ =	sdelay $0x4  }
0x58f: {  	v57 =	vshll.u32 v39, $0x1  }
0x590: {  	v39 =	vand.u32 $0x7, v39;
	v40 =	vand.u32 $0xFFFFFFF0, v57  }
0x591: {  	v39 =	vor.u32 v39, v40  }
0x592: {  	v40 =	vperm.xlane v39, v0;
	_ =	sdelay $0x1  }
0x593: {  	v39 =	vperm.xlane v39, v2;
	v40 =	vadd.s32 v1, v40;
	_ =	sdelay $0x1  }
0x594: {  	v39 =	vadd.s32 v1, v39;
	_ =	sdelay $0x1  }
0x595: {  	s25 =	simm.s32 $0x10300  }
0x596: {  	[tilespmem:s25], [sflag:$0x2] =	stream.indirect_vreg.gather [hbm4b:s9+s4], $0x80, v40, vm0, $0xb8;
	[tilespmem:$0x1E780] =	vst v63  }
0x597: {  	s12 =	simm.s32 $0x11300  }
0x598: {  	[tilespmem:s12], [sflag:$0x2] =	stream.indirect_vreg.gather [hbm4b:s9+s4], $0x80, v39, vm0, $0xb8;
	[tilespmem:$0x1E780] =	vst v63  }
0x599: {  	v39 =	vld [tilespmem:$0x140];
	_ =	sdelay $0x4  }
0x59a: {  	v58 =	vshll.u32 v39, $0x1  }
0x59b: {  	v39 =	vand.u32 $0x7, v39;
	v40 =	vand.u32 $0xFFFFFFF0, v58  }
0x59c: {  	v39 =	vor.u32 v39, v40  }
0x59d: {  	v40 =	vperm.xlane v39, v0;
	_ =	sdelay $0x1  }
0x59e: {  	v39 =	vperm.xlane v39, v2;
	v40 =	vadd.s32 v1, v40;
	_ =	sdelay $0x1  }
0x59f: {  	v39 =	vadd.s32 v1, v39;
	_ =	sdelay $0x1  }
0x5a0: {  	s17 =	simm.s32 $0x12300  }
0x5a1: {  	[tilespmem:s17], [sflag:$0x2] =	stream.indirect_vreg.gather [hbm4b:s9+s4], $0x80, v40, vm0, $0xb8;
	[tilespmem:$0x1E780] =	vst v63  }
0x5a2: {  	s23 =	simm.s32 $0x13300  }
0x5a3: {  	[tilespmem:s23], [sflag:$0x2] =	stream.indirect_vreg.gather [hbm4b:s9+s4], $0x80, v39, vm0, $0xb8;
	[tilespmem:$0x1E780] =	vst v63  }
0x5a4: {  	v39 =	vld [tilespmem:$0x180];
	_ =	sdelay $0x4  }
0x5a5: {  	v59 =	vshll.u32 v39, $0x1  }
0x5a6: {  	v39 =	vand.u32 $0x7, v39;
	v40 =	vand.u32 $0xFFFFFFF0, v59  }
0x5a7: {  	v39 =	vor.u32 v39, v40  }
0x5a8: {  	v40 =	vperm.xlane v39, v0;
	_ =	sdelay $0x1  }
0x5a9: {  	v39 =	vperm.xlane v39, v2;
	v40 =	vadd.s32 v1, v40;
	_ =	sdelay $0x1  }
0x5aa: {  	v39 =	vadd.s32 v1, v39;
	_ =	sdelay $0x1  }
0x5ab: {  	s24 =	simm.s32 $0xAB00  }
0x5ac: {  	[tilespmem:s24], [sflag:$0x2] =	stream.indirect_vreg.gather [hbm4b:s0+s4], $0x80, v40, vm0, $0xb8;
	[tilespmem:$0x1E780] =	vst v63  }
0x5ad: {  	s25 =	simm.s32 $0xBB00  }
0x5ae: {  	[tilespmem:s25], [sflag:$0x2] =	stream.indirect_vreg.gather [hbm4b:s0+s4], $0x80, v39, vm0, $0xb8;
	[tilespmem:$0x1E780] =	vst v63  }
0x5af: {  	v39 =	vld [tilespmem:$0x190];
	_ =	sdelay $0x4  }
0x5b0: {  	v60 =	vshll.u32 v39, $0x1  }
0x5b1: {  	v39 =	vand.u32 $0x7, v39;
	v40 =	vand.u32 $0xFFFFFFF0, v60  }
0x5b2: {  	v39 =	vor.u32 v39, v40  }
0x5b3: {  	v40 =	vperm.xlane v39, v0;
	_ =	sdelay $0x1  }
0x5b4: {  	v39 =	vperm.xlane v39, v2;
	v40 =	vadd.s32 v1, v40;
	_ =	sdelay $0x1  }
0x5b5: {  	v39 =	vadd.s32 v1, v39;
	_ =	sdelay $0x1  }
0x5b6: {  	s12 =	simm.s32 $0xCB00  }
0x5b7: {  	[tilespmem:s12], [sflag:$0x2] =	stream.indirect_vreg.gather [hbm4b:s0+s4], $0x80, v40, vm0, $0xb8;
	[tilespmem:$0x1E780] =	vst v63  }
0x5b8: {  	s17 =	simm.s32 $0xDB00  }
0x5b9: {  	[tilespmem:s17], [sflag:$0x2] =	stream.indirect_vreg.gather [hbm4b:s0+s4], $0x80, v39, vm0, $0xb8;
	[tilespmem:$0x1E780] =	vst v63  }
0x5ba: {  	v39 =	vld [tilespmem:$0x1A0];
	_ =	sdelay $0x4  }
0x5bb: {  	v61 =	vshll.u32 v39, $0x1  }
0x5bc: {  	v39 =	vand.u32 $0x7, v39;
	v40 =	vand.u32 $0xFFFFFFF0, v61  }
0x5bd: {  	v39 =	vor.u32 v39, v40  }
0x5be: {  	v40 =	vperm.xlane v39, v0;
	_ =	sdelay $0x1  }
0x5bf: {  	v39 =	vperm.xlane v39, v2;
	v40 =	vadd.s32 v1, v40;
	_ =	sdelay $0x1  }
0x5c0: {  	v39 =	vadd.s32 v1, v39;
	_ =	sdelay $0x1  }
0x5c1: {  	s23 =	simm.s32 $0xEB00  }
0x5c2: {  	[tilespmem:s23], [sflag:$0x2] =	stream.indirect_vreg.gather [hbm4b:s0+s4], $0x80, v40, vm0, $0xb8;
	[tilespmem:$0x1E780] =	vst v63  }
0x5c3: {  	s24 =	simm.s32 $0xFB00  }
0x5c4: {  	[tilespmem:s24], [sflag:$0x2] =	stream.indirect_vreg.gather [hbm4b:s0+s4], $0x80, v39, vm0, $0xb8;
	[tilespmem:$0x1E780] =	vst v63  }
0x5c5: {  	v39 =	vld [tilespmem:$0x1B0];
	_ =	sdelay $0x4  }
0x5c6: {  	v62 =	vshll.u32 v39, $0x1  }
0x5c7: {  	v39 =	vand.u32 $0x7, v39;
	v40 =	vand.u32 $0xFFFFFFF0, v62  }
0x5c8: {  	v39 =	vor.u32 v39, v40  }
0x5c9: {  	v40 =	vperm.xlane v39, v0;
	_ =	sdelay $0x1  }
0x5ca: {  	v39 =	vperm.xlane v39, v2;
	v40 =	vadd.s32 v1, v40;
	_ =	sdelay $0x1  }
0x5cb: {  	v39 =	vadd.s32 v1, v39;
	_ =	sdelay $0x1  }
0x5cc: {  	s25 =	simm.s32 $0x10B00  }
0x5cd: {  	[tilespmem:s25], [sflag:$0x2] =	stream.indirect_vreg.gather [hbm4b:s0+s4], $0x80, v40, vm0, $0xb8;
	[tilespmem:$0x1E780] =	vst v63  }
0x5ce: {  	s12 =	simm.s32 $0x11B00  }
0x5cf: {  	[tilespmem:s12], [sflag:$0x2] =	stream.indirect_vreg.gather [hbm4b:s0+s4], $0x80, v39, vm0, $0xb8;
	[tilespmem:$0x1E780] =	vst v63  }
0x5d0: {  	v39 =	vld [tilespmem:$0x1C0];
	_ =	sdelay $0x4  }
0x5d1: {  	v63 =	vshll.u32 v39, $0x1  }
0x5d2: {  	v39 =	vand.u32 $0x7, v39;
	v40 =	vand.u32 $0xFFFFFFF0, v63  }
0x5d3: {  	v39 =	vor.u32 v39, v40  }
0x5d4: {  	v40 =	vperm.xlane v39, v0;
	_ =	sdelay $0x1  }
0x5d5: {  	v40 =	vadd.s32 v1, v40  }
0x5d6: {  	v39 =	vperm.xlane v39, v2;
	_ =	sdelay $0x1  }
0x5d7: {  	s11 =	sadd.s32 $0x1, s11;
	v39 =	vadd.s32 v1, v39  }
0x5d8: {  	p0 =	sne.s32 s11, $0x1A;
	s17 =	simm.s32 $0x12B00  }
0x5d9: {  	[tilespmem:s17], [sflag:$0x2] =	stream.indirect_vreg.gather [hbm4b:s0+s4], $0x80, v40, vm0, $0xb8;
	[tilespmem:$0x1E780] =	vst v63  }
.Ltmp6:
0x5da: {  	_ = 	snop;
	(pc) =	sbr.rel @p0 .LBB2_2-.Ltmp6, $4  }
0x5db: {  	s23 =	simm.s32 $0x13B00;
	s24 =	sshrl.u32 s15, $0x1  }
0x5dc: {  	[tilespmem:s23], [sflag:$0x2] =	stream.indirect_vreg.gather [hbm4b:s0+s4], $0x80, v39, vm0, $0xb8;
	[tilespmem:$0x1E780] =	vst v63  }
0x5dd: {  	s7 =	sadd.s32 s8, s24;
	s25 =	simm.s32 $0x1E480  }
0x5de: {  	[tilespmem:s25], [sflag:$0x2] =	stream.linear.gather [hbm4b:s7+s4], $0x140, $0x38;
	[tilespmem:$0x1E780] =	vst v63  }
0x5df: {  	_ =	swait.ge [sflag:s18], $0x5000  }
0x5e0: {  	[sflag:s18] =	ssyncset.done $0x0  }
0x5e1: {  	[sflag:s18] =	ssyncadd.s32 $0xFFFFB000  }
0x5e2: {  	_ =	swait.ge [sflag:s18], $0x5000  }
0x5e3: {  	s11 =	simm.s32 $0x0;
	[sflag:s18] =	ssyncset.done $0x0  }
0x5e4: {  	v39 =	vmov s11;
	[sflag:s18] =	ssyncadd.s32 $0xFFFFB000  }
0x5e5: {  	v40 =	vshll.u32 v39, $0x9;
	v39 =	vshll.u32 v39, $0x7;
	_ =	swait.ge [sflag:s18], $0x140  }
0x5e6: {  	s7 =	sand.u32 $0xF000, s11;
	s12 =	sand.u32 $0x380, s11;
	v40 =	vand.u32 $0xF000, v40;
	v39 =	vand.u32 $0x380, v39;
	[sflag:s18] =	ssyncset.done $0x0  }
0x5e7: {  	s7 =	sor.u32 s12, s7;
	v39 =	vor.u32 v40, v39;
	[sflag:s18] =	ssyncadd.s32 $0xFFFFFEC0  }
0x5e8: {  	v41 =	vor.u32 v3, v39;
	v49 =	vld [tilespmem:s7+$0xB00];
	_ =	sdelay $0x4  }
0x5e9: {  	[tilespmem:v41+s30+$0x0] =	vst.idx.msk $0xffff, v49  }
0x5ea: {  	v50 =	vor.u32 v4, v39;
	v40 =	vld [tilespmem:s7+$0xB10];
	_ =	sdelay $0x4  }
0x5eb: {  	[tilespmem:v50+s30+$0x0] =	vst.idx.msk $0xffff, v40  }
0x5ec: {  	v51 =	vor.u32 v5, v39;
	v40 =	vld [tilespmem:s7+$0xB20];
	_ =	sdelay $0x4  }
0x5ed: {  	[tilespmem:v51+s30+$0x0] =	vst.idx.msk $0xffff, v40  }
0x5ee: {  	v52 =	vor.u32 v6, v39;
	v40 =	vld [tilespmem:s7+$0xB30];
	_ =	sdelay $0x4  }
0x5ef: {  	[tilespmem:v52+s30+$0x0] =	vst.idx.msk $0xffff, v40  }
0x5f0: {  	v53 =	vor.u32 v7, v39;
	v40 =	vld [tilespmem:s7+$0xB40];
	_ =	sdelay $0x4  }
0x5f1: {  	[tilespmem:v53+s30+$0x0] =	vst.idx.msk $0xffff, v40  }
0x5f2: {  	v54 =	vor.u32 v8, v39;
	v40 =	vld [tilespmem:s7+$0xB50];
	_ =	sdelay $0x4  }
0x5f3: {  	[tilespmem:v54+s30+$0x0] =	vst.idx.msk $0xffff, v40  }
0x5f4: {  	v55 =	vor.u32 v9, v39;
	v40 =	vld [tilespmem:s7+$0xB60];
	_ =	sdelay $0x4  }
0x5f5: {  	[tilespmem:v55+s30+$0x0] =	vst.idx.msk $0xffff, v40  }
0x5f6: {  	v56 =	vor.u32 v10, v39;
	v40 =	vld [tilespmem:s7+$0xB70];
	_ =	sdelay $0x4  }
0x5f7: {  	[tilespmem:v56+s30+$0x0] =	vst.idx.msk $0xffff, v40  }
0x5f8: {  	v57 =	vor.u32 v11, v39;
	v40 =	vld [tilespmem:s7+$0xF00];
	_ =	sdelay $0x4  }
0x5f9: {  	[tilespmem:v57+s30+$0x0] =	vst.idx.msk $0xffff, v40  }
0x5fa: {  	v58 =	vor.u32 v12, v39;
	v40 =	vld [tilespmem:s7+$0xF10];
	_ =	sdelay $0x4  }
0x5fb: {  	[tilespmem:v58+s30+$0x0] =	vst.idx.msk $0xffff, v40  }
0x5fc: {  	v59 =	vor.u32 v13, v39;
	v40 =	vld [tilespmem:s7+$0xF20];
	_ =	sdelay $0x4  }
0x5fd: {  	[tilespmem:v59+s30+$0x0] =	vst.idx.msk $0xffff, v40  }
0x5fe: {  	v60 =	vor.u32 v14, v39;
	v40 =	vld [tilespmem:s7+$0xF30];
	_ =	sdelay $0x4  }
0x5ff: {  	[tilespmem:v60+s30+$0x0] =	vst.idx.msk $0xffff, v40  }
0x600: {  	v61 =	vor.u32 v15, v39;
	v40 =	vld [tilespmem:s7+$0xF40];
	_ =	sdelay $0x4  }
0x601: {  	[tilespmem:v61+s30+$0x0] =	vst.idx.msk $0xffff, v40  }
0x602: {  	v62 =	vor.u32 v16, v39;
	v40 =	vld [tilespmem:s7+$0xF50];
	_ =	sdelay $0x4  }
0x603: {  	[tilespmem:v62+s30+$0x0] =	vst.idx.msk $0xffff, v40  }
0x604: {  	v63 =	vor.u32 v17, v39;
	v40 =	vld [tilespmem:s7+$0xF60];
	_ =	sdelay $0x4  }
0x605: {  	[tilespmem:v63+s30+$0x0] =	vst.idx.msk $0xffff, v40  }
0x606: {  	v41 =	vor.u32 v18, v39;
	v40 =	vld [tilespmem:s7+$0xF70]  }
0x607: {  	s25 =	simm.s32 $0x1  }
0x608: {  	s15 =	simm.s32 $0x2;
	s12 =	simm.s32 $0x0;
	v39 =	vmov s25  }
.LBB2_15:
0x609: {  	p0 =	sne.s32 s15, $0x4F;
	v42 =	vshll.u32 v39, $0x9;
	v39 =	vshll.u32 v39, $0x7;
	s11 =	sadd.s32 $0x80, s11;
	s12 =	sadd.s32 $0x200, s12  }
0x60a: {  	s7 =	sand.u32 $0xF000, s12;
	s17 =	sand.u32 $0x380, s11;
	v42 =	vand.u32 $0xF000, v42;
	v39 =	vand.u32 $0x380, v39  }
0x60b: {  	s17 =	sor.u32 s17, s7;
	v39 =	vor.u32 v42, v39;
	[tilespmem:v41+s30+$0x0] =	vst.idx.msk $0xffff, v40  }
0x60c: {  	v40 =	vld [tilespmem:s17+$0xB00];
	v41 =	vor.u32 v3, v39;
	_ =	sdelay $0x4  }
0x60d: {  	[tilespmem:v41+s30+$0x0] =	vst.idx.msk $0xffff, v40  }
0x60e: {  	v41 =	vor.u32 v4, v39;
	v40 =	vld [tilespmem:s17+$0xB10];
	_ =	sdelay $0x4  }
0x60f: {  	[tilespmem:v41+s30+$0x0] =	vst.idx.msk $0xffff, v40  }
0x610: {  	v41 =	vor.u32 v5, v39;
	v40 =	vld [tilespmem:s17+$0xB20];
	_ =	sdelay $0x4  }
0x611: {  	[tilespmem:v41+s30+$0x0] =	vst.idx.msk $0xffff, v40  }
0x612: {  	v41 =	vor.u32 v6, v39;
	v40 =	vld [tilespmem:s17+$0xB30];
	_ =	sdelay $0x4  }
0x613: {  	[tilespmem:v41+s30+$0x0] =	vst.idx.msk $0xffff, v40  }
0x614: {  	v41 =	vor.u32 v7, v39;
	v40 =	vld [tilespmem:s17+$0xB40];
	_ =	sdelay $0x4  }
0x615: {  	[tilespmem:v41+s30+$0x0] =	vst.idx.msk $0xffff, v40  }
0x616: {  	v41 =	vor.u32 v8, v39;
	v40 =	vld [tilespmem:s17+$0xB50];
	_ =	sdelay $0x4  }
0x617: {  	[tilespmem:v41+s30+$0x0] =	vst.idx.msk $0xffff, v40  }
0x618: {  	v41 =	vor.u32 v9, v39;
	v40 =	vld [tilespmem:s17+$0xB60];
	_ =	sdelay $0x4  }
0x619: {  	[tilespmem:v41+s30+$0x0] =	vst.idx.msk $0xffff, v40  }
0x61a: {  	v41 =	vor.u32 v10, v39;
	v40 =	vld [tilespmem:s17+$0xB70];
	_ =	sdelay $0x4  }
0x61b: {  	[tilespmem:v41+s30+$0x0] =	vst.idx.msk $0xffff, v40  }
0x61c: {  	v41 =	vor.u32 v11, v39;
	v40 =	vld [tilespmem:s17+$0xF00];
	_ =	sdelay $0x4  }
0x61d: {  	[tilespmem:v41+s30+$0x0] =	vst.idx.msk $0xffff, v40  }
0x61e: {  	v41 =	vor.u32 v12, v39;
	v40 =	vld [tilespmem:s17+$0xF10];
	_ =	sdelay $0x4  }
0x61f: {  	[tilespmem:v41+s30+$0x0] =	vst.idx.msk $0xffff, v40  }
0x620: {  	v41 =	vor.u32 v13, v39;
	v40 =	vld [tilespmem:s17+$0xF20];
	_ =	sdelay $0x4  }
0x621: {  	[tilespmem:v41+s30+$0x0] =	vst.idx.msk $0xffff, v40  }
0x622: {  	v41 =	vor.u32 v14, v39;
	v40 =	vld [tilespmem:s17+$0xF30];
	_ =	sdelay $0x4  }
0x623: {  	[tilespmem:v41+s30+$0x0] =	vst.idx.msk $0xffff, v40  }
0x624: {  	v41 =	vor.u32 v15, v39;
	v40 =	vld [tilespmem:s17+$0xF40];
	_ =	sdelay $0x4  }
0x625: {  	[tilespmem:v41+s30+$0x0] =	vst.idx.msk $0xffff, v40  }
0x626: {  	v41 =	vor.u32 v16, v39;
	v40 =	vld [tilespmem:s17+$0xF50];
	_ =	sdelay $0x4  }
0x627: {  	[tilespmem:v41+s30+$0x0] =	vst.idx.msk $0xffff, v40  }
0x628: {  	v41 =	vor.u32 v17, v39;
	v40 =	vld [tilespmem:s17+$0xF60];
	_ =	sdelay $0x3  }
.Ltmp7:
0x629: {  	(pc) =	sbr.rel @p0 .LBB2_15-.Ltmp7, $3  }
0x62a: {  	[tilespmem:v41+s30+$0x0] =	vst.idx.msk $0xffff, v40  }
0x62b: {  	v41 =	vor.u32 v18, v39;
	v40 =	vld [tilespmem:s17+$0xF70];
	_ =	sdelay $0x1  }
0x62c: {  	v39 =	vmov s15;
	s15 =	sadd.s32 $0x1, s15  }
0x62d: {  	_ =	sdelay $0x1  }
0x62e: {  	v42 =	vshll.u32 v39, $0x9;
	v50 =	vshll.u32 v39, $0x7;
	s7 =	sadd.s32 $0x80, s11;
	s15 =	sadd.s32 $0x200, s12  }
0x62f: {  	s11 =	sand.u32 $0xF000, s15;
	s7 =	sand.u32 $0x380, s7;
	v42 =	vand.u32 $0xF000, v42;
	v39 =	vand.u32 $0x380, v50  }
0x630: {  	s7 =	sor.u32 s7, s11;
	v39 =	vor.u32 v42, v39;
	[tilespmem:v41+s30+$0x0] =	vst.idx.msk $0xffff, v40  }
0x631: {  	v40 =	vld [tilespmem:s7+$0xB00];
	v51 =	vor.u32 v3, v39;
	_ =	sdelay $0x4  }
0x632: {  	[tilespmem:v51+s30+$0x0] =	vst.idx.msk $0xffff, v40  }
0x633: {  	v52 =	vor.u32 v4, v39;
	v40 =	vld [tilespmem:s7+$0xB10];
	_ =	sdelay $0x4  }
0x634: {  	[tilespmem:v52+s30+$0x0] =	vst.idx.msk $0xffff, v40  }
0x635: {  	v53 =	vor.u32 v5, v39;
	v40 =	vld [tilespmem:s7+$0xB20];
	_ =	sdelay $0x4  }
0x636: {  	[tilespmem:v53+s30+$0x0] =	vst.idx.msk $0xffff, v40  }
0x637: {  	v54 =	vor.u32 v6, v39;
	v40 =	vld [tilespmem:s7+$0xB30];
	_ =	sdelay $0x4  }
0x638: {  	[tilespmem:v54+s30+$0x0] =	vst.idx.msk $0xffff, v40  }
0x639: {  	v55 =	vor.u32 v7, v39;
	v40 =	vld [tilespmem:s7+$0xB40];
	_ =	sdelay $0x4  }
0x63a: {  	[tilespmem:v55+s30+$0x0] =	vst.idx.msk $0xffff, v40  }
0x63b: {  	v56 =	vor.u32 v8, v39;
	v40 =	vld [tilespmem:s7+$0xB50];
	_ =	sdelay $0x4  }
0x63c: {  	[tilespmem:v56+s30+$0x0] =	vst.idx.msk $0xffff, v40  }
0x63d: {  	v57 =	vor.u32 v9, v39;
	v40 =	vld [tilespmem:s7+$0xB60];
	_ =	sdelay $0x4  }
0x63e: {  	[tilespmem:v57+s30+$0x0] =	vst.idx.msk $0xffff, v40  }
0x63f: {  	v58 =	vor.u32 v10, v39;
	v40 =	vld [tilespmem:s7+$0xB70];
	_ =	sdelay $0x4  }
0x640: {  	[tilespmem:v58+s30+$0x0] =	vst.idx.msk $0xffff, v40  }
0x641: {  	v59 =	vor.u32 v11, v39;
	v40 =	vld [tilespmem:s7+$0xF00];
	_ =	sdelay $0x4  }
0x642: {  	[tilespmem:v59+s30+$0x0] =	vst.idx.msk $0xffff, v40  }
0x643: {  	v60 =	vor.u32 v12, v39;
	v40 =	vld [tilespmem:s7+$0xF10];
	_ =	sdelay $0x4  }
0x644: {  	[tilespmem:v60+s30+$0x0] =	vst.idx.msk $0xffff, v40  }
0x645: {  	v61 =	vor.u32 v13, v39;
	v40 =	vld [tilespmem:s7+$0xF20];
	_ =	sdelay $0x4  }
0x646: {  	[tilespmem:v61+s30+$0x0] =	vst.idx.msk $0xffff, v40  }
0x647: {  	v62 =	vor.u32 v14, v39;
	v40 =	vld [tilespmem:s7+$0xF30];
	_ =	sdelay $0x4  }
0x648: {  	[tilespmem:v62+s30+$0x0] =	vst.idx.msk $0xffff, v40  }
0x649: {  	v63 =	vor.u32 v15, v39;
	v40 =	vld [tilespmem:s7+$0xF40];
	_ =	sdelay $0x4  }
0x64a: {  	[tilespmem:v63+s30+$0x0] =	vst.idx.msk $0xffff, v40  }
0x64b: {  	v44 =	vor.u32 v16, v39;
	v40 =	vld [tilespmem:s7+$0xF50];
	_ =	sdelay $0x4  }
0x64c: {  	[tilespmem:v44+s30+$0x0] =	vst.idx.msk $0xffff, v40  }
0x64d: {  	v45 =	vor.u32 v17, v39;
	v40 =	vld [tilespmem:s7+$0xF60];
	_ =	sdelay $0x4  }
0x64e: {  	[tilespmem:v45+s30+$0x0] =	vst.idx.msk $0xffff, v40  }
0x64f: {  	v39 =	vor.u32 v18, v39;
	v40 =	vld [tilespmem:s7+$0xF70];
	_ =	sdelay $0x4  }
0x650: {  	[tilespmem:v39+s30+$0x0] =	vst.idx.msk $0xffff, v40  }
0x651: {  	v39 =	vld [tilespmem:$0x1E300];
	_ =	sdelay $0x4  }
0x652: {  	[tilespmem:v19+s30+$0x0] =	vst.idx.msk $0xffff, v39  }
0x653: {  	v39 =	vld [tilespmem:$0x1E310];
	_ =	sdelay $0x4  }
0x654: {  	[tilespmem:v20+s30+$0x0] =	vst.idx.msk $0xffff, v39  }
0x655: {  	v39 =	vld [tilespmem:$0x1E320];
	_ =	sdelay $0x4  }
0x656: {  	[tilespmem:v21+s30+$0x0] =	vst.idx.msk $0xffff, v39  }
0x657: {  	v39 =	vld [tilespmem:$0x1E330];
	_ =	sdelay $0x4  }
0x658: {  	[tilespmem:v22+s30+$0x0] =	vst.idx.msk $0xffff, v39  }
0x659: {  	v39 =	vld [tilespmem:$0x1E340];
	_ =	sdelay $0x4  }
0x65a: {  	[tilespmem:v23+s30+$0x0] =	vst.idx.msk $0xffff, v39  }
0x65b: {  	v39 =	vld [tilespmem:$0x1E350];
	_ =	sdelay $0x4  }
0x65c: {  	[tilespmem:v24+s30+$0x0] =	vst.idx.msk $0xffff, v39  }
0x65d: {  	v39 =	vld [tilespmem:$0x1E360];
	_ =	sdelay $0x4  }
0x65e: {  	[tilespmem:v25+s30+$0x0] =	vst.idx.msk $0xffff, v39  }
0x65f: {  	v39 =	vld [tilespmem:$0x1E370];
	_ =	sdelay $0x4  }
0x660: {  	[tilespmem:v26+s30+$0x0] =	vst.idx.msk $0xffff, v39  }
0x661: {  	v39 =	vld [tilespmem:$0x1E380];
	_ =	sdelay $0x4  }
0x662: {  	[tilespmem:v27+s30+$0x0] =	vst.idx.msk $0xffff, v39  }
0x663: {  	v39 =	vld [tilespmem:$0x1E390];
	_ =	sdelay $0x4  }
0x664: {  	[tilespmem:v28+s30+$0x0] =	vst.idx.msk $0xffff, v39  }
0x665: {  	v39 =	vld [tilespmem:$0x1E3A0];
	_ =	sdelay $0x4  }
0x666: {  	[tilespmem:v29+s30+$0x0] =	vst.idx.msk $0xffff, v39  }
0x667: {  	v39 =	vld [tilespmem:$0x1E3B0];
	_ =	sdelay $0x4  }
0x668: {  	[tilespmem:v30+s30+$0x0] =	vst.idx.msk $0xffff, v39  }
0x669: {  	v39 =	vld [tilespmem:$0x1E3C0];
	_ =	sdelay $0x4  }
0x66a: {  	[tilespmem:v31+s30+$0x0] =	vst.idx.msk $0xffff, v39  }
0x66b: {  	v39 =	vld [tilespmem:$0x1E3D0];
	_ =	sdelay $0x4  }
0x66c: {  	[tilespmem:v32+s30+$0x0] =	vst.idx.msk $0xffff, v39  }
0x66d: {  	v39 =	vld [tilespmem:$0x1E3E0];
	_ =	sdelay $0x4  }
0x66e: {  	[tilespmem:v33+s30+$0x0] =	vst.idx.msk $0xffff, v39  }
0x66f: {  	v39 =	vld [tilespmem:$0x1E3F0];
	_ =	sdelay $0x4  }
0x670: {  	[tilespmem:v34+s30+$0x0] =	vst.idx.msk $0xffff, v39  }
0x671: {  	v39 =	vld [tilespmem:$0x1E400];
	_ =	sdelay $0x4  }
0x672: {  	[tilespmem:v35+s30+$0x0] =	vst.idx.msk $0xffff, v39  }
0x673: {  	v39 =	vld [tilespmem:$0x1E410];
	_ =	sdelay $0x4  }
0x674: {  	[tilespmem:v36+s30+$0x0] =	vst.idx.msk $0xffff, v39  }
0x675: {  	v39 =	vld [tilespmem:$0x1E420];
	_ =	sdelay $0x4  }
0x676: {  	[tilespmem:v37+s30+$0x0] =	vst.idx.msk $0xffff, v39  }
0x677: {  	v39 =	vld [tilespmem:$0x1E430];
	_ =	sdelay $0x4  }
0x678: {  	s17 =	rddreg [dreg:$0xf];
	s11 =	simm.s32 $0x0;
	[tilespmem:v38+s30+$0x0] =	vst.idx.msk $0xffff, v39  }
0x679: {  	[hbm4b:s17+s11] =	stream.linear.scatter [tilespmem:s30], [sflag:$0x7], $0xA000, $0x38;
	[tilespmem:$0x1E780] =	vst v63  }
0x67a: {  	_ =	swait.ge [sflag:s21], $0x5000  }
0x67b: {  	[sflag:s21] =	ssyncset.done $0x0  }
0x67c: {  	[sflag:s21] =	ssyncadd.s32 $0xFFFFB000  }
0x67d: {  	_ =	swait.ge [sflag:s21], $0x5000  }
0x67e: {  	[sflag:s21] =	ssyncset.done $0x0  }
0x67f: {  	v46 =	vmov s11;
	[sflag:s21] =	ssyncadd.s32 $0xFFFFB000  }
0x680: {  	v47 =	vshll.u32 v46, $0x9;
	v39 =	vshll.u32 v46, $0x7;
	_ =	swait.ge [sflag:s21], $0x140  }
0x681: {  	s23 =	sand.u32 $0xF000, s11;
	s24 =	sand.u32 $0x380, s11;
	v40 =	vand.u32 $0xF000, v47;
	v39 =	vand.u32 $0x380, v39;
	[sflag:s21] =	ssyncset.done $0x0  }
0x682: {  	s7 =	sor.u32 s24, s23;
	v39 =	vor.u32 v40, v39;
	[sflag:s21] =	ssyncadd.s32 $0xFFFFFEC0  }
0x683: {  	v49 =	vor.u32 v3, v39;
	v48 =	vld [tilespmem:s7+$0xAB00];
	_ =	sdelay $0x4  }
0x684: {  	[tilespmem:v49+s14+$0x0] =	vst.idx.msk $0xffff, v48  }
0x685: {  	v50 =	vor.u32 v4, v39;
	v40 =	vld [tilespmem:s7+$0xAB10];
	_ =	sdelay $0x4  }
0x686: {  	[tilespmem:v50+s14+$0x0] =	vst.idx.msk $0xffff, v40  }
0x687: {  	v51 =	vor.u32 v5, v39;
	v40 =	vld [tilespmem:s7+$0xAB20];
	_ =	sdelay $0x4  }
0x688: {  	[tilespmem:v51+s14+$0x0] =	vst.idx.msk $0xffff, v40  }
0x689: {  	v52 =	vor.u32 v6, v39;
	v40 =	vld [tilespmem:s7+$0xAB30];
	_ =	sdelay $0x4  }
0x68a: {  	[tilespmem:v52+s14+$0x0] =	vst.idx.msk $0xffff, v40  }
0x68b: {  	v53 =	vor.u32 v7, v39;
	v40 =	vld [tilespmem:s7+$0xAB40];
	_ =	sdelay $0x4  }
0x68c: {  	[tilespmem:v53+s14+$0x0] =	vst.idx.msk $0xffff, v40  }
0x68d: {  	v54 =	vor.u32 v8, v39;
	v40 =	vld [tilespmem:s7+$0xAB50];
	_ =	sdelay $0x4  }
0x68e: {  	[tilespmem:v54+s14+$0x0] =	vst.idx.msk $0xffff, v40  }
0x68f: {  	v55 =	vor.u32 v9, v39;
	v40 =	vld [tilespmem:s7+$0xAB60];
	_ =	sdelay $0x4  }
0x690: {  	[tilespmem:v55+s14+$0x0] =	vst.idx.msk $0xffff, v40  }
0x691: {  	v56 =	vor.u32 v10, v39;
	v40 =	vld [tilespmem:s7+$0xAB70];
	_ =	sdelay $0x4  }
0x692: {  	[tilespmem:v56+s14+$0x0] =	vst.idx.msk $0xffff, v40  }
0x693: {  	v57 =	vor.u32 v11, v39;
	v40 =	vld [tilespmem:s7+$0xAF00];
	_ =	sdelay $0x4  }
0x694: {  	[tilespmem:v57+s14+$0x0] =	vst.idx.msk $0xffff, v40  }
0x695: {  	v58 =	vor.u32 v12, v39;
	v40 =	vld [tilespmem:s7+$0xAF10];
	_ =	sdelay $0x4  }
0x696: {  	[tilespmem:v58+s14+$0x0] =	vst.idx.msk $0xffff, v40  }
0x697: {  	v59 =	vor.u32 v13, v39;
	v40 =	vld [tilespmem:s7+$0xAF20];
	_ =	sdelay $0x4  }
0x698: {  	[tilespmem:v59+s14+$0x0] =	vst.idx.msk $0xffff, v40  }
0x699: {  	v60 =	vor.u32 v14, v39;
	v40 =	vld [tilespmem:s7+$0xAF30];
	_ =	sdelay $0x4  }
0x69a: {  	[tilespmem:v60+s14+$0x0] =	vst.idx.msk $0xffff, v40  }
0x69b: {  	v61 =	vor.u32 v15, v39;
	v40 =	vld [tilespmem:s7+$0xAF40];
	_ =	sdelay $0x4  }
0x69c: {  	[tilespmem:v61+s14+$0x0] =	vst.idx.msk $0xffff, v40  }
0x69d: {  	v62 =	vor.u32 v16, v39;
	v40 =	vld [tilespmem:s7+$0xAF50];
	_ =	sdelay $0x4  }
0x69e: {  	[tilespmem:v62+s14+$0x0] =	vst.idx.msk $0xffff, v40  }
0x69f: {  	v63 =	vor.u32 v17, v39;
	v40 =	vld [tilespmem:s7+$0xAF60];
	_ =	sdelay $0x4  }
0x6a0: {  	[tilespmem:v63+s14+$0x0] =	vst.idx.msk $0xffff, v40  }
0x6a1: {  	v41 =	vor.u32 v18, v39;
	v40 =	vld [tilespmem:s7+$0xAF70]  }
0x6a2: {  	s25 =	simm.s32 $0x1  }
0x6a3: {  	s12 =	simm.s32 $0x0;
	s15 =	simm.s32 $0x2;
	v39 =	vmov s25  }
.LBB2_17:
0x6a4: {  	p0 =	sne.s32 s15, $0x4F;
	v42 =	vshll.u32 v39, $0x9;
	v39 =	vshll.u32 v39, $0x7;
	s11 =	sadd.s32 $0x80, s11;
	s12 =	sadd.s32 $0x200, s12  }
0x6a5: {  	s7 =	sand.u32 $0xF000, s12;
	s17 =	sand.u32 $0x380, s11;
	v42 =	vand.u32 $0xF000, v42;
	v39 =	vand.u32 $0x380, v39  }
0x6a6: {  	s17 =	sor.u32 s17, s7;
	v39 =	vor.u32 v42, v39;
	[tilespmem:v41+s14+$0x0] =	vst.idx.msk $0xffff, v40  }
0x6a7: {  	v40 =	vld [tilespmem:s17+$0xAB00];
	v41 =	vor.u32 v3, v39;
	_ =	sdelay $0x4  }
0x6a8: {  	[tilespmem:v41+s14+$0x0] =	vst.idx.msk $0xffff, v40  }
0x6a9: {  	v41 =	vor.u32 v4, v39;
	v40 =	vld [tilespmem:s17+$0xAB10];
	_ =	sdelay $0x4  }
0x6aa: {  	[tilespmem:v41+s14+$0x0] =	vst.idx.msk $0xffff, v40  }
0x6ab: {  	v41 =	vor.u32 v5, v39;
	v40 =	vld [tilespmem:s17+$0xAB20];
	_ =	sdelay $0x4  }
0x6ac: {  	[tilespmem:v41+s14+$0x0] =	vst.idx.msk $0xffff, v40  }
0x6ad: {  	v41 =	vor.u32 v6, v39;
	v40 =	vld [tilespmem:s17+$0xAB30];
	_ =	sdelay $0x4  }
0x6ae: {  	[tilespmem:v41+s14+$0x0] =	vst.idx.msk $0xffff, v40  }
0x6af: {  	v41 =	vor.u32 v7, v39;
	v40 =	vld [tilespmem:s17+$0xAB40];
	_ =	sdelay $0x4  }
0x6b0: {  	[tilespmem:v41+s14+$0x0] =	vst.idx.msk $0xffff, v40  }
0x6b1: {  	v41 =	vor.u32 v8, v39;
	v40 =	vld [tilespmem:s17+$0xAB50];
	_ =	sdelay $0x4  }
0x6b2: {  	[tilespmem:v41+s14+$0x0] =	vst.idx.msk $0xffff, v40  }
0x6b3: {  	v41 =	vor.u32 v9, v39;
	v40 =	vld [tilespmem:s17+$0xAB60];
	_ =	sdelay $0x4  }
0x6b4: {  	[tilespmem:v41+s14+$0x0] =	vst.idx.msk $0xffff, v40  }
0x6b5: {  	v41 =	vor.u32 v10, v39;
	v40 =	vld [tilespmem:s17+$0xAB70];
	_ =	sdelay $0x4  }
0x6b6: {  	[tilespmem:v41+s14+$0x0] =	vst.idx.msk $0xffff, v40  }
0x6b7: {  	v41 =	vor.u32 v11, v39;
	v40 =	vld [tilespmem:s17+$0xAF00];
	_ =	sdelay $0x4  }
0x6b8: {  	[tilespmem:v41+s14+$0x0] =	vst.idx.msk $0xffff, v40  }
0x6b9: {  	v41 =	vor.u32 v12, v39;
	v40 =	vld [tilespmem:s17+$0xAF10];
	_ =	sdelay $0x4  }
0x6ba: {  	[tilespmem:v41+s14+$0x0] =	vst.idx.msk $0xffff, v40  }
0x6bb: {  	v41 =	vor.u32 v13, v39;
	v40 =	vld [tilespmem:s17+$0xAF20];
	_ =	sdelay $0x4  }
0x6bc: {  	[tilespmem:v41+s14+$0x0] =	vst.idx.msk $0xffff, v40  }
0x6bd: {  	v41 =	vor.u32 v14, v39;
	v40 =	vld [tilespmem:s17+$0xAF30];
	_ =	sdelay $0x4  }
0x6be: {  	[tilespmem:v41+s14+$0x0] =	vst.idx.msk $0xffff, v40  }
0x6bf: {  	v41 =	vor.u32 v15, v39;
	v40 =	vld [tilespmem:s17+$0xAF40];
	_ =	sdelay $0x4  }
0x6c0: {  	[tilespmem:v41+s14+$0x0] =	vst.idx.msk $0xffff, v40  }
0x6c1: {  	v41 =	vor.u32 v16, v39;
	v40 =	vld [tilespmem:s17+$0xAF50];
	_ =	sdelay $0x4  }
0x6c2: {  	[tilespmem:v41+s14+$0x0] =	vst.idx.msk $0xffff, v40  }
0x6c3: {  	v41 =	vor.u32 v17, v39;
	v40 =	vld [tilespmem:s17+$0xAF60];
	_ =	sdelay $0x3  }
.Ltmp8:
0x6c4: {  	(pc) =	sbr.rel @p0 .LBB2_17-.Ltmp8, $3  }
0x6c5: {  	[tilespmem:v41+s14+$0x0] =	vst.idx.msk $0xffff, v40  }
0x6c6: {  	v41 =	vor.u32 v18, v39;
	v40 =	vld [tilespmem:s17+$0xAF70];
	_ =	sdelay $0x1  }
0x6c7: {  	v39 =	vmov s15;
	s15 =	sadd.s32 $0x1, s15  }
0x6c8: {  	_ =	sdelay $0x1  }
0x6c9: {  	v42 =	vshll.u32 v39, $0x9;
	v48 =	vshll.u32 v39, $0x7;
	s7 =	sadd.s32 $0x80, s11;
	s17 =	sadd.s32 $0x200, s12  }
0x6ca: {  	s11 =	sand.u32 $0xF000, s17;
	s7 =	sand.u32 $0x380, s7;
	v42 =	vand.u32 $0xF000, v42;
	v39 =	vand.u32 $0x380, v48  }
0x6cb: {  	s7 =	sor.u32 s7, s11;
	v39 =	vor.u32 v42, v39;
	[tilespmem:v41+s14+$0x0] =	vst.idx.msk $0xffff, v40  }
0x6cc: {  	v40 =	vld [tilespmem:s7+$0xAB00];
	v49 =	vor.u32 v3, v39;
	_ =	sdelay $0x4  }
0x6cd: {  	[tilespmem:v49+s14+$0x0] =	vst.idx.msk $0xffff, v40  }
0x6ce: {  	v50 =	vor.u32 v4, v39;
	v40 =	vld [tilespmem:s7+$0xAB10];
	_ =	sdelay $0x4  }
0x6cf: {  	[tilespmem:v50+s14+$0x0] =	vst.idx.msk $0xffff, v40  }
0x6d0: {  	v51 =	vor.u32 v5, v39;
	v40 =	vld [tilespmem:s7+$0xAB20];
	_ =	sdelay $0x4  }
0x6d1: {  	[tilespmem:v51+s14+$0x0] =	vst.idx.msk $0xffff, v40  }
0x6d2: {  	v52 =	vor.u32 v6, v39;
	v40 =	vld [tilespmem:s7+$0xAB30];
	_ =	sdelay $0x4  }
0x6d3: {  	[tilespmem:v52+s14+$0x0] =	vst.idx.msk $0xffff, v40  }
0x6d4: {  	v53 =	vor.u32 v7, v39;
	v40 =	vld [tilespmem:s7+$0xAB40];
	_ =	sdelay $0x4  }
0x6d5: {  	[tilespmem:v53+s14+$0x0] =	vst.idx.msk $0xffff, v40  }
0x6d6: {  	v54 =	vor.u32 v8, v39;
	v40 =	vld [tilespmem:s7+$0xAB50];
	_ =	sdelay $0x4  }
0x6d7: {  	[tilespmem:v54+s14+$0x0] =	vst.idx.msk $0xffff, v40  }
0x6d8: {  	v55 =	vor.u32 v9, v39;
	v40 =	vld [tilespmem:s7+$0xAB60];
	_ =	sdelay $0x4  }
0x6d9: {  	[tilespmem:v55+s14+$0x0] =	vst.idx.msk $0xffff, v40  }
0x6da: {  	v56 =	vor.u32 v10, v39;
	v40 =	vld [tilespmem:s7+$0xAB70];
	_ =	sdelay $0x4  }
0x6db: {  	[tilespmem:v56+s14+$0x0] =	vst.idx.msk $0xffff, v40  }
0x6dc: {  	v57 =	vor.u32 v11, v39;
	v40 =	vld [tilespmem:s7+$0xAF00];
	_ =	sdelay $0x4  }
0x6dd: {  	[tilespmem:v57+s14+$0x0] =	vst.idx.msk $0xffff, v40  }
0x6de: {  	v58 =	vor.u32 v12, v39;
	v40 =	vld [tilespmem:s7+$0xAF10];
	_ =	sdelay $0x4  }
0x6df: {  	[tilespmem:v58+s14+$0x0] =	vst.idx.msk $0xffff, v40  }
0x6e0: {  	v59 =	vor.u32 v13, v39;
	v40 =	vld [tilespmem:s7+$0xAF20];
	_ =	sdelay $0x4  }
0x6e1: {  	[tilespmem:v59+s14+$0x0] =	vst.idx.msk $0xffff, v40  }
0x6e2: {  	v60 =	vor.u32 v14, v39;
	v40 =	vld [tilespmem:s7+$0xAF30];
	_ =	sdelay $0x4  }
0x6e3: {  	[tilespmem:v60+s14+$0x0] =	vst.idx.msk $0xffff, v40  }
0x6e4: {  	v61 =	vor.u32 v15, v39;
	v40 =	vld [tilespmem:s7+$0xAF40];
	_ =	sdelay $0x4  }
0x6e5: {  	[tilespmem:v61+s14+$0x0] =	vst.idx.msk $0xffff, v40  }
0x6e6: {  	v62 =	vor.u32 v16, v39;
	v40 =	vld [tilespmem:s7+$0xAF50];
	_ =	sdelay $0x4  }
0x6e7: {  	[tilespmem:v62+s14+$0x0] =	vst.idx.msk $0xffff, v40  }
0x6e8: {  	v63 =	vor.u32 v17, v39;
	v40 =	vld [tilespmem:s7+$0xAF60];
	_ =	sdelay $0x4  }
0x6e9: {  	[tilespmem:v63+s14+$0x0] =	vst.idx.msk $0xffff, v40  }
0x6ea: {  	v39 =	vor.u32 v18, v39;
	v40 =	vld [tilespmem:s7+$0xAF70];
	_ =	sdelay $0x4  }
0x6eb: {  	[tilespmem:v39+s14+$0x0] =	vst.idx.msk $0xffff, v40  }
0x6ec: {  	v39 =	vld [tilespmem:$0x1E480];
	_ =	sdelay $0x4  }
0x6ed: {  	[tilespmem:v19+s14+$0x0] =	vst.idx.msk $0xffff, v39  }
0x6ee: {  	v39 =	vld [tilespmem:$0x1E490];
	_ =	sdelay $0x4  }
0x6ef: {  	[tilespmem:v20+s14+$0x0] =	vst.idx.msk $0xffff, v39  }
0x6f0: {  	v39 =	vld [tilespmem:$0x1E4A0];
	_ =	sdelay $0x4  }
0x6f1: {  	[tilespmem:v21+s14+$0x0] =	vst.idx.msk $0xffff, v39  }
0x6f2: {  	v39 =	vld [tilespmem:$0x1E4B0];
	_ =	sdelay $0x4  }
0x6f3: {  	[tilespmem:v22+s14+$0x0] =	vst.idx.msk $0xffff, v39  }
0x6f4: {  	v39 =	vld [tilespmem:$0x1E4C0];
	_ =	sdelay $0x4  }
0x6f5: {  	[tilespmem:v23+s14+$0x0] =	vst.idx.msk $0xffff, v39  }
0x6f6: {  	v39 =	vld [tilespmem:$0x1E4D0];
	_ =	sdelay $0x4  }
0x6f7: {  	[tilespmem:v24+s14+$0x0] =	vst.idx.msk $0xffff, v39  }
0x6f8: {  	v39 =	vld [tilespmem:$0x1E4E0];
	_ =	sdelay $0x4  }
0x6f9: {  	[tilespmem:v25+s14+$0x0] =	vst.idx.msk $0xffff, v39  }
0x6fa: {  	v39 =	vld [tilespmem:$0x1E4F0];
	_ =	sdelay $0x4  }
0x6fb: {  	[tilespmem:v26+s14+$0x0] =	vst.idx.msk $0xffff, v39  }
0x6fc: {  	v39 =	vld [tilespmem:$0x1E500];
	_ =	sdelay $0x4  }
0x6fd: {  	[tilespmem:v27+s14+$0x0] =	vst.idx.msk $0xffff, v39  }
0x6fe: {  	v39 =	vld [tilespmem:$0x1E510];
	_ =	sdelay $0x4  }
0x6ff: {  	[tilespmem:v28+s14+$0x0] =	vst.idx.msk $0xffff, v39  }
0x700: {  	v39 =	vld [tilespmem:$0x1E520];
	_ =	sdelay $0x4  }
0x701: {  	[tilespmem:v29+s14+$0x0] =	vst.idx.msk $0xffff, v39  }
0x702: {  	v39 =	vld [tilespmem:$0x1E530];
	_ =	sdelay $0x4  }
0x703: {  	[tilespmem:v30+s14+$0x0] =	vst.idx.msk $0xffff, v39  }
0x704: {  	v39 =	vld [tilespmem:$0x1E540];
	_ =	sdelay $0x4  }
0x705: {  	[tilespmem:v31+s14+$0x0] =	vst.idx.msk $0xffff, v39  }
0x706: {  	v39 =	vld [tilespmem:$0x1E550];
	_ =	sdelay $0x4  }
0x707: {  	[tilespmem:v32+s14+$0x0] =	vst.idx.msk $0xffff, v39  }
0x708: {  	v39 =	vld [tilespmem:$0x1E560];
	_ =	sdelay $0x4  }
0x709: {  	[tilespmem:v33+s14+$0x0] =	vst.idx.msk $0xffff, v39  }
0x70a: {  	v39 =	vld [tilespmem:$0x1E570];
	_ =	sdelay $0x4  }
0x70b: {  	[tilespmem:v34+s14+$0x0] =	vst.idx.msk $0xffff, v39  }
0x70c: {  	v39 =	vld [tilespmem:$0x1E580];
	_ =	sdelay $0x4  }
0x70d: {  	[tilespmem:v35+s14+$0x0] =	vst.idx.msk $0xffff, v39  }
0x70e: {  	v39 =	vld [tilespmem:$0x1E590];
	_ =	sdelay $0x4  }
0x70f: {  	[tilespmem:v36+s14+$0x0] =	vst.idx.msk $0xffff, v39  }
0x710: {  	v39 =	vld [tilespmem:$0x1E5A0];
	_ =	sdelay $0x4  }
0x711: {  	[tilespmem:v37+s14+$0x0] =	vst.idx.msk $0xffff, v39  }
0x712: {  	v39 =	vld [tilespmem:$0x1E5B0];
	_ =	sdelay $0x4  }
0x713: {  	s23 =	rddreg [dreg:$0x10];
	[tilespmem:v38+s14+$0x0] =	vst.idx.msk $0xffff, v39  }
0x714: {  	[hbm4b:s23+s4] =	stream.linear.scatter [tilespmem:s14], [sflag:$0x8], $0xA000, $0x38;
	[tilespmem:$0x1E780] =	vst v63  }
0x715: {  	_ =	swait.ge [sflag:s3], $0xA000  }
0x716: {  	[sflag:s3] =	ssyncset.done $0x0  }
0x717: {  	[sflag:s3] =	ssyncadd.s32 $0xFFFF6000  }
0x718: {  	_ =	swait.ge [sflag:s28], $0xA000  }
0x719: {  	[sflag:s28] =	ssyncset.done $0x0  }
0x71a: {  	[sflag:s28] =	ssyncadd.s32 $0xFFFF6000  }
0x71b: {  	_ =	swait.ge [sflag:s1], $0xA000  }
0x71c: {  	s24 =	rddreg [dreg:$0x12]  }
0x71d: {  	s25 =	rddreg [dreg:$0x11];
	s11 =	sadd.s32 $0x1, s24  }
0x71e: {  	p0 =	sne.s32 s11, s25  }
.Ltmp9:
0x71f: {  	_ = 	snop;
	(pc) =	sbr.rel @p0 .LBB2_1-.Ltmp9, $3  }
0x720: {  	_ =	sdelay $0x1  }
0x721: {  	[sflag:s1] =	ssyncset.done $0x0  }
0x722: {  	[sflag:s1] =	ssyncadd.s32 $0xFFFF6000  }
0x723: {  	_ =	sfence.sel $0x180000  }
0x724: {  	[bflag:$0x0] =	sbarrier.arrive $0xFFFF  }
0x725: {  	_ =	strace $0x90000047  }
0x726: {  	s0 =	stileid.u32;
	[bflag:$0x2] =	sbarrier.arrive $0xFFFF  }
0x727: {  	p0 =	sne.s32 s0, $0x0;
	s0 =	rddreg [dreg:$0x3]  }
0x728: {  	s0 =	sadd.s32 @!p0 $0x100000, s0  }
0x729: {  	[sflag:s0] =	ssyncadd.tile.s32 @!p0 $0x1;
	_ =	shalt  }
.Lfunc_end2:
_tile_overlayer_lowered:
.L_overlay_start_2:
0x72a: {  	(tag) =	ssettag $0x2  }
0x72b: {  	s0 =	rddreg [dreg:$0x0];
	s2 =	stileid.u32  }
0x72c: {  	s1 =	rddreg [dreg:$0x1];
	p0 =	sne.s32 s2, $0x0  }
0x72d: {  	s3 =	rddreg [dreg:$0x2];
	[bflag:$0x3] =	sbarrier.arrive $0xFFFF;
	s2 =	simm.s32 @!p0 $0x1C0A  }
0x72e: {  	[timem:s3], [sflag:s2] =	dma.local @!p0 [hbm:s0], s1  }
0x72f: {  	s0 =	simm.s32 @!p0 $0xA  }
0x730: {  	_ =	swait.ge @!p0 [sflag:s0], s1  }
0x731: {  	s1 =	ssub.s32 @!p0 $0x0, s1;
	[sflag:s0] =	ssyncset.done @!p0 $0x0  }
0x732: {  	[sflag:s0] =	ssyncadd.s32 @!p0 s1  }
0x733: {  	[bflag:$0x3] =	sbarrier.arrive $0xFFFF  }
0x734: {  	_ =	shalt  }

</sc_bundles>
